<compile_context>
chip_gen: v7x
topology: tpu7x:2x2x1
jax: 0.10.2.dev20260603
libtpu: 0.0.44.dev20260713+nightly
codegen_flags: <defaults>
</compile_context>

<pallas_src>
import functools

import jax
import jax.numpy as jnp
from jax import lax
from jax.experimental import pallas as pl
from jax.experimental.pallas import tpu as pltpu
from jax.experimental.pallas import tpu_sc as plsc

_NUM_EMB = 1000000
_DIM = 32
_BATCH = 16384
_FIELDS = 26

_NC = 2
_NS = 16

_LOG_C = 14
_CBLK = 1 << _LOG_C
_LOG_Q = _LOG_C - 2
_QBLK = _CBLK // 4
_GRID = (_NUM_EMB + _CBLK - 1) // _CBLK
_S_ROWS = _GRID * _QBLK


def _detile_body(tt_ref, s_ref):
    for a in range(4):
        t = jnp.transpose(tt_ref[:, a * _QBLK:(a + 1) * _QBLK])
        s_ref[:, a * _DIM:(a + 1) * _DIM] = t


@functools.cache
def _build_detile():
    return pl.pallas_call(
        _detile_body,
        grid=(_GRID,),
        in_specs=[pl.BlockSpec((_DIM, _CBLK), lambda g: (0, g))],
        out_specs=pl.BlockSpec((_QBLK, 128), lambda g: (g, 0)),
        out_shape=jax.ShapeDtypeStruct((_S_ROWS, 128), jnp.float32),
    )


_N_UNITS = 4 * _FIELDS


@functools.cache
def _build_gather():
    mesh = plsc.VectorSubcoreMesh(
        core_axis_name="c", subcore_axis_name="s", num_cores=_NC, num_subcores=_NS
    )

    @functools.partial(
        pl.kernel,
        mesh=mesh,
        out_type=jax.ShapeDtypeStruct((_FIELDS * 4 * 128 * 8, 128), jnp.float32),
        scratch_types=[
            pltpu.VMEM((_FIELDS, 4, 128), jnp.int32),
            pltpu.VMEM((4, 128, _DIM), jnp.float32),
            pltpu.VMEM((4, _DIM, 128), jnp.float32),
            [pltpu.SemaphoreType.DMA] * 4,
            [pltpu.SemaphoreType.DMA] * 4,
        ],
        compiler_params=pltpu.CompilerParams(
            use_tc_tiling_on_sc=False, needs_layout_passes=False
        ),
    )
    def gather_kernel(
        xt3_hbm, s_hbm, o_hbm, idx_v, rows_v, tile_v, sems, semws
    ):
        wid = lax.axis_index("s") * _NC + lax.axis_index("c")
        bt0 = wid * 4
        lane = lax.iota(jnp.int32, 16)
        pltpu.sync_copy(xt3_hbm.at[:, pl.ds(bt0, 4)], idx_v)

        def tbody(fb, carry):
            f = fb // 4
            b = fb % 4
            for g in range(8):
                v = idx_v[f, b, pl.ds(g * 16, 16)]
                j = (
                    ((v >> _LOG_C) << _LOG_C)
                    | ((v & (_QBLK - 1)) << 2)
                    | ((v >> _LOG_Q) & 3)
                )
                idx_v[f, b, pl.ds(g * 16, 16)] = j
            return carry

        lax.fori_loop(0, _FIELDS * 4, tbody, 0)

        def fire(u, e, sem):
            b = u // _FIELDS
            f = u % _FIELDS
            return pltpu.async_copy(s_hbm.at[idx_v.at[f, b]], rows_v.at[e], sem)

        def drain(u, e, sem):
            b = u // _FIELDS
            f = u % _FIELDS
            pltpu.make_async_copy(
                s_hbm.at[idx_v.at[f, b]], rows_v.at[e], sem
            ).wait()

        def qbase(u, st):
            b = u // _FIELDS
            f = u % _FIELDS
            return (f * 4 + st) * 128 + bt0 + b

        def drain_writes(u, e, semw):
            for st in range(4):
                q = qbase(u, st)
                pltpu.make_async_copy(
                    tile_v.at[e, pl.ds(st * 8, 8)], o_hbm.at[pl.ds(q * 8, 8)], semw
                ).wait()

        def process(u, e, semw):
            @pl.when(u >= 4)
            def _():
                drain_writes(u - 4, e, semw)

            def rbody(t, c2):
                c = (lane + t) & 15
                for half in range(2):
                    col = c + half * 16
                    for rb in range(8):
                        row = rb * 16 + lane
                        v = plsc.load_gather(rows_v.at[e], [row, col])
                        plsc.store_scatter(tile_v.at[e], [col, row], v)
                return c2

            lax.fori_loop(0, 16, rbody, 0)

            for st in range(4):
                q = qbase(u, st)
                pltpu.async_copy(
                    tile_v.at[e, pl.ds(st * 8, 8)], o_hbm.at[pl.ds(q * 8, 8)], semw
                )

        for e in range(4):
            fire(e, e, sems[e])

        def body(k, carry):
            u0 = 4 * k
            for e in range(4):
                u = u0 + e
                drain(u, e, sems[e])
                process(u, e, semws[e])

                @pl.when(u + 4 < _N_UNITS)
                def _():
                    fire(u + 4, e, sems[e])

            return carry

        lax.fori_loop(0, _N_UNITS // 4, body, 0)
        for e in range(4):
            drain_writes(_N_UNITS - 4 + e, e, semws[e])

    return gather_kernel


def kernel(x, embedding_weight):
    tt = jnp.transpose(embedding_weight)
    s = _build_detile()(tt)
    s_r = s.reshape(_S_ROWS * 4, _DIM)
    xt3 = jnp.transpose(x.astype(jnp.int32)).reshape(_FIELDS, 128, 128)
    o = _build_gather()(xt3, s_r)
    o5 = o.reshape(_FIELDS, 4, 128, 8, 128)
    o5t = jnp.transpose(o5, (2, 4, 0, 1, 3))
    return o5t.reshape(_BATCH, _FIELDS, _DIM)

# --- scband reference (transcript-rebuilt; emitter-appended) ---
"""Pipeline reference for scband-casted-embedding-66443144069518 (READ-ONLY COPY).

The authoritative reference and input builder live on the scoring server;
editing this copy changes nothing except your own understanding.
"""

import jax, jax.numpy as jnp
import numpy as np

NUM_EMBEDDINGS = 1000000
EMBEDDING_DIM = 32
BATCH = 16384
FIELDS = 26


def setup_inputs(seed: int = 0) -> dict:
    key = jax.random.key(seed)
    k_idx, k_tab = jax.random.split(key)
    x = jax.random.randint(k_idx, (BATCH, FIELDS), 0, NUM_EMBEDDINGS, dtype=jnp.int64)
    # trunc_normal init approximated by clipped normal with stddev 0.02
    embedding_weight = jnp.clip(
        jax.random.normal(k_tab, (NUM_EMBEDDINGS, EMBEDDING_DIM), dtype=jnp.float32) * 0.02,
        -2 * 0.02, 2 * 0.02,
    )
    return {"x": x, "embedding_weight": embedding_weight}


def reference(x, embedding_weight):
    # CastedEmbedding.__call__: gather rows then cast to table dtype (no-op here, float32)
    out = jnp.take(embedding_weight, x, axis=0)
    return out.astype(embedding_weight.dtype)

if __name__ == "__main__":
    import jax
    _d = setup_inputs()
    print(jax.jit(kernel)(*tuple(_d.values())))

</pallas_src>

<mosaic_0001>
#map = affine_map<(d0, d1) -> (0, 0, 0)>
#map1 = affine_map<(d0, d1) -> (0, 0)>
module attributes {stable_mosaic.version = 14 : i64} {
  func.func @gather_kernel(%arg0: i32, %arg1: i32, %arg2: memref<26x128x128xi32, #tpu.memory_space<hbm>>, %arg3: memref<1015808x32xf32, #tpu.memory_space<hbm>>, %arg4: memref<106496x128xf32, #tpu.memory_space<hbm>>, %arg5: memref<26x4x128xi32, #tpu.memory_space<vmem>>, %arg6: memref<4x128x32xf32, #tpu.memory_space<vmem>>, %arg7: memref<4x32x128xf32, #tpu.memory_space<vmem>>, %arg8: memref<!tpu.dma_semaphore, #tpu.memory_space<semaphore_mem>>, %arg9: memref<!tpu.dma_semaphore, #tpu.memory_space<semaphore_mem>>, %arg10: memref<!tpu.dma_semaphore, #tpu.memory_space<semaphore_mem>>, %arg11: memref<!tpu.dma_semaphore, #tpu.memory_space<semaphore_mem>>, %arg12: memref<!tpu.dma_semaphore, #tpu.memory_space<semaphore_mem>>, %arg13: memref<!tpu.dma_semaphore, #tpu.memory_space<semaphore_mem>>, %arg14: memref<!tpu.dma_semaphore, #tpu.memory_space<semaphore_mem>>, %arg15: memref<!tpu.dma_semaphore, #tpu.memory_space<semaphore_mem>>) attributes {dimension_semantics = [#tpu.dimension_semantics<core_parallel>, #tpu.dimension_semantics<subcore_parallel>], iteration_bounds = array<i64: 2, 16>, scalar_prefetch = 0 : i64, scratch_operands = 11 : i64, tpu.core_type = #tpu.core_type<sc_vector_subcore>, window_params = [{transform_indices = #map}, {transform_indices = #map1}, {transform_indices = #map1}]} {
    %mul3A = arith.constant 2 : i32
    %mul3A_0 = arith.muli %arg1, %mul3A : i32
    %add3A = arith.addi %mul3A_0, %arg0 : i32
    %mul3A_1 = arith.constant 4 : i32
    %mul3A_2 = arith.muli %add3A, %mul3A_1 : i32
    %iota3A = tpu.iota {dimensions = array<i32: 0>} : vector<16xi32>
    "tpu.region"() ({
      %run_scoped3A = tpu.sem_alloc : memref<!tpu.dma_semaphore, #tpu.memory_space<semaphore_mem>>
      %dma_start3A_368 = arith.constant 0 : i32
      %dma_start3A_369 = arith.constant 0 : i32
      %dma_start3A_370 = tpu.memref_slice %arg2[%dma_start3A_368, %mul3A_2, %dma_start3A_369] : memref<26x128x128xi32, #tpu.memory_space<hbm>> -> memref<26x4x128xi32, #tpu.memory_space<hbm>>
      %dma_start3A_371 = arith.constant 0 : i32
      %dma_start3A_372 = arith.constant 0 : i32
      %dma_start3A_373 = tpu.memref_slice %arg2[%dma_start3A_371, %mul3A_2, %dma_start3A_372] : memref<26x128x128xi32, #tpu.memory_space<hbm>> -> memref<26x4x128xi32, #tpu.memory_space<hbm>>
      tpu.enqueue_dma source(%dma_start3A_373 : memref<26x4x128xi32, #tpu.memory_space<hbm>>) target(%arg5 : memref<26x4x128xi32, #tpu.memory_space<vmem>>) target_semaphore(%run_scoped3A : memref<!tpu.dma_semaphore, #tpu.memory_space<semaphore_mem>>)
      %dma_wait3A_374 = arith.constant 0 : i32
      %dma_wait3A_375 = arith.constant 0 : i32
      %dma_wait3A_376 = tpu.memref_slice %arg2[%dma_wait3A_374, %mul3A_2, %dma_wait3A_375] : memref<26x128x128xi32, #tpu.memory_space<hbm>> -> memref<26x4x128xi32, #tpu.memory_space<hbm>>
      %dma_wait3A_377 = arith.constant 0 : i32
      %dma_wait3A_378 = arith.constant 0 : i32
      %dma_wait3A_379 = tpu.memref_slice %arg2[%dma_wait3A_377, %mul3A_2, %dma_wait3A_378] : memref<26x128x128xi32, #tpu.memory_space<hbm>> -> memref<26x4x128xi32, #tpu.memory_space<hbm>>
      tpu.wait_dma2 semaphore(%run_scoped3A : memref<!tpu.dma_semaphore, #tpu.memory_space<semaphore_mem>>) src(%dma_wait3A_379 : memref<26x4x128xi32, #tpu.memory_space<hbm>>) dst(%arg5 : memref<26x4x128xi32, #tpu.memory_space<vmem>>)
      tpu.yield
    }) : () -> ()
    %scan3A = arith.constant 0 : i32
    %scan3A_3 = arith.constant 0 : i32
    %scan3A_4 = arith.constant 104 : i32
    %scan3A_5 = arith.addi %scan3A_3, %scan3A_4 : i32
    %scan3A_6 = arith.constant 1 : i32
    scf.for %scan3A_368 = %scan3A_3 to %scan3A_5 step %scan3A_6  : i32 {
      %jit3A = arith.constant 4 : i32
      %div3A = arith.divsi %scan3A_368, %jit3A : i32
      %sign3A = arith.constant 0 : i32
      %sign3A_369 = arith.cmpi sgt, %scan3A_368, %sign3A : i32
      %sign3A_370 = arith.extui %sign3A_369 : i1 to i32
      %sign3A_371 = arith.constant 0 : i32
      %sign3A_372 = arith.cmpi slt, %scan3A_368, %sign3A_371 : i32
      %sign3A_373 = arith.extui %sign3A_372 : i1 to i32
      %sign3A_374 = arith.subi %sign3A_370, %sign3A_373 : i32
      %sign3A_375 = arith.constant 0 : i32
      %sign3A_376 = arith.cmpi sgt, %jit3A, %sign3A_375 : i32
      %sign3A_377 = arith.extui %sign3A_376 : i1 to i32
      %sign3A_378 = arith.constant 0 : i32
      %sign3A_379 = arith.cmpi slt, %jit3A, %sign3A_378 : i32
      %sign3A_380 = arith.extui %sign3A_379 : i1 to i32
      %sign3A_381 = arith.subi %sign3A_377, %sign3A_380 : i32
      %ne3A = arith.cmpi ne, %sign3A_374, %sign3A_381 : i32
      %rem3A = arith.remsi %scan3A_368, %jit3A : i32
      %ne3A_382 = arith.constant 0 : i32
      %ne3A_383 = arith.cmpi ne, %rem3A, %ne3A_382 : i32
      %and3A = arith.andi %ne3A, %ne3A_383 : i1
      %sub3A = arith.constant 1 : i32
      %sub3A_384 = arith.subi %div3A, %sub3A : i32
      %select_n3A = arith.select %and3A, %sub3A_384, %div3A : i32
      %jit3A_385 = arith.constant 4 : i32
      %eq3A = arith.constant 0 : i32
      %eq3A_386 = arith.cmpi eq, %jit3A_385, %eq3A : i32
      %jit3A_387 = arith.constant 1 : i32
      %select_n3A_388 = arith.select %eq3A_386, %jit3A_387, %jit3A_385 : i32
      %rem3A_389 = arith.remsi %scan3A_368, %select_n3A_388 : i32
      %ne3A_390 = arith.constant 0 : i32
      %ne3A_391 = arith.cmpi ne, %rem3A_389, %ne3A_390 : i32
      %lt3A = arith.constant 0 : i32
      %lt3A_392 = arith.cmpi slt, %rem3A_389, %lt3A : i32
      %lt3A_393 = arith.constant 0 : i32
      %lt3A_394 = arith.cmpi slt, %select_n3A_388, %lt3A_393 : i32
      %ne3A_395 = arith.xori %lt3A_392, %lt3A_394 : i1
      %and3A_396 = arith.andi %ne3A_395, %ne3A_391 : i1
      %add3A_397 = arith.addi %rem3A_389, %select_n3A_388 : i32
      %select_n3A_398 = arith.select %and3A_396, %add3A_397, %rem3A_389 : i32
      %get3A = arith.index_cast %select_n3A : i32 to index
      %get3A_399 = arith.index_cast %select_n3A_398 : i32 to index
      %get3A_400 = arith.constant 0 : index
      %get3A_401 = tpu.vector_load %arg5[%get3A, %get3A_399, %get3A_400] {strides = array<i32>} : memref<26x4x128xi32, #tpu.memory_space<vmem>>, vector<16xi32>,
      %shift_right_arithmetic3A = arith.constant 14 : i32
      %shift_right_arithmetic3A_402 = vector.broadcast %shift_right_arithmetic3A : i32 to vector<16xi32>
      %shift_right_arithmetic3A_403 = arith.shrsi %get3A_401, %shift_right_arithmetic3A_402 : vector<16xi32>
      %shift_left3A = arith.constant 14 : i32
      %shift_left3A_404 = vector.broadcast %shift_left3A : i32 to vector<16xi32>
      %shift_left3A_405 = arith.shli %shift_right_arithmetic3A_403, %shift_left3A_404 : vector<16xi32>
      %and3A_406 = arith.constant 4095 : i32
      %and3A_407 = vector.broadcast %and3A_406 : i32 to vector<16xi32>
      %and3A_408 = arith.andi %get3A_401, %and3A_407 : vector<16xi32>
      %shift_left3A_409 = arith.constant 2 : i32
      %shift_left3A_410 = vector.broadcast %shift_left3A_409 : i32 to vector<16xi32>
      %shift_left3A_411 = arith.shli %and3A_408, %shift_left3A_410 : vector<16xi32>
      %or3A = arith.ori %shift_left3A_405, %shift_left3A_411 : vector<16xi32>
      %shift_right_arithmetic3A_412 = arith.constant 12 : i32
      %shift_right_arithmetic3A_413 = vector.broadcast %shift_right_arithmetic3A_412 : i32 to vector<16xi32>
      %shift_right_arithmetic3A_414 = arith.shrsi %get3A_401, %shift_right_arithmetic3A_413 : vector<16xi32>
      %and3A_415 = arith.constant 3 : i32
      %and3A_416 = vector.broadcast %and3A_415 : i32 to vector<16xi32>
      %and3A_417 = arith.andi %shift_right_arithmetic3A_414, %and3A_416 : vector<16xi32>
      %or3A_418 = arith.ori %or3A, %and3A_417 : vector<16xi32>
      %swap3A = arith.index_cast %select_n3A : i32 to index
      %swap3A_419 = arith.index_cast %select_n3A_398 : i32 to index
      %swap3A_420 = arith.constant 0 : index
      %swap3A_421 = tpu.vector_load %arg5[%swap3A, %swap3A_419, %swap3A_420] {strides = array<i32>} : memref<26x4x128xi32, #tpu.memory_space<vmem>>, vector<16xi32>,
      tpu.vector_store %arg5[%swap3A, %swap3A_419, %swap3A_420], %or3A_418 {strides = array<i32>} : memref<26x4x128xi32, #tpu.memory_space<vmem>>, vector<16xi32>,
      %get3A_422 = arith.index_cast %select_n3A : i32 to index
      %get3A_423 = arith.index_cast %select_n3A_398 : i32 to index
      %get3A_424 = arith.constant 16 : index
      %get3A_425 = tpu.vector_load %arg5[%get3A_422, %get3A_423, %get3A_424] {strides = array<i32>} : memref<26x4x128xi32, #tpu.memory_space<vmem>>, vector<16xi32>,
      %shift_right_arithmetic3A_426 = arith.constant 14 : i32
      %shift_right_arithmetic3A_427 = vector.broadcast %shift_right_arithmetic3A_426 : i32 to vector<16xi32>
      %shift_right_arithmetic3A_428 = arith.shrsi %get3A_425, %shift_right_arithmetic3A_427 : vector<16xi32>
      %shift_left3A_429 = arith.constant 14 : i32
      %shift_left3A_430 = vector.broadcast %shift_left3A_429 : i32 to vector<16xi32>
      %shift_left3A_431 = arith.shli %shift_right_arithmetic3A_428, %shift_left3A_430 : vector<16xi32>
      %and3A_432 = arith.constant 4095 : i32
      %and3A_433 = vector.broadcast %and3A_432 : i32 to vector<16xi32>
      %and3A_434 = arith.andi %get3A_425, %and3A_433 : vector<16xi32>
      %shift_left3A_435 = arith.constant 2 : i32
      %shift_left3A_436 = vector.broadcast %shift_left3A_435 : i32 to vector<16xi32>
      %shift_left3A_437 = arith.shli %and3A_434, %shift_left3A_436 : vector<16xi32>
      %or3A_438 = arith.ori %shift_left3A_431, %shift_left3A_437 : vector<16xi32>
      %shift_right_arithmetic3A_439 = arith.constant 12 : i32
      %shift_right_arithmetic3A_440 = vector.broadcast %shift_right_arithmetic3A_439 : i32 to vector<16xi32>
      %shift_right_arithmetic3A_441 = arith.shrsi %get3A_425, %shift_right_arithmetic3A_440 : vector<16xi32>
      %and3A_442 = arith.constant 3 : i32
      %and3A_443 = vector.broadcast %and3A_442 : i32 to vector<16xi32>
      %and3A_444 = arith.andi %shift_right_arithmetic3A_441, %and3A_443 : vector<16xi32>
      %or3A_445 = arith.ori %or3A_438, %and3A_444 : vector<16xi32>
      %swap3A_446 = arith.index_cast %select_n3A : i32 to index
      %swap3A_447 = arith.index_cast %select_n3A_398 : i32 to index
      %swap3A_448 = arith.constant 16 : index
      %swap3A_449 = tpu.vector_load %arg5[%swap3A_446, %swap3A_447, %swap3A_448] {strides = array<i32>} : memref<26x4x128xi32, #tpu.memory_space<vmem>>, vector<16xi32>,
      tpu.vector_store %arg5[%swap3A_446, %swap3A_447, %swap3A_448], %or3A_445 {strides = array<i32>} : memref<26x4x128xi32, #tpu.memory_space<vmem>>, vector<16xi32>,
      %get3A_450 = arith.index_cast %select_n3A : i32 to index
      %get3A_451 = arith.index_cast %select_n3A_398 : i32 to index
      %get3A_452 = arith.constant 32 : index
      %get3A_453 = tpu.vector_load %arg5[%get3A_450, %get3A_451, %get3A_452] {strides = array<i32>} : memref<26x4x128xi32, #tpu.memory_space<vmem>>, vector<16xi32>,
      %shift_right_arithmetic3A_454 = arith.constant 14 : i32
      %shift_right_arithmetic3A_455 = vector.broadcast %shift_right_arithmetic3A_454 : i32 to vector<16xi32>
      %shift_right_arithmetic3A_456 = arith.shrsi %get3A_453, %shift_right_arithmetic3A_455 : vector<16xi32>
      %shift_left3A_457 = arith.constant 14 : i32
      %shift_left3A_458 = vector.broadcast %shift_left3A_457 : i32 to vector<16xi32>
      %shift_left3A_459 = arith.shli %shift_right_arithmetic3A_456, %shift_left3A_458 : vector<16xi32>
      %and3A_460 = arith.constant 4095 : i32
      %and3A_461 = vector.broadcast %and3A_460 : i32 to vector<16xi32>
      %and3A_462 = arith.andi %get3A_453, %and3A_461 : vector<16xi32>
      %shift_left3A_463 = arith.constant 2 : i32
      %shift_left3A_464 = vector.broadcast %shift_left3A_463 : i32 to vector<16xi32>
      %shift_left3A_465 = arith.shli %and3A_462, %shift_left3A_464 : vector<16xi32>
      %or3A_466 = arith.ori %shift_left3A_459, %shift_left3A_465 : vector<16xi32>
      %shift_right_arithmetic3A_467 = arith.constant 12 : i32
      %shift_right_arithmetic3A_468 = vector.broadcast %shift_right_arithmetic3A_467 : i32 to vector<16xi32>
      %shift_right_arithmetic3A_469 = arith.shrsi %get3A_453, %shift_right_arithmetic3A_468 : vector<16xi32>
      %and3A_470 = arith.constant 3 : i32
      %and3A_471 = vector.broadcast %and3A_470 : i32 to vector<16xi32>
      %and3A_472 = arith.andi %shift_right_arithmetic3A_469, %and3A_471 : vector<16xi32>
      %or3A_473 = arith.ori %or3A_466, %and3A_472 : vector<16xi32>
      %swap3A_474 = arith.index_cast %select_n3A : i32 to index
      %swap3A_475 = arith.index_cast %select_n3A_398 : i32 to index
      %swap3A_476 = arith.constant 32 : index
      %swap3A_477 = tpu.vector_load %arg5[%swap3A_474, %swap3A_475, %swap3A_476] {strides = array<i32>} : memref<26x4x128xi32, #tpu.memory_space<vmem>>, vector<16xi32>,
      tpu.vector_store %arg5[%swap3A_474, %swap3A_475, %swap3A_476], %or3A_473 {strides = array<i32>} : memref<26x4x128xi32, #tpu.memory_space<vmem>>, vector<16xi32>,
      %get3A_478 = arith.index_cast %select_n3A : i32 to index
      %get3A_479 = arith.index_cast %select_n3A_398 : i32 to index
      %get3A_480 = arith.constant 48 : index
      %get3A_481 = tpu.vector_load %arg5[%get3A_478, %get3A_479, %get3A_480] {strides = array<i32>} : memref<26x4x128xi32, #tpu.memory_space<vmem>>, vector<16xi32>,
      %shift_right_arithmetic3A_482 = arith.constant 14 : i32
      %shift_right_arithmetic3A_483 = vector.broadcast %shift_right_arithmetic3A_482 : i32 to vector<16xi32>
      %shift_right_arithmetic3A_484 = arith.shrsi %get3A_481, %shift_right_arithmetic3A_483 : vector<16xi32>
      %shift_left3A_485 = arith.constant 14 : i32
      %shift_left3A_486 = vector.broadcast %shift_left3A_485 : i32 to vector<16xi32>
      %shift_left3A_487 = arith.shli %shift_right_arithmetic3A_484, %shift_left3A_486 : vector<16xi32>
      %and3A_488 = arith.constant 4095 : i32
      %and3A_489 = vector.broadcast %and3A_488 : i32 to vector<16xi32>
      %and3A_490 = arith.andi %get3A_481, %and3A_489 : vector<16xi32>
      %shift_left3A_491 = arith.constant 2 : i32
      %shift_left3A_492 = vector.broadcast %shift_left3A_491 : i32 to vector<16xi32>
      %shift_left3A_493 = arith.shli %and3A_490, %shift_left3A_492 : vector<16xi32>
      %or3A_494 = arith.ori %shift_left3A_487, %shift_left3A_493 : vector<16xi32>
      %shift_right_arithmetic3A_495 = arith.constant 12 : i32
      %shift_right_arithmetic3A_496 = vector.broadcast %shift_right_arithmetic3A_495 : i32 to vector<16xi32>
      %shift_right_arithmetic3A_497 = arith.shrsi %get3A_481, %shift_right_arithmetic3A_496 : vector<16xi32>
      %and3A_498 = arith.constant 3 : i32
      %and3A_499 = vector.broadcast %and3A_498 : i32 to vector<16xi32>
      %and3A_500 = arith.andi %shift_right_arithmetic3A_497, %and3A_499 : vector<16xi32>
      %or3A_501 = arith.ori %or3A_494, %and3A_500 : vector<16xi32>
      %swap3A_502 = arith.index_cast %select_n3A : i32 to index
      %swap3A_503 = arith.index_cast %select_n3A_398 : i32 to index
      %swap3A_504 = arith.constant 48 : index
      %swap3A_505 = tpu.vector_load %arg5[%swap3A_502, %swap3A_503, %swap3A_504] {strides = array<i32>} : memref<26x4x128xi32, #tpu.memory_space<vmem>>, vector<16xi32>,
      tpu.vector_store %arg5[%swap3A_502, %swap3A_503, %swap3A_504], %or3A_501 {strides = array<i32>} : memref<26x4x128xi32, #tpu.memory_space<vmem>>, vector<16xi32>,
      %get3A_506 = arith.index_cast %select_n3A : i32 to index
      %get3A_507 = arith.index_cast %select_n3A_398 : i32 to index
      %get3A_508 = arith.constant 64 : index
      %get3A_509 = tpu.vector_load %arg5[%get3A_506, %get3A_507, %get3A_508] {strides = array<i32>} : memref<26x4x128xi32, #tpu.memory_space<vmem>>, vector<16xi32>,
      %shift_right_arithmetic3A_510 = arith.constant 14 : i32
      %shift_right_arithmetic3A_511 = vector.broadcast %shift_right_arithmetic3A_510 : i32 to vector<16xi32>
      %shift_right_arithmetic3A_512 = arith.shrsi %get3A_509, %shift_right_arithmetic3A_511 : vector<16xi32>
      %shift_left3A_513 = arith.constant 14 : i32
      %shift_left3A_514 = vector.broadcast %shift_left3A_513 : i32 to vector<16xi32>
      %shift_left3A_515 = arith.shli %shift_right_arithmetic3A_512, %shift_left3A_514 : vector<16xi32>
      %and3A_516 = arith.constant 4095 : i32
      %and3A_517 = vector.broadcast %and3A_516 : i32 to vector<16xi32>
      %and3A_518 = arith.andi %get3A_509, %and3A_517 : vector<16xi32>
      %shift_left3A_519 = arith.constant 2 : i32
      %shift_left3A_520 = vector.broadcast %shift_left3A_519 : i32 to vector<16xi32>
      %shift_left3A_521 = arith.shli %and3A_518, %shift_left3A_520 : vector<16xi32>
      %or3A_522 = arith.ori %shift_left3A_515, %shift_left3A_521 : vector<16xi32>
      %shift_right_arithmetic3A_523 = arith.constant 12 : i32
      %shift_right_arithmetic3A_524 = vector.broadcast %shift_right_arithmetic3A_523 : i32 to vector<16xi32>
      %shift_right_arithmetic3A_525 = arith.shrsi %get3A_509, %shift_right_arithmetic3A_524 : vector<16xi32>
      %and3A_526 = arith.constant 3 : i32
      %and3A_527 = vector.broadcast %and3A_526 : i32 to vector<16xi32>
      %and3A_528 = arith.andi %shift_right_arithmetic3A_525, %and3A_527 : vector<16xi32>
      %or3A_529 = arith.ori %or3A_522, %and3A_528 : vector<16xi32>
      %swap3A_530 = arith.index_cast %select_n3A : i32 to index
      %swap3A_531 = arith.index_cast %select_n3A_398 : i32 to index
      %swap3A_532 = arith.constant 64 : index
      %swap3A_533 = tpu.vector_load %arg5[%swap3A_530, %swap3A_531, %swap3A_532] {strides = array<i32>} : memref<26x4x128xi32, #tpu.memory_space<vmem>>, vector<16xi32>,
      tpu.vector_store %arg5[%swap3A_530, %swap3A_531, %swap3A_532], %or3A_529 {strides = array<i32>} : memref<26x4x128xi32, #tpu.memory_space<vmem>>, vector<16xi32>,
      %get3A_534 = arith.index_cast %select_n3A : i32 to index
      %get3A_535 = arith.index_cast %select_n3A_398 : i32 to index
      %get3A_536 = arith.constant 80 : index
      %get3A_537 = tpu.vector_load %arg5[%get3A_534, %get3A_535, %get3A_536] {strides = array<i32>} : memref<26x4x128xi32, #tpu.memory_space<vmem>>, vector<16xi32>,
      %shift_right_arithmetic3A_538 = arith.constant 14 : i32
      %shift_right_arithmetic3A_539 = vector.broadcast %shift_right_arithmetic3A_538 : i32 to vector<16xi32>
      %shift_right_arithmetic3A_540 = arith.shrsi %get3A_537, %shift_right_arithmetic3A_539 : vector<16xi32>
      %shift_left3A_541 = arith.constant 14 : i32
      %shift_left3A_542 = vector.broadcast %shift_left3A_541 : i32 to vector<16xi32>
      %shift_left3A_543 = arith.shli %shift_right_arithmetic3A_540, %shift_left3A_542 : vector<16xi32>
      %and3A_544 = arith.constant 4095 : i32
      %and3A_545 = vector.broadcast %and3A_544 : i32 to vector<16xi32>
      %and3A_546 = arith.andi %get3A_537, %and3A_545 : vector<16xi32>
      %shift_left3A_547 = arith.constant 2 : i32
      %shift_left3A_548 = vector.broadcast %shift_left3A_547 : i32 to vector<16xi32>
      %shift_left3A_549 = arith.shli %and3A_546, %shift_left3A_548 : vector<16xi32>
      %or3A_550 = arith.ori %shift_left3A_543, %shift_left3A_549 : vector<16xi32>
      %shift_right_arithmetic3A_551 = arith.constant 12 : i32
      %shift_right_arithmetic3A_552 = vector.broadcast %shift_right_arithmetic3A_551 : i32 to vector<16xi32>
      %shift_right_arithmetic3A_553 = arith.shrsi %get3A_537, %shift_right_arithmetic3A_552 : vector<16xi32>
      %and3A_554 = arith.constant 3 : i32
      %and3A_555 = vector.broadcast %and3A_554 : i32 to vector<16xi32>
      %and3A_556 = arith.andi %shift_right_arithmetic3A_553, %and3A_555 : vector<16xi32>
      %or3A_557 = arith.ori %or3A_550, %and3A_556 : vector<16xi32>
      %swap3A_558 = arith.index_cast %select_n3A : i32 to index
      %swap3A_559 = arith.index_cast %select_n3A_398 : i32 to index
      %swap3A_560 = arith.constant 80 : index
      %swap3A_561 = tpu.vector_load %arg5[%swap3A_558, %swap3A_559, %swap3A_560] {strides = array<i32>} : memref<26x4x128xi32, #tpu.memory_space<vmem>>, vector<16xi32>,
      tpu.vector_store %arg5[%swap3A_558, %swap3A_559, %swap3A_560], %or3A_557 {strides = array<i32>} : memref<26x4x128xi32, #tpu.memory_space<vmem>>, vector<16xi32>,
      %get3A_562 = arith.index_cast %select_n3A : i32 to index
      %get3A_563 = arith.index_cast %select_n3A_398 : i32 to index
      %get3A_564 = arith.constant 96 : index
      %get3A_565 = tpu.vector_load %arg5[%get3A_562, %get3A_563, %get3A_564] {strides = array<i32>} : memref<26x4x128xi32, #tpu.memory_space<vmem>>, vector<16xi32>,
      %shift_right_arithmetic3A_566 = arith.constant 14 : i32
      %shift_right_arithmetic3A_567 = vector.broadcast %shift_right_arithmetic3A_566 : i32 to vector<16xi32>
      %shift_right_arithmetic3A_568 = arith.shrsi %get3A_565, %shift_right_arithmetic3A_567 : vector<16xi32>
      %shift_left3A_569 = arith.constant 14 : i32
      %shift_left3A_570 = vector.broadcast %shift_left3A_569 : i32 to vector<16xi32>
      %shift_left3A_571 = arith.shli %shift_right_arithmetic3A_568, %shift_left3A_570 : vector<16xi32>
      %and3A_572 = arith.constant 4095 : i32
      %and3A_573 = vector.broadcast %and3A_572 : i32 to vector<16xi32>
      %and3A_574 = arith.andi %get3A_565, %and3A_573 : vector<16xi32>
      %shift_left3A_575 = arith.constant 2 : i32
      %shift_left3A_576 = vector.broadcast %shift_left3A_575 : i32 to vector<16xi32>
      %shift_left3A_577 = arith.shli %and3A_574, %shift_left3A_576 : vector<16xi32>
      %or3A_578 = arith.ori %shift_left3A_571, %shift_left3A_577 : vector<16xi32>
      %shift_right_arithmetic3A_579 = arith.constant 12 : i32
      %shift_right_arithmetic3A_580 = vector.broadcast %shift_right_arithmetic3A_579 : i32 to vector<16xi32>
      %shift_right_arithmetic3A_581 = arith.shrsi %get3A_565, %shift_right_arithmetic3A_580 : vector<16xi32>
      %and3A_582 = arith.constant 3 : i32
      %and3A_583 = vector.broadcast %and3A_582 : i32 to vector<16xi32>
      %and3A_584 = arith.andi %shift_right_arithmetic3A_581, %and3A_583 : vector<16xi32>
      %or3A_585 = arith.ori %or3A_578, %and3A_584 : vector<16xi32>
      %swap3A_586 = arith.index_cast %select_n3A : i32 to index
      %swap3A_587 = arith.index_cast %select_n3A_398 : i32 to index
      %swap3A_588 = arith.constant 96 : index
      %swap3A_589 = tpu.vector_load %arg5[%swap3A_586, %swap3A_587, %swap3A_588] {strides = array<i32>} : memref<26x4x128xi32, #tpu.memory_space<vmem>>, vector<16xi32>,
      tpu.vector_store %arg5[%swap3A_586, %swap3A_587, %swap3A_588], %or3A_585 {strides = array<i32>} : memref<26x4x128xi32, #tpu.memory_space<vmem>>, vector<16xi32>,
      %get3A_590 = arith.index_cast %select_n3A : i32 to index
      %get3A_591 = arith.index_cast %select_n3A_398 : i32 to index
      %get3A_592 = arith.constant 112 : index
      %get3A_593 = tpu.vector_load %arg5[%get3A_590, %get3A_591, %get3A_592] {strides = array<i32>} : memref<26x4x128xi32, #tpu.memory_space<vmem>>, vector<16xi32>,
      %shift_right_arithmetic3A_594 = arith.constant 14 : i32
      %shift_right_arithmetic3A_595 = vector.broadcast %shift_right_arithmetic3A_594 : i32 to vector<16xi32>
      %shift_right_arithmetic3A_596 = arith.shrsi %get3A_593, %shift_right_arithmetic3A_595 : vector<16xi32>
      %shift_left3A_597 = arith.constant 14 : i32
      %shift_left3A_598 = vector.broadcast %shift_left3A_597 : i32 to vector<16xi32>
      %shift_left3A_599 = arith.shli %shift_right_arithmetic3A_596, %shift_left3A_598 : vector<16xi32>
      %and3A_600 = arith.constant 4095 : i32
      %and3A_601 = vector.broadcast %and3A_600 : i32 to vector<16xi32>
      %and3A_602 = arith.andi %get3A_593, %and3A_601 : vector<16xi32>
      %shift_left3A_603 = arith.constant 2 : i32
      %shift_left3A_604 = vector.broadcast %shift_left3A_603 : i32 to vector<16xi32>
      %shift_left3A_605 = arith.shli %and3A_602, %shift_left3A_604 : vector<16xi32>
      %or3A_606 = arith.ori %shift_left3A_599, %shift_left3A_605 : vector<16xi32>
      %shift_right_arithmetic3A_607 = arith.constant 12 : i32
      %shift_right_arithmetic3A_608 = vector.broadcast %shift_right_arithmetic3A_607 : i32 to vector<16xi32>
      %shift_right_arithmetic3A_609 = arith.shrsi %get3A_593, %shift_right_arithmetic3A_608 : vector<16xi32>
      %and3A_610 = arith.constant 3 : i32
      %and3A_611 = vector.broadcast %and3A_610 : i32 to vector<16xi32>
      %and3A_612 = arith.andi %shift_right_arithmetic3A_609, %and3A_611 : vector<16xi32>
      %or3A_613 = arith.ori %or3A_606, %and3A_612 : vector<16xi32>
      %swap3A_614 = arith.index_cast %select_n3A : i32 to index
      %swap3A_615 = arith.index_cast %select_n3A_398 : i32 to index
      %swap3A_616 = arith.constant 112 : index
      %swap3A_617 = tpu.vector_load %arg5[%swap3A_614, %swap3A_615, %swap3A_616] {strides = array<i32>} : memref<26x4x128xi32, #tpu.memory_space<vmem>>, vector<16xi32>,
      tpu.vector_store %arg5[%swap3A_614, %swap3A_615, %swap3A_616], %or3A_613 {strides = array<i32>} : memref<26x4x128xi32, #tpu.memory_space<vmem>>, vector<16xi32>,
    }
    %scan3A_7 = arith.constant 104 : i32
    %dma_start3A = arith.constant 0 : i32
    %dma_start3A_8 = arith.constant 0 : i32
    %dma_start3A_9 = arith.constant 0 : i32
    %dma_start3A_10 = arith.constant 0 : i32
    %dma_start3A_11 = arith.constant 0 : i32
    %dma_start3A_12 = tpu.memref_slice %arg6[%dma_start3A_9, %dma_start3A_10, %dma_start3A_11] : memref<4x128x32xf32, #tpu.memory_space<vmem>> -> memref<1x128x32xf32, #tpu.memory_space<vmem>>
    %dma_start3A_13 = tpu.memref_squeeze %dma_start3A_12 : memref<1x128x32xf32, #tpu.memory_space<vmem>> -> memref<128x32xf32, #tpu.memory_space<vmem>>
    %dma_start3A_14 = arith.constant 0 : i32
    %dma_start3A_15 = tpu.memref_slice %arg5[%dma_start3A, %dma_start3A_8, %dma_start3A_14] : memref<26x4x128xi32, #tpu.memory_space<vmem>> -> memref<1x1x128xi32, #tpu.memory_space<vmem>>
    %dma_start3A_16 = tpu.memref_squeeze %dma_start3A_15 : memref<1x1x128xi32, #tpu.memory_space<vmem>> -> memref<128xi32, #tpu.memory_space<vmem>>
    %dma_start3A_17 = arith.constant 0 : i32
    %dma_start3A_18 = arith.constant 0 : i32
    %dma_start3A_19 = tpu.memref_slice %arg3[%dma_start3A_17, %dma_start3A_18] : memref<1015808x32xf32, #tpu.memory_space<hbm>> -> memref<1015808x32xf32, #tpu.memory_space<hbm>>
    tpu.enqueue_indirect_dma source(%dma_start3A_19 : memref<1015808x32xf32, #tpu.memory_space<hbm>>) target(%dma_start3A_13 : memref<128x32xf32, #tpu.memory_space<vmem>>) offsets(%dma_start3A_16 : memref<128xi32, #tpu.memory_space<vmem>>) semaphore(%arg8 : memref<!tpu.dma_semaphore, #tpu.memory_space<semaphore_mem>>)
    %dma_start3A_20 = arith.constant 1 : i32
    %dma_start3A_21 = arith.constant 0 : i32
    %dma_start3A_22 = arith.constant 1 : i32
    %dma_start3A_23 = arith.constant 0 : i32
    %dma_start3A_24 = arith.constant 0 : i32
    %dma_start3A_25 = tpu.memref_slice %arg6[%dma_start3A_22, %dma_start3A_23, %dma_start3A_24] : memref<4x128x32xf32, #tpu.memory_space<vmem>> -> memref<1x128x32xf32, #tpu.memory_space<vmem>>
    %dma_start3A_26 = tpu.memref_squeeze %dma_start3A_25 : memref<1x128x32xf32, #tpu.memory_space<vmem>> -> memref<128x32xf32, #tpu.memory_space<vmem>>
    %dma_start3A_27 = arith.constant 0 : i32
    %dma_start3A_28 = tpu.memref_slice %arg5[%dma_start3A_20, %dma_start3A_21, %dma_start3A_27] : memref<26x4x128xi32, #tpu.memory_space<vmem>> -> memref<1x1x128xi32, #tpu.memory_space<vmem>>
    %dma_start3A_29 = tpu.memref_squeeze %dma_start3A_28 : memref<1x1x128xi32, #tpu.memory_space<vmem>> -> memref<128xi32, #tpu.memory_space<vmem>>
    %dma_start3A_30 = arith.constant 0 : i32
    %dma_start3A_31 = arith.constant 0 : i32
    %dma_start3A_32 = tpu.memref_slice %arg3[%dma_start3A_30, %dma_start3A_31] : memref<1015808x32xf32, #tpu.memory_space<hbm>> -> memref<1015808x32xf32, #tpu.memory_space<hbm>>
    tpu.enqueue_indirect_dma source(%dma_start3A_32 : memref<1015808x32xf32, #tpu.memory_space<hbm>>) target(%dma_start3A_26 : memref<128x32xf32, #tpu.memory_space<vmem>>) offsets(%dma_start3A_29 : memref<128xi32, #tpu.memory_space<vmem>>) semaphore(%arg9 : memref<!tpu.dma_semaphore, #tpu.memory_space<semaphore_mem>>)
    %dma_start3A_33 = arith.constant 2 : i32
    %dma_start3A_34 = arith.constant 0 : i32
    %dma_start3A_35 = arith.constant 2 : i32
    %dma_start3A_36 = arith.constant 0 : i32
    %dma_start3A_37 = arith.constant 0 : i32
    %dma_start3A_38 = tpu.memref_slice %arg6[%dma_start3A_35, %dma_start3A_36, %dma_start3A_37] : memref<4x128x32xf32, #tpu.memory_space<vmem>> -> memref<1x128x32xf32, #tpu.memory_space<vmem>>
    %dma_start3A_39 = tpu.memref_squeeze %dma_start3A_38 : memref<1x128x32xf32, #tpu.memory_space<vmem>> -> memref<128x32xf32, #tpu.memory_space<vmem>>
    %dma_start3A_40 = arith.constant 0 : i32
    %dma_start3A_41 = tpu.memref_slice %arg5[%dma_start3A_33, %dma_start3A_34, %dma_start3A_40] : memref<26x4x128xi32, #tpu.memory_space<vmem>> -> memref<1x1x128xi32, #tpu.memory_space<vmem>>
    %dma_start3A_42 = tpu.memref_squeeze %dma_start3A_41 : memref<1x1x128xi32, #tpu.memory_space<vmem>> -> memref<128xi32, #tpu.memory_space<vmem>>
    %dma_start3A_43 = arith.constant 0 : i32
    %dma_start3A_44 = arith.constant 0 : i32
    %dma_start3A_45 = tpu.memref_slice %arg3[%dma_start3A_43, %dma_start3A_44] : memref<1015808x32xf32, #tpu.memory_space<hbm>> -> memref<1015808x32xf32, #tpu.memory_space<hbm>>
    tpu.enqueue_indirect_dma source(%dma_start3A_45 : memref<1015808x32xf32, #tpu.memory_space<hbm>>) target(%dma_start3A_39 : memref<128x32xf32, #tpu.memory_space<vmem>>) offsets(%dma_start3A_42 : memref<128xi32, #tpu.memory_space<vmem>>) semaphore(%arg10 : memref<!tpu.dma_semaphore, #tpu.memory_space<semaphore_mem>>)
    %dma_start3A_46 = arith.constant 3 : i32
    %dma_start3A_47 = arith.constant 0 : i32
    %dma_start3A_48 = arith.constant 3 : i32
    %dma_start3A_49 = arith.constant 0 : i32
    %dma_start3A_50 = arith.constant 0 : i32
    %dma_start3A_51 = tpu.memref_slice %arg6[%dma_start3A_48, %dma_start3A_49, %dma_start3A_50] : memref<4x128x32xf32, #tpu.memory_space<vmem>> -> memref<1x128x32xf32, #tpu.memory_space<vmem>>
    %dma_start3A_52 = tpu.memref_squeeze %dma_start3A_51 : memref<1x128x32xf32, #tpu.memory_space<vmem>> -> memref<128x32xf32, #tpu.memory_space<vmem>>
    %dma_start3A_53 = arith.constant 0 : i32
    %dma_start3A_54 = tpu.memref_slice %arg5[%dma_start3A_46, %dma_start3A_47, %dma_start3A_53] : memref<26x4x128xi32, #tpu.memory_space<vmem>> -> memref<1x1x128xi32, #tpu.memory_space<vmem>>
    %dma_start3A_55 = tpu.memref_squeeze %dma_start3A_54 : memref<1x1x128xi32, #tpu.memory_space<vmem>> -> memref<128xi32, #tpu.memory_space<vmem>>
    %dma_start3A_56 = arith.constant 0 : i32
    %dma_start3A_57 = arith.constant 0 : i32
    %dma_start3A_58 = tpu.memref_slice %arg3[%dma_start3A_56, %dma_start3A_57] : memref<1015808x32xf32, #tpu.memory_space<hbm>> -> memref<1015808x32xf32, #tpu.memory_space<hbm>>
    tpu.enqueue_indirect_dma source(%dma_start3A_58 : memref<1015808x32xf32, #tpu.memory_space<hbm>>) target(%dma_start3A_52 : memref<128x32xf32, #tpu.memory_space<vmem>>) offsets(%dma_start3A_55 : memref<128xi32, #tpu.memory_space<vmem>>) semaphore(%arg11 : memref<!tpu.dma_semaphore, #tpu.memory_space<semaphore_mem>>)
    %scan3A_59 = arith.constant 0 : i32
    %scan3A_60 = arith.constant 0 : i32
    %scan3A_61 = arith.constant 26 : i32
    %scan3A_62 = arith.addi %scan3A_60, %scan3A_61 : i32
    %scan3A_63 = arith.constant 1 : i32
    scf.for %scan3A_368 = %scan3A_60 to %scan3A_62 step %scan3A_63  : i32 {
      %mul3A_369 = arith.constant 4 : i32
      %mul3A_370 = arith.muli %mul3A_369, %scan3A_368 : i32
      %add3A_371 = arith.constant 0 : i32
      %add3A_372 = arith.addi %mul3A_370, %add3A_371 : i32
      %jit3A = arith.constant 26 : i32
      %div3A = arith.divsi %add3A_372, %jit3A : i32
      %sign3A = arith.constant 0 : i32
      %sign3A_373 = arith.cmpi sgt, %add3A_372, %sign3A : i32
      %sign3A_374 = arith.extui %sign3A_373 : i1 to i32
      %sign3A_375 = arith.constant 0 : i32
      %sign3A_376 = arith.cmpi slt, %add3A_372, %sign3A_375 : i32
      %sign3A_377 = arith.extui %sign3A_376 : i1 to i32
      %sign3A_378 = arith.subi %sign3A_374, %sign3A_377 : i32
      %sign3A_379 = arith.constant 0 : i32
      %sign3A_380 = arith.cmpi sgt, %jit3A, %sign3A_379 : i32
      %sign3A_381 = arith.extui %sign3A_380 : i1 to i32
      %sign3A_382 = arith.constant 0 : i32
      %sign3A_383 = arith.cmpi slt, %jit3A, %sign3A_382 : i32
      %sign3A_384 = arith.extui %sign3A_383 : i1 to i32
      %sign3A_385 = arith.subi %sign3A_381, %sign3A_384 : i32
      %ne3A = arith.cmpi ne, %sign3A_378, %sign3A_385 : i32
      %rem3A = arith.remsi %add3A_372, %jit3A : i32
      %ne3A_386 = arith.constant 0 : i32
      %ne3A_387 = arith.cmpi ne, %rem3A, %ne3A_386 : i32
      %and3A = arith.andi %ne3A, %ne3A_387 : i1
      %sub3A = arith.constant 1 : i32
      %sub3A_388 = arith.subi %div3A, %sub3A : i32
      %select_n3A = arith.select %and3A, %sub3A_388, %div3A : i32
      %jit3A_389 = arith.constant 26 : i32
      %eq3A = arith.constant 0 : i32
      %eq3A_390 = arith.cmpi eq, %jit3A_389, %eq3A : i32
      %jit3A_391 = arith.constant 1 : i32
      %select_n3A_392 = arith.select %eq3A_390, %jit3A_391, %jit3A_389 : i32
      %rem3A_393 = arith.remsi %add3A_372, %select_n3A_392 : i32
      %ne3A_394 = arith.constant 0 : i32
      %ne3A_395 = arith.cmpi ne, %rem3A_393, %ne3A_394 : i32
      %lt3A = arith.constant 0 : i32
      %lt3A_396 = arith.cmpi slt, %rem3A_393, %lt3A : i32
      %lt3A_397 = arith.constant 0 : i32
      %lt3A_398 = arith.cmpi slt, %select_n3A_392, %lt3A_397 : i32
      %ne3A_399 = arith.xori %lt3A_396, %lt3A_398 : i1
      %and3A_400 = arith.andi %ne3A_399, %ne3A_395 : i1
      %add3A_401 = arith.addi %rem3A_393, %select_n3A_392 : i32
      %select_n3A_402 = arith.select %and3A_400, %add3A_401, %rem3A_393 : i32
      %dma_wait3A_403 = arith.constant 0 : i32
      %dma_wait3A_404 = arith.constant 0 : i32
      %dma_wait3A_405 = arith.constant 0 : i32
      %dma_wait3A_406 = tpu.memref_slice %arg6[%dma_wait3A_403, %dma_wait3A_404, %dma_wait3A_405] : memref<4x128x32xf32, #tpu.memory_space<vmem>> -> memref<1x128x32xf32, #tpu.memory_space<vmem>>
      %dma_wait3A_407 = tpu.memref_squeeze %dma_wait3A_406 : memref<1x128x32xf32, #tpu.memory_space<vmem>> -> memref<128x32xf32, #tpu.memory_space<vmem>>
      %dma_wait3A_408 = arith.constant 0 : i32
      %dma_wait3A_409 = tpu.memref_slice %arg5[%select_n3A_402, %select_n3A, %dma_wait3A_408] : memref<26x4x128xi32, #tpu.memory_space<vmem>> -> memref<1x1x128xi32, #tpu.memory_space<vmem>>
      %dma_wait3A_410 = tpu.memref_squeeze %dma_wait3A_409 : memref<1x1x128xi32, #tpu.memory_space<vmem>> -> memref<128xi32, #tpu.memory_space<vmem>>
      %dma_wait3A_411 = arith.constant 0 : i32
      %dma_wait3A_412 = arith.constant 0 : i32
      %dma_wait3A_413 = tpu.memref_slice %arg3[%dma_wait3A_411, %dma_wait3A_412] : memref<1015808x32xf32, #tpu.memory_space<hbm>> -> memref<1015808x32xf32, #tpu.memory_space<hbm>>
      tpu.wait_indirect_dma semaphore(%arg8 : memref<!tpu.dma_semaphore, #tpu.memory_space<semaphore_mem>>) src(%dma_wait3A_413 : memref<1015808x32xf32, #tpu.memory_space<hbm>>) dst(%dma_wait3A_407 : memref<128x32xf32, #tpu.memory_space<vmem>>)
      %ge3A = arith.constant 4 : i32
      %ge3A_414 = arith.cmpi sge, %add3A_372, %ge3A : i32
      %convert_element_type3A = arith.extui %ge3A_414 : i1 to i32
      %cond3A = arith.constant 0 : i32
      %cond3A_415 = arith.cmpi ne, %convert_element_type3A, %cond3A : i32
      scf.if %cond3A_415 {
        %sub3A_1650 = arith.constant 4 : i32
        %sub3A_1651 = arith.subi %add3A_372, %sub3A_1650 : i32
        %jit3A_1652 = arith.constant 26 : i32
        %div3A_1653 = arith.divsi %sub3A_1651, %jit3A_1652 : i32
        %sign3A_1654 = arith.constant 0 : i32
        %sign3A_1655 = arith.cmpi sgt, %sub3A_1651, %sign3A_1654 : i32
        %sign3A_1656 = arith.extui %sign3A_1655 : i1 to i32
        %sign3A_1657 = arith.constant 0 : i32
        %sign3A_1658 = arith.cmpi slt, %sub3A_1651, %sign3A_1657 : i32
        %sign3A_1659 = arith.extui %sign3A_1658 : i1 to i32
        %sign3A_1660 = arith.subi %sign3A_1656, %sign3A_1659 : i32
        %sign3A_1661 = arith.constant 0 : i32
        %sign3A_1662 = arith.cmpi sgt, %jit3A_1652, %sign3A_1661 : i32
        %sign3A_1663 = arith.extui %sign3A_1662 : i1 to i32
        %sign3A_1664 = arith.constant 0 : i32
        %sign3A_1665 = arith.cmpi slt, %jit3A_1652, %sign3A_1664 : i32
        %sign3A_1666 = arith.extui %sign3A_1665 : i1 to i32
        %sign3A_1667 = arith.subi %sign3A_1663, %sign3A_1666 : i32
        %ne3A_1668 = arith.cmpi ne, %sign3A_1660, %sign3A_1667 : i32
        %rem3A_1669 = arith.remsi %sub3A_1651, %jit3A_1652 : i32
        %ne3A_1670 = arith.constant 0 : i32
        %ne3A_1671 = arith.cmpi ne, %rem3A_1669, %ne3A_1670 : i32
        %and3A_1672 = arith.andi %ne3A_1668, %ne3A_1671 : i1
        %sub3A_1673 = arith.constant 1 : i32
        %sub3A_1674 = arith.subi %div3A_1653, %sub3A_1673 : i32
        %select_n3A_1675 = arith.select %and3A_1672, %sub3A_1674, %div3A_1653 : i32
        %jit3A_1676 = arith.constant 26 : i32
        %eq3A_1677 = arith.constant 0 : i32
        %eq3A_1678 = arith.cmpi eq, %jit3A_1676, %eq3A_1677 : i32
        %jit3A_1679 = arith.constant 1 : i32
        %select_n3A_1680 = arith.select %eq3A_1678, %jit3A_1679, %jit3A_1676 : i32
        %rem3A_1681 = arith.remsi %sub3A_1651, %select_n3A_1680 : i32
        %ne3A_1682 = arith.constant 0 : i32
        %ne3A_1683 = arith.cmpi ne, %rem3A_1681, %ne3A_1682 : i32
        %lt3A_1684 = arith.constant 0 : i32
        %lt3A_1685 = arith.cmpi slt, %rem3A_1681, %lt3A_1684 : i32
        %lt3A_1686 = arith.constant 0 : i32
        %lt3A_1687 = arith.cmpi slt, %select_n3A_1680, %lt3A_1686 : i32
        %ne3A_1688 = arith.xori %lt3A_1685, %lt3A_1687 : i1
        %and3A_1689 = arith.andi %ne3A_1688, %ne3A_1683 : i1
        %add3A_1690 = arith.addi %rem3A_1681, %select_n3A_1680 : i32
        %select_n3A_1691 = arith.select %and3A_1689, %add3A_1690, %rem3A_1681 : i32
        %mul3A_1692 = arith.constant 4 : i32
        %mul3A_1693 = arith.muli %select_n3A_1691, %mul3A_1692 : i32
        %add3A_1694 = arith.constant 0 : i32
        %add3A_1695 = arith.addi %mul3A_1693, %add3A_1694 : i32
        %mul3A_1696 = arith.constant 128 : i32
        %mul3A_1697 = arith.muli %add3A_1695, %mul3A_1696 : i32
        %add3A_1698 = arith.addi %mul3A_1697, %mul3A_2 : i32
        %add3A_1699 = arith.addi %add3A_1698, %select_n3A_1675 : i32
        %mul3A_1700 = arith.constant 8 : i32
        %mul3A_1701 = arith.muli %add3A_1699, %mul3A_1700 : i32
        %dma_wait3A_1702 = arith.constant 0 : i32
        %dma_wait3A_1703 = arith.constant 0 : i32
        %dma_wait3A_1704 = arith.constant 0 : i32
        %dma_wait3A_1705 = tpu.memref_slice %arg7[%dma_wait3A_1702, %dma_wait3A_1703, %dma_wait3A_1704] : memref<4x32x128xf32, #tpu.memory_space<vmem>> -> memref<1x8x128xf32, #tpu.memory_space<vmem>>
        %dma_wait3A_1706 = tpu.memref_squeeze %dma_wait3A_1705 : memref<1x8x128xf32, #tpu.memory_space<vmem>> -> memref<8x128xf32, #tpu.memory_space<vmem>>
        %dma_wait3A_1707 = arith.constant 0 : i32
        %dma_wait3A_1708 = tpu.memref_slice %arg4[%mul3A_1701, %dma_wait3A_1707] : memref<106496x128xf32, #tpu.memory_space<hbm>> -> memref<8x128xf32, #tpu.memory_space<hbm>>
        %dma_wait3A_1709 = arith.constant 0 : i32
        %dma_wait3A_1710 = tpu.memref_slice %arg4[%mul3A_1701, %dma_wait3A_1709] : memref<106496x128xf32, #tpu.memory_space<hbm>> -> memref<8x128xf32, #tpu.memory_space<hbm>>
        %dma_wait3A_1711 = arith.constant 0 : i32
        %dma_wait3A_1712 = arith.constant 0 : i32
        %dma_wait3A_1713 = tpu.memref_slice %arg7[%dma_wait3A_1702, %dma_wait3A_1711, %dma_wait3A_1712] : memref<4x32x128xf32, #tpu.memory_space<vmem>> -> memref<1x8x128xf32, #tpu.memory_space<vmem>>
        %dma_wait3A_1714 = tpu.memref_squeeze %dma_wait3A_1713 : memref<1x8x128xf32, #tpu.memory_space<vmem>> -> memref<8x128xf32, #tpu.memory_space<vmem>>
        tpu.wait_dma2 semaphore(%arg12 : memref<!tpu.dma_semaphore, #tpu.memory_space<semaphore_mem>>) src(%dma_wait3A_1714 : memref<8x128xf32, #tpu.memory_space<vmem>>) dst(%dma_wait3A_1710 : memref<8x128xf32, #tpu.memory_space<hbm>>)
        %jit3A_1715 = arith.constant 26 : i32
        %div3A_1716 = arith.divsi %sub3A_1651, %jit3A_1715 : i32
        %sign3A_1717 = arith.constant 0 : i32
        %sign3A_1718 = arith.cmpi sgt, %sub3A_1651, %sign3A_1717 : i32
        %sign3A_1719 = arith.extui %sign3A_1718 : i1 to i32
        %sign3A_1720 = arith.constant 0 : i32
        %sign3A_1721 = arith.cmpi slt, %sub3A_1651, %sign3A_1720 : i32
        %sign3A_1722 = arith.extui %sign3A_1721 : i1 to i32
        %sign3A_1723 = arith.subi %sign3A_1719, %sign3A_1722 : i32
        %sign3A_1724 = arith.constant 0 : i32
        %sign3A_1725 = arith.cmpi sgt, %jit3A_1715, %sign3A_1724 : i32
        %sign3A_1726 = arith.extui %sign3A_1725 : i1 to i32
        %sign3A_1727 = arith.constant 0 : i32
        %sign3A_1728 = arith.cmpi slt, %jit3A_1715, %sign3A_1727 : i32
        %sign3A_1729 = arith.extui %sign3A_1728 : i1 to i32
        %sign3A_1730 = arith.subi %sign3A_1726, %sign3A_1729 : i32
        %ne3A_1731 = arith.cmpi ne, %sign3A_1723, %sign3A_1730 : i32
        %rem3A_1732 = arith.remsi %sub3A_1651, %jit3A_1715 : i32
        %ne3A_1733 = arith.constant 0 : i32
        %ne3A_1734 = arith.cmpi ne, %rem3A_1732, %ne3A_1733 : i32
        %and3A_1735 = arith.andi %ne3A_1731, %ne3A_1734 : i1
        %sub3A_1736 = arith.constant 1 : i32
        %sub3A_1737 = arith.subi %div3A_1716, %sub3A_1736 : i32
        %select_n3A_1738 = arith.select %and3A_1735, %sub3A_1737, %div3A_1716 : i32
        %jit3A_1739 = arith.constant 26 : i32
        %eq3A_1740 = arith.constant 0 : i32
        %eq3A_1741 = arith.cmpi eq, %jit3A_1739, %eq3A_1740 : i32
        %jit3A_1742 = arith.constant 1 : i32
        %select_n3A_1743 = arith.select %eq3A_1741, %jit3A_1742, %jit3A_1739 : i32
        %rem3A_1744 = arith.remsi %sub3A_1651, %select_n3A_1743 : i32
        %ne3A_1745 = arith.constant 0 : i32
        %ne3A_1746 = arith.cmpi ne, %rem3A_1744, %ne3A_1745 : i32
        %lt3A_1747 = arith.constant 0 : i32
        %lt3A_1748 = arith.cmpi slt, %rem3A_1744, %lt3A_1747 : i32
        %lt3A_1749 = arith.constant 0 : i32
        %lt3A_1750 = arith.cmpi slt, %select_n3A_1743, %lt3A_1749 : i32
        %ne3A_1751 = arith.xori %lt3A_1748, %lt3A_1750 : i1
        %and3A_1752 = arith.andi %ne3A_1751, %ne3A_1746 : i1
        %add3A_1753 = arith.addi %rem3A_1744, %select_n3A_1743 : i32
        %select_n3A_1754 = arith.select %and3A_1752, %add3A_1753, %rem3A_1744 : i32
        %mul3A_1755 = arith.constant 4 : i32
        %mul3A_1756 = arith.muli %select_n3A_1754, %mul3A_1755 : i32
        %add3A_1757 = arith.constant 1 : i32
        %add3A_1758 = arith.addi %mul3A_1756, %add3A_1757 : i32
        %mul3A_1759 = arith.constant 128 : i32
        %mul3A_1760 = arith.muli %add3A_1758, %mul3A_1759 : i32
        %add3A_1761 = arith.addi %mul3A_1760, %mul3A_2 : i32
        %add3A_1762 = arith.addi %add3A_1761, %select_n3A_1738 : i32
        %mul3A_1763 = arith.constant 8 : i32
        %mul3A_1764 = arith.muli %add3A_1762, %mul3A_1763 : i32
        %dma_wait3A_1765 = arith.constant 0 : i32
        %dma_wait3A_1766 = arith.constant 8 : i32
        %dma_wait3A_1767 = arith.constant 0 : i32
        %dma_wait3A_1768 = tpu.memref_slice %arg7[%dma_wait3A_1765, %dma_wait3A_1766, %dma_wait3A_1767] : memref<4x32x128xf32, #tpu.memory_space<vmem>> -> memref<1x8x128xf32, #tpu.memory_space<vmem>>
        %dma_wait3A_1769 = tpu.memref_squeeze %dma_wait3A_1768 : memref<1x8x128xf32, #tpu.memory_space<vmem>> -> memref<8x128xf32, #tpu.memory_space<vmem>>
        %dma_wait3A_1770 = arith.constant 0 : i32
        %dma_wait3A_1771 = tpu.memref_slice %arg4[%mul3A_1764, %dma_wait3A_1770] : memref<106496x128xf32, #tpu.memory_space<hbm>> -> memref<8x128xf32, #tpu.memory_space<hbm>>
        %dma_wait3A_1772 = arith.constant 0 : i32
        %dma_wait3A_1773 = tpu.memref_slice %arg4[%mul3A_1764, %dma_wait3A_1772] : memref<106496x128xf32, #tpu.memory_space<hbm>> -> memref<8x128xf32, #tpu.memory_space<hbm>>
        %dma_wait3A_1774 = arith.constant 8 : i32
        %dma_wait3A_1775 = arith.constant 0 : i32
        %dma_wait3A_1776 = tpu.memref_slice %arg7[%dma_wait3A_1765, %dma_wait3A_1774, %dma_wait3A_1775] : memref<4x32x128xf32, #tpu.memory_space<vmem>> -> memref<1x8x128xf32, #tpu.memory_space<vmem>>
        %dma_wait3A_1777 = tpu.memref_squeeze %dma_wait3A_1776 : memref<1x8x128xf32, #tpu.memory_space<vmem>> -> memref<8x128xf32, #tpu.memory_space<vmem>>
        tpu.wait_dma2 semaphore(%arg12 : memref<!tpu.dma_semaphore, #tpu.memory_space<semaphore_mem>>) src(%dma_wait3A_1777 : memref<8x128xf32, #tpu.memory_space<vmem>>) dst(%dma_wait3A_1773 : memref<8x128xf32, #tpu.memory_space<hbm>>)
        %jit3A_1778 = arith.constant 26 : i32
        %div3A_1779 = arith.divsi %sub3A_1651, %jit3A_1778 : i32
        %sign3A_1780 = arith.constant 0 : i32
        %sign3A_1781 = arith.cmpi sgt, %sub3A_1651, %sign3A_1780 : i32
        %sign3A_1782 = arith.extui %sign3A_1781 : i1 to i32
        %sign3A_1783 = arith.constant 0 : i32
        %sign3A_1784 = arith.cmpi slt, %sub3A_1651, %sign3A_1783 : i32
        %sign3A_1785 = arith.extui %sign3A_1784 : i1 to i32
        %sign3A_1786 = arith.subi %sign3A_1782, %sign3A_1785 : i32
        %sign3A_1787 = arith.constant 0 : i32
        %sign3A_1788 = arith.cmpi sgt, %jit3A_1778, %sign3A_1787 : i32
        %sign3A_1789 = arith.extui %sign3A_1788 : i1 to i32
        %sign3A_1790 = arith.constant 0 : i32
        %sign3A_1791 = arith.cmpi slt, %jit3A_1778, %sign3A_1790 : i32
        %sign3A_1792 = arith.extui %sign3A_1791 : i1 to i32
        %sign3A_1793 = arith.subi %sign3A_1789, %sign3A_1792 : i32
        %ne3A_1794 = arith.cmpi ne, %sign3A_1786, %sign3A_1793 : i32
        %rem3A_1795 = arith.remsi %sub3A_1651, %jit3A_1778 : i32
        %ne3A_1796 = arith.constant 0 : i32
        %ne3A_1797 = arith.cmpi ne, %rem3A_1795, %ne3A_1796 : i32
        %and3A_1798 = arith.andi %ne3A_1794, %ne3A_1797 : i1
        %sub3A_1799 = arith.constant 1 : i32
        %sub3A_1800 = arith.subi %div3A_1779, %sub3A_1799 : i32
        %select_n3A_1801 = arith.select %and3A_1798, %sub3A_1800, %div3A_1779 : i32
        %jit3A_1802 = arith.constant 26 : i32
        %eq3A_1803 = arith.constant 0 : i32
        %eq3A_1804 = arith.cmpi eq, %jit3A_1802, %eq3A_1803 : i32
        %jit3A_1805 = arith.constant 1 : i32
        %select_n3A_1806 = arith.select %eq3A_1804, %jit3A_1805, %jit3A_1802 : i32
        %rem3A_1807 = arith.remsi %sub3A_1651, %select_n3A_1806 : i32
        %ne3A_1808 = arith.constant 0 : i32
        %ne3A_1809 = arith.cmpi ne, %rem3A_1807, %ne3A_1808 : i32
        %lt3A_1810 = arith.constant 0 : i32
        %lt3A_1811 = arith.cmpi slt, %rem3A_1807, %lt3A_1810 : i32
        %lt3A_1812 = arith.constant 0 : i32
        %lt3A_1813 = arith.cmpi slt, %select_n3A_1806, %lt3A_1812 : i32
        %ne3A_1814 = arith.xori %lt3A_1811, %lt3A_1813 : i1
        %and3A_1815 = arith.andi %ne3A_1814, %ne3A_1809 : i1
        %add3A_1816 = arith.addi %rem3A_1807, %select_n3A_1806 : i32
        %select_n3A_1817 = arith.select %and3A_1815, %add3A_1816, %rem3A_1807 : i32
        %mul3A_1818 = arith.constant 4 : i32
        %mul3A_1819 = arith.muli %select_n3A_1817, %mul3A_1818 : i32
        %add3A_1820 = arith.constant 2 : i32
        %add3A_1821 = arith.addi %mul3A_1819, %add3A_1820 : i32
        %mul3A_1822 = arith.constant 128 : i32
        %mul3A_1823 = arith.muli %add3A_1821, %mul3A_1822 : i32
        %add3A_1824 = arith.addi %mul3A_1823, %mul3A_2 : i32
        %add3A_1825 = arith.addi %add3A_1824, %select_n3A_1801 : i32
        %mul3A_1826 = arith.constant 8 : i32
        %mul3A_1827 = arith.muli %add3A_1825, %mul3A_1826 : i32
        %dma_wait3A_1828 = arith.constant 0 : i32
        %dma_wait3A_1829 = arith.constant 16 : i32
        %dma_wait3A_1830 = arith.constant 0 : i32
        %dma_wait3A_1831 = tpu.memref_slice %arg7[%dma_wait3A_1828, %dma_wait3A_1829, %dma_wait3A_1830] : memref<4x32x128xf32, #tpu.memory_space<vmem>> -> memref<1x8x128xf32, #tpu.memory_space<vmem>>
        %dma_wait3A_1832 = tpu.memref_squeeze %dma_wait3A_1831 : memref<1x8x128xf32, #tpu.memory_space<vmem>> -> memref<8x128xf32, #tpu.memory_space<vmem>>
        %dma_wait3A_1833 = arith.constant 0 : i32
        %dma_wait3A_1834 = tpu.memref_slice %arg4[%mul3A_1827, %dma_wait3A_1833] : memref<106496x128xf32, #tpu.memory_space<hbm>> -> memref<8x128xf32, #tpu.memory_space<hbm>>
        %dma_wait3A_1835 = arith.constant 0 : i32
        %dma_wait3A_1836 = tpu.memref_slice %arg4[%mul3A_1827, %dma_wait3A_1835] : memref<106496x128xf32, #tpu.memory_space<hbm>> -> memref<8x128xf32, #tpu.memory_space<hbm>>
        %dma_wait3A_1837 = arith.constant 16 : i32
        %dma_wait3A_1838 = arith.constant 0 : i32
        %dma_wait3A_1839 = tpu.memref_slice %arg7[%dma_wait3A_1828, %dma_wait3A_1837, %dma_wait3A_1838] : memref<4x32x128xf32, #tpu.memory_space<vmem>> -> memref<1x8x128xf32, #tpu.memory_space<vmem>>
        %dma_wait3A_1840 = tpu.memref_squeeze %dma_wait3A_1839 : memref<1x8x128xf32, #tpu.memory_space<vmem>> -> memref<8x128xf32, #tpu.memory_space<vmem>>
        tpu.wait_dma2 semaphore(%arg12 : memref<!tpu.dma_semaphore, #tpu.memory_space<semaphore_mem>>) src(%dma_wait3A_1840 : memref<8x128xf32, #tpu.memory_space<vmem>>) dst(%dma_wait3A_1836 : memref<8x128xf32, #tpu.memory_space<hbm>>)
        %jit3A_1841 = arith.constant 26 : i32
        %div3A_1842 = arith.divsi %sub3A_1651, %jit3A_1841 : i32
        %sign3A_1843 = arith.constant 0 : i32
        %sign3A_1844 = arith.cmpi sgt, %sub3A_1651, %sign3A_1843 : i32
        %sign3A_1845 = arith.extui %sign3A_1844 : i1 to i32
        %sign3A_1846 = arith.constant 0 : i32
        %sign3A_1847 = arith.cmpi slt, %sub3A_1651, %sign3A_1846 : i32
        %sign3A_1848 = arith.extui %sign3A_1847 : i1 to i32
        %sign3A_1849 = arith.subi %sign3A_1845, %sign3A_1848 : i32
        %sign3A_1850 = arith.constant 0 : i32
        %sign3A_1851 = arith.cmpi sgt, %jit3A_1841, %sign3A_1850 : i32
        %sign3A_1852 = arith.extui %sign3A_1851 : i1 to i32
        %sign3A_1853 = arith.constant 0 : i32
        %sign3A_1854 = arith.cmpi slt, %jit3A_1841, %sign3A_1853 : i32
        %sign3A_1855 = arith.extui %sign3A_1854 : i1 to i32
        %sign3A_1856 = arith.subi %sign3A_1852, %sign3A_1855 : i32
        %ne3A_1857 = arith.cmpi ne, %sign3A_1849, %sign3A_1856 : i32
        %rem3A_1858 = arith.remsi %sub3A_1651, %jit3A_1841 : i32
        %ne3A_1859 = arith.constant 0 : i32
        %ne3A_1860 = arith.cmpi ne, %rem3A_1858, %ne3A_1859 : i32
        %and3A_1861 = arith.andi %ne3A_1857, %ne3A_1860 : i1
        %sub3A_1862 = arith.constant 1 : i32
        %sub3A_1863 = arith.subi %div3A_1842, %sub3A_1862 : i32
        %select_n3A_1864 = arith.select %and3A_1861, %sub3A_1863, %div3A_1842 : i32
        %jit3A_1865 = arith.constant 26 : i32
        %eq3A_1866 = arith.constant 0 : i32
        %eq3A_1867 = arith.cmpi eq, %jit3A_1865, %eq3A_1866 : i32
        %jit3A_1868 = arith.constant 1 : i32
        %select_n3A_1869 = arith.select %eq3A_1867, %jit3A_1868, %jit3A_1865 : i32
        %rem3A_1870 = arith.remsi %sub3A_1651, %select_n3A_1869 : i32
        %ne3A_1871 = arith.constant 0 : i32
        %ne3A_1872 = arith.cmpi ne, %rem3A_1870, %ne3A_1871 : i32
        %lt3A_1873 = arith.constant 0 : i32
        %lt3A_1874 = arith.cmpi slt, %rem3A_1870, %lt3A_1873 : i32
        %lt3A_1875 = arith.constant 0 : i32
        %lt3A_1876 = arith.cmpi slt, %select_n3A_1869, %lt3A_1875 : i32
        %ne3A_1877 = arith.xori %lt3A_1874, %lt3A_1876 : i1
        %and3A_1878 = arith.andi %ne3A_1877, %ne3A_1872 : i1
        %add3A_1879 = arith.addi %rem3A_1870, %select_n3A_1869 : i32
        %select_n3A_1880 = arith.select %and3A_1878, %add3A_1879, %rem3A_1870 : i32
        %mul3A_1881 = arith.constant 4 : i32
        %mul3A_1882 = arith.muli %select_n3A_1880, %mul3A_1881 : i32
        %add3A_1883 = arith.constant 3 : i32
        %add3A_1884 = arith.addi %mul3A_1882, %add3A_1883 : i32
        %mul3A_1885 = arith.constant 128 : i32
        %mul3A_1886 = arith.muli %add3A_1884, %mul3A_1885 : i32
        %add3A_1887 = arith.addi %mul3A_1886, %mul3A_2 : i32
        %add3A_1888 = arith.addi %add3A_1887, %select_n3A_1864 : i32
        %mul3A_1889 = arith.constant 8 : i32
        %mul3A_1890 = arith.muli %add3A_1888, %mul3A_1889 : i32
        %dma_wait3A_1891 = arith.constant 0 : i32
        %dma_wait3A_1892 = arith.constant 24 : i32
        %dma_wait3A_1893 = arith.constant 0 : i32
        %dma_wait3A_1894 = tpu.memref_slice %arg7[%dma_wait3A_1891, %dma_wait3A_1892, %dma_wait3A_1893] : memref<4x32x128xf32, #tpu.memory_space<vmem>> -> memref<1x8x128xf32, #tpu.memory_space<vmem>>
        %dma_wait3A_1895 = tpu.memref_squeeze %dma_wait3A_1894 : memref<1x8x128xf32, #tpu.memory_space<vmem>> -> memref<8x128xf32, #tpu.memory_space<vmem>>
        %dma_wait3A_1896 = arith.constant 0 : i32
        %dma_wait3A_1897 = tpu.memref_slice %arg4[%mul3A_1890, %dma_wait3A_1896] : memref<106496x128xf32, #tpu.memory_space<hbm>> -> memref<8x128xf32, #tpu.memory_space<hbm>>
        %dma_wait3A_1898 = arith.constant 0 : i32
        %dma_wait3A_1899 = tpu.memref_slice %arg4[%mul3A_1890, %dma_wait3A_1898] : memref<106496x128xf32, #tpu.memory_space<hbm>> -> memref<8x128xf32, #tpu.memory_space<hbm>>
        %dma_wait3A_1900 = arith.constant 24 : i32
        %dma_wait3A_1901 = arith.constant 0 : i32
        %dma_wait3A_1902 = tpu.memref_slice %arg7[%dma_wait3A_1891, %dma_wait3A_1900, %dma_wait3A_1901] : memref<4x32x128xf32, #tpu.memory_space<vmem>> -> memref<1x8x128xf32, #tpu.memory_space<vmem>>
        %dma_wait3A_1903 = tpu.memref_squeeze %dma_wait3A_1902 : memref<1x8x128xf32, #tpu.memory_space<vmem>> -> memref<8x128xf32, #tpu.memory_space<vmem>>
        tpu.wait_dma2 semaphore(%arg12 : memref<!tpu.dma_semaphore, #tpu.memory_space<semaphore_mem>>) src(%dma_wait3A_1903 : memref<8x128xf32, #tpu.memory_space<vmem>>) dst(%dma_wait3A_1899 : memref<8x128xf32, #tpu.memory_space<hbm>>)
      } else {
      }
      %scan3A_416 = arith.constant 0 : i32
      %scan3A_417 = arith.constant 0 : i32
      %scan3A_418 = arith.constant 16 : i32
      %scan3A_419 = arith.addi %scan3A_417, %scan3A_418 : i32
      %scan3A_420 = arith.constant 1 : i32
      scf.for %scan3A_1650 = %scan3A_417 to %scan3A_419 step %scan3A_420  : i32 {
        %add3A_1651 = vector.broadcast %scan3A_1650 : i32 to vector<16xi32>
        %add3A_1652 = arith.addi %iota3A, %add3A_1651 : vector<16xi32>
        %and3A_1653 = arith.constant 15 : i32
        %and3A_1654 = vector.broadcast %and3A_1653 : i32 to vector<16xi32>
        %and3A_1655 = arith.andi %add3A_1652, %and3A_1654 : vector<16xi32>
        %add3A_1656 = arith.constant 0 : i32
        %add3A_1657 = vector.broadcast %add3A_1656 : i32 to vector<16xi32>
        %add3A_1658 = arith.addi %and3A_1655, %add3A_1657 : vector<16xi32>
        %add3A_1659 = arith.constant 0 : i32
        %add3A_1660 = vector.broadcast %add3A_1659 : i32 to vector<16xi32>
        %add3A_1661 = arith.addi %add3A_1660, %iota3A : vector<16xi32>
        %gather3A = arith.constant 0 : i32
        %gather3A_1662 = arith.constant 0 : i32
        %gather3A_1663 = arith.constant 0 : i32
        %gather3A_1664 = tpu.memref_slice %arg6[%gather3A, %gather3A_1662, %gather3A_1663] : memref<4x128x32xf32, #tpu.memory_space<vmem>> -> memref<1x128x32xf32, #tpu.memory_space<vmem>>
        %gather3A_1665 = tpu.memref_squeeze %gather3A_1664 : memref<1x128x32xf32, #tpu.memory_space<vmem>> -> memref<128x32xf32, #tpu.memory_space<vmem>>
        %gather3A_1666 = tpu.vector_load_idx %gather3A_1665[%add3A_1661, %add3A_1658] : memref<128x32xf32, #tpu.memory_space<vmem>>[vector<16xi32>, vector<16xi32>], vector<16xf32>,
        %scatter3A = arith.constant 0 : i32
        %scatter3A_1667 = arith.constant 0 : i32
        %scatter3A_1668 = arith.constant 0 : i32
        %scatter3A_1669 = tpu.memref_slice %arg7[%scatter3A, %scatter3A_1667, %scatter3A_1668] : memref<4x32x128xf32, #tpu.memory_space<vmem>> -> memref<1x32x128xf32, #tpu.memory_space<vmem>>
        %scatter3A_1670 = tpu.memref_squeeze %scatter3A_1669 : memref<1x32x128xf32, #tpu.memory_space<vmem>> -> memref<32x128xf32, #tpu.memory_space<vmem>>
        tpu.vector_store_idx %scatter3A_1670[%add3A_1658, %add3A_1661], %gather3A_1666 : memref<32x128xf32, #tpu.memory_space<vmem>>[vector<16xi32>, vector<16xi32>], vector<16xf32>,
        %add3A_1671 = arith.constant 16 : i32
        %add3A_1672 = vector.broadcast %add3A_1671 : i32 to vector<16xi32>
        %add3A_1673 = arith.addi %add3A_1672, %iota3A : vector<16xi32>
        %gather3A_1674 = arith.constant 0 : i32
        %gather3A_1675 = arith.constant 0 : i32
        %gather3A_1676 = arith.constant 0 : i32
        %gather3A_1677 = tpu.memref_slice %arg6[%gather3A_1674, %gather3A_1675, %gather3A_1676] : memref<4x128x32xf32, #tpu.memory_space<vmem>> -> memref<1x128x32xf32, #tpu.memory_space<vmem>>
        %gather3A_1678 = tpu.memref_squeeze %gather3A_1677 : memref<1x128x32xf32, #tpu.memory_space<vmem>> -> memref<128x32xf32, #tpu.memory_space<vmem>>
        %gather3A_1679 = tpu.vector_load_idx %gather3A_1678[%add3A_1673, %add3A_1658] : memref<128x32xf32, #tpu.memory_space<vmem>>[vector<16xi32>, vector<16xi32>], vector<16xf32>,
        %scatter3A_1680 = arith.constant 0 : i32
        %scatter3A_1681 = arith.constant 0 : i32
        %scatter3A_1682 = arith.constant 0 : i32
        %scatter3A_1683 = tpu.memref_slice %arg7[%scatter3A_1680, %scatter3A_1681, %scatter3A_1682] : memref<4x32x128xf32, #tpu.memory_space<vmem>> -> memref<1x32x128xf32, #tpu.memory_space<vmem>>
        %scatter3A_1684 = tpu.memref_squeeze %scatter3A_1683 : memref<1x32x128xf32, #tpu.memory_space<vmem>> -> memref<32x128xf32, #tpu.memory_space<vmem>>
        tpu.vector_store_idx %scatter3A_1684[%add3A_1658, %add3A_1673], %gather3A_1679 : memref<32x128xf32, #tpu.memory_space<vmem>>[vector<16xi32>, vector<16xi32>], vector<16xf32>,
        %add3A_1685 = arith.constant 32 : i32
        %add3A_1686 = vector.broadcast %add3A_1685 : i32 to vector<16xi32>
        %add3A_1687 = arith.addi %add3A_1686, %iota3A : vector<16xi32>
        %gather3A_1688 = arith.constant 0 : i32
        %gather3A_1689 = arith.constant 0 : i32
        %gather3A_1690 = arith.constant 0 : i32
        %gather3A_1691 = tpu.memref_slice %arg6[%gather3A_1688, %gather3A_1689, %gather3A_1690] : memref<4x128x32xf32, #tpu.memory_space<vmem>> -> memref<1x128x32xf32, #tpu.memory_space<vmem>>
        %gather3A_1692 = tpu.memref_squeeze %gather3A_1691 : memref<1x128x32xf32, #tpu.memory_space<vmem>> -> memref<128x32xf32, #tpu.memory_space<vmem>>
        %gather3A_1693 = tpu.vector_load_idx %gather3A_1692[%add3A_1687, %add3A_1658] : memref<128x32xf32, #tpu.memory_space<vmem>>[vector<16xi32>, vector<16xi32>], vector<16xf32>,
        %scatter3A_1694 = arith.constant 0 : i32
        %scatter3A_1695 = arith.constant 0 : i32
        %scatter3A_1696 = arith.constant 0 : i32
        %scatter3A_1697 = tpu.memref_slice %arg7[%scatter3A_1694, %scatter3A_1695, %scatter3A_1696] : memref<4x32x128xf32, #tpu.memory_space<vmem>> -> memref<1x32x128xf32, #tpu.memory_space<vmem>>
        %scatter3A_1698 = tpu.memref_squeeze %scatter3A_1697 : memref<1x32x128xf32, #tpu.memory_space<vmem>> -> memref<32x128xf32, #tpu.memory_space<vmem>>
        tpu.vector_store_idx %scatter3A_1698[%add3A_1658, %add3A_1687], %gather3A_1693 : memref<32x128xf32, #tpu.memory_space<vmem>>[vector<16xi32>, vector<16xi32>], vector<16xf32>,
        %add3A_1699 = arith.constant 48 : i32
        %add3A_1700 = vector.broadcast %add3A_1699 : i32 to vector<16xi32>
        %add3A_1701 = arith.addi %add3A_1700, %iota3A : vector<16xi32>
        %gather3A_1702 = arith.constant 0 : i32
        %gather3A_1703 = arith.constant 0 : i32
        %gather3A_1704 = arith.constant 0 : i32
        %gather3A_1705 = tpu.memref_slice %arg6[%gather3A_1702, %gather3A_1703, %gather3A_1704] : memref<4x128x32xf32, #tpu.memory_space<vmem>> -> memref<1x128x32xf32, #tpu.memory_space<vmem>>
        %gather3A_1706 = tpu.memref_squeeze %gather3A_1705 : memref<1x128x32xf32, #tpu.memory_space<vmem>> -> memref<128x32xf32, #tpu.memory_space<vmem>>
        %gather3A_1707 = tpu.vector_load_idx %gather3A_1706[%add3A_1701, %add3A_1658] : memref<128x32xf32, #tpu.memory_space<vmem>>[vector<16xi32>, vector<16xi32>], vector<16xf32>,
        %scatter3A_1708 = arith.constant 0 : i32
        %scatter3A_1709 = arith.constant 0 : i32
        %scatter3A_1710 = arith.constant 0 : i32
        %scatter3A_1711 = tpu.memref_slice %arg7[%scatter3A_1708, %scatter3A_1709, %scatter3A_1710] : memref<4x32x128xf32, #tpu.memory_space<vmem>> -> memref<1x32x128xf32, #tpu.memory_space<vmem>>
        %scatter3A_1712 = tpu.memref_squeeze %scatter3A_1711 : memref<1x32x128xf32, #tpu.memory_space<vmem>> -> memref<32x128xf32, #tpu.memory_space<vmem>>
        tpu.vector_store_idx %scatter3A_1712[%add3A_1658, %add3A_1701], %gather3A_1707 : memref<32x128xf32, #tpu.memory_space<vmem>>[vector<16xi32>, vector<16xi32>], vector<16xf32>,
        %add3A_1713 = arith.constant 64 : i32
        %add3A_1714 = vector.broadcast %add3A_1713 : i32 to vector<16xi32>
        %add3A_1715 = arith.addi %add3A_1714, %iota3A : vector<16xi32>
        %gather3A_1716 = arith.constant 0 : i32
        %gather3A_1717 = arith.constant 0 : i32
        %gather3A_1718 = arith.constant 0 : i32
        %gather3A_1719 = tpu.memref_slice %arg6[%gather3A_1716, %gather3A_1717, %gather3A_1718] : memref<4x128x32xf32, #tpu.memory_space<vmem>> -> memref<1x128x32xf32, #tpu.memory_space<vmem>>
        %gather3A_1720 = tpu.memref_squeeze %gather3A_1719 : memref<1x128x32xf32, #tpu.memory_space<vmem>> -> memref<128x32xf32, #tpu.memory_space<vmem>>
        %gather3A_1721 = tpu.vector_load_idx %gather3A_1720[%add3A_1715, %add3A_1658] : memref<128x32xf32, #tpu.memory_space<vmem>>[vector<16xi32>, vector<16xi32>], vector<16xf32>,
        %scatter3A_1722 = arith.constant 0 : i32
        %scatter3A_1723 = arith.constant 0 : i32
        %scatter3A_1724 = arith.constant 0 : i32
        %scatter3A_1725 = tpu.memref_slice %arg7[%scatter3A_1722, %scatter3A_1723, %scatter3A_1724] : memref<4x32x128xf32, #tpu.memory_space<vmem>> -> memref<1x32x128xf32, #tpu.memory_space<vmem>>
        %scatter3A_1726 = tpu.memref_squeeze %scatter3A_1725 : memref<1x32x128xf32, #tpu.memory_space<vmem>> -> memref<32x128xf32, #tpu.memory_space<vmem>>
        tpu.vector_store_idx %scatter3A_1726[%add3A_1658, %add3A_1715], %gather3A_1721 : memref<32x128xf32, #tpu.memory_space<vmem>>[vector<16xi32>, vector<16xi32>], vector<16xf32>,
        %add3A_1727 = arith.constant 80 : i32
        %add3A_1728 = vector.broadcast %add3A_1727 : i32 to vector<16xi32>
        %add3A_1729 = arith.addi %add3A_1728, %iota3A : vector<16xi32>
        %gather3A_1730 = arith.constant 0 : i32
        %gather3A_1731 = arith.constant 0 : i32
        %gather3A_1732 = arith.constant 0 : i32
        %gather3A_1733 = tpu.memref_slice %arg6[%gather3A_1730, %gather3A_1731, %gather3A_1732] : memref<4x128x32xf32, #tpu.memory_space<vmem>> -> memref<1x128x32xf32, #tpu.memory_space<vmem>>
        %gather3A_1734 = tpu.memref_squeeze %gather3A_1733 : memref<1x128x32xf32, #tpu.memory_space<vmem>> -> memref<128x32xf32, #tpu.memory_space<vmem>>
        %gather3A_1735 = tpu.vector_load_idx %gather3A_1734[%add3A_1729, %add3A_1658] : memref<128x32xf32, #tpu.memory_space<vmem>>[vector<16xi32>, vector<16xi32>], vector<16xf32>,
        %scatter3A_1736 = arith.constant 0 : i32
        %scatter3A_1737 = arith.constant 0 : i32
        %scatter3A_1738 = arith.constant 0 : i32
        %scatter3A_1739 = tpu.memref_slice %arg7[%scatter3A_1736, %scatter3A_1737, %scatter3A_1738] : memref<4x32x128xf32, #tpu.memory_space<vmem>> -> memref<1x32x128xf32, #tpu.memory_space<vmem>>
        %scatter3A_1740 = tpu.memref_squeeze %scatter3A_1739 : memref<1x32x128xf32, #tpu.memory_space<vmem>> -> memref<32x128xf32, #tpu.memory_space<vmem>>
        tpu.vector_store_idx %scatter3A_1740[%add3A_1658, %add3A_1729], %gather3A_1735 : memref<32x128xf32, #tpu.memory_space<vmem>>[vector<16xi32>, vector<16xi32>], vector<16xf32>,
        %add3A_1741 = arith.constant 96 : i32
        %add3A_1742 = vector.broadcast %add3A_1741 : i32 to vector<16xi32>
        %add3A_1743 = arith.addi %add3A_1742, %iota3A : vector<16xi32>
        %gather3A_1744 = arith.constant 0 : i32
        %gather3A_1745 = arith.constant 0 : i32
        %gather3A_1746 = arith.constant 0 : i32
        %gather3A_1747 = tpu.memref_slice %arg6[%gather3A_1744, %gather3A_1745, %gather3A_1746] : memref<4x128x32xf32, #tpu.memory_space<vmem>> -> memref<1x128x32xf32, #tpu.memory_space<vmem>>
        %gather3A_1748 = tpu.memref_squeeze %gather3A_1747 : memref<1x128x32xf32, #tpu.memory_space<vmem>> -> memref<128x32xf32, #tpu.memory_space<vmem>>
        %gather3A_1749 = tpu.vector_load_idx %gather3A_1748[%add3A_1743, %add3A_1658] : memref<128x32xf32, #tpu.memory_space<vmem>>[vector<16xi32>, vector<16xi32>], vector<16xf32>,
        %scatter3A_1750 = arith.constant 0 : i32
        %scatter3A_1751 = arith.constant 0 : i32
        %scatter3A_1752 = arith.constant 0 : i32
        %scatter3A_1753 = tpu.memref_slice %arg7[%scatter3A_1750, %scatter3A_1751, %scatter3A_1752] : memref<4x32x128xf32, #tpu.memory_space<vmem>> -> memref<1x32x128xf32, #tpu.memory_space<vmem>>
        %scatter3A_1754 = tpu.memref_squeeze %scatter3A_1753 : memref<1x32x128xf32, #tpu.memory_space<vmem>> -> memref<32x128xf32, #tpu.memory_space<vmem>>
        tpu.vector_store_idx %scatter3A_1754[%add3A_1658, %add3A_1743], %gather3A_1749 : memref<32x128xf32, #tpu.memory_space<vmem>>[vector<16xi32>, vector<16xi32>], vector<16xf32>,
        %add3A_1755 = arith.constant 112 : i32
        %add3A_1756 = vector.broadcast %add3A_1755 : i32 to vector<16xi32>
        %add3A_1757 = arith.addi %add3A_1756, %iota3A : vector<16xi32>
        %gather3A_1758 = arith.constant 0 : i32
        %gather3A_1759 = arith.constant 0 : i32
        %gather3A_1760 = arith.constant 0 : i32
        %gather3A_1761 = tpu.memref_slice %arg6[%gather3A_1758, %gather3A_1759, %gather3A_1760] : memref<4x128x32xf32, #tpu.memory_space<vmem>> -> memref<1x128x32xf32, #tpu.memory_space<vmem>>
        %gather3A_1762 = tpu.memref_squeeze %gather3A_1761 : memref<1x128x32xf32, #tpu.memory_space<vmem>> -> memref<128x32xf32, #tpu.memory_space<vmem>>
        %gather3A_1763 = tpu.vector_load_idx %gather3A_1762[%add3A_1757, %add3A_1658] : memref<128x32xf32, #tpu.memory_space<vmem>>[vector<16xi32>, vector<16xi32>], vector<16xf32>,
        %scatter3A_1764 = arith.constant 0 : i32
        %scatter3A_1765 = arith.constant 0 : i32
        %scatter3A_1766 = arith.constant 0 : i32
        %scatter3A_1767 = tpu.memref_slice %arg7[%scatter3A_1764, %scatter3A_1765, %scatter3A_1766] : memref<4x32x128xf32, #tpu.memory_space<vmem>> -> memref<1x32x128xf32, #tpu.memory_space<vmem>>
        %scatter3A_1768 = tpu.memref_squeeze %scatter3A_1767 : memref<1x32x128xf32, #tpu.memory_space<vmem>> -> memref<32x128xf32, #tpu.memory_space<vmem>>
        tpu.vector_store_idx %scatter3A_1768[%add3A_1658, %add3A_1757], %gather3A_1763 : memref<32x128xf32, #tpu.memory_space<vmem>>[vector<16xi32>, vector<16xi32>], vector<16xf32>,
        %add3A_1769 = arith.constant 16 : i32
        %add3A_1770 = vector.broadcast %add3A_1769 : i32 to vector<16xi32>
        %add3A_1771 = arith.addi %and3A_1655, %add3A_1770 : vector<16xi32>
        %add3A_1772 = arith.constant 0 : i32
        %add3A_1773 = vector.broadcast %add3A_1772 : i32 to vector<16xi32>
        %add3A_1774 = arith.addi %add3A_1773, %iota3A : vector<16xi32>
        %gather3A_1775 = arith.constant 0 : i32
        %gather3A_1776 = arith.constant 0 : i32
        %gather3A_1777 = arith.constant 0 : i32
        %gather3A_1778 = tpu.memref_slice %arg6[%gather3A_1775, %gather3A_1776, %gather3A_1777] : memref<4x128x32xf32, #tpu.memory_space<vmem>> -> memref<1x128x32xf32, #tpu.memory_space<vmem>>
        %gather3A_1779 = tpu.memref_squeeze %gather3A_1778 : memref<1x128x32xf32, #tpu.memory_space<vmem>> -> memref<128x32xf32, #tpu.memory_space<vmem>>
        %gather3A_1780 = tpu.vector_load_idx %gather3A_1779[%add3A_1774, %add3A_1771] : memref<128x32xf32, #tpu.memory_space<vmem>>[vector<16xi32>, vector<16xi32>], vector<16xf32>,
        %scatter3A_1781 = arith.constant 0 : i32
        %scatter3A_1782 = arith.constant 0 : i32
        %scatter3A_1783 = arith.constant 0 : i32
        %scatter3A_1784 = tpu.memref_slice %arg7[%scatter3A_1781, %scatter3A_1782, %scatter3A_1783] : memref<4x32x128xf32, #tpu.memory_space<vmem>> -> memref<1x32x128xf32, #tpu.memory_space<vmem>>
        %scatter3A_1785 = tpu.memref_squeeze %scatter3A_1784 : memref<1x32x128xf32, #tpu.memory_space<vmem>> -> memref<32x128xf32, #tpu.memory_space<vmem>>
        tpu.vector_store_idx %scatter3A_1785[%add3A_1771, %add3A_1774], %gather3A_1780 : memref<32x128xf32, #tpu.memory_space<vmem>>[vector<16xi32>, vector<16xi32>], vector<16xf32>,
        %add3A_1786 = arith.constant 16 : i32
        %add3A_1787 = vector.broadcast %add3A_1786 : i32 to vector<16xi32>
        %add3A_1788 = arith.addi %add3A_1787, %iota3A : vector<16xi32>
        %gather3A_1789 = arith.constant 0 : i32
        %gather3A_1790 = arith.constant 0 : i32
        %gather3A_1791 = arith.constant 0 : i32
        %gather3A_1792 = tpu.memref_slice %arg6[%gather3A_1789, %gather3A_1790, %gather3A_1791] : memref<4x128x32xf32, #tpu.memory_space<vmem>> -> memref<1x128x32xf32, #tpu.memory_space<vmem>>
        %gather3A_1793 = tpu.memref_squeeze %gather3A_1792 : memref<1x128x32xf32, #tpu.memory_space<vmem>> -> memref<128x32xf32, #tpu.memory_space<vmem>>
        %gather3A_1794 = tpu.vector_load_idx %gather3A_1793[%add3A_1788, %add3A_1771] : memref<128x32xf32, #tpu.memory_space<vmem>>[vector<16xi32>, vector<16xi32>], vector<16xf32>,
        %scatter3A_1795 = arith.constant 0 : i32
        %scatter3A_1796 = arith.constant 0 : i32
        %scatter3A_1797 = arith.constant 0 : i32
        %scatter3A_1798 = tpu.memref_slice %arg7[%scatter3A_1795, %scatter3A_1796, %scatter3A_1797] : memref<4x32x128xf32, #tpu.memory_space<vmem>> -> memref<1x32x128xf32, #tpu.memory_space<vmem>>
        %scatter3A_1799 = tpu.memref_squeeze %scatter3A_1798 : memref<1x32x128xf32, #tpu.memory_space<vmem>> -> memref<32x128xf32, #tpu.memory_space<vmem>>
        tpu.vector_store_idx %scatter3A_1799[%add3A_1771, %add3A_1788], %gather3A_1794 : memref<32x128xf32, #tpu.memory_space<vmem>>[vector<16xi32>, vector<16xi32>], vector<16xf32>,
        %add3A_1800 = arith.constant 32 : i32
        %add3A_1801 = vector.broadcast %add3A_1800 : i32 to vector<16xi32>
        %add3A_1802 = arith.addi %add3A_1801, %iota3A : vector<16xi32>
        %gather3A_1803 = arith.constant 0 : i32
        %gather3A_1804 = arith.constant 0 : i32
        %gather3A_1805 = arith.constant 0 : i32
        %gather3A_1806 = tpu.memref_slice %arg6[%gather3A_1803, %gather3A_1804, %gather3A_1805] : memref<4x128x32xf32, #tpu.memory_space<vmem>> -> memref<1x128x32xf32, #tpu.memory_space<vmem>>
        %gather3A_1807 = tpu.memref_squeeze %gather3A_1806 : memref<1x128x32xf32, #tpu.memory_space<vmem>> -> memref<128x32xf32, #tpu.memory_space<vmem>>
        %gather3A_1808 = tpu.vector_load_idx %gather3A_1807[%add3A_1802, %add3A_1771] : memref<128x32xf32, #tpu.memory_space<vmem>>[vector<16xi32>, vector<16xi32>], vector<16xf32>,
        %scatter3A_1809 = arith.constant 0 : i32
        %scatter3A_1810 = arith.constant 0 : i32
        %scatter3A_1811 = arith.constant 0 : i32
        %scatter3A_1812 = tpu.memref_slice %arg7[%scatter3A_1809, %scatter3A_1810, %scatter3A_1811] : memref<4x32x128xf32, #tpu.memory_space<vmem>> -> memref<1x32x128xf32, #tpu.memory_space<vmem>>
        %scatter3A_1813 = tpu.memref_squeeze %scatter3A_1812 : memref<1x32x128xf32, #tpu.memory_space<vmem>> -> memref<32x128xf32, #tpu.memory_space<vmem>>
        tpu.vector_store_idx %scatter3A_1813[%add3A_1771, %add3A_1802], %gather3A_1808 : memref<32x128xf32, #tpu.memory_space<vmem>>[vector<16xi32>, vector<16xi32>], vector<16xf32>,
        %add3A_1814 = arith.constant 48 : i32
        %add3A_1815 = vector.broadcast %add3A_1814 : i32 to vector<16xi32>
        %add3A_1816 = arith.addi %add3A_1815, %iota3A : vector<16xi32>
        %gather3A_1817 = arith.constant 0 : i32
        %gather3A_1818 = arith.constant 0 : i32
        %gather3A_1819 = arith.constant 0 : i32
        %gather3A_1820 = tpu.memref_slice %arg6[%gather3A_1817, %gather3A_1818, %gather3A_1819] : memref<4x128x32xf32, #tpu.memory_space<vmem>> -> memref<1x128x32xf32, #tpu.memory_space<vmem>>
        %gather3A_1821 = tpu.memref_squeeze %gather3A_1820 : memref<1x128x32xf32, #tpu.memory_space<vmem>> -> memref<128x32xf32, #tpu.memory_space<vmem>>
        %gather3A_1822 = tpu.vector_load_idx %gather3A_1821[%add3A_1816, %add3A_1771] : memref<128x32xf32, #tpu.memory_space<vmem>>[vector<16xi32>, vector<16xi32>], vector<16xf32>,
        %scatter3A_1823 = arith.constant 0 : i32
        %scatter3A_1824 = arith.constant 0 : i32
        %scatter3A_1825 = arith.constant 0 : i32
        %scatter3A_1826 = tpu.memref_slice %arg7[%scatter3A_1823, %scatter3A_1824, %scatter3A_1825] : memref<4x32x128xf32, #tpu.memory_space<vmem>> -> memref<1x32x128xf32, #tpu.memory_space<vmem>>
        %scatter3A_1827 = tpu.memref_squeeze %scatter3A_1826 : memref<1x32x128xf32, #tpu.memory_space<vmem>> -> memref<32x128xf32, #tpu.memory_space<vmem>>
        tpu.vector_store_idx %scatter3A_1827[%add3A_1771, %add3A_1816], %gather3A_1822 : memref<32x128xf32, #tpu.memory_space<vmem>>[vector<16xi32>, vector<16xi32>], vector<16xf32>,
        %add3A_1828 = arith.constant 64 : i32
        %add3A_1829 = vector.broadcast %add3A_1828 : i32 to vector<16xi32>
        %add3A_1830 = arith.addi %add3A_1829, %iota3A : vector<16xi32>
        %gather3A_1831 = arith.constant 0 : i32
        %gather3A_1832 = arith.constant 0 : i32
        %gather3A_1833 = arith.constant 0 : i32
        %gather3A_1834 = tpu.memref_slice %arg6[%gather3A_1831, %gather3A_1832, %gather3A_1833] : memref<4x128x32xf32, #tpu.memory_space<vmem>> -> memref<1x128x32xf32, #tpu.memory_space<vmem>>
        %gather3A_1835 = tpu.memref_squeeze %gather3A_1834 : memref<1x128x32xf32, #tpu.memory_space<vmem>> -> memref<128x32xf32, #tpu.memory_space<vmem>>
        %gather3A_1836 = tpu.vector_load_idx %gather3A_1835[%add3A_1830, %add3A_1771] : memref<128x32xf32, #tpu.memory_space<vmem>>[vector<16xi32>, vector<16xi32>], vector<16xf32>,
        %scatter3A_1837 = arith.constant 0 : i32
        %scatter3A_1838 = arith.constant 0 : i32
        %scatter3A_1839 = arith.constant 0 : i32
        %scatter3A_1840 = tpu.memref_slice %arg7[%scatter3A_1837, %scatter3A_1838, %scatter3A_1839] : memref<4x32x128xf32, #tpu.memory_space<vmem>> -> memref<1x32x128xf32, #tpu.memory_space<vmem>>
        %scatter3A_1841 = tpu.memref_squeeze %scatter3A_1840 : memref<1x32x128xf32, #tpu.memory_space<vmem>> -> memref<32x128xf32, #tpu.memory_space<vmem>>
        tpu.vector_store_idx %scatter3A_1841[%add3A_1771, %add3A_1830], %gather3A_1836 : memref<32x128xf32, #tpu.memory_space<vmem>>[vector<16xi32>, vector<16xi32>], vector<16xf32>,
        %add3A_1842 = arith.constant 80 : i32
        %add3A_1843 = vector.broadcast %add3A_1842 : i32 to vector<16xi32>
        %add3A_1844 = arith.addi %add3A_1843, %iota3A : vector<16xi32>
        %gather3A_1845 = arith.constant 0 : i32
        %gather3A_1846 = arith.constant 0 : i32
        %gather3A_1847 = arith.constant 0 : i32
        %gather3A_1848 = tpu.memref_slice %arg6[%gather3A_1845, %gather3A_1846, %gather3A_1847] : memref<4x128x32xf32, #tpu.memory_space<vmem>> -> memref<1x128x32xf32, #tpu.memory_space<vmem>>
        %gather3A_1849 = tpu.memref_squeeze %gather3A_1848 : memref<1x128x32xf32, #tpu.memory_space<vmem>> -> memref<128x32xf32, #tpu.memory_space<vmem>>
        %gather3A_1850 = tpu.vector_load_idx %gather3A_1849[%add3A_1844, %add3A_1771] : memref<128x32xf32, #tpu.memory_space<vmem>>[vector<16xi32>, vector<16xi32>], vector<16xf32>,
        %scatter3A_1851 = arith.constant 0 : i32
        %scatter3A_1852 = arith.constant 0 : i32
        %scatter3A_1853 = arith.constant 0 : i32
        %scatter3A_1854 = tpu.memref_slice %arg7[%scatter3A_1851, %scatter3A_1852, %scatter3A_1853] : memref<4x32x128xf32, #tpu.memory_space<vmem>> -> memref<1x32x128xf32, #tpu.memory_space<vmem>>
        %scatter3A_1855 = tpu.memref_squeeze %scatter3A_1854 : memref<1x32x128xf32, #tpu.memory_space<vmem>> -> memref<32x128xf32, #tpu.memory_space<vmem>>
        tpu.vector_store_idx %scatter3A_1855[%add3A_1771, %add3A_1844], %gather3A_1850 : memref<32x128xf32, #tpu.memory_space<vmem>>[vector<16xi32>, vector<16xi32>], vector<16xf32>,
        %add3A_1856 = arith.constant 96 : i32
        %add3A_1857 = vector.broadcast %add3A_1856 : i32 to vector<16xi32>
        %add3A_1858 = arith.addi %add3A_1857, %iota3A : vector<16xi32>
        %gather3A_1859 = arith.constant 0 : i32
        %gather3A_1860 = arith.constant 0 : i32
        %gather3A_1861 = arith.constant 0 : i32
        %gather3A_1862 = tpu.memref_slice %arg6[%gather3A_1859, %gather3A_1860, %gather3A_1861] : memref<4x128x32xf32, #tpu.memory_space<vmem>> -> memref<1x128x32xf32, #tpu.memory_space<vmem>>
        %gather3A_1863 = tpu.memref_squeeze %gather3A_1862 : memref<1x128x32xf32, #tpu.memory_space<vmem>> -> memref<128x32xf32, #tpu.memory_space<vmem>>
        %gather3A_1864 = tpu.vector_load_idx %gather3A_1863[%add3A_1858, %add3A_1771] : memref<128x32xf32, #tpu.memory_space<vmem>>[vector<16xi32>, vector<16xi32>], vector<16xf32>,
        %scatter3A_1865 = arith.constant 0 : i32
        %scatter3A_1866 = arith.constant 0 : i32
        %scatter3A_1867 = arith.constant 0 : i32
        %scatter3A_1868 = tpu.memref_slice %arg7[%scatter3A_1865, %scatter3A_1866, %scatter3A_1867] : memref<4x32x128xf32, #tpu.memory_space<vmem>> -> memref<1x32x128xf32, #tpu.memory_space<vmem>>
        %scatter3A_1869 = tpu.memref_squeeze %scatter3A_1868 : memref<1x32x128xf32, #tpu.memory_space<vmem>> -> memref<32x128xf32, #tpu.memory_space<vmem>>
        tpu.vector_store_idx %scatter3A_1869[%add3A_1771, %add3A_1858], %gather3A_1864 : memref<32x128xf32, #tpu.memory_space<vmem>>[vector<16xi32>, vector<16xi32>], vector<16xf32>,
        %add3A_1870 = arith.constant 112 : i32
        %add3A_1871 = vector.broadcast %add3A_1870 : i32 to vector<16xi32>
        %add3A_1872 = arith.addi %add3A_1871, %iota3A : vector<16xi32>
        %gather3A_1873 = arith.constant 0 : i32
        %gather3A_1874 = arith.constant 0 : i32
        %gather3A_1875 = arith.constant 0 : i32
        %gather3A_1876 = tpu.memref_slice %arg6[%gather3A_1873, %gather3A_1874, %gather3A_1875] : memref<4x128x32xf32, #tpu.memory_space<vmem>> -> memref<1x128x32xf32, #tpu.memory_space<vmem>>
        %gather3A_1877 = tpu.memref_squeeze %gather3A_1876 : memref<1x128x32xf32, #tpu.memory_space<vmem>> -> memref<128x32xf32, #tpu.memory_space<vmem>>
        %gather3A_1878 = tpu.vector_load_idx %gather3A_1877[%add3A_1872, %add3A_1771] : memref<128x32xf32, #tpu.memory_space<vmem>>[vector<16xi32>, vector<16xi32>], vector<16xf32>,
        %scatter3A_1879 = arith.constant 0 : i32
        %scatter3A_1880 = arith.constant 0 : i32
        %scatter3A_1881 = arith.constant 0 : i32
        %scatter3A_1882 = tpu.memref_slice %arg7[%scatter3A_1879, %scatter3A_1880, %scatter3A_1881] : memref<4x32x128xf32, #tpu.memory_space<vmem>> -> memref<1x32x128xf32, #tpu.memory_space<vmem>>
        %scatter3A_1883 = tpu.memref_squeeze %scatter3A_1882 : memref<1x32x128xf32, #tpu.memory_space<vmem>> -> memref<32x128xf32, #tpu.memory_space<vmem>>
        tpu.vector_store_idx %scatter3A_1883[%add3A_1771, %add3A_1872], %gather3A_1878 : memref<32x128xf32, #tpu.memory_space<vmem>>[vector<16xi32>, vector<16xi32>], vector<16xf32>,
      }
      %scan3A_421 = arith.constant 16 : i32
      %jit3A_422 = arith.constant 26 : i32
      %div3A_423 = arith.divsi %add3A_372, %jit3A_422 : i32
      %sign3A_424 = arith.constant 0 : i32
      %sign3A_425 = arith.cmpi sgt, %add3A_372, %sign3A_424 : i32
      %sign3A_426 = arith.extui %sign3A_425 : i1 to i32
      %sign3A_427 = arith.constant 0 : i32
      %sign3A_428 = arith.cmpi slt, %add3A_372, %sign3A_427 : i32
      %sign3A_429 = arith.extui %sign3A_428 : i1 to i32
      %sign3A_430 = arith.subi %sign3A_426, %sign3A_429 : i32
      %sign3A_431 = arith.constant 0 : i32
      %sign3A_432 = arith.cmpi sgt, %jit3A_422, %sign3A_431 : i32
      %sign3A_433 = arith.extui %sign3A_432 : i1 to i32
      %sign3A_434 = arith.constant 0 : i32
      %sign3A_435 = arith.cmpi slt, %jit3A_422, %sign3A_434 : i32
      %sign3A_436 = arith.extui %sign3A_435 : i1 to i32
      %sign3A_437 = arith.subi %sign3A_433, %sign3A_436 : i32
      %ne3A_438 = arith.cmpi ne, %sign3A_430, %sign3A_437 : i32
      %rem3A_439 = arith.remsi %add3A_372, %jit3A_422 : i32
      %ne3A_440 = arith.constant 0 : i32
      %ne3A_441 = arith.cmpi ne, %rem3A_439, %ne3A_440 : i32
      %and3A_442 = arith.andi %ne3A_438, %ne3A_441 : i1
      %sub3A_443 = arith.constant 1 : i32
      %sub3A_444 = arith.subi %div3A_423, %sub3A_443 : i32
      %select_n3A_445 = arith.select %and3A_442, %sub3A_444, %div3A_423 : i32
      %jit3A_446 = arith.constant 26 : i32
      %eq3A_447 = arith.constant 0 : i32
      %eq3A_448 = arith.cmpi eq, %jit3A_446, %eq3A_447 : i32
      %jit3A_449 = arith.constant 1 : i32
      %select_n3A_450 = arith.select %eq3A_448, %jit3A_449, %jit3A_446 : i32
      %rem3A_451 = arith.remsi %add3A_372, %select_n3A_450 : i32
      %ne3A_452 = arith.constant 0 : i32
      %ne3A_453 = arith.cmpi ne, %rem3A_451, %ne3A_452 : i32
      %lt3A_454 = arith.constant 0 : i32
      %lt3A_455 = arith.cmpi slt, %rem3A_451, %lt3A_454 : i32
      %lt3A_456 = arith.constant 0 : i32
      %lt3A_457 = arith.cmpi slt, %select_n3A_450, %lt3A_456 : i32
      %ne3A_458 = arith.xori %lt3A_455, %lt3A_457 : i1
      %and3A_459 = arith.andi %ne3A_458, %ne3A_453 : i1
      %add3A_460 = arith.addi %rem3A_451, %select_n3A_450 : i32
      %select_n3A_461 = arith.select %and3A_459, %add3A_460, %rem3A_451 : i32
      %mul3A_462 = arith.constant 4 : i32
      %mul3A_463 = arith.muli %select_n3A_461, %mul3A_462 : i32
      %add3A_464 = arith.constant 0 : i32
      %add3A_465 = arith.addi %mul3A_463, %add3A_464 : i32
      %mul3A_466 = arith.constant 128 : i32
      %mul3A_467 = arith.muli %add3A_465, %mul3A_466 : i32
      %add3A_468 = arith.addi %mul3A_467, %mul3A_2 : i32
      %add3A_469 = arith.addi %add3A_468, %select_n3A_445 : i32
      %mul3A_470 = arith.constant 8 : i32
      %mul3A_471 = arith.muli %add3A_469, %mul3A_470 : i32
      %dma_start3A_472 = arith.constant 0 : i32
      %dma_start3A_473 = arith.constant 0 : i32
      %dma_start3A_474 = arith.constant 0 : i32
      %dma_start3A_475 = tpu.memref_slice %arg7[%dma_start3A_472, %dma_start3A_473, %dma_start3A_474] : memref<4x32x128xf32, #tpu.memory_space<vmem>> -> memref<1x8x128xf32, #tpu.memory_space<vmem>>
      %dma_start3A_476 = tpu.memref_squeeze %dma_start3A_475 : memref<1x8x128xf32, #tpu.memory_space<vmem>> -> memref<8x128xf32, #tpu.memory_space<vmem>>
      %dma_start3A_477 = arith.constant 0 : i32
      %dma_start3A_478 = tpu.memref_slice %arg4[%mul3A_471, %dma_start3A_477] : memref<106496x128xf32, #tpu.memory_space<hbm>> -> memref<8x128xf32, #tpu.memory_space<hbm>>
      %dma_start3A_479 = arith.constant 0 : i32
      %dma_start3A_480 = tpu.memref_slice %arg4[%mul3A_471, %dma_start3A_479] : memref<106496x128xf32, #tpu.memory_space<hbm>> -> memref<8x128xf32, #tpu.memory_space<hbm>>
      %dma_start3A_481 = arith.constant 0 : i32
      %dma_start3A_482 = arith.constant 0 : i32
      %dma_start3A_483 = tpu.memref_slice %arg7[%dma_start3A_472, %dma_start3A_481, %dma_start3A_482] : memref<4x32x128xf32, #tpu.memory_space<vmem>> -> memref<1x8x128xf32, #tpu.memory_space<vmem>>
      %dma_start3A_484 = tpu.memref_squeeze %dma_start3A_483 : memref<1x8x128xf32, #tpu.memory_space<vmem>> -> memref<8x128xf32, #tpu.memory_space<vmem>>
      tpu.enqueue_dma source(%dma_start3A_484 : memref<8x128xf32, #tpu.memory_space<vmem>>) target(%dma_start3A_480 : memref<8x128xf32, #tpu.memory_space<hbm>>) target_semaphore(%arg12 : memref<!tpu.dma_semaphore, #tpu.memory_space<semaphore_mem>>)
      %jit3A_485 = arith.constant 26 : i32
      %div3A_486 = arith.divsi %add3A_372, %jit3A_485 : i32
      %sign3A_487 = arith.constant 0 : i32
      %sign3A_488 = arith.cmpi sgt, %add3A_372, %sign3A_487 : i32
      %sign3A_489 = arith.extui %sign3A_488 : i1 to i32
      %sign3A_490 = arith.constant 0 : i32
      %sign3A_491 = arith.cmpi slt, %add3A_372, %sign3A_490 : i32
      %sign3A_492 = arith.extui %sign3A_491 : i1 to i32
      %sign3A_493 = arith.subi %sign3A_489, %sign3A_492 : i32
      %sign3A_494 = arith.constant 0 : i32
      %sign3A_495 = arith.cmpi sgt, %jit3A_485, %sign3A_494 : i32
      %sign3A_496 = arith.extui %sign3A_495 : i1 to i32
      %sign3A_497 = arith.constant 0 : i32
      %sign3A_498 = arith.cmpi slt, %jit3A_485, %sign3A_497 : i32
      %sign3A_499 = arith.extui %sign3A_498 : i1 to i32
      %sign3A_500 = arith.subi %sign3A_496, %sign3A_499 : i32
      %ne3A_501 = arith.cmpi ne, %sign3A_493, %sign3A_500 : i32
      %rem3A_502 = arith.remsi %add3A_372, %jit3A_485 : i32
      %ne3A_503 = arith.constant 0 : i32
      %ne3A_504 = arith.cmpi ne, %rem3A_502, %ne3A_503 : i32
      %and3A_505 = arith.andi %ne3A_501, %ne3A_504 : i1
      %sub3A_506 = arith.constant 1 : i32
      %sub3A_507 = arith.subi %div3A_486, %sub3A_506 : i32
      %select_n3A_508 = arith.select %and3A_505, %sub3A_507, %div3A_486 : i32
      %jit3A_509 = arith.constant 26 : i32
      %eq3A_510 = arith.constant 0 : i32
      %eq3A_511 = arith.cmpi eq, %jit3A_509, %eq3A_510 : i32
      %jit3A_512 = arith.constant 1 : i32
      %select_n3A_513 = arith.select %eq3A_511, %jit3A_512, %jit3A_509 : i32
      %rem3A_514 = arith.remsi %add3A_372, %select_n3A_513 : i32
      %ne3A_515 = arith.constant 0 : i32
      %ne3A_516 = arith.cmpi ne, %rem3A_514, %ne3A_515 : i32
      %lt3A_517 = arith.constant 0 : i32
      %lt3A_518 = arith.cmpi slt, %rem3A_514, %lt3A_517 : i32
      %lt3A_519 = arith.constant 0 : i32
      %lt3A_520 = arith.cmpi slt, %select_n3A_513, %lt3A_519 : i32
      %ne3A_521 = arith.xori %lt3A_518, %lt3A_520 : i1
      %and3A_522 = arith.andi %ne3A_521, %ne3A_516 : i1
      %add3A_523 = arith.addi %rem3A_514, %select_n3A_513 : i32
      %select_n3A_524 = arith.select %and3A_522, %add3A_523, %rem3A_514 : i32
      %mul3A_525 = arith.constant 4 : i32
      %mul3A_526 = arith.muli %select_n3A_524, %mul3A_525 : i32
      %add3A_527 = arith.constant 1 : i32
      %add3A_528 = arith.addi %mul3A_526, %add3A_527 : i32
      %mul3A_529 = arith.constant 128 : i32
      %mul3A_530 = arith.muli %add3A_528, %mul3A_529 : i32
      %add3A_531 = arith.addi %mul3A_530, %mul3A_2 : i32
      %add3A_532 = arith.addi %add3A_531, %select_n3A_508 : i32
      %mul3A_533 = arith.constant 8 : i32
      %mul3A_534 = arith.muli %add3A_532, %mul3A_533 : i32
      %dma_start3A_535 = arith.constant 0 : i32
      %dma_start3A_536 = arith.constant 8 : i32
      %dma_start3A_537 = arith.constant 0 : i32
      %dma_start3A_538 = tpu.memref_slice %arg7[%dma_start3A_535, %dma_start3A_536, %dma_start3A_537] : memref<4x32x128xf32, #tpu.memory_space<vmem>> -> memref<1x8x128xf32, #tpu.memory_space<vmem>>
      %dma_start3A_539 = tpu.memref_squeeze %dma_start3A_538 : memref<1x8x128xf32, #tpu.memory_space<vmem>> -> memref<8x128xf32, #tpu.memory_space<vmem>>
      %dma_start3A_540 = arith.constant 0 : i32
      %dma_start3A_541 = tpu.memref_slice %arg4[%mul3A_534, %dma_start3A_540] : memref<106496x128xf32, #tpu.memory_space<hbm>> -> memref<8x128xf32, #tpu.memory_space<hbm>>
      %dma_start3A_542 = arith.constant 0 : i32
      %dma_start3A_543 = tpu.memref_slice %arg4[%mul3A_534, %dma_start3A_542] : memref<106496x128xf32, #tpu.memory_space<hbm>> -> memref<8x128xf32, #tpu.memory_space<hbm>>
      %dma_start3A_544 = arith.constant 8 : i32
      %dma_start3A_545 = arith.constant 0 : i32
      %dma_start3A_546 = tpu.memref_slice %arg7[%dma_start3A_535, %dma_start3A_544, %dma_start3A_545] : memref<4x32x128xf32, #tpu.memory_space<vmem>> -> memref<1x8x128xf32, #tpu.memory_space<vmem>>
      %dma_start3A_547 = tpu.memref_squeeze %dma_start3A_546 : memref<1x8x128xf32, #tpu.memory_space<vmem>> -> memref<8x128xf32, #tpu.memory_space<vmem>>
      tpu.enqueue_dma source(%dma_start3A_547 : memref<8x128xf32, #tpu.memory_space<vmem>>) target(%dma_start3A_543 : memref<8x128xf32, #tpu.memory_space<hbm>>) target_semaphore(%arg12 : memref<!tpu.dma_semaphore, #tpu.memory_space<semaphore_mem>>)
      %jit3A_548 = arith.constant 26 : i32
      %div3A_549 = arith.divsi %add3A_372, %jit3A_548 : i32
      %sign3A_550 = arith.constant 0 : i32
      %sign3A_551 = arith.cmpi sgt, %add3A_372, %sign3A_550 : i32
      %sign3A_552 = arith.extui %sign3A_551 : i1 to i32
      %sign3A_553 = arith.constant 0 : i32
      %sign3A_554 = arith.cmpi slt, %add3A_372, %sign3A_553 : i32
      %sign3A_555 = arith.extui %sign3A_554 : i1 to i32
      %sign3A_556 = arith.subi %sign3A_552, %sign3A_555 : i32
      %sign3A_557 = arith.constant 0 : i32
      %sign3A_558 = arith.cmpi sgt, %jit3A_548, %sign3A_557 : i32
      %sign3A_559 = arith.extui %sign3A_558 : i1 to i32
      %sign3A_560 = arith.constant 0 : i32
      %sign3A_561 = arith.cmpi slt, %jit3A_548, %sign3A_560 : i32
      %sign3A_562 = arith.extui %sign3A_561 : i1 to i32
      %sign3A_563 = arith.subi %sign3A_559, %sign3A_562 : i32
      %ne3A_564 = arith.cmpi ne, %sign3A_556, %sign3A_563 : i32
      %rem3A_565 = arith.remsi %add3A_372, %jit3A_548 : i32
      %ne3A_566 = arith.constant 0 : i32
      %ne3A_567 = arith.cmpi ne, %rem3A_565, %ne3A_566 : i32
      %and3A_568 = arith.andi %ne3A_564, %ne3A_567 : i1
      %sub3A_569 = arith.constant 1 : i32
      %sub3A_570 = arith.subi %div3A_549, %sub3A_569 : i32
      %select_n3A_571 = arith.select %and3A_568, %sub3A_570, %div3A_549 : i32
      %jit3A_572 = arith.constant 26 : i32
      %eq3A_573 = arith.constant 0 : i32
      %eq3A_574 = arith.cmpi eq, %jit3A_572, %eq3A_573 : i32
      %jit3A_575 = arith.constant 1 : i32
      %select_n3A_576 = arith.select %eq3A_574, %jit3A_575, %jit3A_572 : i32
      %rem3A_577 = arith.remsi %add3A_372, %select_n3A_576 : i32
      %ne3A_578 = arith.constant 0 : i32
      %ne3A_579 = arith.cmpi ne, %rem3A_577, %ne3A_578 : i32
      %lt3A_580 = arith.constant 0 : i32
      %lt3A_581 = arith.cmpi slt, %rem3A_577, %lt3A_580 : i32
      %lt3A_582 = arith.constant 0 : i32
      %lt3A_583 = arith.cmpi slt, %select_n3A_576, %lt3A_582 : i32
      %ne3A_584 = arith.xori %lt3A_581, %lt3A_583 : i1
      %and3A_585 = arith.andi %ne3A_584, %ne3A_579 : i1
      %add3A_586 = arith.addi %rem3A_577, %select_n3A_576 : i32
      %select_n3A_587 = arith.select %and3A_585, %add3A_586, %rem3A_577 : i32
      %mul3A_588 = arith.constant 4 : i32
      %mul3A_589 = arith.muli %select_n3A_587, %mul3A_588 : i32
      %add3A_590 = arith.constant 2 : i32
      %add3A_591 = arith.addi %mul3A_589, %add3A_590 : i32
      %mul3A_592 = arith.constant 128 : i32
      %mul3A_593 = arith.muli %add3A_591, %mul3A_592 : i32
      %add3A_594 = arith.addi %mul3A_593, %mul3A_2 : i32
      %add3A_595 = arith.addi %add3A_594, %select_n3A_571 : i32
      %mul3A_596 = arith.constant 8 : i32
      %mul3A_597 = arith.muli %add3A_595, %mul3A_596 : i32
      %dma_start3A_598 = arith.constant 0 : i32
      %dma_start3A_599 = arith.constant 16 : i32
      %dma_start3A_600 = arith.constant 0 : i32
      %dma_start3A_601 = tpu.memref_slice %arg7[%dma_start3A_598, %dma_start3A_599, %dma_start3A_600] : memref<4x32x128xf32, #tpu.memory_space<vmem>> -> memref<1x8x128xf32, #tpu.memory_space<vmem>>
      %dma_start3A_602 = tpu.memref_squeeze %dma_start3A_601 : memref<1x8x128xf32, #tpu.memory_space<vmem>> -> memref<8x128xf32, #tpu.memory_space<vmem>>
      %dma_start3A_603 = arith.constant 0 : i32
      %dma_start3A_604 = tpu.memref_slice %arg4[%mul3A_597, %dma_start3A_603] : memref<106496x128xf32, #tpu.memory_space<hbm>> -> memref<8x128xf32, #tpu.memory_space<hbm>>
      %dma_start3A_605 = arith.constant 0 : i32
      %dma_start3A_606 = tpu.memref_slice %arg4[%mul3A_597, %dma_start3A_605] : memref<106496x128xf32, #tpu.memory_space<hbm>> -> memref<8x128xf32, #tpu.memory_space<hbm>>
      %dma_start3A_607 = arith.constant 16 : i32
      %dma_start3A_608 = arith.constant 0 : i32
      %dma_start3A_609 = tpu.memref_slice %arg7[%dma_start3A_598, %dma_start3A_607, %dma_start3A_608] : memref<4x32x128xf32, #tpu.memory_space<vmem>> -> memref<1x8x128xf32, #tpu.memory_space<vmem>>
      %dma_start3A_610 = tpu.memref_squeeze %dma_start3A_609 : memref<1x8x128xf32, #tpu.memory_space<vmem>> -> memref<8x128xf32, #tpu.memory_space<vmem>>
      tpu.enqueue_dma source(%dma_start3A_610 : memref<8x128xf32, #tpu.memory_space<vmem>>) target(%dma_start3A_606 : memref<8x128xf32, #tpu.memory_space<hbm>>) target_semaphore(%arg12 : memref<!tpu.dma_semaphore, #tpu.memory_space<semaphore_mem>>)
      %jit3A_611 = arith.constant 26 : i32
      %div3A_612 = arith.divsi %add3A_372, %jit3A_611 : i32
      %sign3A_613 = arith.constant 0 : i32
      %sign3A_614 = arith.cmpi sgt, %add3A_372, %sign3A_613 : i32
      %sign3A_615 = arith.extui %sign3A_614 : i1 to i32
      %sign3A_616 = arith.constant 0 : i32
      %sign3A_617 = arith.cmpi slt, %add3A_372, %sign3A_616 : i32
      %sign3A_618 = arith.extui %sign3A_617 : i1 to i32
      %sign3A_619 = arith.subi %sign3A_615, %sign3A_618 : i32
      %sign3A_620 = arith.constant 0 : i32
      %sign3A_621 = arith.cmpi sgt, %jit3A_611, %sign3A_620 : i32
      %sign3A_622 = arith.extui %sign3A_621 : i1 to i32
      %sign3A_623 = arith.constant 0 : i32
      %sign3A_624 = arith.cmpi slt, %jit3A_611, %sign3A_623 : i32
      %sign3A_625 = arith.extui %sign3A_624 : i1 to i32
      %sign3A_626 = arith.subi %sign3A_622, %sign3A_625 : i32
      %ne3A_627 = arith.cmpi ne, %sign3A_619, %sign3A_626 : i32
      %rem3A_628 = arith.remsi %add3A_372, %jit3A_611 : i32
      %ne3A_629 = arith.constant 0 : i32
      %ne3A_630 = arith.cmpi ne, %rem3A_628, %ne3A_629 : i32
      %and3A_631 = arith.andi %ne3A_627, %ne3A_630 : i1
      %sub3A_632 = arith.constant 1 : i32
      %sub3A_633 = arith.subi %div3A_612, %sub3A_632 : i32
      %select_n3A_634 = arith.select %and3A_631, %sub3A_633, %div3A_612 : i32
      %jit3A_635 = arith.constant 26 : i32
      %eq3A_636 = arith.constant 0 : i32
      %eq3A_637 = arith.cmpi eq, %jit3A_635, %eq3A_636 : i32
      %jit3A_638 = arith.constant 1 : i32
      %select_n3A_639 = arith.select %eq3A_637, %jit3A_638, %jit3A_635 : i32
      %rem3A_640 = arith.remsi %add3A_372, %select_n3A_639 : i32
      %ne3A_641 = arith.constant 0 : i32
      %ne3A_642 = arith.cmpi ne, %rem3A_640, %ne3A_641 : i32
      %lt3A_643 = arith.constant 0 : i32
      %lt3A_644 = arith.cmpi slt, %rem3A_640, %lt3A_643 : i32
      %lt3A_645 = arith.constant 0 : i32
      %lt3A_646 = arith.cmpi slt, %select_n3A_639, %lt3A_645 : i32
      %ne3A_647 = arith.xori %lt3A_644, %lt3A_646 : i1
      %and3A_648 = arith.andi %ne3A_647, %ne3A_642 : i1
      %add3A_649 = arith.addi %rem3A_640, %select_n3A_639 : i32
      %select_n3A_650 = arith.select %and3A_648, %add3A_649, %rem3A_640 : i32
      %mul3A_651 = arith.constant 4 : i32
      %mul3A_652 = arith.muli %select_n3A_650, %mul3A_651 : i32
      %add3A_653 = arith.constant 3 : i32
      %add3A_654 = arith.addi %mul3A_652, %add3A_653 : i32
      %mul3A_655 = arith.constant 128 : i32
      %mul3A_656 = arith.muli %add3A_654, %mul3A_655 : i32
      %add3A_657 = arith.addi %mul3A_656, %mul3A_2 : i32
      %add3A_658 = arith.addi %add3A_657, %select_n3A_634 : i32
      %mul3A_659 = arith.constant 8 : i32
      %mul3A_660 = arith.muli %add3A_658, %mul3A_659 : i32
      %dma_start3A_661 = arith.constant 0 : i32
      %dma_start3A_662 = arith.constant 24 : i32
      %dma_start3A_663 = arith.constant 0 : i32
      %dma_start3A_664 = tpu.memref_slice %arg7[%dma_start3A_661, %dma_start3A_662, %dma_start3A_663] : memref<4x32x128xf32, #tpu.memory_space<vmem>> -> memref<1x8x128xf32, #tpu.memory_space<vmem>>
      %dma_start3A_665 = tpu.memref_squeeze %dma_start3A_664 : memref<1x8x128xf32, #tpu.memory_space<vmem>> -> memref<8x128xf32, #tpu.memory_space<vmem>>
      %dma_start3A_666 = arith.constant 0 : i32
      %dma_start3A_667 = tpu.memref_slice %arg4[%mul3A_660, %dma_start3A_666] : memref<106496x128xf32, #tpu.memory_space<hbm>> -> memref<8x128xf32, #tpu.memory_space<hbm>>
      %dma_start3A_668 = arith.constant 0 : i32
      %dma_start3A_669 = tpu.memref_slice %arg4[%mul3A_660, %dma_start3A_668] : memref<106496x128xf32, #tpu.memory_space<hbm>> -> memref<8x128xf32, #tpu.memory_space<hbm>>
      %dma_start3A_670 = arith.constant 24 : i32
      %dma_start3A_671 = arith.constant 0 : i32
      %dma_start3A_672 = tpu.memref_slice %arg7[%dma_start3A_661, %dma_start3A_670, %dma_start3A_671] : memref<4x32x128xf32, #tpu.memory_space<vmem>> -> memref<1x8x128xf32, #tpu.memory_space<vmem>>
      %dma_start3A_673 = tpu.memref_squeeze %dma_start3A_672 : memref<1x8x128xf32, #tpu.memory_space<vmem>> -> memref<8x128xf32, #tpu.memory_space<vmem>>
      tpu.enqueue_dma source(%dma_start3A_673 : memref<8x128xf32, #tpu.memory_space<vmem>>) target(%dma_start3A_669 : memref<8x128xf32, #tpu.memory_space<hbm>>) target_semaphore(%arg12 : memref<!tpu.dma_semaphore, #tpu.memory_space<semaphore_mem>>)
      %add3A_674 = arith.constant 4 : i32
      %add3A_675 = arith.addi %add3A_372, %add3A_674 : i32
      %lt3A_676 = arith.constant 104 : i32
      %lt3A_677 = arith.cmpi slt, %add3A_675, %lt3A_676 : i32
      %convert_element_type3A_678 = arith.extui %lt3A_677 : i1 to i32
      %cond3A_679 = arith.constant 0 : i32
      %cond3A_680 = arith.cmpi ne, %convert_element_type3A_678, %cond3A_679 : i32
      scf.if %cond3A_680 {
        %add3A_1650 = arith.constant 4 : i32
        %add3A_1651 = arith.addi %add3A_372, %add3A_1650 : i32
        %jit3A_1652 = arith.constant 26 : i32
        %div3A_1653 = arith.divsi %add3A_1651, %jit3A_1652 : i32
        %sign3A_1654 = arith.constant 0 : i32
        %sign3A_1655 = arith.cmpi sgt, %add3A_1651, %sign3A_1654 : i32
        %sign3A_1656 = arith.extui %sign3A_1655 : i1 to i32
        %sign3A_1657 = arith.constant 0 : i32
        %sign3A_1658 = arith.cmpi slt, %add3A_1651, %sign3A_1657 : i32
        %sign3A_1659 = arith.extui %sign3A_1658 : i1 to i32
        %sign3A_1660 = arith.subi %sign3A_1656, %sign3A_1659 : i32
        %sign3A_1661 = arith.constant 0 : i32
        %sign3A_1662 = arith.cmpi sgt, %jit3A_1652, %sign3A_1661 : i32
        %sign3A_1663 = arith.extui %sign3A_1662 : i1 to i32
        %sign3A_1664 = arith.constant 0 : i32
        %sign3A_1665 = arith.cmpi slt, %jit3A_1652, %sign3A_1664 : i32
        %sign3A_1666 = arith.extui %sign3A_1665 : i1 to i32
        %sign3A_1667 = arith.subi %sign3A_1663, %sign3A_1666 : i32
        %ne3A_1668 = arith.cmpi ne, %sign3A_1660, %sign3A_1667 : i32
        %rem3A_1669 = arith.remsi %add3A_1651, %jit3A_1652 : i32
        %ne3A_1670 = arith.constant 0 : i32
        %ne3A_1671 = arith.cmpi ne, %rem3A_1669, %ne3A_1670 : i32
        %and3A_1672 = arith.andi %ne3A_1668, %ne3A_1671 : i1
        %sub3A_1673 = arith.constant 1 : i32
        %sub3A_1674 = arith.subi %div3A_1653, %sub3A_1673 : i32
        %select_n3A_1675 = arith.select %and3A_1672, %sub3A_1674, %div3A_1653 : i32
        %jit3A_1676 = arith.constant 26 : i32
        %eq3A_1677 = arith.constant 0 : i32
        %eq3A_1678 = arith.cmpi eq, %jit3A_1676, %eq3A_1677 : i32
        %jit3A_1679 = arith.constant 1 : i32
        %select_n3A_1680 = arith.select %eq3A_1678, %jit3A_1679, %jit3A_1676 : i32
        %rem3A_1681 = arith.remsi %add3A_1651, %select_n3A_1680 : i32
        %ne3A_1682 = arith.constant 0 : i32
        %ne3A_1683 = arith.cmpi ne, %rem3A_1681, %ne3A_1682 : i32
        %lt3A_1684 = arith.constant 0 : i32
        %lt3A_1685 = arith.cmpi slt, %rem3A_1681, %lt3A_1684 : i32
        %lt3A_1686 = arith.constant 0 : i32
        %lt3A_1687 = arith.cmpi slt, %select_n3A_1680, %lt3A_1686 : i32
        %ne3A_1688 = arith.xori %lt3A_1685, %lt3A_1687 : i1
        %and3A_1689 = arith.andi %ne3A_1688, %ne3A_1683 : i1
        %add3A_1690 = arith.addi %rem3A_1681, %select_n3A_1680 : i32
        %select_n3A_1691 = arith.select %and3A_1689, %add3A_1690, %rem3A_1681 : i32
        %dma_start3A_1692 = arith.constant 0 : i32
        %dma_start3A_1693 = arith.constant 0 : i32
        %dma_start3A_1694 = arith.constant 0 : i32
        %dma_start3A_1695 = tpu.memref_slice %arg6[%dma_start3A_1692, %dma_start3A_1693, %dma_start3A_1694] : memref<4x128x32xf32, #tpu.memory_space<vmem>> -> memref<1x128x32xf32, #tpu.memory_space<vmem>>
        %dma_start3A_1696 = tpu.memref_squeeze %dma_start3A_1695 : memref<1x128x32xf32, #tpu.memory_space<vmem>> -> memref<128x32xf32, #tpu.memory_space<vmem>>
        %dma_start3A_1697 = arith.constant 0 : i32
        %dma_start3A_1698 = tpu.memref_slice %arg5[%select_n3A_1691, %select_n3A_1675, %dma_start3A_1697] : memref<26x4x128xi32, #tpu.memory_space<vmem>> -> memref<1x1x128xi32, #tpu.memory_space<vmem>>
        %dma_start3A_1699 = tpu.memref_squeeze %dma_start3A_1698 : memref<1x1x128xi32, #tpu.memory_space<vmem>> -> memref<128xi32, #tpu.memory_space<vmem>>
        %dma_start3A_1700 = arith.constant 0 : i32
        %dma_start3A_1701 = arith.constant 0 : i32
        %dma_start3A_1702 = tpu.memref_slice %arg3[%dma_start3A_1700, %dma_start3A_1701] : memref<1015808x32xf32, #tpu.memory_space<hbm>> -> memref<1015808x32xf32, #tpu.memory_space<hbm>>
        tpu.enqueue_indirect_dma source(%dma_start3A_1702 : memref<1015808x32xf32, #tpu.memory_space<hbm>>) target(%dma_start3A_1696 : memref<128x32xf32, #tpu.memory_space<vmem>>) offsets(%dma_start3A_1699 : memref<128xi32, #tpu.memory_space<vmem>>) semaphore(%arg8 : memref<!tpu.dma_semaphore, #tpu.memory_space<semaphore_mem>>)
      } else {
      }
      %add3A_681 = arith.constant 1 : i32
      %add3A_682 = arith.addi %mul3A_370, %add3A_681 : i32
      %jit3A_683 = arith.constant 26 : i32
      %div3A_684 = arith.divsi %add3A_682, %jit3A_683 : i32
      %sign3A_685 = arith.constant 0 : i32
      %sign3A_686 = arith.cmpi sgt, %add3A_682, %sign3A_685 : i32
      %sign3A_687 = arith.extui %sign3A_686 : i1 to i32
      %sign3A_688 = arith.constant 0 : i32
      %sign3A_689 = arith.cmpi slt, %add3A_682, %sign3A_688 : i32
      %sign3A_690 = arith.extui %sign3A_689 : i1 to i32
      %sign3A_691 = arith.subi %sign3A_687, %sign3A_690 : i32
      %sign3A_692 = arith.constant 0 : i32
      %sign3A_693 = arith.cmpi sgt, %jit3A_683, %sign3A_692 : i32
      %sign3A_694 = arith.extui %sign3A_693 : i1 to i32
      %sign3A_695 = arith.constant 0 : i32
      %sign3A_696 = arith.cmpi slt, %jit3A_683, %sign3A_695 : i32
      %sign3A_697 = arith.extui %sign3A_696 : i1 to i32
      %sign3A_698 = arith.subi %sign3A_694, %sign3A_697 : i32
      %ne3A_699 = arith.cmpi ne, %sign3A_691, %sign3A_698 : i32
      %rem3A_700 = arith.remsi %add3A_682, %jit3A_683 : i32
      %ne3A_701 = arith.constant 0 : i32
      %ne3A_702 = arith.cmpi ne, %rem3A_700, %ne3A_701 : i32
      %and3A_703 = arith.andi %ne3A_699, %ne3A_702 : i1
      %sub3A_704 = arith.constant 1 : i32
      %sub3A_705 = arith.subi %div3A_684, %sub3A_704 : i32
      %select_n3A_706 = arith.select %and3A_703, %sub3A_705, %div3A_684 : i32
      %jit3A_707 = arith.constant 26 : i32
      %eq3A_708 = arith.constant 0 : i32
      %eq3A_709 = arith.cmpi eq, %jit3A_707, %eq3A_708 : i32
      %jit3A_710 = arith.constant 1 : i32
      %select_n3A_711 = arith.select %eq3A_709, %jit3A_710, %jit3A_707 : i32
      %rem3A_712 = arith.remsi %add3A_682, %select_n3A_711 : i32
      %ne3A_713 = arith.constant 0 : i32
      %ne3A_714 = arith.cmpi ne, %rem3A_712, %ne3A_713 : i32
      %lt3A_715 = arith.constant 0 : i32
      %lt3A_716 = arith.cmpi slt, %rem3A_712, %lt3A_715 : i32
      %lt3A_717 = arith.constant 0 : i32
      %lt3A_718 = arith.cmpi slt, %select_n3A_711, %lt3A_717 : i32
      %ne3A_719 = arith.xori %lt3A_716, %lt3A_718 : i1
      %and3A_720 = arith.andi %ne3A_719, %ne3A_714 : i1
      %add3A_721 = arith.addi %rem3A_712, %select_n3A_711 : i32
      %select_n3A_722 = arith.select %and3A_720, %add3A_721, %rem3A_712 : i32
      %dma_wait3A_723 = arith.constant 1 : i32
      %dma_wait3A_724 = arith.constant 0 : i32
      %dma_wait3A_725 = arith.constant 0 : i32
      %dma_wait3A_726 = tpu.memref_slice %arg6[%dma_wait3A_723, %dma_wait3A_724, %dma_wait3A_725] : memref<4x128x32xf32, #tpu.memory_space<vmem>> -> memref<1x128x32xf32, #tpu.memory_space<vmem>>
      %dma_wait3A_727 = tpu.memref_squeeze %dma_wait3A_726 : memref<1x128x32xf32, #tpu.memory_space<vmem>> -> memref<128x32xf32, #tpu.memory_space<vmem>>
      %dma_wait3A_728 = arith.constant 0 : i32
      %dma_wait3A_729 = tpu.memref_slice %arg5[%select_n3A_722, %select_n3A_706, %dma_wait3A_728] : memref<26x4x128xi32, #tpu.memory_space<vmem>> -> memref<1x1x128xi32, #tpu.memory_space<vmem>>
      %dma_wait3A_730 = tpu.memref_squeeze %dma_wait3A_729 : memref<1x1x128xi32, #tpu.memory_space<vmem>> -> memref<128xi32, #tpu.memory_space<vmem>>
      %dma_wait3A_731 = arith.constant 0 : i32
      %dma_wait3A_732 = arith.constant 0 : i32
      %dma_wait3A_733 = tpu.memref_slice %arg3[%dma_wait3A_731, %dma_wait3A_732] : memref<1015808x32xf32, #tpu.memory_space<hbm>> -> memref<1015808x32xf32, #tpu.memory_space<hbm>>
      tpu.wait_indirect_dma semaphore(%arg9 : memref<!tpu.dma_semaphore, #tpu.memory_space<semaphore_mem>>) src(%dma_wait3A_733 : memref<1015808x32xf32, #tpu.memory_space<hbm>>) dst(%dma_wait3A_727 : memref<128x32xf32, #tpu.memory_space<vmem>>)
      %ge3A_734 = arith.constant 4 : i32
      %ge3A_735 = arith.cmpi sge, %add3A_682, %ge3A_734 : i32
      %convert_element_type3A_736 = arith.extui %ge3A_735 : i1 to i32
      %cond3A_737 = arith.constant 0 : i32
      %cond3A_738 = arith.cmpi ne, %convert_element_type3A_736, %cond3A_737 : i32
      scf.if %cond3A_738 {
        %sub3A_1650 = arith.constant 4 : i32
        %sub3A_1651 = arith.subi %add3A_682, %sub3A_1650 : i32
        %jit3A_1652 = arith.constant 26 : i32
        %div3A_1653 = arith.divsi %sub3A_1651, %jit3A_1652 : i32
        %sign3A_1654 = arith.constant 0 : i32
        %sign3A_1655 = arith.cmpi sgt, %sub3A_1651, %sign3A_1654 : i32
        %sign3A_1656 = arith.extui %sign3A_1655 : i1 to i32
        %sign3A_1657 = arith.constant 0 : i32
        %sign3A_1658 = arith.cmpi slt, %sub3A_1651, %sign3A_1657 : i32
        %sign3A_1659 = arith.extui %sign3A_1658 : i1 to i32
        %sign3A_1660 = arith.subi %sign3A_1656, %sign3A_1659 : i32
        %sign3A_1661 = arith.constant 0 : i32
        %sign3A_1662 = arith.cmpi sgt, %jit3A_1652, %sign3A_1661 : i32
        %sign3A_1663 = arith.extui %sign3A_1662 : i1 to i32
        %sign3A_1664 = arith.constant 0 : i32
        %sign3A_1665 = arith.cmpi slt, %jit3A_1652, %sign3A_1664 : i32
        %sign3A_1666 = arith.extui %sign3A_1665 : i1 to i32
        %sign3A_1667 = arith.subi %sign3A_1663, %sign3A_1666 : i32
        %ne3A_1668 = arith.cmpi ne, %sign3A_1660, %sign3A_1667 : i32
        %rem3A_1669 = arith.remsi %sub3A_1651, %jit3A_1652 : i32
        %ne3A_1670 = arith.constant 0 : i32
        %ne3A_1671 = arith.cmpi ne, %rem3A_1669, %ne3A_1670 : i32
        %and3A_1672 = arith.andi %ne3A_1668, %ne3A_1671 : i1
        %sub3A_1673 = arith.constant 1 : i32
        %sub3A_1674 = arith.subi %div3A_1653, %sub3A_1673 : i32
        %select_n3A_1675 = arith.select %and3A_1672, %sub3A_1674, %div3A_1653 : i32
        %jit3A_1676 = arith.constant 26 : i32
        %eq3A_1677 = arith.constant 0 : i32
        %eq3A_1678 = arith.cmpi eq, %jit3A_1676, %eq3A_1677 : i32
        %jit3A_1679 = arith.constant 1 : i32
        %select_n3A_1680 = arith.select %eq3A_1678, %jit3A_1679, %jit3A_1676 : i32
        %rem3A_1681 = arith.remsi %sub3A_1651, %select_n3A_1680 : i32
        %ne3A_1682 = arith.constant 0 : i32
        %ne3A_1683 = arith.cmpi ne, %rem3A_1681, %ne3A_1682 : i32
        %lt3A_1684 = arith.constant 0 : i32
        %lt3A_1685 = arith.cmpi slt, %rem3A_1681, %lt3A_1684 : i32
        %lt3A_1686 = arith.constant 0 : i32
        %lt3A_1687 = arith.cmpi slt, %select_n3A_1680, %lt3A_1686 : i32
        %ne3A_1688 = arith.xori %lt3A_1685, %lt3A_1687 : i1
        %and3A_1689 = arith.andi %ne3A_1688, %ne3A_1683 : i1
        %add3A_1690 = arith.addi %rem3A_1681, %select_n3A_1680 : i32
        %select_n3A_1691 = arith.select %and3A_1689, %add3A_1690, %rem3A_1681 : i32
        %mul3A_1692 = arith.constant 4 : i32
        %mul3A_1693 = arith.muli %select_n3A_1691, %mul3A_1692 : i32
        %add3A_1694 = arith.constant 0 : i32
        %add3A_1695 = arith.addi %mul3A_1693, %add3A_1694 : i32
        %mul3A_1696 = arith.constant 128 : i32
        %mul3A_1697 = arith.muli %add3A_1695, %mul3A_1696 : i32
        %add3A_1698 = arith.addi %mul3A_1697, %mul3A_2 : i32
        %add3A_1699 = arith.addi %add3A_1698, %select_n3A_1675 : i32
        %mul3A_1700 = arith.constant 8 : i32
        %mul3A_1701 = arith.muli %add3A_1699, %mul3A_1700 : i32
        %dma_wait3A_1702 = arith.constant 1 : i32
        %dma_wait3A_1703 = arith.constant 0 : i32
        %dma_wait3A_1704 = arith.constant 0 : i32
        %dma_wait3A_1705 = tpu.memref_slice %arg7[%dma_wait3A_1702, %dma_wait3A_1703, %dma_wait3A_1704] : memref<4x32x128xf32, #tpu.memory_space<vmem>> -> memref<1x8x128xf32, #tpu.memory_space<vmem>>
        %dma_wait3A_1706 = tpu.memref_squeeze %dma_wait3A_1705 : memref<1x8x128xf32, #tpu.memory_space<vmem>> -> memref<8x128xf32, #tpu.memory_space<vmem>>
        %dma_wait3A_1707 = arith.constant 0 : i32
        %dma_wait3A_1708 = tpu.memref_slice %arg4[%mul3A_1701, %dma_wait3A_1707] : memref<106496x128xf32, #tpu.memory_space<hbm>> -> memref<8x128xf32, #tpu.memory_space<hbm>>
        %dma_wait3A_1709 = arith.constant 0 : i32
        %dma_wait3A_1710 = tpu.memref_slice %arg4[%mul3A_1701, %dma_wait3A_1709] : memref<106496x128xf32, #tpu.memory_space<hbm>> -> memref<8x128xf32, #tpu.memory_space<hbm>>
        %dma_wait3A_1711 = arith.constant 0 : i32
        %dma_wait3A_1712 = arith.constant 0 : i32
        %dma_wait3A_1713 = tpu.memref_slice %arg7[%dma_wait3A_1702, %dma_wait3A_1711, %dma_wait3A_1712] : memref<4x32x128xf32, #tpu.memory_space<vmem>> -> memref<1x8x128xf32, #tpu.memory_space<vmem>>
        %dma_wait3A_1714 = tpu.memref_squeeze %dma_wait3A_1713 : memref<1x8x128xf32, #tpu.memory_space<vmem>> -> memref<8x128xf32, #tpu.memory_space<vmem>>
        tpu.wait_dma2 semaphore(%arg13 : memref<!tpu.dma_semaphore, #tpu.memory_space<semaphore_mem>>) src(%dma_wait3A_1714 : memref<8x128xf32, #tpu.memory_space<vmem>>) dst(%dma_wait3A_1710 : memref<8x128xf32, #tpu.memory_space<hbm>>)
        %jit3A_1715 = arith.constant 26 : i32
        %div3A_1716 = arith.divsi %sub3A_1651, %jit3A_1715 : i32
        %sign3A_1717 = arith.constant 0 : i32
        %sign3A_1718 = arith.cmpi sgt, %sub3A_1651, %sign3A_1717 : i32
        %sign3A_1719 = arith.extui %sign3A_1718 : i1 to i32
        %sign3A_1720 = arith.constant 0 : i32
        %sign3A_1721 = arith.cmpi slt, %sub3A_1651, %sign3A_1720 : i32
        %sign3A_1722 = arith.extui %sign3A_1721 : i1 to i32
        %sign3A_1723 = arith.subi %sign3A_1719, %sign3A_1722 : i32
        %sign3A_1724 = arith.constant 0 : i32
        %sign3A_1725 = arith.cmpi sgt, %jit3A_1715, %sign3A_1724 : i32
        %sign3A_1726 = arith.extui %sign3A_1725 : i1 to i32
        %sign3A_1727 = arith.constant 0 : i32
        %sign3A_1728 = arith.cmpi slt, %jit3A_1715, %sign3A_1727 : i32
        %sign3A_1729 = arith.extui %sign3A_1728 : i1 to i32
        %sign3A_1730 = arith.subi %sign3A_1726, %sign3A_1729 : i32
        %ne3A_1731 = arith.cmpi ne, %sign3A_1723, %sign3A_1730 : i32
        %rem3A_1732 = arith.remsi %sub3A_1651, %jit3A_1715 : i32
        %ne3A_1733 = arith.constant 0 : i32
        %ne3A_1734 = arith.cmpi ne, %rem3A_1732, %ne3A_1733 : i32
        %and3A_1735 = arith.andi %ne3A_1731, %ne3A_1734 : i1
        %sub3A_1736 = arith.constant 1 : i32
        %sub3A_1737 = arith.subi %div3A_1716, %sub3A_1736 : i32
        %select_n3A_1738 = arith.select %and3A_1735, %sub3A_1737, %div3A_1716 : i32
        %jit3A_1739 = arith.constant 26 : i32
        %eq3A_1740 = arith.constant 0 : i32
        %eq3A_1741 = arith.cmpi eq, %jit3A_1739, %eq3A_1740 : i32
        %jit3A_1742 = arith.constant 1 : i32
        %select_n3A_1743 = arith.select %eq3A_1741, %jit3A_1742, %jit3A_1739 : i32
        %rem3A_1744 = arith.remsi %sub3A_1651, %select_n3A_1743 : i32
        %ne3A_1745 = arith.constant 0 : i32
        %ne3A_1746 = arith.cmpi ne, %rem3A_1744, %ne3A_1745 : i32
        %lt3A_1747 = arith.constant 0 : i32
        %lt3A_1748 = arith.cmpi slt, %rem3A_1744, %lt3A_1747 : i32
        %lt3A_1749 = arith.constant 0 : i32
        %lt3A_1750 = arith.cmpi slt, %select_n3A_1743, %lt3A_1749 : i32
        %ne3A_1751 = arith.xori %lt3A_1748, %lt3A_1750 : i1
        %and3A_1752 = arith.andi %ne3A_1751, %ne3A_1746 : i1
        %add3A_1753 = arith.addi %rem3A_1744, %select_n3A_1743 : i32
        %select_n3A_1754 = arith.select %and3A_1752, %add3A_1753, %rem3A_1744 : i32
        %mul3A_1755 = arith.constant 4 : i32
        %mul3A_1756 = arith.muli %select_n3A_1754, %mul3A_1755 : i32
        %add3A_1757 = arith.constant 1 : i32
        %add3A_1758 = arith.addi %mul3A_1756, %add3A_1757 : i32
        %mul3A_1759 = arith.constant 128 : i32
        %mul3A_1760 = arith.muli %add3A_1758, %mul3A_1759 : i32
        %add3A_1761 = arith.addi %mul3A_1760, %mul3A_2 : i32
        %add3A_1762 = arith.addi %add3A_1761, %select_n3A_1738 : i32
        %mul3A_1763 = arith.constant 8 : i32
        %mul3A_1764 = arith.muli %add3A_1762, %mul3A_1763 : i32
        %dma_wait3A_1765 = arith.constant 1 : i32
        %dma_wait3A_1766 = arith.constant 8 : i32
        %dma_wait3A_1767 = arith.constant 0 : i32
        %dma_wait3A_1768 = tpu.memref_slice %arg7[%dma_wait3A_1765, %dma_wait3A_1766, %dma_wait3A_1767] : memref<4x32x128xf32, #tpu.memory_space<vmem>> -> memref<1x8x128xf32, #tpu.memory_space<vmem>>
        %dma_wait3A_1769 = tpu.memref_squeeze %dma_wait3A_1768 : memref<1x8x128xf32, #tpu.memory_space<vmem>> -> memref<8x128xf32, #tpu.memory_space<vmem>>
        %dma_wait3A_1770 = arith.constant 0 : i32
        %dma_wait3A_1771 = tpu.memref_slice %arg4[%mul3A_1764, %dma_wait3A_1770] : memref<106496x128xf32, #tpu.memory_space<hbm>> -> memref<8x128xf32, #tpu.memory_space<hbm>>
        %dma_wait3A_1772 = arith.constant 0 : i32
        %dma_wait3A_1773 = tpu.memref_slice %arg4[%mul3A_1764, %dma_wait3A_1772] : memref<106496x128xf32, #tpu.memory_space<hbm>> -> memref<8x128xf32, #tpu.memory_space<hbm>>
        %dma_wait3A_1774 = arith.constant 8 : i32
        %dma_wait3A_1775 = arith.constant 0 : i32
        %dma_wait3A_1776 = tpu.memref_slice %arg7[%dma_wait3A_1765, %dma_wait3A_1774, %dma_wait3A_1775] : memref<4x32x128xf32, #tpu.memory_space<vmem>> -> memref<1x8x128xf32, #tpu.memory_space<vmem>>
        %dma_wait3A_1777 = tpu.memref_squeeze %dma_wait3A_1776 : memref<1x8x128xf32, #tpu.memory_space<vmem>> -> memref<8x128xf32, #tpu.memory_space<vmem>>
        tpu.wait_dma2 semaphore(%arg13 : memref<!tpu.dma_semaphore, #tpu.memory_space<semaphore_mem>>) src(%dma_wait3A_1777 : memref<8x128xf32, #tpu.memory_space<vmem>>) dst(%dma_wait3A_1773 : memref<8x128xf32, #tpu.memory_space<hbm>>)
        %jit3A_1778 = arith.constant 26 : i32
        %div3A_1779 = arith.divsi %sub3A_1651, %jit3A_1778 : i32
        %sign3A_1780 = arith.constant 0 : i32
        %sign3A_1781 = arith.cmpi sgt, %sub3A_1651, %sign3A_1780 : i32
        %sign3A_1782 = arith.extui %sign3A_1781 : i1 to i32
        %sign3A_1783 = arith.constant 0 : i32
        %sign3A_1784 = arith.cmpi slt, %sub3A_1651, %sign3A_1783 : i32
        %sign3A_1785 = arith.extui %sign3A_1784 : i1 to i32
        %sign3A_1786 = arith.subi %sign3A_1782, %sign3A_1785 : i32
        %sign3A_1787 = arith.constant 0 : i32
        %sign3A_1788 = arith.cmpi sgt, %jit3A_1778, %sign3A_1787 : i32
        %sign3A_1789 = arith.extui %sign3A_1788 : i1 to i32
        %sign3A_1790 = arith.constant 0 : i32
        %sign3A_1791 = arith.cmpi slt, %jit3A_1778, %sign3A_1790 : i32
        %sign3A_1792 = arith.extui %sign3A_1791 : i1 to i32
        %sign3A_1793 = arith.subi %sign3A_1789, %sign3A_1792 : i32
        %ne3A_1794 = arith.cmpi ne, %sign3A_1786, %sign3A_1793 : i32
        %rem3A_1795 = arith.remsi %sub3A_1651, %jit3A_1778 : i32
        %ne3A_1796 = arith.constant 0 : i32
        %ne3A_1797 = arith.cmpi ne, %rem3A_1795, %ne3A_1796 : i32
        %and3A_1798 = arith.andi %ne3A_1794, %ne3A_1797 : i1
        %sub3A_1799 = arith.constant 1 : i32
        %sub3A_1800 = arith.subi %div3A_1779, %sub3A_1799 : i32
        %select_n3A_1801 = arith.select %and3A_1798, %sub3A_1800, %div3A_1779 : i32
        %jit3A_1802 = arith.constant 26 : i32
        %eq3A_1803 = arith.constant 0 : i32
        %eq3A_1804 = arith.cmpi eq, %jit3A_1802, %eq3A_1803 : i32
        %jit3A_1805 = arith.constant 1 : i32
        %select_n3A_1806 = arith.select %eq3A_1804, %jit3A_1805, %jit3A_1802 : i32
        %rem3A_1807 = arith.remsi %sub3A_1651, %select_n3A_1806 : i32
        %ne3A_1808 = arith.constant 0 : i32
        %ne3A_1809 = arith.cmpi ne, %rem3A_1807, %ne3A_1808 : i32
        %lt3A_1810 = arith.constant 0 : i32
        %lt3A_1811 = arith.cmpi slt, %rem3A_1807, %lt3A_1810 : i32
        %lt3A_1812 = arith.constant 0 : i32
        %lt3A_1813 = arith.cmpi slt, %select_n3A_1806, %lt3A_1812 : i32
        %ne3A_1814 = arith.xori %lt3A_1811, %lt3A_1813 : i1
        %and3A_1815 = arith.andi %ne3A_1814, %ne3A_1809 : i1
        %add3A_1816 = arith.addi %rem3A_1807, %select_n3A_1806 : i32
        %select_n3A_1817 = arith.select %and3A_1815, %add3A_1816, %rem3A_1807 : i32
        %mul3A_1818 = arith.constant 4 : i32
        %mul3A_1819 = arith.muli %select_n3A_1817, %mul3A_1818 : i32
        %add3A_1820 = arith.constant 2 : i32
        %add3A_1821 = arith.addi %mul3A_1819, %add3A_1820 : i32
        %mul3A_1822 = arith.constant 128 : i32
        %mul3A_1823 = arith.muli %add3A_1821, %mul3A_1822 : i32
        %add3A_1824 = arith.addi %mul3A_1823, %mul3A_2 : i32
        %add3A_1825 = arith.addi %add3A_1824, %select_n3A_1801 : i32
        %mul3A_1826 = arith.constant 8 : i32
        %mul3A_1827 = arith.muli %add3A_1825, %mul3A_1826 : i32
        %dma_wait3A_1828 = arith.constant 1 : i32
        %dma_wait3A_1829 = arith.constant 16 : i32
        %dma_wait3A_1830 = arith.constant 0 : i32
        %dma_wait3A_1831 = tpu.memref_slice %arg7[%dma_wait3A_1828, %dma_wait3A_1829, %dma_wait3A_1830] : memref<4x32x128xf32, #tpu.memory_space<vmem>> -> memref<1x8x128xf32, #tpu.memory_space<vmem>>
        %dma_wait3A_1832 = tpu.memref_squeeze %dma_wait3A_1831 : memref<1x8x128xf32, #tpu.memory_space<vmem>> -> memref<8x128xf32, #tpu.memory_space<vmem>>
        %dma_wait3A_1833 = arith.constant 0 : i32
        %dma_wait3A_1834 = tpu.memref_slice %arg4[%mul3A_1827, %dma_wait3A_1833] : memref<106496x128xf32, #tpu.memory_space<hbm>> -> memref<8x128xf32, #tpu.memory_space<hbm>>
        %dma_wait3A_1835 = arith.constant 0 : i32
        %dma_wait3A_1836 = tpu.memref_slice %arg4[%mul3A_1827, %dma_wait3A_1835] : memref<106496x128xf32, #tpu.memory_space<hbm>> -> memref<8x128xf32, #tpu.memory_space<hbm>>
        %dma_wait3A_1837 = arith.constant 16 : i32
        %dma_wait3A_1838 = arith.constant 0 : i32
        %dma_wait3A_1839 = tpu.memref_slice %arg7[%dma_wait3A_1828, %dma_wait3A_1837, %dma_wait3A_1838] : memref<4x32x128xf32, #tpu.memory_space<vmem>> -> memref<1x8x128xf32, #tpu.memory_space<vmem>>
        %dma_wait3A_1840 = tpu.memref_squeeze %dma_wait3A_1839 : memref<1x8x128xf32, #tpu.memory_space<vmem>> -> memref<8x128xf32, #tpu.memory_space<vmem>>
        tpu.wait_dma2 semaphore(%arg13 : memref<!tpu.dma_semaphore, #tpu.memory_space<semaphore_mem>>) src(%dma_wait3A_1840 : memref<8x128xf32, #tpu.memory_space<vmem>>) dst(%dma_wait3A_1836 : memref<8x128xf32, #tpu.memory_space<hbm>>)
        %jit3A_1841 = arith.constant 26 : i32
        %div3A_1842 = arith.divsi %sub3A_1651, %jit3A_1841 : i32
        %sign3A_1843 = arith.constant 0 : i32
        %sign3A_1844 = arith.cmpi sgt, %sub3A_1651, %sign3A_1843 : i32
        %sign3A_1845 = arith.extui %sign3A_1844 : i1 to i32
        %sign3A_1846 = arith.constant 0 : i32
        %sign3A_1847 = arith.cmpi slt, %sub3A_1651, %sign3A_1846 : i32
        %sign3A_1848 = arith.extui %sign3A_1847 : i1 to i32
        %sign3A_1849 = arith.subi %sign3A_1845, %sign3A_1848 : i32
        %sign3A_1850 = arith.constant 0 : i32
        %sign3A_1851 = arith.cmpi sgt, %jit3A_1841, %sign3A_1850 : i32
        %sign3A_1852 = arith.extui %sign3A_1851 : i1 to i32
        %sign3A_1853 = arith.constant 0 : i32
        %sign3A_1854 = arith.cmpi slt, %jit3A_1841, %sign3A_1853 : i32
        %sign3A_1855 = arith.extui %sign3A_1854 : i1 to i32
        %sign3A_1856 = arith.subi %sign3A_1852, %sign3A_1855 : i32
        %ne3A_1857 = arith.cmpi ne, %sign3A_1849, %sign3A_1856 : i32
        %rem3A_1858 = arith.remsi %sub3A_1651, %jit3A_1841 : i32
        %ne3A_1859 = arith.constant 0 : i32
        %ne3A_1860 = arith.cmpi ne, %rem3A_1858, %ne3A_1859 : i32
        %and3A_1861 = arith.andi %ne3A_1857, %ne3A_1860 : i1
        %sub3A_1862 = arith.constant 1 : i32
        %sub3A_1863 = arith.subi %div3A_1842, %sub3A_1862 : i32
        %select_n3A_1864 = arith.select %and3A_1861, %sub3A_1863, %div3A_1842 : i32
        %jit3A_1865 = arith.constant 26 : i32
        %eq3A_1866 = arith.constant 0 : i32
        %eq3A_1867 = arith.cmpi eq, %jit3A_1865, %eq3A_1866 : i32
        %jit3A_1868 = arith.constant 1 : i32
        %select_n3A_1869 = arith.select %eq3A_1867, %jit3A_1868, %jit3A_1865 : i32
        %rem3A_1870 = arith.remsi %sub3A_1651, %select_n3A_1869 : i32
        %ne3A_1871 = arith.constant 0 : i32
        %ne3A_1872 = arith.cmpi ne, %rem3A_1870, %ne3A_1871 : i32
        %lt3A_1873 = arith.constant 0 : i32
        %lt3A_1874 = arith.cmpi slt, %rem3A_1870, %lt3A_1873 : i32
        %lt3A_1875 = arith.constant 0 : i32
        %lt3A_1876 = arith.cmpi slt, %select_n3A_1869, %lt3A_1875 : i32
        %ne3A_1877 = arith.xori %lt3A_1874, %lt3A_1876 : i1
        %and3A_1878 = arith.andi %ne3A_1877, %ne3A_1872 : i1
        %add3A_1879 = arith.addi %rem3A_1870, %select_n3A_1869 : i32
        %select_n3A_1880 = arith.select %and3A_1878, %add3A_1879, %rem3A_1870 : i32
        %mul3A_1881 = arith.constant 4 : i32
        %mul3A_1882 = arith.muli %select_n3A_1880, %mul3A_1881 : i32
        %add3A_1883 = arith.constant 3 : i32
        %add3A_1884 = arith.addi %mul3A_1882, %add3A_1883 : i32
        %mul3A_1885 = arith.constant 128 : i32
        %mul3A_1886 = arith.muli %add3A_1884, %mul3A_1885 : i32
        %add3A_1887 = arith.addi %mul3A_1886, %mul3A_2 : i32
        %add3A_1888 = arith.addi %add3A_1887, %select_n3A_1864 : i32
        %mul3A_1889 = arith.constant 8 : i32
        %mul3A_1890 = arith.muli %add3A_1888, %mul3A_1889 : i32
        %dma_wait3A_1891 = arith.constant 1 : i32
        %dma_wait3A_1892 = arith.constant 24 : i32
        %dma_wait3A_1893 = arith.constant 0 : i32
        %dma_wait3A_1894 = tpu.memref_slice %arg7[%dma_wait3A_1891, %dma_wait3A_1892, %dma_wait3A_1893] : memref<4x32x128xf32, #tpu.memory_space<vmem>> -> memref<1x8x128xf32, #tpu.memory_space<vmem>>
        %dma_wait3A_1895 = tpu.memref_squeeze %dma_wait3A_1894 : memref<1x8x128xf32, #tpu.memory_space<vmem>> -> memref<8x128xf32, #tpu.memory_space<vmem>>
        %dma_wait3A_1896 = arith.constant 0 : i32
        %dma_wait3A_1897 = tpu.memref_slice %arg4[%mul3A_1890, %dma_wait3A_1896] : memref<106496x128xf32, #tpu.memory_space<hbm>> -> memref<8x128xf32, #tpu.memory_space<hbm>>
        %dma_wait3A_1898 = arith.constant 0 : i32
        %dma_wait3A_1899 = tpu.memref_slice %arg4[%mul3A_1890, %dma_wait3A_1898] : memref<106496x128xf32, #tpu.memory_space<hbm>> -> memref<8x128xf32, #tpu.memory_space<hbm>>
        %dma_wait3A_1900 = arith.constant 24 : i32
        %dma_wait3A_1901 = arith.constant 0 : i32
        %dma_wait3A_1902 = tpu.memref_slice %arg7[%dma_wait3A_1891, %dma_wait3A_1900, %dma_wait3A_1901] : memref<4x32x128xf32, #tpu.memory_space<vmem>> -> memref<1x8x128xf32, #tpu.memory_space<vmem>>
        %dma_wait3A_1903 = tpu.memref_squeeze %dma_wait3A_1902 : memref<1x8x128xf32, #tpu.memory_space<vmem>> -> memref<8x128xf32, #tpu.memory_space<vmem>>
        tpu.wait_dma2 semaphore(%arg13 : memref<!tpu.dma_semaphore, #tpu.memory_space<semaphore_mem>>) src(%dma_wait3A_1903 : memref<8x128xf32, #tpu.memory_space<vmem>>) dst(%dma_wait3A_1899 : memref<8x128xf32, #tpu.memory_space<hbm>>)
      } else {
      }
      %scan3A_739 = arith.constant 0 : i32
      %scan3A_740 = arith.constant 0 : i32
      %scan3A_741 = arith.constant 16 : i32
      %scan3A_742 = arith.addi %scan3A_740, %scan3A_741 : i32
      %scan3A_743 = arith.constant 1 : i32
      scf.for %scan3A_1650 = %scan3A_740 to %scan3A_742 step %scan3A_743  : i32 {
        %add3A_1651 = vector.broadcast %scan3A_1650 : i32 to vector<16xi32>
        %add3A_1652 = arith.addi %iota3A, %add3A_1651 : vector<16xi32>
        %and3A_1653 = arith.constant 15 : i32
        %and3A_1654 = vector.broadcast %and3A_1653 : i32 to vector<16xi32>
        %and3A_1655 = arith.andi %add3A_1652, %and3A_1654 : vector<16xi32>
        %add3A_1656 = arith.constant 0 : i32
        %add3A_1657 = vector.broadcast %add3A_1656 : i32 to vector<16xi32>
        %add3A_1658 = arith.addi %and3A_1655, %add3A_1657 : vector<16xi32>
        %add3A_1659 = arith.constant 0 : i32
        %add3A_1660 = vector.broadcast %add3A_1659 : i32 to vector<16xi32>
        %add3A_1661 = arith.addi %add3A_1660, %iota3A : vector<16xi32>
        %gather3A = arith.constant 1 : i32
        %gather3A_1662 = arith.constant 0 : i32
        %gather3A_1663 = arith.constant 0 : i32
        %gather3A_1664 = tpu.memref_slice %arg6[%gather3A, %gather3A_1662, %gather3A_1663] : memref<4x128x32xf32, #tpu.memory_space<vmem>> -> memref<1x128x32xf32, #tpu.memory_space<vmem>>
        %gather3A_1665 = tpu.memref_squeeze %gather3A_1664 : memref<1x128x32xf32, #tpu.memory_space<vmem>> -> memref<128x32xf32, #tpu.memory_space<vmem>>
        %gather3A_1666 = tpu.vector_load_idx %gather3A_1665[%add3A_1661, %add3A_1658] : memref<128x32xf32, #tpu.memory_space<vmem>>[vector<16xi32>, vector<16xi32>], vector<16xf32>,
        %scatter3A = arith.constant 1 : i32
        %scatter3A_1667 = arith.constant 0 : i32
        %scatter3A_1668 = arith.constant 0 : i32
        %scatter3A_1669 = tpu.memref_slice %arg7[%scatter3A, %scatter3A_1667, %scatter3A_1668] : memref<4x32x128xf32, #tpu.memory_space<vmem>> -> memref<1x32x128xf32, #tpu.memory_space<vmem>>
        %scatter3A_1670 = tpu.memref_squeeze %scatter3A_1669 : memref<1x32x128xf32, #tpu.memory_space<vmem>> -> memref<32x128xf32, #tpu.memory_space<vmem>>
        tpu.vector_store_idx %scatter3A_1670[%add3A_1658, %add3A_1661], %gather3A_1666 : memref<32x128xf32, #tpu.memory_space<vmem>>[vector<16xi32>, vector<16xi32>], vector<16xf32>,
        %add3A_1671 = arith.constant 16 : i32
        %add3A_1672 = vector.broadcast %add3A_1671 : i32 to vector<16xi32>
        %add3A_1673 = arith.addi %add3A_1672, %iota3A : vector<16xi32>
        %gather3A_1674 = arith.constant 1 : i32
        %gather3A_1675 = arith.constant 0 : i32
        %gather3A_1676 = arith.constant 0 : i32
        %gather3A_1677 = tpu.memref_slice %arg6[%gather3A_1674, %gather3A_1675, %gather3A_1676] : memref<4x128x32xf32, #tpu.memory_space<vmem>> -> memref<1x128x32xf32, #tpu.memory_space<vmem>>
        %gather3A_1678 = tpu.memref_squeeze %gather3A_1677 : memref<1x128x32xf32, #tpu.memory_space<vmem>> -> memref<128x32xf32, #tpu.memory_space<vmem>>
        %gather3A_1679 = tpu.vector_load_idx %gather3A_1678[%add3A_1673, %add3A_1658] : memref<128x32xf32, #tpu.memory_space<vmem>>[vector<16xi32>, vector<16xi32>], vector<16xf32>,
        %scatter3A_1680 = arith.constant 1 : i32
        %scatter3A_1681 = arith.constant 0 : i32
        %scatter3A_1682 = arith.constant 0 : i32
        %scatter3A_1683 = tpu.memref_slice %arg7[%scatter3A_1680, %scatter3A_1681, %scatter3A_1682] : memref<4x32x128xf32, #tpu.memory_space<vmem>> -> memref<1x32x128xf32, #tpu.memory_space<vmem>>
        %scatter3A_1684 = tpu.memref_squeeze %scatter3A_1683 : memref<1x32x128xf32, #tpu.memory_space<vmem>> -> memref<32x128xf32, #tpu.memory_space<vmem>>
        tpu.vector_store_idx %scatter3A_1684[%add3A_1658, %add3A_1673], %gather3A_1679 : memref<32x128xf32, #tpu.memory_space<vmem>>[vector<16xi32>, vector<16xi32>], vector<16xf32>,
        %add3A_1685 = arith.constant 32 : i32
        %add3A_1686 = vector.broadcast %add3A_1685 : i32 to vector<16xi32>
        %add3A_1687 = arith.addi %add3A_1686, %iota3A : vector<16xi32>
        %gather3A_1688 = arith.constant 1 : i32
        %gather3A_1689 = arith.constant 0 : i32
        %gather3A_1690 = arith.constant 0 : i32
        %gather3A_1691 = tpu.memref_slice %arg6[%gather3A_1688, %gather3A_1689, %gather3A_1690] : memref<4x128x32xf32, #tpu.memory_space<vmem>> -> memref<1x128x32xf32, #tpu.memory_space<vmem>>
        %gather3A_1692 = tpu.memref_squeeze %gather3A_1691 : memref<1x128x32xf32, #tpu.memory_space<vmem>> -> memref<128x32xf32, #tpu.memory_space<vmem>>
        %gather3A_1693 = tpu.vector_load_idx %gather3A_1692[%add3A_1687, %add3A_1658] : memref<128x32xf32, #tpu.memory_space<vmem>>[vector<16xi32>, vector<16xi32>], vector<16xf32>,
        %scatter3A_1694 = arith.constant 1 : i32
        %scatter3A_1695 = arith.constant 0 : i32
        %scatter3A_1696 = arith.constant 0 : i32
        %scatter3A_1697 = tpu.memref_slice %arg7[%scatter3A_1694, %scatter3A_1695, %scatter3A_1696] : memref<4x32x128xf32, #tpu.memory_space<vmem>> -> memref<1x32x128xf32, #tpu.memory_space<vmem>>
        %scatter3A_1698 = tpu.memref_squeeze %scatter3A_1697 : memref<1x32x128xf32, #tpu.memory_space<vmem>> -> memref<32x128xf32, #tpu.memory_space<vmem>>
        tpu.vector_store_idx %scatter3A_1698[%add3A_1658, %add3A_1687], %gather3A_1693 : memref<32x128xf32, #tpu.memory_space<vmem>>[vector<16xi32>, vector<16xi32>], vector<16xf32>,
        %add3A_1699 = arith.constant 48 : i32
        %add3A_1700 = vector.broadcast %add3A_1699 : i32 to vector<16xi32>
        %add3A_1701 = arith.addi %add3A_1700, %iota3A : vector<16xi32>
        %gather3A_1702 = arith.constant 1 : i32
        %gather3A_1703 = arith.constant 0 : i32
        %gather3A_1704 = arith.constant 0 : i32
        %gather3A_1705 = tpu.memref_slice %arg6[%gather3A_1702, %gather3A_1703, %gather3A_1704] : memref<4x128x32xf32, #tpu.memory_space<vmem>> -> memref<1x128x32xf32, #tpu.memory_space<vmem>>
        %gather3A_1706 = tpu.memref_squeeze %gather3A_1705 : memref<1x128x32xf32, #tpu.memory_space<vmem>> -> memref<128x32xf32, #tpu.memory_space<vmem>>
        %gather3A_1707 = tpu.vector_load_idx %gather3A_1706[%add3A_1701, %add3A_1658] : memref<128x32xf32, #tpu.memory_space<vmem>>[vector<16xi32>, vector<16xi32>], vector<16xf32>,
        %scatter3A_1708 = arith.constant 1 : i32
        %scatter3A_1709 = arith.constant 0 : i32
        %scatter3A_1710 = arith.constant 0 : i32
        %scatter3A_1711 = tpu.memref_slice %arg7[%scatter3A_1708, %scatter3A_1709, %scatter3A_1710] : memref<4x32x128xf32, #tpu.memory_space<vmem>> -> memref<1x32x128xf32, #tpu.memory_space<vmem>>
        %scatter3A_1712 = tpu.memref_squeeze %scatter3A_1711 : memref<1x32x128xf32, #tpu.memory_space<vmem>> -> memref<32x128xf32, #tpu.memory_space<vmem>>
        tpu.vector_store_idx %scatter3A_1712[%add3A_1658, %add3A_1701], %gather3A_1707 : memref<32x128xf32, #tpu.memory_space<vmem>>[vector<16xi32>, vector<16xi32>], vector<16xf32>,
        %add3A_1713 = arith.constant 64 : i32
        %add3A_1714 = vector.broadcast %add3A_1713 : i32 to vector<16xi32>
        %add3A_1715 = arith.addi %add3A_1714, %iota3A : vector<16xi32>
        %gather3A_1716 = arith.constant 1 : i32
        %gather3A_1717 = arith.constant 0 : i32
        %gather3A_1718 = arith.constant 0 : i32
        %gather3A_1719 = tpu.memref_slice %arg6[%gather3A_1716, %gather3A_1717, %gather3A_1718] : memref<4x128x32xf32, #tpu.memory_space<vmem>> -> memref<1x128x32xf32, #tpu.memory_space<vmem>>
        %gather3A_1720 = tpu.memref_squeeze %gather3A_1719 : memref<1x128x32xf32, #tpu.memory_space<vmem>> -> memref<128x32xf32, #tpu.memory_space<vmem>>
        %gather3A_1721 = tpu.vector_load_idx %gather3A_1720[%add3A_1715, %add3A_1658] : memref<128x32xf32, #tpu.memory_space<vmem>>[vector<16xi32>, vector<16xi32>], vector<16xf32>,
        %scatter3A_1722 = arith.constant 1 : i32
        %scatter3A_1723 = arith.constant 0 : i32
        %scatter3A_1724 = arith.constant 0 : i32
        %scatter3A_1725 = tpu.memref_slice %arg7[%scatter3A_1722, %scatter3A_1723, %scatter3A_1724] : memref<4x32x128xf32, #tpu.memory_space<vmem>> -> memref<1x32x128xf32, #tpu.memory_space<vmem>>
        %scatter3A_1726 = tpu.memref_squeeze %scatter3A_1725 : memref<1x32x128xf32, #tpu.memory_space<vmem>> -> memref<32x128xf32, #tpu.memory_space<vmem>>
        tpu.vector_store_idx %scatter3A_1726[%add3A_1658, %add3A_1715], %gather3A_1721 : memref<32x128xf32, #tpu.memory_space<vmem>>[vector<16xi32>, vector<16xi32>], vector<16xf32>,
        %add3A_1727 = arith.constant 80 : i32
        %add3A_1728 = vector.broadcast %add3A_1727 : i32 to vector<16xi32>
        %add3A_1729 = arith.addi %add3A_1728, %iota3A : vector<16xi32>
        %gather3A_1730 = arith.constant 1 : i32
        %gather3A_1731 = arith.constant 0 : i32
        %gather3A_1732 = arith.constant 0 : i32
        %gather3A_1733 = tpu.memref_slice %arg6[%gather3A_1730, %gather3A_1731, %gather3A_1732] : memref<4x128x32xf32, #tpu.memory_space<vmem>> -> memref<1x128x32xf32, #tpu.memory_space<vmem>>
        %gather3A_1734 = tpu.memref_squeeze %gather3A_1733 : memref<1x128x32xf32, #tpu.memory_space<vmem>> -> memref<128x32xf32, #tpu.memory_space<vmem>>
        %gather3A_1735 = tpu.vector_load_idx %gather3A_1734[%add3A_1729, %add3A_1658] : memref<128x32xf32, #tpu.memory_space<vmem>>[vector<16xi32>, vector<16xi32>], vector<16xf32>,
        %scatter3A_1736 = arith.constant 1 : i32
        %scatter3A_1737 = arith.constant 0 : i32
        %scatter3A_1738 = arith.constant 0 : i32
        %scatter3A_1739 = tpu.memref_slice %arg7[%scatter3A_1736, %scatter3A_1737, %scatter3A_1738] : memref<4x32x128xf32, #tpu.memory_space<vmem>> -> memref<1x32x128xf32, #tpu.memory_space<vmem>>
        %scatter3A_1740 = tpu.memref_squeeze %scatter3A_1739 : memref<1x32x128xf32, #tpu.memory_space<vmem>> -> memref<32x128xf32, #tpu.memory_space<vmem>>
        tpu.vector_store_idx %scatter3A_1740[%add3A_1658, %add3A_1729], %gather3A_1735 : memref<32x128xf32, #tpu.memory_space<vmem>>[vector<16xi32>, vector<16xi32>], vector<16xf32>,
        %add3A_1741 = arith.constant 96 : i32
        %add3A_1742 = vector.broadcast %add3A_1741 : i32 to vector<16xi32>
        %add3A_1743 = arith.addi %add3A_1742, %iota3A : vector<16xi32>
        %gather3A_1744 = arith.constant 1 : i32
        %gather3A_1745 = arith.constant 0 : i32
        %gather3A_1746 = arith.constant 0 : i32
        %gather3A_1747 = tpu.memref_slice %arg6[%gather3A_1744, %gather3A_1745, %gather3A_1746] : memref<4x128x32xf32, #tpu.memory_space<vmem>> -> memref<1x128x32xf32, #tpu.memory_space<vmem>>
        %gather3A_1748 = tpu.memref_squeeze %gather3A_1747 : memref<1x128x32xf32, #tpu.memory_space<vmem>> -> memref<128x32xf32, #tpu.memory_space<vmem>>
        %gather3A_1749 = tpu.vector_load_idx %gather3A_1748[%add3A_1743, %add3A_1658] : memref<128x32xf32, #tpu.memory_space<vmem>>[vector<16xi32>, vector<16xi32>], vector<16xf32>,
        %scatter3A_1750 = arith.constant 1 : i32
        %scatter3A_1751 = arith.constant 0 : i32
        %scatter3A_1752 = arith.constant 0 : i32
        %scatter3A_1753 = tpu.memref_slice %arg7[%scatter3A_1750, %scatter3A_1751, %scatter3A_1752] : memref<4x32x128xf32, #tpu.memory_space<vmem>> -> memref<1x32x128xf32, #tpu.memory_space<vmem>>
        %scatter3A_1754 = tpu.memref_squeeze %scatter3A_1753 : memref<1x32x128xf32, #tpu.memory_space<vmem>> -> memref<32x128xf32, #tpu.memory_space<vmem>>
        tpu.vector_store_idx %scatter3A_1754[%add3A_1658, %add3A_1743], %gather3A_1749 : memref<32x128xf32, #tpu.memory_space<vmem>>[vector<16xi32>, vector<16xi32>], vector<16xf32>,
        %add3A_1755 = arith.constant 112 : i32
        %add3A_1756 = vector.broadcast %add3A_1755 : i32 to vector<16xi32>
        %add3A_1757 = arith.addi %add3A_1756, %iota3A : vector<16xi32>
        %gather3A_1758 = arith.constant 1 : i32
        %gather3A_1759 = arith.constant 0 : i32
        %gather3A_1760 = arith.constant 0 : i32
        %gather3A_1761 = tpu.memref_slice %arg6[%gather3A_1758, %gather3A_1759, %gather3A_1760] : memref<4x128x32xf32, #tpu.memory_space<vmem>> -> memref<1x128x32xf32, #tpu.memory_space<vmem>>
        %gather3A_1762 = tpu.memref_squeeze %gather3A_1761 : memref<1x128x32xf32, #tpu.memory_space<vmem>> -> memref<128x32xf32, #tpu.memory_space<vmem>>
        %gather3A_1763 = tpu.vector_load_idx %gather3A_1762[%add3A_1757, %add3A_1658] : memref<128x32xf32, #tpu.memory_space<vmem>>[vector<16xi32>, vector<16xi32>], vector<16xf32>,
        %scatter3A_1764 = arith.constant 1 : i32
        %scatter3A_1765 = arith.constant 0 : i32
        %scatter3A_1766 = arith.constant 0 : i32
        %scatter3A_1767 = tpu.memref_slice %arg7[%scatter3A_1764, %scatter3A_1765, %scatter3A_1766] : memref<4x32x128xf32, #tpu.memory_space<vmem>> -> memref<1x32x128xf32, #tpu.memory_space<vmem>>
        %scatter3A_1768 = tpu.memref_squeeze %scatter3A_1767 : memref<1x32x128xf32, #tpu.memory_space<vmem>> -> memref<32x128xf32, #tpu.memory_space<vmem>>
        tpu.vector_store_idx %scatter3A_1768[%add3A_1658, %add3A_1757], %gather3A_1763 : memref<32x128xf32, #tpu.memory_space<vmem>>[vector<16xi32>, vector<16xi32>], vector<16xf32>,
        %add3A_1769 = arith.constant 16 : i32
        %add3A_1770 = vector.broadcast %add3A_1769 : i32 to vector<16xi32>
        %add3A_1771 = arith.addi %and3A_1655, %add3A_1770 : vector<16xi32>
        %add3A_1772 = arith.constant 0 : i32
        %add3A_1773 = vector.broadcast %add3A_1772 : i32 to vector<16xi32>
        %add3A_1774 = arith.addi %add3A_1773, %iota3A : vector<16xi32>
        %gather3A_1775 = arith.constant 1 : i32
        %gather3A_1776 = arith.constant 0 : i32
        %gather3A_1777 = arith.constant 0 : i32
        %gather3A_1778 = tpu.memref_slice %arg6[%gather3A_1775, %gather3A_1776, %gather3A_1777] : memref<4x128x32xf32, #tpu.memory_space<vmem>> -> memref<1x128x32xf32, #tpu.memory_space<vmem>>
        %gather3A_1779 = tpu.memref_squeeze %gather3A_1778 : memref<1x128x32xf32, #tpu.memory_space<vmem>> -> memref<128x32xf32, #tpu.memory_space<vmem>>
        %gather3A_1780 = tpu.vector_load_idx %gather3A_1779[%add3A_1774, %add3A_1771] : memref<128x32xf32, #tpu.memory_space<vmem>>[vector<16xi32>, vector<16xi32>], vector<16xf32>,
        %scatter3A_1781 = arith.constant 1 : i32
        %scatter3A_1782 = arith.constant 0 : i32
        %scatter3A_1783 = arith.constant 0 : i32
        %scatter3A_1784 = tpu.memref_slice %arg7[%scatter3A_1781, %scatter3A_1782, %scatter3A_1783] : memref<4x32x128xf32, #tpu.memory_space<vmem>> -> memref<1x32x128xf32, #tpu.memory_space<vmem>>
        %scatter3A_1785 = tpu.memref_squeeze %scatter3A_1784 : memref<1x32x128xf32, #tpu.memory_space<vmem>> -> memref<32x128xf32, #tpu.memory_space<vmem>>
        tpu.vector_store_idx %scatter3A_1785[%add3A_1771, %add3A_1774], %gather3A_1780 : memref<32x128xf32, #tpu.memory_space<vmem>>[vector<16xi32>, vector<16xi32>], vector<16xf32>,
        %add3A_1786 = arith.constant 16 : i32
        %add3A_1787 = vector.broadcast %add3A_1786 : i32 to vector<16xi32>
        %add3A_1788 = arith.addi %add3A_1787, %iota3A : vector<16xi32>
        %gather3A_1789 = arith.constant 1 : i32
        %gather3A_1790 = arith.constant 0 : i32
        %gather3A_1791 = arith.constant 0 : i32
        %gather3A_1792 = tpu.memref_slice %arg6[%gather3A_1789, %gather3A_1790, %gather3A_1791] : memref<4x128x32xf32, #tpu.memory_space<vmem>> -> memref<1x128x32xf32, #tpu.memory_space<vmem>>
        %gather3A_1793 = tpu.memref_squeeze %gather3A_1792 : memref<1x128x32xf32, #tpu.memory_space<vmem>> -> memref<128x32xf32, #tpu.memory_space<vmem>>
        %gather3A_1794 = tpu.vector_load_idx %gather3A_1793[%add3A_1788, %add3A_1771] : memref<128x32xf32, #tpu.memory_space<vmem>>[vector<16xi32>, vector<16xi32>], vector<16xf32>,
        %scatter3A_1795 = arith.constant 1 : i32
        %scatter3A_1796 = arith.constant 0 : i32
        %scatter3A_1797 = arith.constant 0 : i32
        %scatter3A_1798 = tpu.memref_slice %arg7[%scatter3A_1795, %scatter3A_1796, %scatter3A_1797] : memref<4x32x128xf32, #tpu.memory_space<vmem>> -> memref<1x32x128xf32, #tpu.memory_space<vmem>>
        %scatter3A_1799 = tpu.memref_squeeze %scatter3A_1798 : memref<1x32x128xf32, #tpu.memory_space<vmem>> -> memref<32x128xf32, #tpu.memory_space<vmem>>
        tpu.vector_store_idx %scatter3A_1799[%add3A_1771, %add3A_1788], %gather3A_1794 : memref<32x128xf32, #tpu.memory_space<vmem>>[vector<16xi32>, vector<16xi32>], vector<16xf32>,
        %add3A_1800 = arith.constant 32 : i32
        %add3A_1801 = vector.broadcast %add3A_1800 : i32 to vector<16xi32>
        %add3A_1802 = arith.addi %add3A_1801, %iota3A : vector<16xi32>
        %gather3A_1803 = arith.constant 1 : i32
        %gather3A_1804 = arith.constant 0 : i32
        %gather3A_1805 = arith.constant 0 : i32
        %gather3A_1806 = tpu.memref_slice %arg6[%gather3A_1803, %gather3A_1804, %gather3A_1805] : memref<4x128x32xf32, #tpu.memory_space<vmem>> -> memref<1x128x32xf32, #tpu.memory_space<vmem>>
        %gather3A_1807 = tpu.memref_squeeze %gather3A_1806 : memref<1x128x32xf32, #tpu.memory_space<vmem>> -> memref<128x32xf32, #tpu.memory_space<vmem>>
        %gather3A_1808 = tpu.vector_load_idx %gather3A_1807[%add3A_1802, %add3A_1771] : memref<128x32xf32, #tpu.memory_space<vmem>>[vector<16xi32>, vector<16xi32>], vector<16xf32>,
        %scatter3A_1809 = arith.constant 1 : i32
        %scatter3A_1810 = arith.constant 0 : i32
        %scatter3A_1811 = arith.constant 0 : i32
        %scatter3A_1812 = tpu.memref_slice %arg7[%scatter3A_1809, %scatter3A_1810, %scatter3A_1811] : memref<4x32x128xf32, #tpu.memory_space<vmem>> -> memref<1x32x128xf32, #tpu.memory_space<vmem>>
        %scatter3A_1813 = tpu.memref_squeeze %scatter3A_1812 : memref<1x32x128xf32, #tpu.memory_space<vmem>> -> memref<32x128xf32, #tpu.memory_space<vmem>>
        tpu.vector_store_idx %scatter3A_1813[%add3A_1771, %add3A_1802], %gather3A_1808 : memref<32x128xf32, #tpu.memory_space<vmem>>[vector<16xi32>, vector<16xi32>], vector<16xf32>,
        %add3A_1814 = arith.constant 48 : i32
        %add3A_1815 = vector.broadcast %add3A_1814 : i32 to vector<16xi32>
        %add3A_1816 = arith.addi %add3A_1815, %iota3A : vector<16xi32>
        %gather3A_1817 = arith.constant 1 : i32
        %gather3A_1818 = arith.constant 0 : i32
        %gather3A_1819 = arith.constant 0 : i32
        %gather3A_1820 = tpu.memref_slice %arg6[%gather3A_1817, %gather3A_1818, %gather3A_1819] : memref<4x128x32xf32, #tpu.memory_space<vmem>> -> memref<1x128x32xf32, #tpu.memory_space<vmem>>
        %gather3A_1821 = tpu.memref_squeeze %gather3A_1820 : memref<1x128x32xf32, #tpu.memory_space<vmem>> -> memref<128x32xf32, #tpu.memory_space<vmem>>
        %gather3A_1822 = tpu.vector_load_idx %gather3A_1821[%add3A_1816, %add3A_1771] : memref<128x32xf32, #tpu.memory_space<vmem>>[vector<16xi32>, vector<16xi32>], vector<16xf32>,
        %scatter3A_1823 = arith.constant 1 : i32
        %scatter3A_1824 = arith.constant 0 : i32
        %scatter3A_1825 = arith.constant 0 : i32
        %scatter3A_1826 = tpu.memref_slice %arg7[%scatter3A_1823, %scatter3A_1824, %scatter3A_1825] : memref<4x32x128xf32, #tpu.memory_space<vmem>> -> memref<1x32x128xf32, #tpu.memory_space<vmem>>
        %scatter3A_1827 = tpu.memref_squeeze %scatter3A_1826 : memref<1x32x128xf32, #tpu.memory_space<vmem>> -> memref<32x128xf32, #tpu.memory_space<vmem>>
        tpu.vector_store_idx %scatter3A_1827[%add3A_1771, %add3A_1816], %gather3A_1822 : memref<32x128xf32, #tpu.memory_space<vmem>>[vector<16xi32>, vector<16xi32>], vector<16xf32>,
        %add3A_1828 = arith.constant 64 : i32
        %add3A_1829 = vector.broadcast %add3A_1828 : i32 to vector<16xi32>
        %add3A_1830 = arith.addi %add3A_1829, %iota3A : vector<16xi32>
        %gather3A_1831 = arith.constant 1 : i32
        %gather3A_1832 = arith.constant 0 : i32
        %gather3A_1833 = arith.constant 0 : i32
        %gather3A_1834 = tpu.memref_slice %arg6[%gather3A_1831, %gather3A_1832, %gather3A_1833] : memref<4x128x32xf32, #tpu.memory_space<vmem>> -> memref<1x128x32xf32, #tpu.memory_space<vmem>>
        %gather3A_1835 = tpu.memref_squeeze %gather3A_1834 : memref<1x128x32xf32, #tpu.memory_space<vmem>> -> memref<128x32xf32, #tpu.memory_space<vmem>>
        %gather3A_1836 = tpu.vector_load_idx %gather3A_1835[%add3A_1830, %add3A_1771] : memref<128x32xf32, #tpu.memory_space<vmem>>[vector<16xi32>, vector<16xi32>], vector<16xf32>,
        %scatter3A_1837 = arith.constant 1 : i32
        %scatter3A_1838 = arith.constant 0 : i32
        %scatter3A_1839 = arith.constant 0 : i32
        %scatter3A_1840 = tpu.memref_slice %arg7[%scatter3A_1837, %scatter3A_1838, %scatter3A_1839] : memref<4x32x128xf32, #tpu.memory_space<vmem>> -> memref<1x32x128xf32, #tpu.memory_space<vmem>>
        %scatter3A_1841 = tpu.memref_squeeze %scatter3A_1840 : memref<1x32x128xf32, #tpu.memory_space<vmem>> -> memref<32x128xf32, #tpu.memory_space<vmem>>
        tpu.vector_store_idx %scatter3A_1841[%add3A_1771, %add3A_1830], %gather3A_1836 : memref<32x128xf32, #tpu.memory_space<vmem>>[vector<16xi32>, vector<16xi32>], vector<16xf32>,
        %add3A_1842 = arith.constant 80 : i32
        %add3A_1843 = vector.broadcast %add3A_1842 : i32 to vector<16xi32>
        %add3A_1844 = arith.addi %add3A_1843, %iota3A : vector<16xi32>
        %gather3A_1845 = arith.constant 1 : i32
        %gather3A_1846 = arith.constant 0 : i32
        %gather3A_1847 = arith.constant 0 : i32
        %gather3A_1848 = tpu.memref_slice %arg6[%gather3A_1845, %gather3A_1846, %gather3A_1847] : memref<4x128x32xf32, #tpu.memory_space<vmem>> -> memref<1x128x32xf32, #tpu.memory_space<vmem>>
        %gather3A_1849 = tpu.memref_squeeze %gather3A_1848 : memref<1x128x32xf32, #tpu.memory_space<vmem>> -> memref<128x32xf32, #tpu.memory_space<vmem>>
        %gather3A_1850 = tpu.vector_load_idx %gather3A_1849[%add3A_1844, %add3A_1771] : memref<128x32xf32, #tpu.memory_space<vmem>>[vector<16xi32>, vector<16xi32>], vector<16xf32>,
        %scatter3A_1851 = arith.constant 1 : i32
        %scatter3A_1852 = arith.constant 0 : i32
        %scatter3A_1853 = arith.constant 0 : i32
        %scatter3A_1854 = tpu.memref_slice %arg7[%scatter3A_1851, %scatter3A_1852, %scatter3A_1853] : memref<4x32x128xf32, #tpu.memory_space<vmem>> -> memref<1x32x128xf32, #tpu.memory_space<vmem>>
        %scatter3A_1855 = tpu.memref_squeeze %scatter3A_1854 : memref<1x32x128xf32, #tpu.memory_space<vmem>> -> memref<32x128xf32, #tpu.memory_space<vmem>>
        tpu.vector_store_idx %scatter3A_1855[%add3A_1771, %add3A_1844], %gather3A_1850 : memref<32x128xf32, #tpu.memory_space<vmem>>[vector<16xi32>, vector<16xi32>], vector<16xf32>,
        %add3A_1856 = arith.constant 96 : i32
        %add3A_1857 = vector.broadcast %add3A_1856 : i32 to vector<16xi32>
        %add3A_1858 = arith.addi %add3A_1857, %iota3A : vector<16xi32>
        %gather3A_1859 = arith.constant 1 : i32
        %gather3A_1860 = arith.constant 0 : i32
        %gather3A_1861 = arith.constant 0 : i32
        %gather3A_1862 = tpu.memref_slice %arg6[%gather3A_1859, %gather3A_1860, %gather3A_1861] : memref<4x128x32xf32, #tpu.memory_space<vmem>> -> memref<1x128x32xf32, #tpu.memory_space<vmem>>
        %gather3A_1863 = tpu.memref_squeeze %gather3A_1862 : memref<1x128x32xf32, #tpu.memory_space<vmem>> -> memref<128x32xf32, #tpu.memory_space<vmem>>
        %gather3A_1864 = tpu.vector_load_idx %gather3A_1863[%add3A_1858, %add3A_1771] : memref<128x32xf32, #tpu.memory_space<vmem>>[vector<16xi32>, vector<16xi32>], vector<16xf32>,
        %scatter3A_1865 = arith.constant 1 : i32
        %scatter3A_1866 = arith.constant 0 : i32
        %scatter3A_1867 = arith.constant 0 : i32
        %scatter3A_1868 = tpu.memref_slice %arg7[%scatter3A_1865, %scatter3A_1866, %scatter3A_1867] : memref<4x32x128xf32, #tpu.memory_space<vmem>> -> memref<1x32x128xf32, #tpu.memory_space<vmem>>
        %scatter3A_1869 = tpu.memref_squeeze %scatter3A_1868 : memref<1x32x128xf32, #tpu.memory_space<vmem>> -> memref<32x128xf32, #tpu.memory_space<vmem>>
        tpu.vector_store_idx %scatter3A_1869[%add3A_1771, %add3A_1858], %gather3A_1864 : memref<32x128xf32, #tpu.memory_space<vmem>>[vector<16xi32>, vector<16xi32>], vector<16xf32>,
        %add3A_1870 = arith.constant 112 : i32
        %add3A_1871 = vector.broadcast %add3A_1870 : i32 to vector<16xi32>
        %add3A_1872 = arith.addi %add3A_1871, %iota3A : vector<16xi32>
        %gather3A_1873 = arith.constant 1 : i32
        %gather3A_1874 = arith.constant 0 : i32
        %gather3A_1875 = arith.constant 0 : i32
        %gather3A_1876 = tpu.memref_slice %arg6[%gather3A_1873, %gather3A_1874, %gather3A_1875] : memref<4x128x32xf32, #tpu.memory_space<vmem>> -> memref<1x128x32xf32, #tpu.memory_space<vmem>>
        %gather3A_1877 = tpu.memref_squeeze %gather3A_1876 : memref<1x128x32xf32, #tpu.memory_space<vmem>> -> memref<128x32xf32, #tpu.memory_space<vmem>>
        %gather3A_1878 = tpu.vector_load_idx %gather3A_1877[%add3A_1872, %add3A_1771] : memref<128x32xf32, #tpu.memory_space<vmem>>[vector<16xi32>, vector<16xi32>], vector<16xf32>,
        %scatter3A_1879 = arith.constant 1 : i32
        %scatter3A_1880 = arith.constant 0 : i32
        %scatter3A_1881 = arith.constant 0 : i32
        %scatter3A_1882 = tpu.memref_slice %arg7[%scatter3A_1879, %scatter3A_1880, %scatter3A_1881] : memref<4x32x128xf32, #tpu.memory_space<vmem>> -> memref<1x32x128xf32, #tpu.memory_space<vmem>>
        %scatter3A_1883 = tpu.memref_squeeze %scatter3A_1882 : memref<1x32x128xf32, #tpu.memory_space<vmem>> -> memref<32x128xf32, #tpu.memory_space<vmem>>
        tpu.vector_store_idx %scatter3A_1883[%add3A_1771, %add3A_1872], %gather3A_1878 : memref<32x128xf32, #tpu.memory_space<vmem>>[vector<16xi32>, vector<16xi32>], vector<16xf32>,
      }
      %scan3A_744 = arith.constant 16 : i32
      %jit3A_745 = arith.constant 26 : i32
      %div3A_746 = arith.divsi %add3A_682, %jit3A_745 : i32
      %sign3A_747 = arith.constant 0 : i32
      %sign3A_748 = arith.cmpi sgt, %add3A_682, %sign3A_747 : i32
      %sign3A_749 = arith.extui %sign3A_748 : i1 to i32
      %sign3A_750 = arith.constant 0 : i32
      %sign3A_751 = arith.cmpi slt, %add3A_682, %sign3A_750 : i32
      %sign3A_752 = arith.extui %sign3A_751 : i1 to i32
      %sign3A_753 = arith.subi %sign3A_749, %sign3A_752 : i32
      %sign3A_754 = arith.constant 0 : i32
      %sign3A_755 = arith.cmpi sgt, %jit3A_745, %sign3A_754 : i32
      %sign3A_756 = arith.extui %sign3A_755 : i1 to i32
      %sign3A_757 = arith.constant 0 : i32
      %sign3A_758 = arith.cmpi slt, %jit3A_745, %sign3A_757 : i32
      %sign3A_759 = arith.extui %sign3A_758 : i1 to i32
      %sign3A_760 = arith.subi %sign3A_756, %sign3A_759 : i32
      %ne3A_761 = arith.cmpi ne, %sign3A_753, %sign3A_760 : i32
      %rem3A_762 = arith.remsi %add3A_682, %jit3A_745 : i32
      %ne3A_763 = arith.constant 0 : i32
      %ne3A_764 = arith.cmpi ne, %rem3A_762, %ne3A_763 : i32
      %and3A_765 = arith.andi %ne3A_761, %ne3A_764 : i1
      %sub3A_766 = arith.constant 1 : i32
      %sub3A_767 = arith.subi %div3A_746, %sub3A_766 : i32
      %select_n3A_768 = arith.select %and3A_765, %sub3A_767, %div3A_746 : i32
      %jit3A_769 = arith.constant 26 : i32
      %eq3A_770 = arith.constant 0 : i32
      %eq3A_771 = arith.cmpi eq, %jit3A_769, %eq3A_770 : i32
      %jit3A_772 = arith.constant 1 : i32
      %select_n3A_773 = arith.select %eq3A_771, %jit3A_772, %jit3A_769 : i32
      %rem3A_774 = arith.remsi %add3A_682, %select_n3A_773 : i32
      %ne3A_775 = arith.constant 0 : i32
      %ne3A_776 = arith.cmpi ne, %rem3A_774, %ne3A_775 : i32
      %lt3A_777 = arith.constant 0 : i32
      %lt3A_778 = arith.cmpi slt, %rem3A_774, %lt3A_777 : i32
      %lt3A_779 = arith.constant 0 : i32
      %lt3A_780 = arith.cmpi slt, %select_n3A_773, %lt3A_779 : i32
      %ne3A_781 = arith.xori %lt3A_778, %lt3A_780 : i1
      %and3A_782 = arith.andi %ne3A_781, %ne3A_776 : i1
      %add3A_783 = arith.addi %rem3A_774, %select_n3A_773 : i32
      %select_n3A_784 = arith.select %and3A_782, %add3A_783, %rem3A_774 : i32
      %mul3A_785 = arith.constant 4 : i32
      %mul3A_786 = arith.muli %select_n3A_784, %mul3A_785 : i32
      %add3A_787 = arith.constant 0 : i32
      %add3A_788 = arith.addi %mul3A_786, %add3A_787 : i32
      %mul3A_789 = arith.constant 128 : i32
      %mul3A_790 = arith.muli %add3A_788, %mul3A_789 : i32
      %add3A_791 = arith.addi %mul3A_790, %mul3A_2 : i32
      %add3A_792 = arith.addi %add3A_791, %select_n3A_768 : i32
      %mul3A_793 = arith.constant 8 : i32
      %mul3A_794 = arith.muli %add3A_792, %mul3A_793 : i32
      %dma_start3A_795 = arith.constant 1 : i32
      %dma_start3A_796 = arith.constant 0 : i32
      %dma_start3A_797 = arith.constant 0 : i32
      %dma_start3A_798 = tpu.memref_slice %arg7[%dma_start3A_795, %dma_start3A_796, %dma_start3A_797] : memref<4x32x128xf32, #tpu.memory_space<vmem>> -> memref<1x8x128xf32, #tpu.memory_space<vmem>>
      %dma_start3A_799 = tpu.memref_squeeze %dma_start3A_798 : memref<1x8x128xf32, #tpu.memory_space<vmem>> -> memref<8x128xf32, #tpu.memory_space<vmem>>
      %dma_start3A_800 = arith.constant 0 : i32
      %dma_start3A_801 = tpu.memref_slice %arg4[%mul3A_794, %dma_start3A_800] : memref<106496x128xf32, #tpu.memory_space<hbm>> -> memref<8x128xf32, #tpu.memory_space<hbm>>
      %dma_start3A_802 = arith.constant 0 : i32
      %dma_start3A_803 = tpu.memref_slice %arg4[%mul3A_794, %dma_start3A_802] : memref<106496x128xf32, #tpu.memory_space<hbm>> -> memref<8x128xf32, #tpu.memory_space<hbm>>
      %dma_start3A_804 = arith.constant 0 : i32
      %dma_start3A_805 = arith.constant 0 : i32
      %dma_start3A_806 = tpu.memref_slice %arg7[%dma_start3A_795, %dma_start3A_804, %dma_start3A_805] : memref<4x32x128xf32, #tpu.memory_space<vmem>> -> memref<1x8x128xf32, #tpu.memory_space<vmem>>
      %dma_start3A_807 = tpu.memref_squeeze %dma_start3A_806 : memref<1x8x128xf32, #tpu.memory_space<vmem>> -> memref<8x128xf32, #tpu.memory_space<vmem>>
      tpu.enqueue_dma source(%dma_start3A_807 : memref<8x128xf32, #tpu.memory_space<vmem>>) target(%dma_start3A_803 : memref<8x128xf32, #tpu.memory_space<hbm>>) target_semaphore(%arg13 : memref<!tpu.dma_semaphore, #tpu.memory_space<semaphore_mem>>)
      %jit3A_808 = arith.constant 26 : i32
      %div3A_809 = arith.divsi %add3A_682, %jit3A_808 : i32
      %sign3A_810 = arith.constant 0 : i32
      %sign3A_811 = arith.cmpi sgt, %add3A_682, %sign3A_810 : i32
      %sign3A_812 = arith.extui %sign3A_811 : i1 to i32
      %sign3A_813 = arith.constant 0 : i32
      %sign3A_814 = arith.cmpi slt, %add3A_682, %sign3A_813 : i32
      %sign3A_815 = arith.extui %sign3A_814 : i1 to i32
      %sign3A_816 = arith.subi %sign3A_812, %sign3A_815 : i32
      %sign3A_817 = arith.constant 0 : i32
      %sign3A_818 = arith.cmpi sgt, %jit3A_808, %sign3A_817 : i32
      %sign3A_819 = arith.extui %sign3A_818 : i1 to i32
      %sign3A_820 = arith.constant 0 : i32
      %sign3A_821 = arith.cmpi slt, %jit3A_808, %sign3A_820 : i32
      %sign3A_822 = arith.extui %sign3A_821 : i1 to i32
      %sign3A_823 = arith.subi %sign3A_819, %sign3A_822 : i32
      %ne3A_824 = arith.cmpi ne, %sign3A_816, %sign3A_823 : i32
      %rem3A_825 = arith.remsi %add3A_682, %jit3A_808 : i32
      %ne3A_826 = arith.constant 0 : i32
      %ne3A_827 = arith.cmpi ne, %rem3A_825, %ne3A_826 : i32
      %and3A_828 = arith.andi %ne3A_824, %ne3A_827 : i1
      %sub3A_829 = arith.constant 1 : i32
      %sub3A_830 = arith.subi %div3A_809, %sub3A_829 : i32
      %select_n3A_831 = arith.select %and3A_828, %sub3A_830, %div3A_809 : i32
      %jit3A_832 = arith.constant 26 : i32
      %eq3A_833 = arith.constant 0 : i32
      %eq3A_834 = arith.cmpi eq, %jit3A_832, %eq3A_833 : i32
      %jit3A_835 = arith.constant 1 : i32
      %select_n3A_836 = arith.select %eq3A_834, %jit3A_835, %jit3A_832 : i32
      %rem3A_837 = arith.remsi %add3A_682, %select_n3A_836 : i32
      %ne3A_838 = arith.constant 0 : i32
      %ne3A_839 = arith.cmpi ne, %rem3A_837, %ne3A_838 : i32
      %lt3A_840 = arith.constant 0 : i32
      %lt3A_841 = arith.cmpi slt, %rem3A_837, %lt3A_840 : i32
      %lt3A_842 = arith.constant 0 : i32
      %lt3A_843 = arith.cmpi slt, %select_n3A_836, %lt3A_842 : i32
      %ne3A_844 = arith.xori %lt3A_841, %lt3A_843 : i1
      %and3A_845 = arith.andi %ne3A_844, %ne3A_839 : i1
      %add3A_846 = arith.addi %rem3A_837, %select_n3A_836 : i32
      %select_n3A_847 = arith.select %and3A_845, %add3A_846, %rem3A_837 : i32
      %mul3A_848 = arith.constant 4 : i32
      %mul3A_849 = arith.muli %select_n3A_847, %mul3A_848 : i32
      %add3A_850 = arith.constant 1 : i32
      %add3A_851 = arith.addi %mul3A_849, %add3A_850 : i32
      %mul3A_852 = arith.constant 128 : i32
      %mul3A_853 = arith.muli %add3A_851, %mul3A_852 : i32
      %add3A_854 = arith.addi %mul3A_853, %mul3A_2 : i32
      %add3A_855 = arith.addi %add3A_854, %select_n3A_831 : i32
      %mul3A_856 = arith.constant 8 : i32
      %mul3A_857 = arith.muli %add3A_855, %mul3A_856 : i32
      %dma_start3A_858 = arith.constant 1 : i32
      %dma_start3A_859 = arith.constant 8 : i32
      %dma_start3A_860 = arith.constant 0 : i32
      %dma_start3A_861 = tpu.memref_slice %arg7[%dma_start3A_858, %dma_start3A_859, %dma_start3A_860] : memref<4x32x128xf32, #tpu.memory_space<vmem>> -> memref<1x8x128xf32, #tpu.memory_space<vmem>>
      %dma_start3A_862 = tpu.memref_squeeze %dma_start3A_861 : memref<1x8x128xf32, #tpu.memory_space<vmem>> -> memref<8x128xf32, #tpu.memory_space<vmem>>
      %dma_start3A_863 = arith.constant 0 : i32
      %dma_start3A_864 = tpu.memref_slice %arg4[%mul3A_857, %dma_start3A_863] : memref<106496x128xf32, #tpu.memory_space<hbm>> -> memref<8x128xf32, #tpu.memory_space<hbm>>
      %dma_start3A_865 = arith.constant 0 : i32
      %dma_start3A_866 = tpu.memref_slice %arg4[%mul3A_857, %dma_start3A_865] : memref<106496x128xf32, #tpu.memory_space<hbm>> -> memref<8x128xf32, #tpu.memory_space<hbm>>
      %dma_start3A_867 = arith.constant 8 : i32
      %dma_start3A_868 = arith.constant 0 : i32
      %dma_start3A_869 = tpu.memref_slice %arg7[%dma_start3A_858, %dma_start3A_867, %dma_start3A_868] : memref<4x32x128xf32, #tpu.memory_space<vmem>> -> memref<1x8x128xf32, #tpu.memory_space<vmem>>
      %dma_start3A_870 = tpu.memref_squeeze %dma_start3A_869 : memref<1x8x128xf32, #tpu.memory_space<vmem>> -> memref<8x128xf32, #tpu.memory_space<vmem>>
      tpu.enqueue_dma source(%dma_start3A_870 : memref<8x128xf32, #tpu.memory_space<vmem>>) target(%dma_start3A_866 : memref<8x128xf32, #tpu.memory_space<hbm>>) target_semaphore(%arg13 : memref<!tpu.dma_semaphore, #tpu.memory_space<semaphore_mem>>)
      %jit3A_871 = arith.constant 26 : i32
      %div3A_872 = arith.divsi %add3A_682, %jit3A_871 : i32
      %sign3A_873 = arith.constant 0 : i32
      %sign3A_874 = arith.cmpi sgt, %add3A_682, %sign3A_873 : i32
      %sign3A_875 = arith.extui %sign3A_874 : i1 to i32
      %sign3A_876 = arith.constant 0 : i32
      %sign3A_877 = arith.cmpi slt, %add3A_682, %sign3A_876 : i32
      %sign3A_878 = arith.extui %sign3A_877 : i1 to i32
      %sign3A_879 = arith.subi %sign3A_875, %sign3A_878 : i32
      %sign3A_880 = arith.constant 0 : i32
      %sign3A_881 = arith.cmpi sgt, %jit3A_871, %sign3A_880 : i32
      %sign3A_882 = arith.extui %sign3A_881 : i1 to i32
      %sign3A_883 = arith.constant 0 : i32
      %sign3A_884 = arith.cmpi slt, %jit3A_871, %sign3A_883 : i32
      %sign3A_885 = arith.extui %sign3A_884 : i1 to i32
      %sign3A_886 = arith.subi %sign3A_882, %sign3A_885 : i32
      %ne3A_887 = arith.cmpi ne, %sign3A_879, %sign3A_886 : i32
      %rem3A_888 = arith.remsi %add3A_682, %jit3A_871 : i32
      %ne3A_889 = arith.constant 0 : i32
      %ne3A_890 = arith.cmpi ne, %rem3A_888, %ne3A_889 : i32
      %and3A_891 = arith.andi %ne3A_887, %ne3A_890 : i1
      %sub3A_892 = arith.constant 1 : i32
      %sub3A_893 = arith.subi %div3A_872, %sub3A_892 : i32
      %select_n3A_894 = arith.select %and3A_891, %sub3A_893, %div3A_872 : i32
      %jit3A_895 = arith.constant 26 : i32
      %eq3A_896 = arith.constant 0 : i32
      %eq3A_897 = arith.cmpi eq, %jit3A_895, %eq3A_896 : i32
      %jit3A_898 = arith.constant 1 : i32
      %select_n3A_899 = arith.select %eq3A_897, %jit3A_898, %jit3A_895 : i32
      %rem3A_900 = arith.remsi %add3A_682, %select_n3A_899 : i32
      %ne3A_901 = arith.constant 0 : i32
      %ne3A_902 = arith.cmpi ne, %rem3A_900, %ne3A_901 : i32
      %lt3A_903 = arith.constant 0 : i32
      %lt3A_904 = arith.cmpi slt, %rem3A_900, %lt3A_903 : i32
      %lt3A_905 = arith.constant 0 : i32
      %lt3A_906 = arith.cmpi slt, %select_n3A_899, %lt3A_905 : i32
      %ne3A_907 = arith.xori %lt3A_904, %lt3A_906 : i1
      %and3A_908 = arith.andi %ne3A_907, %ne3A_902 : i1
      %add3A_909 = arith.addi %rem3A_900, %select_n3A_899 : i32
      %select_n3A_910 = arith.select %and3A_908, %add3A_909, %rem3A_900 : i32
      %mul3A_911 = arith.constant 4 : i32
      %mul3A_912 = arith.muli %select_n3A_910, %mul3A_911 : i32
      %add3A_913 = arith.constant 2 : i32
      %add3A_914 = arith.addi %mul3A_912, %add3A_913 : i32
      %mul3A_915 = arith.constant 128 : i32
      %mul3A_916 = arith.muli %add3A_914, %mul3A_915 : i32
      %add3A_917 = arith.addi %mul3A_916, %mul3A_2 : i32
      %add3A_918 = arith.addi %add3A_917, %select_n3A_894 : i32
      %mul3A_919 = arith.constant 8 : i32
      %mul3A_920 = arith.muli %add3A_918, %mul3A_919 : i32
      %dma_start3A_921 = arith.constant 1 : i32
      %dma_start3A_922 = arith.constant 16 : i32
      %dma_start3A_923 = arith.constant 0 : i32
      %dma_start3A_924 = tpu.memref_slice %arg7[%dma_start3A_921, %dma_start3A_922, %dma_start3A_923] : memref<4x32x128xf32, #tpu.memory_space<vmem>> -> memref<1x8x128xf32, #tpu.memory_space<vmem>>
      %dma_start3A_925 = tpu.memref_squeeze %dma_start3A_924 : memref<1x8x128xf32, #tpu.memory_space<vmem>> -> memref<8x128xf32, #tpu.memory_space<vmem>>
      %dma_start3A_926 = arith.constant 0 : i32
      %dma_start3A_927 = tpu.memref_slice %arg4[%mul3A_920, %dma_start3A_926] : memref<106496x128xf32, #tpu.memory_space<hbm>> -> memref<8x128xf32, #tpu.memory_space<hbm>>
      %dma_start3A_928 = arith.constant 0 : i32
      %dma_start3A_929 = tpu.memref_slice %arg4[%mul3A_920, %dma_start3A_928] : memref<106496x128xf32, #tpu.memory_space<hbm>> -> memref<8x128xf32, #tpu.memory_space<hbm>>
      %dma_start3A_930 = arith.constant 16 : i32
      %dma_start3A_931 = arith.constant 0 : i32
      %dma_start3A_932 = tpu.memref_slice %arg7[%dma_start3A_921, %dma_start3A_930, %dma_start3A_931] : memref<4x32x128xf32, #tpu.memory_space<vmem>> -> memref<1x8x128xf32, #tpu.memory_space<vmem>>
      %dma_start3A_933 = tpu.memref_squeeze %dma_start3A_932 : memref<1x8x128xf32, #tpu.memory_space<vmem>> -> memref<8x128xf32, #tpu.memory_space<vmem>>
      tpu.enqueue_dma source(%dma_start3A_933 : memref<8x128xf32, #tpu.memory_space<vmem>>) target(%dma_start3A_929 : memref<8x128xf32, #tpu.memory_space<hbm>>) target_semaphore(%arg13 : memref<!tpu.dma_semaphore, #tpu.memory_space<semaphore_mem>>)
      %jit3A_934 = arith.constant 26 : i32
      %div3A_935 = arith.divsi %add3A_682, %jit3A_934 : i32
      %sign3A_936 = arith.constant 0 : i32
      %sign3A_937 = arith.cmpi sgt, %add3A_682, %sign3A_936 : i32
      %sign3A_938 = arith.extui %sign3A_937 : i1 to i32
      %sign3A_939 = arith.constant 0 : i32
      %sign3A_940 = arith.cmpi slt, %add3A_682, %sign3A_939 : i32
      %sign3A_941 = arith.extui %sign3A_940 : i1 to i32
      %sign3A_942 = arith.subi %sign3A_938, %sign3A_941 : i32
      %sign3A_943 = arith.constant 0 : i32
      %sign3A_944 = arith.cmpi sgt, %jit3A_934, %sign3A_943 : i32
      %sign3A_945 = arith.extui %sign3A_944 : i1 to i32
      %sign3A_946 = arith.constant 0 : i32
      %sign3A_947 = arith.cmpi slt, %jit3A_934, %sign3A_946 : i32
      %sign3A_948 = arith.extui %sign3A_947 : i1 to i32
      %sign3A_949 = arith.subi %sign3A_945, %sign3A_948 : i32
      %ne3A_950 = arith.cmpi ne, %sign3A_942, %sign3A_949 : i32
      %rem3A_951 = arith.remsi %add3A_682, %jit3A_934 : i32
      %ne3A_952 = arith.constant 0 : i32
      %ne3A_953 = arith.cmpi ne, %rem3A_951, %ne3A_952 : i32
      %and3A_954 = arith.andi %ne3A_950, %ne3A_953 : i1
      %sub3A_955 = arith.constant 1 : i32
      %sub3A_956 = arith.subi %div3A_935, %sub3A_955 : i32
      %select_n3A_957 = arith.select %and3A_954, %sub3A_956, %div3A_935 : i32
      %jit3A_958 = arith.constant 26 : i32
      %eq3A_959 = arith.constant 0 : i32
      %eq3A_960 = arith.cmpi eq, %jit3A_958, %eq3A_959 : i32
      %jit3A_961 = arith.constant 1 : i32
      %select_n3A_962 = arith.select %eq3A_960, %jit3A_961, %jit3A_958 : i32
      %rem3A_963 = arith.remsi %add3A_682, %select_n3A_962 : i32
      %ne3A_964 = arith.constant 0 : i32
      %ne3A_965 = arith.cmpi ne, %rem3A_963, %ne3A_964 : i32
      %lt3A_966 = arith.constant 0 : i32
      %lt3A_967 = arith.cmpi slt, %rem3A_963, %lt3A_966 : i32
      %lt3A_968 = arith.constant 0 : i32
      %lt3A_969 = arith.cmpi slt, %select_n3A_962, %lt3A_968 : i32
      %ne3A_970 = arith.xori %lt3A_967, %lt3A_969 : i1
      %and3A_971 = arith.andi %ne3A_970, %ne3A_965 : i1
      %add3A_972 = arith.addi %rem3A_963, %select_n3A_962 : i32
      %select_n3A_973 = arith.select %and3A_971, %add3A_972, %rem3A_963 : i32
      %mul3A_974 = arith.constant 4 : i32
      %mul3A_975 = arith.muli %select_n3A_973, %mul3A_974 : i32
      %add3A_976 = arith.constant 3 : i32
      %add3A_977 = arith.addi %mul3A_975, %add3A_976 : i32
      %mul3A_978 = arith.constant 128 : i32
      %mul3A_979 = arith.muli %add3A_977, %mul3A_978 : i32
      %add3A_980 = arith.addi %mul3A_979, %mul3A_2 : i32
      %add3A_981 = arith.addi %add3A_980, %select_n3A_957 : i32
      %mul3A_982 = arith.constant 8 : i32
      %mul3A_983 = arith.muli %add3A_981, %mul3A_982 : i32
      %dma_start3A_984 = arith.constant 1 : i32
      %dma_start3A_985 = arith.constant 24 : i32
      %dma_start3A_986 = arith.constant 0 : i32
      %dma_start3A_987 = tpu.memref_slice %arg7[%dma_start3A_984, %dma_start3A_985, %dma_start3A_986] : memref<4x32x128xf32, #tpu.memory_space<vmem>> -> memref<1x8x128xf32, #tpu.memory_space<vmem>>
      %dma_start3A_988 = tpu.memref_squeeze %dma_start3A_987 : memref<1x8x128xf32, #tpu.memory_space<vmem>> -> memref<8x128xf32, #tpu.memory_space<vmem>>
      %dma_start3A_989 = arith.constant 0 : i32
      %dma_start3A_990 = tpu.memref_slice %arg4[%mul3A_983, %dma_start3A_989] : memref<106496x128xf32, #tpu.memory_space<hbm>> -> memref<8x128xf32, #tpu.memory_space<hbm>>
      %dma_start3A_991 = arith.constant 0 : i32
      %dma_start3A_992 = tpu.memref_slice %arg4[%mul3A_983, %dma_start3A_991] : memref<106496x128xf32, #tpu.memory_space<hbm>> -> memref<8x128xf32, #tpu.memory_space<hbm>>
      %dma_start3A_993 = arith.constant 24 : i32
      %dma_start3A_994 = arith.constant 0 : i32
      %dma_start3A_995 = tpu.memref_slice %arg7[%dma_start3A_984, %dma_start3A_993, %dma_start3A_994] : memref<4x32x128xf32, #tpu.memory_space<vmem>> -> memref<1x8x128xf32, #tpu.memory_space<vmem>>
      %dma_start3A_996 = tpu.memref_squeeze %dma_start3A_995 : memref<1x8x128xf32, #tpu.memory_space<vmem>> -> memref<8x128xf32, #tpu.memory_space<vmem>>
      tpu.enqueue_dma source(%dma_start3A_996 : memref<8x128xf32, #tpu.memory_space<vmem>>) target(%dma_start3A_992 : memref<8x128xf32, #tpu.memory_space<hbm>>) target_semaphore(%arg13 : memref<!tpu.dma_semaphore, #tpu.memory_space<semaphore_mem>>)
      %add3A_997 = arith.constant 4 : i32
      %add3A_998 = arith.addi %add3A_682, %add3A_997 : i32
      %lt3A_999 = arith.constant 104 : i32
      %lt3A_1000 = arith.cmpi slt, %add3A_998, %lt3A_999 : i32
      %convert_element_type3A_1001 = arith.extui %lt3A_1000 : i1 to i32
      %cond3A_1002 = arith.constant 0 : i32
      %cond3A_1003 = arith.cmpi ne, %convert_element_type3A_1001, %cond3A_1002 : i32
      scf.if %cond3A_1003 {
        %add3A_1650 = arith.constant 4 : i32
        %add3A_1651 = arith.addi %add3A_682, %add3A_1650 : i32
        %jit3A_1652 = arith.constant 26 : i32
        %div3A_1653 = arith.divsi %add3A_1651, %jit3A_1652 : i32
        %sign3A_1654 = arith.constant 0 : i32
        %sign3A_1655 = arith.cmpi sgt, %add3A_1651, %sign3A_1654 : i32
        %sign3A_1656 = arith.extui %sign3A_1655 : i1 to i32
        %sign3A_1657 = arith.constant 0 : i32
        %sign3A_1658 = arith.cmpi slt, %add3A_1651, %sign3A_1657 : i32
        %sign3A_1659 = arith.extui %sign3A_1658 : i1 to i32
        %sign3A_1660 = arith.subi %sign3A_1656, %sign3A_1659 : i32
        %sign3A_1661 = arith.constant 0 : i32
        %sign3A_1662 = arith.cmpi sgt, %jit3A_1652, %sign3A_1661 : i32
        %sign3A_1663 = arith.extui %sign3A_1662 : i1 to i32
        %sign3A_1664 = arith.constant 0 : i32
        %sign3A_1665 = arith.cmpi slt, %jit3A_1652, %sign3A_1664 : i32
        %sign3A_1666 = arith.extui %sign3A_1665 : i1 to i32
        %sign3A_1667 = arith.subi %sign3A_1663, %sign3A_1666 : i32
        %ne3A_1668 = arith.cmpi ne, %sign3A_1660, %sign3A_1667 : i32
        %rem3A_1669 = arith.remsi %add3A_1651, %jit3A_1652 : i32
        %ne3A_1670 = arith.constant 0 : i32
        %ne3A_1671 = arith.cmpi ne, %rem3A_1669, %ne3A_1670 : i32
        %and3A_1672 = arith.andi %ne3A_1668, %ne3A_1671 : i1
        %sub3A_1673 = arith.constant 1 : i32
        %sub3A_1674 = arith.subi %div3A_1653, %sub3A_1673 : i32
        %select_n3A_1675 = arith.select %and3A_1672, %sub3A_1674, %div3A_1653 : i32
        %jit3A_1676 = arith.constant 26 : i32
        %eq3A_1677 = arith.constant 0 : i32
        %eq3A_1678 = arith.cmpi eq, %jit3A_1676, %eq3A_1677 : i32
        %jit3A_1679 = arith.constant 1 : i32
        %select_n3A_1680 = arith.select %eq3A_1678, %jit3A_1679, %jit3A_1676 : i32
        %rem3A_1681 = arith.remsi %add3A_1651, %select_n3A_1680 : i32
        %ne3A_1682 = arith.constant 0 : i32
        %ne3A_1683 = arith.cmpi ne, %rem3A_1681, %ne3A_1682 : i32
        %lt3A_1684 = arith.constant 0 : i32
        %lt3A_1685 = arith.cmpi slt, %rem3A_1681, %lt3A_1684 : i32
        %lt3A_1686 = arith.constant 0 : i32
        %lt3A_1687 = arith.cmpi slt, %select_n3A_1680, %lt3A_1686 : i32
        %ne3A_1688 = arith.xori %lt3A_1685, %lt3A_1687 : i1
        %and3A_1689 = arith.andi %ne3A_1688, %ne3A_1683 : i1
        %add3A_1690 = arith.addi %rem3A_1681, %select_n3A_1680 : i32
        %select_n3A_1691 = arith.select %and3A_1689, %add3A_1690, %rem3A_1681 : i32
        %dma_start3A_1692 = arith.constant 1 : i32
        %dma_start3A_1693 = arith.constant 0 : i32
        %dma_start3A_1694 = arith.constant 0 : i32
        %dma_start3A_1695 = tpu.memref_slice %arg6[%dma_start3A_1692, %dma_start3A_1693, %dma_start3A_1694] : memref<4x128x32xf32, #tpu.memory_space<vmem>> -> memref<1x128x32xf32, #tpu.memory_space<vmem>>
        %dma_start3A_1696 = tpu.memref_squeeze %dma_start3A_1695 : memref<1x128x32xf32, #tpu.memory_space<vmem>> -> memref<128x32xf32, #tpu.memory_space<vmem>>
        %dma_start3A_1697 = arith.constant 0 : i32
        %dma_start3A_1698 = tpu.memref_slice %arg5[%select_n3A_1691, %select_n3A_1675, %dma_start3A_1697] : memref<26x4x128xi32, #tpu.memory_space<vmem>> -> memref<1x1x128xi32, #tpu.memory_space<vmem>>
        %dma_start3A_1699 = tpu.memref_squeeze %dma_start3A_1698 : memref<1x1x128xi32, #tpu.memory_space<vmem>> -> memref<128xi32, #tpu.memory_space<vmem>>
        %dma_start3A_1700 = arith.constant 0 : i32
        %dma_start3A_1701 = arith.constant 0 : i32
        %dma_start3A_1702 = tpu.memref_slice %arg3[%dma_start3A_1700, %dma_start3A_1701] : memref<1015808x32xf32, #tpu.memory_space<hbm>> -> memref<1015808x32xf32, #tpu.memory_space<hbm>>
        tpu.enqueue_indirect_dma source(%dma_start3A_1702 : memref<1015808x32xf32, #tpu.memory_space<hbm>>) target(%dma_start3A_1696 : memref<128x32xf32, #tpu.memory_space<vmem>>) offsets(%dma_start3A_1699 : memref<128xi32, #tpu.memory_space<vmem>>) semaphore(%arg9 : memref<!tpu.dma_semaphore, #tpu.memory_space<semaphore_mem>>)
      } else {
      }
      %add3A_1004 = arith.constant 2 : i32
      %add3A_1005 = arith.addi %mul3A_370, %add3A_1004 : i32
      %jit3A_1006 = arith.constant 26 : i32
      %div3A_1007 = arith.divsi %add3A_1005, %jit3A_1006 : i32
      %sign3A_1008 = arith.constant 0 : i32
      %sign3A_1009 = arith.cmpi sgt, %add3A_1005, %sign3A_1008 : i32
      %sign3A_1010 = arith.extui %sign3A_1009 : i1 to i32
      %sign3A_1011 = arith.constant 0 : i32
      %sign3A_1012 = arith.cmpi slt, %add3A_1005, %sign3A_1011 : i32
      %sign3A_1013 = arith.extui %sign3A_1012 : i1 to i32
      %sign3A_1014 = arith.subi %sign3A_1010, %sign3A_1013 : i32
      %sign3A_1015 = arith.constant 0 : i32
      %sign3A_1016 = arith.cmpi sgt, %jit3A_1006, %sign3A_1015 : i32
      %sign3A_1017 = arith.extui %sign3A_1016 : i1 to i32
      %sign3A_1018 = arith.constant 0 : i32
      %sign3A_1019 = arith.cmpi slt, %jit3A_1006, %sign3A_1018 : i32
      %sign3A_1020 = arith.extui %sign3A_1019 : i1 to i32
      %sign3A_1021 = arith.subi %sign3A_1017, %sign3A_1020 : i32
      %ne3A_1022 = arith.cmpi ne, %sign3A_1014, %sign3A_1021 : i32
      %rem3A_1023 = arith.remsi %add3A_1005, %jit3A_1006 : i32
      %ne3A_1024 = arith.constant 0 : i32
      %ne3A_1025 = arith.cmpi ne, %rem3A_1023, %ne3A_1024 : i32
      %and3A_1026 = arith.andi %ne3A_1022, %ne3A_1025 : i1
      %sub3A_1027 = arith.constant 1 : i32
      %sub3A_1028 = arith.subi %div3A_1007, %sub3A_1027 : i32
      %select_n3A_1029 = arith.select %and3A_1026, %sub3A_1028, %div3A_1007 : i32
      %jit3A_1030 = arith.constant 26 : i32
      %eq3A_1031 = arith.constant 0 : i32
      %eq3A_1032 = arith.cmpi eq, %jit3A_1030, %eq3A_1031 : i32
      %jit3A_1033 = arith.constant 1 : i32
      %select_n3A_1034 = arith.select %eq3A_1032, %jit3A_1033, %jit3A_1030 : i32
      %rem3A_1035 = arith.remsi %add3A_1005, %select_n3A_1034 : i32
      %ne3A_1036 = arith.constant 0 : i32
      %ne3A_1037 = arith.cmpi ne, %rem3A_1035, %ne3A_1036 : i32
      %lt3A_1038 = arith.constant 0 : i32
      %lt3A_1039 = arith.cmpi slt, %rem3A_1035, %lt3A_1038 : i32
      %lt3A_1040 = arith.constant 0 : i32
      %lt3A_1041 = arith.cmpi slt, %select_n3A_1034, %lt3A_1040 : i32
      %ne3A_1042 = arith.xori %lt3A_1039, %lt3A_1041 : i1
      %and3A_1043 = arith.andi %ne3A_1042, %ne3A_1037 : i1
      %add3A_1044 = arith.addi %rem3A_1035, %select_n3A_1034 : i32
      %select_n3A_1045 = arith.select %and3A_1043, %add3A_1044, %rem3A_1035 : i32
      %dma_wait3A_1046 = arith.constant 2 : i32
      %dma_wait3A_1047 = arith.constant 0 : i32
      %dma_wait3A_1048 = arith.constant 0 : i32
      %dma_wait3A_1049 = tpu.memref_slice %arg6[%dma_wait3A_1046, %dma_wait3A_1047, %dma_wait3A_1048] : memref<4x128x32xf32, #tpu.memory_space<vmem>> -> memref<1x128x32xf32, #tpu.memory_space<vmem>>
      %dma_wait3A_1050 = tpu.memref_squeeze %dma_wait3A_1049 : memref<1x128x32xf32, #tpu.memory_space<vmem>> -> memref<128x32xf32, #tpu.memory_space<vmem>>
      %dma_wait3A_1051 = arith.constant 0 : i32
      %dma_wait3A_1052 = tpu.memref_slice %arg5[%select_n3A_1045, %select_n3A_1029, %dma_wait3A_1051] : memref<26x4x128xi32, #tpu.memory_space<vmem>> -> memref<1x1x128xi32, #tpu.memory_space<vmem>>
      %dma_wait3A_1053 = tpu.memref_squeeze %dma_wait3A_1052 : memref<1x1x128xi32, #tpu.memory_space<vmem>> -> memref<128xi32, #tpu.memory_space<vmem>>
      %dma_wait3A_1054 = arith.constant 0 : i32
      %dma_wait3A_1055 = arith.constant 0 : i32
      %dma_wait3A_1056 = tpu.memref_slice %arg3[%dma_wait3A_1054, %dma_wait3A_1055] : memref<1015808x32xf32, #tpu.memory_space<hbm>> -> memref<1015808x32xf32, #tpu.memory_space<hbm>>
      tpu.wait_indirect_dma semaphore(%arg10 : memref<!tpu.dma_semaphore, #tpu.memory_space<semaphore_mem>>) src(%dma_wait3A_1056 : memref<1015808x32xf32, #tpu.memory_space<hbm>>) dst(%dma_wait3A_1050 : memref<128x32xf32, #tpu.memory_space<vmem>>)
      %ge3A_1057 = arith.constant 4 : i32
      %ge3A_1058 = arith.cmpi sge, %add3A_1005, %ge3A_1057 : i32
      %convert_element_type3A_1059 = arith.extui %ge3A_1058 : i1 to i32
      %cond3A_1060 = arith.constant 0 : i32
      %cond3A_1061 = arith.cmpi ne, %convert_element_type3A_1059, %cond3A_1060 : i32
      scf.if %cond3A_1061 {
        %sub3A_1650 = arith.constant 4 : i32
        %sub3A_1651 = arith.subi %add3A_1005, %sub3A_1650 : i32
        %jit3A_1652 = arith.constant 26 : i32
        %div3A_1653 = arith.divsi %sub3A_1651, %jit3A_1652 : i32
        %sign3A_1654 = arith.constant 0 : i32
        %sign3A_1655 = arith.cmpi sgt, %sub3A_1651, %sign3A_1654 : i32
        %sign3A_1656 = arith.extui %sign3A_1655 : i1 to i32
        %sign3A_1657 = arith.constant 0 : i32
        %sign3A_1658 = arith.cmpi slt, %sub3A_1651, %sign3A_1657 : i32
        %sign3A_1659 = arith.extui %sign3A_1658 : i1 to i32
        %sign3A_1660 = arith.subi %sign3A_1656, %sign3A_1659 : i32
        %sign3A_1661 = arith.constant 0 : i32
        %sign3A_1662 = arith.cmpi sgt, %jit3A_1652, %sign3A_1661 : i32
        %sign3A_1663 = arith.extui %sign3A_1662 : i1 to i32
        %sign3A_1664 = arith.constant 0 : i32
        %sign3A_1665 = arith.cmpi slt, %jit3A_1652, %sign3A_1664 : i32
        %sign3A_1666 = arith.extui %sign3A_1665 : i1 to i32
        %sign3A_1667 = arith.subi %sign3A_1663, %sign3A_1666 : i32
        %ne3A_1668 = arith.cmpi ne, %sign3A_1660, %sign3A_1667 : i32
        %rem3A_1669 = arith.remsi %sub3A_1651, %jit3A_1652 : i32
        %ne3A_1670 = arith.constant 0 : i32
        %ne3A_1671 = arith.cmpi ne, %rem3A_1669, %ne3A_1670 : i32
        %and3A_1672 = arith.andi %ne3A_1668, %ne3A_1671 : i1
        %sub3A_1673 = arith.constant 1 : i32
        %sub3A_1674 = arith.subi %div3A_1653, %sub3A_1673 : i32
        %select_n3A_1675 = arith.select %and3A_1672, %sub3A_1674, %div3A_1653 : i32
        %jit3A_1676 = arith.constant 26 : i32
        %eq3A_1677 = arith.constant 0 : i32
        %eq3A_1678 = arith.cmpi eq, %jit3A_1676, %eq3A_1677 : i32
        %jit3A_1679 = arith.constant 1 : i32
        %select_n3A_1680 = arith.select %eq3A_1678, %jit3A_1679, %jit3A_1676 : i32
        %rem3A_1681 = arith.remsi %sub3A_1651, %select_n3A_1680 : i32
        %ne3A_1682 = arith.constant 0 : i32
        %ne3A_1683 = arith.cmpi ne, %rem3A_1681, %ne3A_1682 : i32
        %lt3A_1684 = arith.constant 0 : i32
        %lt3A_1685 = arith.cmpi slt, %rem3A_1681, %lt3A_1684 : i32
        %lt3A_1686 = arith.constant 0 : i32
        %lt3A_1687 = arith.cmpi slt, %select_n3A_1680, %lt3A_1686 : i32
        %ne3A_1688 = arith.xori %lt3A_1685, %lt3A_1687 : i1
        %and3A_1689 = arith.andi %ne3A_1688, %ne3A_1683 : i1
        %add3A_1690 = arith.addi %rem3A_1681, %select_n3A_1680 : i32
        %select_n3A_1691 = arith.select %and3A_1689, %add3A_1690, %rem3A_1681 : i32
        %mul3A_1692 = arith.constant 4 : i32
        %mul3A_1693 = arith.muli %select_n3A_1691, %mul3A_1692 : i32
        %add3A_1694 = arith.constant 0 : i32
        %add3A_1695 = arith.addi %mul3A_1693, %add3A_1694 : i32
        %mul3A_1696 = arith.constant 128 : i32
        %mul3A_1697 = arith.muli %add3A_1695, %mul3A_1696 : i32
        %add3A_1698 = arith.addi %mul3A_1697, %mul3A_2 : i32
        %add3A_1699 = arith.addi %add3A_1698, %select_n3A_1675 : i32
        %mul3A_1700 = arith.constant 8 : i32
        %mul3A_1701 = arith.muli %add3A_1699, %mul3A_1700 : i32
        %dma_wait3A_1702 = arith.constant 2 : i32
        %dma_wait3A_1703 = arith.constant 0 : i32
        %dma_wait3A_1704 = arith.constant 0 : i32
        %dma_wait3A_1705 = tpu.memref_slice %arg7[%dma_wait3A_1702, %dma_wait3A_1703, %dma_wait3A_1704] : memref<4x32x128xf32, #tpu.memory_space<vmem>> -> memref<1x8x128xf32, #tpu.memory_space<vmem>>
        %dma_wait3A_1706 = tpu.memref_squeeze %dma_wait3A_1705 : memref<1x8x128xf32, #tpu.memory_space<vmem>> -> memref<8x128xf32, #tpu.memory_space<vmem>>
        %dma_wait3A_1707 = arith.constant 0 : i32
        %dma_wait3A_1708 = tpu.memref_slice %arg4[%mul3A_1701, %dma_wait3A_1707] : memref<106496x128xf32, #tpu.memory_space<hbm>> -> memref<8x128xf32, #tpu.memory_space<hbm>>
        %dma_wait3A_1709 = arith.constant 0 : i32
        %dma_wait3A_1710 = tpu.memref_slice %arg4[%mul3A_1701, %dma_wait3A_1709] : memref<106496x128xf32, #tpu.memory_space<hbm>> -> memref<8x128xf32, #tpu.memory_space<hbm>>
        %dma_wait3A_1711 = arith.constant 0 : i32
        %dma_wait3A_1712 = arith.constant 0 : i32
        %dma_wait3A_1713 = tpu.memref_slice %arg7[%dma_wait3A_1702, %dma_wait3A_1711, %dma_wait3A_1712] : memref<4x32x128xf32, #tpu.memory_space<vmem>> -> memref<1x8x128xf32, #tpu.memory_space<vmem>>
        %dma_wait3A_1714 = tpu.memref_squeeze %dma_wait3A_1713 : memref<1x8x128xf32, #tpu.memory_space<vmem>> -> memref<8x128xf32, #tpu.memory_space<vmem>>
        tpu.wait_dma2 semaphore(%arg14 : memref<!tpu.dma_semaphore, #tpu.memory_space<semaphore_mem>>) src(%dma_wait3A_1714 : memref<8x128xf32, #tpu.memory_space<vmem>>) dst(%dma_wait3A_1710 : memref<8x128xf32, #tpu.memory_space<hbm>>)
        %jit3A_1715 = arith.constant 26 : i32
        %div3A_1716 = arith.divsi %sub3A_1651, %jit3A_1715 : i32
        %sign3A_1717 = arith.constant 0 : i32
        %sign3A_1718 = arith.cmpi sgt, %sub3A_1651, %sign3A_1717 : i32
        %sign3A_1719 = arith.extui %sign3A_1718 : i1 to i32
        %sign3A_1720 = arith.constant 0 : i32
        %sign3A_1721 = arith.cmpi slt, %sub3A_1651, %sign3A_1720 : i32
        %sign3A_1722 = arith.extui %sign3A_1721 : i1 to i32
        %sign3A_1723 = arith.subi %sign3A_1719, %sign3A_1722 : i32
        %sign3A_1724 = arith.constant 0 : i32
        %sign3A_1725 = arith.cmpi sgt, %jit3A_1715, %sign3A_1724 : i32
        %sign3A_1726 = arith.extui %sign3A_1725 : i1 to i32
        %sign3A_1727 = arith.constant 0 : i32
        %sign3A_1728 = arith.cmpi slt, %jit3A_1715, %sign3A_1727 : i32
        %sign3A_1729 = arith.extui %sign3A_1728 : i1 to i32
        %sign3A_1730 = arith.subi %sign3A_1726, %sign3A_1729 : i32
        %ne3A_1731 = arith.cmpi ne, %sign3A_1723, %sign3A_1730 : i32
        %rem3A_1732 = arith.remsi %sub3A_1651, %jit3A_1715 : i32
        %ne3A_1733 = arith.constant 0 : i32
        %ne3A_1734 = arith.cmpi ne, %rem3A_1732, %ne3A_1733 : i32
        %and3A_1735 = arith.andi %ne3A_1731, %ne3A_1734 : i1
        %sub3A_1736 = arith.constant 1 : i32
        %sub3A_1737 = arith.subi %div3A_1716, %sub3A_1736 : i32
        %select_n3A_1738 = arith.select %and3A_1735, %sub3A_1737, %div3A_1716 : i32
        %jit3A_1739 = arith.constant 26 : i32
        %eq3A_1740 = arith.constant 0 : i32
        %eq3A_1741 = arith.cmpi eq, %jit3A_1739, %eq3A_1740 : i32
        %jit3A_1742 = arith.constant 1 : i32
        %select_n3A_1743 = arith.select %eq3A_1741, %jit3A_1742, %jit3A_1739 : i32
        %rem3A_1744 = arith.remsi %sub3A_1651, %select_n3A_1743 : i32
        %ne3A_1745 = arith.constant 0 : i32
        %ne3A_1746 = arith.cmpi ne, %rem3A_1744, %ne3A_1745 : i32
        %lt3A_1747 = arith.constant 0 : i32
        %lt3A_1748 = arith.cmpi slt, %rem3A_1744, %lt3A_1747 : i32
        %lt3A_1749 = arith.constant 0 : i32
        %lt3A_1750 = arith.cmpi slt, %select_n3A_1743, %lt3A_1749 : i32
        %ne3A_1751 = arith.xori %lt3A_1748, %lt3A_1750 : i1
        %and3A_1752 = arith.andi %ne3A_1751, %ne3A_1746 : i1
        %add3A_1753 = arith.addi %rem3A_1744, %select_n3A_1743 : i32
        %select_n3A_1754 = arith.select %and3A_1752, %add3A_1753, %rem3A_1744 : i32
        %mul3A_1755 = arith.constant 4 : i32
        %mul3A_1756 = arith.muli %select_n3A_1754, %mul3A_1755 : i32
        %add3A_1757 = arith.constant 1 : i32
        %add3A_1758 = arith.addi %mul3A_1756, %add3A_1757 : i32
        %mul3A_1759 = arith.constant 128 : i32
        %mul3A_1760 = arith.muli %add3A_1758, %mul3A_1759 : i32
        %add3A_1761 = arith.addi %mul3A_1760, %mul3A_2 : i32
        %add3A_1762 = arith.addi %add3A_1761, %select_n3A_1738 : i32
        %mul3A_1763 = arith.constant 8 : i32
        %mul3A_1764 = arith.muli %add3A_1762, %mul3A_1763 : i32
        %dma_wait3A_1765 = arith.constant 2 : i32
        %dma_wait3A_1766 = arith.constant 8 : i32
        %dma_wait3A_1767 = arith.constant 0 : i32
        %dma_wait3A_1768 = tpu.memref_slice %arg7[%dma_wait3A_1765, %dma_wait3A_1766, %dma_wait3A_1767] : memref<4x32x128xf32, #tpu.memory_space<vmem>> -> memref<1x8x128xf32, #tpu.memory_space<vmem>>
        %dma_wait3A_1769 = tpu.memref_squeeze %dma_wait3A_1768 : memref<1x8x128xf32, #tpu.memory_space<vmem>> -> memref<8x128xf32, #tpu.memory_space<vmem>>
        %dma_wait3A_1770 = arith.constant 0 : i32
        %dma_wait3A_1771 = tpu.memref_slice %arg4[%mul3A_1764, %dma_wait3A_1770] : memref<106496x128xf32, #tpu.memory_space<hbm>> -> memref<8x128xf32, #tpu.memory_space<hbm>>
        %dma_wait3A_1772 = arith.constant 0 : i32
        %dma_wait3A_1773 = tpu.memref_slice %arg4[%mul3A_1764, %dma_wait3A_1772] : memref<106496x128xf32, #tpu.memory_space<hbm>> -> memref<8x128xf32, #tpu.memory_space<hbm>>
        %dma_wait3A_1774 = arith.constant 8 : i32
        %dma_wait3A_1775 = arith.constant 0 : i32
        %dma_wait3A_1776 = tpu.memref_slice %arg7[%dma_wait3A_1765, %dma_wait3A_1774, %dma_wait3A_1775] : memref<4x32x128xf32, #tpu.memory_space<vmem>> -> memref<1x8x128xf32, #tpu.memory_space<vmem>>
        %dma_wait3A_1777 = tpu.memref_squeeze %dma_wait3A_1776 : memref<1x8x128xf32, #tpu.memory_space<vmem>> -> memref<8x128xf32, #tpu.memory_space<vmem>>
        tpu.wait_dma2 semaphore(%arg14 : memref<!tpu.dma_semaphore, #tpu.memory_space<semaphore_mem>>) src(%dma_wait3A_1777 : memref<8x128xf32, #tpu.memory_space<vmem>>) dst(%dma_wait3A_1773 : memref<8x128xf32, #tpu.memory_space<hbm>>)
        %jit3A_1778 = arith.constant 26 : i32
        %div3A_1779 = arith.divsi %sub3A_1651, %jit3A_1778 : i32
        %sign3A_1780 = arith.constant 0 : i32
        %sign3A_1781 = arith.cmpi sgt, %sub3A_1651, %sign3A_1780 : i32
        %sign3A_1782 = arith.extui %sign3A_1781 : i1 to i32
        %sign3A_1783 = arith.constant 0 : i32
        %sign3A_1784 = arith.cmpi slt, %sub3A_1651, %sign3A_1783 : i32
        %sign3A_1785 = arith.extui %sign3A_1784 : i1 to i32
        %sign3A_1786 = arith.subi %sign3A_1782, %sign3A_1785 : i32
        %sign3A_1787 = arith.constant 0 : i32
        %sign3A_1788 = arith.cmpi sgt, %jit3A_1778, %sign3A_1787 : i32
        %sign3A_1789 = arith.extui %sign3A_1788 : i1 to i32
        %sign3A_1790 = arith.constant 0 : i32
        %sign3A_1791 = arith.cmpi slt, %jit3A_1778, %sign3A_1790 : i32
        %sign3A_1792 = arith.extui %sign3A_1791 : i1 to i32
        %sign3A_1793 = arith.subi %sign3A_1789, %sign3A_1792 : i32
        %ne3A_1794 = arith.cmpi ne, %sign3A_1786, %sign3A_1793 : i32
        %rem3A_1795 = arith.remsi %sub3A_1651, %jit3A_1778 : i32
        %ne3A_1796 = arith.constant 0 : i32
        %ne3A_1797 = arith.cmpi ne, %rem3A_1795, %ne3A_1796 : i32
        %and3A_1798 = arith.andi %ne3A_1794, %ne3A_1797 : i1
        %sub3A_1799 = arith.constant 1 : i32
        %sub3A_1800 = arith.subi %div3A_1779, %sub3A_1799 : i32
        %select_n3A_1801 = arith.select %and3A_1798, %sub3A_1800, %div3A_1779 : i32
        %jit3A_1802 = arith.constant 26 : i32
        %eq3A_1803 = arith.constant 0 : i32
        %eq3A_1804 = arith.cmpi eq, %jit3A_1802, %eq3A_1803 : i32
        %jit3A_1805 = arith.constant 1 : i32
        %select_n3A_1806 = arith.select %eq3A_1804, %jit3A_1805, %jit3A_1802 : i32
        %rem3A_1807 = arith.remsi %sub3A_1651, %select_n3A_1806 : i32
        %ne3A_1808 = arith.constant 0 : i32
        %ne3A_1809 = arith.cmpi ne, %rem3A_1807, %ne3A_1808 : i32
        %lt3A_1810 = arith.constant 0 : i32
        %lt3A_1811 = arith.cmpi slt, %rem3A_1807, %lt3A_1810 : i32
        %lt3A_1812 = arith.constant 0 : i32
        %lt3A_1813 = arith.cmpi slt, %select_n3A_1806, %lt3A_1812 : i32
        %ne3A_1814 = arith.xori %lt3A_1811, %lt3A_1813 : i1
        %and3A_1815 = arith.andi %ne3A_1814, %ne3A_1809 : i1
        %add3A_1816 = arith.addi %rem3A_1807, %select_n3A_1806 : i32
        %select_n3A_1817 = arith.select %and3A_1815, %add3A_1816, %rem3A_1807 : i32
        %mul3A_1818 = arith.constant 4 : i32
        %mul3A_1819 = arith.muli %select_n3A_1817, %mul3A_1818 : i32
        %add3A_1820 = arith.constant 2 : i32
        %add3A_1821 = arith.addi %mul3A_1819, %add3A_1820 : i32
        %mul3A_1822 = arith.constant 128 : i32
        %mul3A_1823 = arith.muli %add3A_1821, %mul3A_1822 : i32
        %add3A_1824 = arith.addi %mul3A_1823, %mul3A_2 : i32
        %add3A_1825 = arith.addi %add3A_1824, %select_n3A_1801 : i32
        %mul3A_1826 = arith.constant 8 : i32
        %mul3A_1827 = arith.muli %add3A_1825, %mul3A_1826 : i32
        %dma_wait3A_1828 = arith.constant 2 : i32
        %dma_wait3A_1829 = arith.constant 16 : i32
        %dma_wait3A_1830 = arith.constant 0 : i32
        %dma_wait3A_1831 = tpu.memref_slice %arg7[%dma_wait3A_1828, %dma_wait3A_1829, %dma_wait3A_1830] : memref<4x32x128xf32, #tpu.memory_space<vmem>> -> memref<1x8x128xf32, #tpu.memory_space<vmem>>
        %dma_wait3A_1832 = tpu.memref_squeeze %dma_wait3A_1831 : memref<1x8x128xf32, #tpu.memory_space<vmem>> -> memref<8x128xf32, #tpu.memory_space<vmem>>
        %dma_wait3A_1833 = arith.constant 0 : i32
        %dma_wait3A_1834 = tpu.memref_slice %arg4[%mul3A_1827, %dma_wait3A_1833] : memref<106496x128xf32, #tpu.memory_space<hbm>> -> memref<8x128xf32, #tpu.memory_space<hbm>>
        %dma_wait3A_1835 = arith.constant 0 : i32
        %dma_wait3A_1836 = tpu.memref_slice %arg4[%mul3A_1827, %dma_wait3A_1835] : memref<106496x128xf32, #tpu.memory_space<hbm>> -> memref<8x128xf32, #tpu.memory_space<hbm>>
        %dma_wait3A_1837 = arith.constant 16 : i32
        %dma_wait3A_1838 = arith.constant 0 : i32
        %dma_wait3A_1839 = tpu.memref_slice %arg7[%dma_wait3A_1828, %dma_wait3A_1837, %dma_wait3A_1838] : memref<4x32x128xf32, #tpu.memory_space<vmem>> -> memref<1x8x128xf32, #tpu.memory_space<vmem>>
        %dma_wait3A_1840 = tpu.memref_squeeze %dma_wait3A_1839 : memref<1x8x128xf32, #tpu.memory_space<vmem>> -> memref<8x128xf32, #tpu.memory_space<vmem>>
        tpu.wait_dma2 semaphore(%arg14 : memref<!tpu.dma_semaphore, #tpu.memory_space<semaphore_mem>>) src(%dma_wait3A_1840 : memref<8x128xf32, #tpu.memory_space<vmem>>) dst(%dma_wait3A_1836 : memref<8x128xf32, #tpu.memory_space<hbm>>)
        %jit3A_1841 = arith.constant 26 : i32
        %div3A_1842 = arith.divsi %sub3A_1651, %jit3A_1841 : i32
        %sign3A_1843 = arith.constant 0 : i32
        %sign3A_1844 = arith.cmpi sgt, %sub3A_1651, %sign3A_1843 : i32
        %sign3A_1845 = arith.extui %sign3A_1844 : i1 to i32
        %sign3A_1846 = arith.constant 0 : i32
        %sign3A_1847 = arith.cmpi slt, %sub3A_1651, %sign3A_1846 : i32
        %sign3A_1848 = arith.extui %sign3A_1847 : i1 to i32
        %sign3A_1849 = arith.subi %sign3A_1845, %sign3A_1848 : i32
        %sign3A_1850 = arith.constant 0 : i32
        %sign3A_1851 = arith.cmpi sgt, %jit3A_1841, %sign3A_1850 : i32
        %sign3A_1852 = arith.extui %sign3A_1851 : i1 to i32
        %sign3A_1853 = arith.constant 0 : i32
        %sign3A_1854 = arith.cmpi slt, %jit3A_1841, %sign3A_1853 : i32
        %sign3A_1855 = arith.extui %sign3A_1854 : i1 to i32
        %sign3A_1856 = arith.subi %sign3A_1852, %sign3A_1855 : i32
        %ne3A_1857 = arith.cmpi ne, %sign3A_1849, %sign3A_1856 : i32
        %rem3A_1858 = arith.remsi %sub3A_1651, %jit3A_1841 : i32
        %ne3A_1859 = arith.constant 0 : i32
        %ne3A_1860 = arith.cmpi ne, %rem3A_1858, %ne3A_1859 : i32
        %and3A_1861 = arith.andi %ne3A_1857, %ne3A_1860 : i1
        %sub3A_1862 = arith.constant 1 : i32
        %sub3A_1863 = arith.subi %div3A_1842, %sub3A_1862 : i32
        %select_n3A_1864 = arith.select %and3A_1861, %sub3A_1863, %div3A_1842 : i32
        %jit3A_1865 = arith.constant 26 : i32
        %eq3A_1866 = arith.constant 0 : i32
        %eq3A_1867 = arith.cmpi eq, %jit3A_1865, %eq3A_1866 : i32
        %jit3A_1868 = arith.constant 1 : i32
        %select_n3A_1869 = arith.select %eq3A_1867, %jit3A_1868, %jit3A_1865 : i32
        %rem3A_1870 = arith.remsi %sub3A_1651, %select_n3A_1869 : i32
        %ne3A_1871 = arith.constant 0 : i32
        %ne3A_1872 = arith.cmpi ne, %rem3A_1870, %ne3A_1871 : i32
        %lt3A_1873 = arith.constant 0 : i32
        %lt3A_1874 = arith.cmpi slt, %rem3A_1870, %lt3A_1873 : i32
        %lt3A_1875 = arith.constant 0 : i32
        %lt3A_1876 = arith.cmpi slt, %select_n3A_1869, %lt3A_1875 : i32
        %ne3A_1877 = arith.xori %lt3A_1874, %lt3A_1876 : i1
        %and3A_1878 = arith.andi %ne3A_1877, %ne3A_1872 : i1
        %add3A_1879 = arith.addi %rem3A_1870, %select_n3A_1869 : i32
        %select_n3A_1880 = arith.select %and3A_1878, %add3A_1879, %rem3A_1870 : i32
        %mul3A_1881 = arith.constant 4 : i32
        %mul3A_1882 = arith.muli %select_n3A_1880, %mul3A_1881 : i32
        %add3A_1883 = arith.constant 3 : i32
        %add3A_1884 = arith.addi %mul3A_1882, %add3A_1883 : i32
        %mul3A_1885 = arith.constant 128 : i32
        %mul3A_1886 = arith.muli %add3A_1884, %mul3A_1885 : i32
        %add3A_1887 = arith.addi %mul3A_1886, %mul3A_2 : i32
        %add3A_1888 = arith.addi %add3A_1887, %select_n3A_1864 : i32
        %mul3A_1889 = arith.constant 8 : i32
        %mul3A_1890 = arith.muli %add3A_1888, %mul3A_1889 : i32
        %dma_wait3A_1891 = arith.constant 2 : i32
        %dma_wait3A_1892 = arith.constant 24 : i32
        %dma_wait3A_1893 = arith.constant 0 : i32
        %dma_wait3A_1894 = tpu.memref_slice %arg7[%dma_wait3A_1891, %dma_wait3A_1892, %dma_wait3A_1893] : memref<4x32x128xf32, #tpu.memory_space<vmem>> -> memref<1x8x128xf32, #tpu.memory_space<vmem>>
        %dma_wait3A_1895 = tpu.memref_squeeze %dma_wait3A_1894 : memref<1x8x128xf32, #tpu.memory_space<vmem>> -> memref<8x128xf32, #tpu.memory_space<vmem>>
        %dma_wait3A_1896 = arith.constant 0 : i32
        %dma_wait3A_1897 = tpu.memref_slice %arg4[%mul3A_1890, %dma_wait3A_1896] : memref<106496x128xf32, #tpu.memory_space<hbm>> -> memref<8x128xf32, #tpu.memory_space<hbm>>
        %dma_wait3A_1898 = arith.constant 0 : i32
        %dma_wait3A_1899 = tpu.memref_slice %arg4[%mul3A_1890, %dma_wait3A_1898] : memref<106496x128xf32, #tpu.memory_space<hbm>> -> memref<8x128xf32, #tpu.memory_space<hbm>>
        %dma_wait3A_1900 = arith.constant 24 : i32
        %dma_wait3A_1901 = arith.constant 0 : i32
        %dma_wait3A_1902 = tpu.memref_slice %arg7[%dma_wait3A_1891, %dma_wait3A_1900, %dma_wait3A_1901] : memref<4x32x128xf32, #tpu.memory_space<vmem>> -> memref<1x8x128xf32, #tpu.memory_space<vmem>>
        %dma_wait3A_1903 = tpu.memref_squeeze %dma_wait3A_1902 : memref<1x8x128xf32, #tpu.memory_space<vmem>> -> memref<8x128xf32, #tpu.memory_space<vmem>>
        tpu.wait_dma2 semaphore(%arg14 : memref<!tpu.dma_semaphore, #tpu.memory_space<semaphore_mem>>) src(%dma_wait3A_1903 : memref<8x128xf32, #tpu.memory_space<vmem>>) dst(%dma_wait3A_1899 : memref<8x128xf32, #tpu.memory_space<hbm>>)
      } else {
      }
      %scan3A_1062 = arith.constant 0 : i32
      %scan3A_1063 = arith.constant 0 : i32
      %scan3A_1064 = arith.constant 16 : i32
      %scan3A_1065 = arith.addi %scan3A_1063, %scan3A_1064 : i32
      %scan3A_1066 = arith.constant 1 : i32
      scf.for %scan3A_1650 = %scan3A_1063 to %scan3A_1065 step %scan3A_1066  : i32 {
        %add3A_1651 = vector.broadcast %scan3A_1650 : i32 to vector<16xi32>
        %add3A_1652 = arith.addi %iota3A, %add3A_1651 : vector<16xi32>
        %and3A_1653 = arith.constant 15 : i32
        %and3A_1654 = vector.broadcast %and3A_1653 : i32 to vector<16xi32>
        %and3A_1655 = arith.andi %add3A_1652, %and3A_1654 : vector<16xi32>
        %add3A_1656 = arith.constant 0 : i32
        %add3A_1657 = vector.broadcast %add3A_1656 : i32 to vector<16xi32>
        %add3A_1658 = arith.addi %and3A_1655, %add3A_1657 : vector<16xi32>
        %add3A_1659 = arith.constant 0 : i32
        %add3A_1660 = vector.broadcast %add3A_1659 : i32 to vector<16xi32>
        %add3A_1661 = arith.addi %add3A_1660, %iota3A : vector<16xi32>
        %gather3A = arith.constant 2 : i32
        %gather3A_1662 = arith.constant 0 : i32
        %gather3A_1663 = arith.constant 0 : i32
        %gather3A_1664 = tpu.memref_slice %arg6[%gather3A, %gather3A_1662, %gather3A_1663] : memref<4x128x32xf32, #tpu.memory_space<vmem>> -> memref<1x128x32xf32, #tpu.memory_space<vmem>>
        %gather3A_1665 = tpu.memref_squeeze %gather3A_1664 : memref<1x128x32xf32, #tpu.memory_space<vmem>> -> memref<128x32xf32, #tpu.memory_space<vmem>>
        %gather3A_1666 = tpu.vector_load_idx %gather3A_1665[%add3A_1661, %add3A_1658] : memref<128x32xf32, #tpu.memory_space<vmem>>[vector<16xi32>, vector<16xi32>], vector<16xf32>,
        %scatter3A = arith.constant 2 : i32
        %scatter3A_1667 = arith.constant 0 : i32
        %scatter3A_1668 = arith.constant 0 : i32
        %scatter3A_1669 = tpu.memref_slice %arg7[%scatter3A, %scatter3A_1667, %scatter3A_1668] : memref<4x32x128xf32, #tpu.memory_space<vmem>> -> memref<1x32x128xf32, #tpu.memory_space<vmem>>
        %scatter3A_1670 = tpu.memref_squeeze %scatter3A_1669 : memref<1x32x128xf32, #tpu.memory_space<vmem>> -> memref<32x128xf32, #tpu.memory_space<vmem>>
        tpu.vector_store_idx %scatter3A_1670[%add3A_1658, %add3A_1661], %gather3A_1666 : memref<32x128xf32, #tpu.memory_space<vmem>>[vector<16xi32>, vector<16xi32>], vector<16xf32>,
        %add3A_1671 = arith.constant 16 : i32
        %add3A_1672 = vector.broadcast %add3A_1671 : i32 to vector<16xi32>
        %add3A_1673 = arith.addi %add3A_1672, %iota3A : vector<16xi32>
        %gather3A_1674 = arith.constant 2 : i32
        %gather3A_1675 = arith.constant 0 : i32
        %gather3A_1676 = arith.constant 0 : i32
        %gather3A_1677 = tpu.memref_slice %arg6[%gather3A_1674, %gather3A_1675, %gather3A_1676] : memref<4x128x32xf32, #tpu.memory_space<vmem>> -> memref<1x128x32xf32, #tpu.memory_space<vmem>>
        %gather3A_1678 = tpu.memref_squeeze %gather3A_1677 : memref<1x128x32xf32, #tpu.memory_space<vmem>> -> memref<128x32xf32, #tpu.memory_space<vmem>>
        %gather3A_1679 = tpu.vector_load_idx %gather3A_1678[%add3A_1673, %add3A_1658] : memref<128x32xf32, #tpu.memory_space<vmem>>[vector<16xi32>, vector<16xi32>], vector<16xf32>,
        %scatter3A_1680 = arith.constant 2 : i32
        %scatter3A_1681 = arith.constant 0 : i32
        %scatter3A_1682 = arith.constant 0 : i32
        %scatter3A_1683 = tpu.memref_slice %arg7[%scatter3A_1680, %scatter3A_1681, %scatter3A_1682] : memref<4x32x128xf32, #tpu.memory_space<vmem>> -> memref<1x32x128xf32, #tpu.memory_space<vmem>>
        %scatter3A_1684 = tpu.memref_squeeze %scatter3A_1683 : memref<1x32x128xf32, #tpu.memory_space<vmem>> -> memref<32x128xf32, #tpu.memory_space<vmem>>
        tpu.vector_store_idx %scatter3A_1684[%add3A_1658, %add3A_1673], %gather3A_1679 : memref<32x128xf32, #tpu.memory_space<vmem>>[vector<16xi32>, vector<16xi32>], vector<16xf32>,
        %add3A_1685 = arith.constant 32 : i32
        %add3A_1686 = vector.broadcast %add3A_1685 : i32 to vector<16xi32>
        %add3A_1687 = arith.addi %add3A_1686, %iota3A : vector<16xi32>
        %gather3A_1688 = arith.constant 2 : i32
        %gather3A_1689 = arith.constant 0 : i32
        %gather3A_1690 = arith.constant 0 : i32
        %gather3A_1691 = tpu.memref_slice %arg6[%gather3A_1688, %gather3A_1689, %gather3A_1690] : memref<4x128x32xf32, #tpu.memory_space<vmem>> -> memref<1x128x32xf32, #tpu.memory_space<vmem>>
        %gather3A_1692 = tpu.memref_squeeze %gather3A_1691 : memref<1x128x32xf32, #tpu.memory_space<vmem>> -> memref<128x32xf32, #tpu.memory_space<vmem>>
        %gather3A_1693 = tpu.vector_load_idx %gather3A_1692[%add3A_1687, %add3A_1658] : memref<128x32xf32, #tpu.memory_space<vmem>>[vector<16xi32>, vector<16xi32>], vector<16xf32>,
        %scatter3A_1694 = arith.constant 2 : i32
        %scatter3A_1695 = arith.constant 0 : i32
        %scatter3A_1696 = arith.constant 0 : i32
        %scatter3A_1697 = tpu.memref_slice %arg7[%scatter3A_1694, %scatter3A_1695, %scatter3A_1696] : memref<4x32x128xf32, #tpu.memory_space<vmem>> -> memref<1x32x128xf32, #tpu.memory_space<vmem>>
        %scatter3A_1698 = tpu.memref_squeeze %scatter3A_1697 : memref<1x32x128xf32, #tpu.memory_space<vmem>> -> memref<32x128xf32, #tpu.memory_space<vmem>>
        tpu.vector_store_idx %scatter3A_1698[%add3A_1658, %add3A_1687], %gather3A_1693 : memref<32x128xf32, #tpu.memory_space<vmem>>[vector<16xi32>, vector<16xi32>], vector<16xf32>,
        %add3A_1699 = arith.constant 48 : i32
        %add3A_1700 = vector.broadcast %add3A_1699 : i32 to vector<16xi32>
        %add3A_1701 = arith.addi %add3A_1700, %iota3A : vector<16xi32>
        %gather3A_1702 = arith.constant 2 : i32
        %gather3A_1703 = arith.constant 0 : i32
        %gather3A_1704 = arith.constant 0 : i32
        %gather3A_1705 = tpu.memref_slice %arg6[%gather3A_1702, %gather3A_1703, %gather3A_1704] : memref<4x128x32xf32, #tpu.memory_space<vmem>> -> memref<1x128x32xf32, #tpu.memory_space<vmem>>
        %gather3A_1706 = tpu.memref_squeeze %gather3A_1705 : memref<1x128x32xf32, #tpu.memory_space<vmem>> -> memref<128x32xf32, #tpu.memory_space<vmem>>
        %gather3A_1707 = tpu.vector_load_idx %gather3A_1706[%add3A_1701, %add3A_1658] : memref<128x32xf32, #tpu.memory_space<vmem>>[vector<16xi32>, vector<16xi32>], vector<16xf32>,
        %scatter3A_1708 = arith.constant 2 : i32
        %scatter3A_1709 = arith.constant 0 : i32
        %scatter3A_1710 = arith.constant 0 : i32
        %scatter3A_1711 = tpu.memref_slice %arg7[%scatter3A_1708, %scatter3A_1709, %scatter3A_1710] : memref<4x32x128xf32, #tpu.memory_space<vmem>> -> memref<1x32x128xf32, #tpu.memory_space<vmem>>
        %scatter3A_1712 = tpu.memref_squeeze %scatter3A_1711 : memref<1x32x128xf32, #tpu.memory_space<vmem>> -> memref<32x128xf32, #tpu.memory_space<vmem>>
        tpu.vector_store_idx %scatter3A_1712[%add3A_1658, %add3A_1701], %gather3A_1707 : memref<32x128xf32, #tpu.memory_space<vmem>>[vector<16xi32>, vector<16xi32>], vector<16xf32>,
        %add3A_1713 = arith.constant 64 : i32
        %add3A_1714 = vector.broadcast %add3A_1713 : i32 to vector<16xi32>
        %add3A_1715 = arith.addi %add3A_1714, %iota3A : vector<16xi32>
        %gather3A_1716 = arith.constant 2 : i32
        %gather3A_1717 = arith.constant 0 : i32
        %gather3A_1718 = arith.constant 0 : i32
        %gather3A_1719 = tpu.memref_slice %arg6[%gather3A_1716, %gather3A_1717, %gather3A_1718] : memref<4x128x32xf32, #tpu.memory_space<vmem>> -> memref<1x128x32xf32, #tpu.memory_space<vmem>>
        %gather3A_1720 = tpu.memref_squeeze %gather3A_1719 : memref<1x128x32xf32, #tpu.memory_space<vmem>> -> memref<128x32xf32, #tpu.memory_space<vmem>>
        %gather3A_1721 = tpu.vector_load_idx %gather3A_1720[%add3A_1715, %add3A_1658] : memref<128x32xf32, #tpu.memory_space<vmem>>[vector<16xi32>, vector<16xi32>], vector<16xf32>,
        %scatter3A_1722 = arith.constant 2 : i32
        %scatter3A_1723 = arith.constant 0 : i32
        %scatter3A_1724 = arith.constant 0 : i32
        %scatter3A_1725 = tpu.memref_slice %arg7[%scatter3A_1722, %scatter3A_1723, %scatter3A_1724] : memref<4x32x128xf32, #tpu.memory_space<vmem>> -> memref<1x32x128xf32, #tpu.memory_space<vmem>>
        %scatter3A_1726 = tpu.memref_squeeze %scatter3A_1725 : memref<1x32x128xf32, #tpu.memory_space<vmem>> -> memref<32x128xf32, #tpu.memory_space<vmem>>
        tpu.vector_store_idx %scatter3A_1726[%add3A_1658, %add3A_1715], %gather3A_1721 : memref<32x128xf32, #tpu.memory_space<vmem>>[vector<16xi32>, vector<16xi32>], vector<16xf32>,
        %add3A_1727 = arith.constant 80 : i32
        %add3A_1728 = vector.broadcast %add3A_1727 : i32 to vector<16xi32>
        %add3A_1729 = arith.addi %add3A_1728, %iota3A : vector<16xi32>
        %gather3A_1730 = arith.constant 2 : i32
        %gather3A_1731 = arith.constant 0 : i32
        %gather3A_1732 = arith.constant 0 : i32
        %gather3A_1733 = tpu.memref_slice %arg6[%gather3A_1730, %gather3A_1731, %gather3A_1732] : memref<4x128x32xf32, #tpu.memory_space<vmem>> -> memref<1x128x32xf32, #tpu.memory_space<vmem>>
        %gather3A_1734 = tpu.memref_squeeze %gather3A_1733 : memref<1x128x32xf32, #tpu.memory_space<vmem>> -> memref<128x32xf32, #tpu.memory_space<vmem>>
        %gather3A_1735 = tpu.vector_load_idx %gather3A_1734[%add3A_1729, %add3A_1658] : memref<128x32xf32, #tpu.memory_space<vmem>>[vector<16xi32>, vector<16xi32>], vector<16xf32>,
        %scatter3A_1736 = arith.constant 2 : i32
        %scatter3A_1737 = arith.constant 0 : i32
        %scatter3A_1738 = arith.constant 0 : i32
        %scatter3A_1739 = tpu.memref_slice %arg7[%scatter3A_1736, %scatter3A_1737, %scatter3A_1738] : memref<4x32x128xf32, #tpu.memory_space<vmem>> -> memref<1x32x128xf32, #tpu.memory_space<vmem>>
        %scatter3A_1740 = tpu.memref_squeeze %scatter3A_1739 : memref<1x32x128xf32, #tpu.memory_space<vmem>> -> memref<32x128xf32, #tpu.memory_space<vmem>>
        tpu.vector_store_idx %scatter3A_1740[%add3A_1658, %add3A_1729], %gather3A_1735 : memref<32x128xf32, #tpu.memory_space<vmem>>[vector<16xi32>, vector<16xi32>], vector<16xf32>,
        %add3A_1741 = arith.constant 96 : i32
        %add3A_1742 = vector.broadcast %add3A_1741 : i32 to vector<16xi32>
        %add3A_1743 = arith.addi %add3A_1742, %iota3A : vector<16xi32>
        %gather3A_1744 = arith.constant 2 : i32
        %gather3A_1745 = arith.constant 0 : i32
        %gather3A_1746 = arith.constant 0 : i32
        %gather3A_1747 = tpu.memref_slice %arg6[%gather3A_1744, %gather3A_1745, %gather3A_1746] : memref<4x128x32xf32, #tpu.memory_space<vmem>> -> memref<1x128x32xf32, #tpu.memory_space<vmem>>
        %gather3A_1748 = tpu.memref_squeeze %gather3A_1747 : memref<1x128x32xf32, #tpu.memory_space<vmem>> -> memref<128x32xf32, #tpu.memory_space<vmem>>
        %gather3A_1749 = tpu.vector_load_idx %gather3A_1748[%add3A_1743, %add3A_1658] : memref<128x32xf32, #tpu.memory_space<vmem>>[vector<16xi32>, vector<16xi32>], vector<16xf32>,
        %scatter3A_1750 = arith.constant 2 : i32
        %scatter3A_1751 = arith.constant 0 : i32
        %scatter3A_1752 = arith.constant 0 : i32
        %scatter3A_1753 = tpu.memref_slice %arg7[%scatter3A_1750, %scatter3A_1751, %scatter3A_1752] : memref<4x32x128xf32, #tpu.memory_space<vmem>> -> memref<1x32x128xf32, #tpu.memory_space<vmem>>
        %scatter3A_1754 = tpu.memref_squeeze %scatter3A_1753 : memref<1x32x128xf32, #tpu.memory_space<vmem>> -> memref<32x128xf32, #tpu.memory_space<vmem>>
        tpu.vector_store_idx %scatter3A_1754[%add3A_1658, %add3A_1743], %gather3A_1749 : memref<32x128xf32, #tpu.memory_space<vmem>>[vector<16xi32>, vector<16xi32>], vector<16xf32>,
        %add3A_1755 = arith.constant 112 : i32
        %add3A_1756 = vector.broadcast %add3A_1755 : i32 to vector<16xi32>
        %add3A_1757 = arith.addi %add3A_1756, %iota3A : vector<16xi32>
        %gather3A_1758 = arith.constant 2 : i32
        %gather3A_1759 = arith.constant 0 : i32
        %gather3A_1760 = arith.constant 0 : i32
        %gather3A_1761 = tpu.memref_slice %arg6[%gather3A_1758, %gather3A_1759, %gather3A_1760] : memref<4x128x32xf32, #tpu.memory_space<vmem>> -> memref<1x128x32xf32, #tpu.memory_space<vmem>>
        %gather3A_1762 = tpu.memref_squeeze %gather3A_1761 : memref<1x128x32xf32, #tpu.memory_space<vmem>> -> memref<128x32xf32, #tpu.memory_space<vmem>>
        %gather3A_1763 = tpu.vector_load_idx %gather3A_1762[%add3A_1757, %add3A_1658] : memref<128x32xf32, #tpu.memory_space<vmem>>[vector<16xi32>, vector<16xi32>], vector<16xf32>,
        %scatter3A_1764 = arith.constant 2 : i32
        %scatter3A_1765 = arith.constant 0 : i32
        %scatter3A_1766 = arith.constant 0 : i32
        %scatter3A_1767 = tpu.memref_slice %arg7[%scatter3A_1764, %scatter3A_1765, %scatter3A_1766] : memref<4x32x128xf32, #tpu.memory_space<vmem>> -> memref<1x32x128xf32, #tpu.memory_space<vmem>>
        %scatter3A_1768 = tpu.memref_squeeze %scatter3A_1767 : memref<1x32x128xf32, #tpu.memory_space<vmem>> -> memref<32x128xf32, #tpu.memory_space<vmem>>
        tpu.vector_store_idx %scatter3A_1768[%add3A_1658, %add3A_1757], %gather3A_1763 : memref<32x128xf32, #tpu.memory_space<vmem>>[vector<16xi32>, vector<16xi32>], vector<16xf32>,
        %add3A_1769 = arith.constant 16 : i32
        %add3A_1770 = vector.broadcast %add3A_1769 : i32 to vector<16xi32>
        %add3A_1771 = arith.addi %and3A_1655, %add3A_1770 : vector<16xi32>
        %add3A_1772 = arith.constant 0 : i32
        %add3A_1773 = vector.broadcast %add3A_1772 : i32 to vector<16xi32>
        %add3A_1774 = arith.addi %add3A_1773, %iota3A : vector<16xi32>
        %gather3A_1775 = arith.constant 2 : i32
        %gather3A_1776 = arith.constant 0 : i32
        %gather3A_1777 = arith.constant 0 : i32
        %gather3A_1778 = tpu.memref_slice %arg6[%gather3A_1775, %gather3A_1776, %gather3A_1777] : memref<4x128x32xf32, #tpu.memory_space<vmem>> -> memref<1x128x32xf32, #tpu.memory_space<vmem>>
        %gather3A_1779 = tpu.memref_squeeze %gather3A_1778 : memref<1x128x32xf32, #tpu.memory_space<vmem>> -> memref<128x32xf32, #tpu.memory_space<vmem>>
        %gather3A_1780 = tpu.vector_load_idx %gather3A_1779[%add3A_1774, %add3A_1771] : memref<128x32xf32, #tpu.memory_space<vmem>>[vector<16xi32>, vector<16xi32>], vector<16xf32>,
        %scatter3A_1781 = arith.constant 2 : i32
        %scatter3A_1782 = arith.constant 0 : i32
        %scatter3A_1783 = arith.constant 0 : i32
        %scatter3A_1784 = tpu.memref_slice %arg7[%scatter3A_1781, %scatter3A_1782, %scatter3A_1783] : memref<4x32x128xf32, #tpu.memory_space<vmem>> -> memref<1x32x128xf32, #tpu.memory_space<vmem>>
        %scatter3A_1785 = tpu.memref_squeeze %scatter3A_1784 : memref<1x32x128xf32, #tpu.memory_space<vmem>> -> memref<32x128xf32, #tpu.memory_space<vmem>>
        tpu.vector_store_idx %scatter3A_1785[%add3A_1771, %add3A_1774], %gather3A_1780 : memref<32x128xf32, #tpu.memory_space<vmem>>[vector<16xi32>, vector<16xi32>], vector<16xf32>,
        %add3A_1786 = arith.constant 16 : i32
        %add3A_1787 = vector.broadcast %add3A_1786 : i32 to vector<16xi32>
        %add3A_1788 = arith.addi %add3A_1787, %iota3A : vector<16xi32>
        %gather3A_1789 = arith.constant 2 : i32
        %gather3A_1790 = arith.constant 0 : i32
        %gather3A_1791 = arith.constant 0 : i32
        %gather3A_1792 = tpu.memref_slice %arg6[%gather3A_1789, %gather3A_1790, %gather3A_1791] : memref<4x128x32xf32, #tpu.memory_space<vmem>> -> memref<1x128x32xf32, #tpu.memory_space<vmem>>
        %gather3A_1793 = tpu.memref_squeeze %gather3A_1792 : memref<1x128x32xf32, #tpu.memory_space<vmem>> -> memref<128x32xf32, #tpu.memory_space<vmem>>
        %gather3A_1794 = tpu.vector_load_idx %gather3A_1793[%add3A_1788, %add3A_1771] : memref<128x32xf32, #tpu.memory_space<vmem>>[vector<16xi32>, vector<16xi32>], vector<16xf32>,
        %scatter3A_1795 = arith.constant 2 : i32
        %scatter3A_1796 = arith.constant 0 : i32
        %scatter3A_1797 = arith.constant 0 : i32
        %scatter3A_1798 = tpu.memref_slice %arg7[%scatter3A_1795, %scatter3A_1796, %scatter3A_1797] : memref<4x32x128xf32, #tpu.memory_space<vmem>> -> memref<1x32x128xf32, #tpu.memory_space<vmem>>
        %scatter3A_1799 = tpu.memref_squeeze %scatter3A_1798 : memref<1x32x128xf32, #tpu.memory_space<vmem>> -> memref<32x128xf32, #tpu.memory_space<vmem>>
        tpu.vector_store_idx %scatter3A_1799[%add3A_1771, %add3A_1788], %gather3A_1794 : memref<32x128xf32, #tpu.memory_space<vmem>>[vector<16xi32>, vector<16xi32>], vector<16xf32>,
        %add3A_1800 = arith.constant 32 : i32
        %add3A_1801 = vector.broadcast %add3A_1800 : i32 to vector<16xi32>
        %add3A_1802 = arith.addi %add3A_1801, %iota3A : vector<16xi32>
        %gather3A_1803 = arith.constant 2 : i32
        %gather3A_1804 = arith.constant 0 : i32
        %gather3A_1805 = arith.constant 0 : i32
        %gather3A_1806 = tpu.memref_slice %arg6[%gather3A_1803, %gather3A_1804, %gather3A_1805] : memref<4x128x32xf32, #tpu.memory_space<vmem>> -> memref<1x128x32xf32, #tpu.memory_space<vmem>>
        %gather3A_1807 = tpu.memref_squeeze %gather3A_1806 : memref<1x128x32xf32, #tpu.memory_space<vmem>> -> memref<128x32xf32, #tpu.memory_space<vmem>>
        %gather3A_1808 = tpu.vector_load_idx %gather3A_1807[%add3A_1802, %add3A_1771] : memref<128x32xf32, #tpu.memory_space<vmem>>[vector<16xi32>, vector<16xi32>], vector<16xf32>,
        %scatter3A_1809 = arith.constant 2 : i32
        %scatter3A_1810 = arith.constant 0 : i32
        %scatter3A_1811 = arith.constant 0 : i32
        %scatter3A_1812 = tpu.memref_slice %arg7[%scatter3A_1809, %scatter3A_1810, %scatter3A_1811] : memref<4x32x128xf32, #tpu.memory_space<vmem>> -> memref<1x32x128xf32, #tpu.memory_space<vmem>>
        %scatter3A_1813 = tpu.memref_squeeze %scatter3A_1812 : memref<1x32x128xf32, #tpu.memory_space<vmem>> -> memref<32x128xf32, #tpu.memory_space<vmem>>
        tpu.vector_store_idx %scatter3A_1813[%add3A_1771, %add3A_1802], %gather3A_1808 : memref<32x128xf32, #tpu.memory_space<vmem>>[vector<16xi32>, vector<16xi32>], vector<16xf32>,
        %add3A_1814 = arith.constant 48 : i32
        %add3A_1815 = vector.broadcast %add3A_1814 : i32 to vector<16xi32>
        %add3A_1816 = arith.addi %add3A_1815, %iota3A : vector<16xi32>
        %gather3A_1817 = arith.constant 2 : i32
        %gather3A_1818 = arith.constant 0 : i32
        %gather3A_1819 = arith.constant 0 : i32
        %gather3A_1820 = tpu.memref_slice %arg6[%gather3A_1817, %gather3A_1818, %gather3A_1819] : memref<4x128x32xf32, #tpu.memory_space<vmem>> -> memref<1x128x32xf32, #tpu.memory_space<vmem>>
        %gather3A_1821 = tpu.memref_squeeze %gather3A_1820 : memref<1x128x32xf32, #tpu.memory_space<vmem>> -> memref<128x32xf32, #tpu.memory_space<vmem>>
        %gather3A_1822 = tpu.vector_load_idx %gather3A_1821[%add3A_1816, %add3A_1771] : memref<128x32xf32, #tpu.memory_space<vmem>>[vector<16xi32>, vector<16xi32>], vector<16xf32>,
        %scatter3A_1823 = arith.constant 2 : i32
        %scatter3A_1824 = arith.constant 0 : i32
        %scatter3A_1825 = arith.constant 0 : i32
        %scatter3A_1826 = tpu.memref_slice %arg7[%scatter3A_1823, %scatter3A_1824, %scatter3A_1825] : memref<4x32x128xf32, #tpu.memory_space<vmem>> -> memref<1x32x128xf32, #tpu.memory_space<vmem>>
        %scatter3A_1827 = tpu.memref_squeeze %scatter3A_1826 : memref<1x32x128xf32, #tpu.memory_space<vmem>> -> memref<32x128xf32, #tpu.memory_space<vmem>>
        tpu.vector_store_idx %scatter3A_1827[%add3A_1771, %add3A_1816], %gather3A_1822 : memref<32x128xf32, #tpu.memory_space<vmem>>[vector<16xi32>, vector<16xi32>], vector<16xf32>,
        %add3A_1828 = arith.constant 64 : i32
        %add3A_1829 = vector.broadcast %add3A_1828 : i32 to vector<16xi32>
        %add3A_1830 = arith.addi %add3A_1829, %iota3A : vector<16xi32>
        %gather3A_1831 = arith.constant 2 : i32
        %gather3A_1832 = arith.constant 0 : i32
        %gather3A_1833 = arith.constant 0 : i32
        %gather3A_1834 = tpu.memref_slice %arg6[%gather3A_1831, %gather3A_1832, %gather3A_1833] : memref<4x128x32xf32, #tpu.memory_space<vmem>> -> memref<1x128x32xf32, #tpu.memory_space<vmem>>
        %gather3A_1835 = tpu.memref_squeeze %gather3A_1834 : memref<1x128x32xf32, #tpu.memory_space<vmem>> -> memref<128x32xf32, #tpu.memory_space<vmem>>
        %gather3A_1836 = tpu.vector_load_idx %gather3A_1835[%add3A_1830, %add3A_1771] : memref<128x32xf32, #tpu.memory_space<vmem>>[vector<16xi32>, vector<16xi32>], vector<16xf32>,
        %scatter3A_1837 = arith.constant 2 : i32
        %scatter3A_1838 = arith.constant 0 : i32
        %scatter3A_1839 = arith.constant 0 : i32
        %scatter3A_1840 = tpu.memref_slice %arg7[%scatter3A_1837, %scatter3A_1838, %scatter3A_1839] : memref<4x32x128xf32, #tpu.memory_space<vmem>> -> memref<1x32x128xf32, #tpu.memory_space<vmem>>
        %scatter3A_1841 = tpu.memref_squeeze %scatter3A_1840 : memref<1x32x128xf32, #tpu.memory_space<vmem>> -> memref<32x128xf32, #tpu.memory_space<vmem>>
        tpu.vector_store_idx %scatter3A_1841[%add3A_1771, %add3A_1830], %gather3A_1836 : memref<32x128xf32, #tpu.memory_space<vmem>>[vector<16xi32>, vector<16xi32>], vector<16xf32>,
        %add3A_1842 = arith.constant 80 : i32
        %add3A_1843 = vector.broadcast %add3A_1842 : i32 to vector<16xi32>
        %add3A_1844 = arith.addi %add3A_1843, %iota3A : vector<16xi32>
        %gather3A_1845 = arith.constant 2 : i32
        %gather3A_1846 = arith.constant 0 : i32
        %gather3A_1847 = arith.constant 0 : i32
        %gather3A_1848 = tpu.memref_slice %arg6[%gather3A_1845, %gather3A_1846, %gather3A_1847] : memref<4x128x32xf32, #tpu.memory_space<vmem>> -> memref<1x128x32xf32, #tpu.memory_space<vmem>>
        %gather3A_1849 = tpu.memref_squeeze %gather3A_1848 : memref<1x128x32xf32, #tpu.memory_space<vmem>> -> memref<128x32xf32, #tpu.memory_space<vmem>>
        %gather3A_1850 = tpu.vector_load_idx %gather3A_1849[%add3A_1844, %add3A_1771] : memref<128x32xf32, #tpu.memory_space<vmem>>[vector<16xi32>, vector<16xi32>], vector<16xf32>,
        %scatter3A_1851 = arith.constant 2 : i32
        %scatter3A_1852 = arith.constant 0 : i32
        %scatter3A_1853 = arith.constant 0 : i32
        %scatter3A_1854 = tpu.memref_slice %arg7[%scatter3A_1851, %scatter3A_1852, %scatter3A_1853] : memref<4x32x128xf32, #tpu.memory_space<vmem>> -> memref<1x32x128xf32, #tpu.memory_space<vmem>>
        %scatter3A_1855 = tpu.memref_squeeze %scatter3A_1854 : memref<1x32x128xf32, #tpu.memory_space<vmem>> -> memref<32x128xf32, #tpu.memory_space<vmem>>
        tpu.vector_store_idx %scatter3A_1855[%add3A_1771, %add3A_1844], %gather3A_1850 : memref<32x128xf32, #tpu.memory_space<vmem>>[vector<16xi32>, vector<16xi32>], vector<16xf32>,
        %add3A_1856 = arith.constant 96 : i32
        %add3A_1857 = vector.broadcast %add3A_1856 : i32 to vector<16xi32>
        %add3A_1858 = arith.addi %add3A_1857, %iota3A : vector<16xi32>
        %gather3A_1859 = arith.constant 2 : i32
        %gather3A_1860 = arith.constant 0 : i32
        %gather3A_1861 = arith.constant 0 : i32
        %gather3A_1862 = tpu.memref_slice %arg6[%gather3A_1859, %gather3A_1860, %gather3A_1861] : memref<4x128x32xf32, #tpu.memory_space<vmem>> -> memref<1x128x32xf32, #tpu.memory_space<vmem>>
        %gather3A_1863 = tpu.memref_squeeze %gather3A_1862 : memref<1x128x32xf32, #tpu.memory_space<vmem>> -> memref<128x32xf32, #tpu.memory_space<vmem>>
        %gather3A_1864 = tpu.vector_load_idx %gather3A_1863[%add3A_1858, %add3A_1771] : memref<128x32xf32, #tpu.memory_space<vmem>>[vector<16xi32>, vector<16xi32>], vector<16xf32>,
        %scatter3A_1865 = arith.constant 2 : i32
        %scatter3A_1866 = arith.constant 0 : i32
        %scatter3A_1867 = arith.constant 0 : i32
        %scatter3A_1868 = tpu.memref_slice %arg7[%scatter3A_1865, %scatter3A_1866, %scatter3A_1867] : memref<4x32x128xf32, #tpu.memory_space<vmem>> -> memref<1x32x128xf32, #tpu.memory_space<vmem>>
        %scatter3A_1869 = tpu.memref_squeeze %scatter3A_1868 : memref<1x32x128xf32, #tpu.memory_space<vmem>> -> memref<32x128xf32, #tpu.memory_space<vmem>>
        tpu.vector_store_idx %scatter3A_1869[%add3A_1771, %add3A_1858], %gather3A_1864 : memref<32x128xf32, #tpu.memory_space<vmem>>[vector<16xi32>, vector<16xi32>], vector<16xf32>,
        %add3A_1870 = arith.constant 112 : i32
        %add3A_1871 = vector.broadcast %add3A_1870 : i32 to vector<16xi32>
        %add3A_1872 = arith.addi %add3A_1871, %iota3A : vector<16xi32>
        %gather3A_1873 = arith.constant 2 : i32
        %gather3A_1874 = arith.constant 0 : i32
        %gather3A_1875 = arith.constant 0 : i32
        %gather3A_1876 = tpu.memref_slice %arg6[%gather3A_1873, %gather3A_1874, %gather3A_1875] : memref<4x128x32xf32, #tpu.memory_space<vmem>> -> memref<1x128x32xf32, #tpu.memory_space<vmem>>
        %gather3A_1877 = tpu.memref_squeeze %gather3A_1876 : memref<1x128x32xf32, #tpu.memory_space<vmem>> -> memref<128x32xf32, #tpu.memory_space<vmem>>
        %gather3A_1878 = tpu.vector_load_idx %gather3A_1877[%add3A_1872, %add3A_1771] : memref<128x32xf32, #tpu.memory_space<vmem>>[vector<16xi32>, vector<16xi32>], vector<16xf32>,
        %scatter3A_1879 = arith.constant 2 : i32
        %scatter3A_1880 = arith.constant 0 : i32
        %scatter3A_1881 = arith.constant 0 : i32
        %scatter3A_1882 = tpu.memref_slice %arg7[%scatter3A_1879, %scatter3A_1880, %scatter3A_1881] : memref<4x32x128xf32, #tpu.memory_space<vmem>> -> memref<1x32x128xf32, #tpu.memory_space<vmem>>
        %scatter3A_1883 = tpu.memref_squeeze %scatter3A_1882 : memref<1x32x128xf32, #tpu.memory_space<vmem>> -> memref<32x128xf32, #tpu.memory_space<vmem>>
        tpu.vector_store_idx %scatter3A_1883[%add3A_1771, %add3A_1872], %gather3A_1878 : memref<32x128xf32, #tpu.memory_space<vmem>>[vector<16xi32>, vector<16xi32>], vector<16xf32>,
      }
      %scan3A_1067 = arith.constant 16 : i32
      %jit3A_1068 = arith.constant 26 : i32
      %div3A_1069 = arith.divsi %add3A_1005, %jit3A_1068 : i32
      %sign3A_1070 = arith.constant 0 : i32
      %sign3A_1071 = arith.cmpi sgt, %add3A_1005, %sign3A_1070 : i32
      %sign3A_1072 = arith.extui %sign3A_1071 : i1 to i32
      %sign3A_1073 = arith.constant 0 : i32
      %sign3A_1074 = arith.cmpi slt, %add3A_1005, %sign3A_1073 : i32
      %sign3A_1075 = arith.extui %sign3A_1074 : i1 to i32
      %sign3A_1076 = arith.subi %sign3A_1072, %sign3A_1075 : i32
      %sign3A_1077 = arith.constant 0 : i32
      %sign3A_1078 = arith.cmpi sgt, %jit3A_1068, %sign3A_1077 : i32
      %sign3A_1079 = arith.extui %sign3A_1078 : i1 to i32
      %sign3A_1080 = arith.constant 0 : i32
      %sign3A_1081 = arith.cmpi slt, %jit3A_1068, %sign3A_1080 : i32
      %sign3A_1082 = arith.extui %sign3A_1081 : i1 to i32
      %sign3A_1083 = arith.subi %sign3A_1079, %sign3A_1082 : i32
      %ne3A_1084 = arith.cmpi ne, %sign3A_1076, %sign3A_1083 : i32
      %rem3A_1085 = arith.remsi %add3A_1005, %jit3A_1068 : i32
      %ne3A_1086 = arith.constant 0 : i32
      %ne3A_1087 = arith.cmpi ne, %rem3A_1085, %ne3A_1086 : i32
      %and3A_1088 = arith.andi %ne3A_1084, %ne3A_1087 : i1
      %sub3A_1089 = arith.constant 1 : i32
      %sub3A_1090 = arith.subi %div3A_1069, %sub3A_1089 : i32
      %select_n3A_1091 = arith.select %and3A_1088, %sub3A_1090, %div3A_1069 : i32
      %jit3A_1092 = arith.constant 26 : i32
      %eq3A_1093 = arith.constant 0 : i32
      %eq3A_1094 = arith.cmpi eq, %jit3A_1092, %eq3A_1093 : i32
      %jit3A_1095 = arith.constant 1 : i32
      %select_n3A_1096 = arith.select %eq3A_1094, %jit3A_1095, %jit3A_1092 : i32
      %rem3A_1097 = arith.remsi %add3A_1005, %select_n3A_1096 : i32
      %ne3A_1098 = arith.constant 0 : i32
      %ne3A_1099 = arith.cmpi ne, %rem3A_1097, %ne3A_1098 : i32
      %lt3A_1100 = arith.constant 0 : i32
      %lt3A_1101 = arith.cmpi slt, %rem3A_1097, %lt3A_1100 : i32
      %lt3A_1102 = arith.constant 0 : i32
      %lt3A_1103 = arith.cmpi slt, %select_n3A_1096, %lt3A_1102 : i32
      %ne3A_1104 = arith.xori %lt3A_1101, %lt3A_1103 : i1
      %and3A_1105 = arith.andi %ne3A_1104, %ne3A_1099 : i1
      %add3A_1106 = arith.addi %rem3A_1097, %select_n3A_1096 : i32
      %select_n3A_1107 = arith.select %and3A_1105, %add3A_1106, %rem3A_1097 : i32
      %mul3A_1108 = arith.constant 4 : i32
      %mul3A_1109 = arith.muli %select_n3A_1107, %mul3A_1108 : i32
      %add3A_1110 = arith.constant 0 : i32
      %add3A_1111 = arith.addi %mul3A_1109, %add3A_1110 : i32
      %mul3A_1112 = arith.constant 128 : i32
      %mul3A_1113 = arith.muli %add3A_1111, %mul3A_1112 : i32
      %add3A_1114 = arith.addi %mul3A_1113, %mul3A_2 : i32
      %add3A_1115 = arith.addi %add3A_1114, %select_n3A_1091 : i32
      %mul3A_1116 = arith.constant 8 : i32
      %mul3A_1117 = arith.muli %add3A_1115, %mul3A_1116 : i32
      %dma_start3A_1118 = arith.constant 2 : i32
      %dma_start3A_1119 = arith.constant 0 : i32
      %dma_start3A_1120 = arith.constant 0 : i32
      %dma_start3A_1121 = tpu.memref_slice %arg7[%dma_start3A_1118, %dma_start3A_1119, %dma_start3A_1120] : memref<4x32x128xf32, #tpu.memory_space<vmem>> -> memref<1x8x128xf32, #tpu.memory_space<vmem>>
      %dma_start3A_1122 = tpu.memref_squeeze %dma_start3A_1121 : memref<1x8x128xf32, #tpu.memory_space<vmem>> -> memref<8x128xf32, #tpu.memory_space<vmem>>
      %dma_start3A_1123 = arith.constant 0 : i32
      %dma_start3A_1124 = tpu.memref_slice %arg4[%mul3A_1117, %dma_start3A_1123] : memref<106496x128xf32, #tpu.memory_space<hbm>> -> memref<8x128xf32, #tpu.memory_space<hbm>>
      %dma_start3A_1125 = arith.constant 0 : i32
      %dma_start3A_1126 = tpu.memref_slice %arg4[%mul3A_1117, %dma_start3A_1125] : memref<106496x128xf32, #tpu.memory_space<hbm>> -> memref<8x128xf32, #tpu.memory_space<hbm>>
      %dma_start3A_1127 = arith.constant 0 : i32
      %dma_start3A_1128 = arith.constant 0 : i32
      %dma_start3A_1129 = tpu.memref_slice %arg7[%dma_start3A_1118, %dma_start3A_1127, %dma_start3A_1128] : memref<4x32x128xf32, #tpu.memory_space<vmem>> -> memref<1x8x128xf32, #tpu.memory_space<vmem>>
      %dma_start3A_1130 = tpu.memref_squeeze %dma_start3A_1129 : memref<1x8x128xf32, #tpu.memory_space<vmem>> -> memref<8x128xf32, #tpu.memory_space<vmem>>
      tpu.enqueue_dma source(%dma_start3A_1130 : memref<8x128xf32, #tpu.memory_space<vmem>>) target(%dma_start3A_1126 : memref<8x128xf32, #tpu.memory_space<hbm>>) target_semaphore(%arg14 : memref<!tpu.dma_semaphore, #tpu.memory_space<semaphore_mem>>)
      %jit3A_1131 = arith.constant 26 : i32
      %div3A_1132 = arith.divsi %add3A_1005, %jit3A_1131 : i32
      %sign3A_1133 = arith.constant 0 : i32
      %sign3A_1134 = arith.cmpi sgt, %add3A_1005, %sign3A_1133 : i32
      %sign3A_1135 = arith.extui %sign3A_1134 : i1 to i32
      %sign3A_1136 = arith.constant 0 : i32
      %sign3A_1137 = arith.cmpi slt, %add3A_1005, %sign3A_1136 : i32
      %sign3A_1138 = arith.extui %sign3A_1137 : i1 to i32
      %sign3A_1139 = arith.subi %sign3A_1135, %sign3A_1138 : i32
      %sign3A_1140 = arith.constant 0 : i32
      %sign3A_1141 = arith.cmpi sgt, %jit3A_1131, %sign3A_1140 : i32
      %sign3A_1142 = arith.extui %sign3A_1141 : i1 to i32
      %sign3A_1143 = arith.constant 0 : i32
      %sign3A_1144 = arith.cmpi slt, %jit3A_1131, %sign3A_1143 : i32
      %sign3A_1145 = arith.extui %sign3A_1144 : i1 to i32
      %sign3A_1146 = arith.subi %sign3A_1142, %sign3A_1145 : i32
      %ne3A_1147 = arith.cmpi ne, %sign3A_1139, %sign3A_1146 : i32
      %rem3A_1148 = arith.remsi %add3A_1005, %jit3A_1131 : i32
      %ne3A_1149 = arith.constant 0 : i32
      %ne3A_1150 = arith.cmpi ne, %rem3A_1148, %ne3A_1149 : i32
      %and3A_1151 = arith.andi %ne3A_1147, %ne3A_1150 : i1
      %sub3A_1152 = arith.constant 1 : i32
      %sub3A_1153 = arith.subi %div3A_1132, %sub3A_1152 : i32
      %select_n3A_1154 = arith.select %and3A_1151, %sub3A_1153, %div3A_1132 : i32
      %jit3A_1155 = arith.constant 26 : i32
      %eq3A_1156 = arith.constant 0 : i32
      %eq3A_1157 = arith.cmpi eq, %jit3A_1155, %eq3A_1156 : i32
      %jit3A_1158 = arith.constant 1 : i32
      %select_n3A_1159 = arith.select %eq3A_1157, %jit3A_1158, %jit3A_1155 : i32
      %rem3A_1160 = arith.remsi %add3A_1005, %select_n3A_1159 : i32
      %ne3A_1161 = arith.constant 0 : i32
      %ne3A_1162 = arith.cmpi ne, %rem3A_1160, %ne3A_1161 : i32
      %lt3A_1163 = arith.constant 0 : i32
      %lt3A_1164 = arith.cmpi slt, %rem3A_1160, %lt3A_1163 : i32
      %lt3A_1165 = arith.constant 0 : i32
      %lt3A_1166 = arith.cmpi slt, %select_n3A_1159, %lt3A_1165 : i32
      %ne3A_1167 = arith.xori %lt3A_1164, %lt3A_1166 : i1
      %and3A_1168 = arith.andi %ne3A_1167, %ne3A_1162 : i1
      %add3A_1169 = arith.addi %rem3A_1160, %select_n3A_1159 : i32
      %select_n3A_1170 = arith.select %and3A_1168, %add3A_1169, %rem3A_1160 : i32
      %mul3A_1171 = arith.constant 4 : i32
      %mul3A_1172 = arith.muli %select_n3A_1170, %mul3A_1171 : i32
      %add3A_1173 = arith.constant 1 : i32
      %add3A_1174 = arith.addi %mul3A_1172, %add3A_1173 : i32
      %mul3A_1175 = arith.constant 128 : i32
      %mul3A_1176 = arith.muli %add3A_1174, %mul3A_1175 : i32
      %add3A_1177 = arith.addi %mul3A_1176, %mul3A_2 : i32
      %add3A_1178 = arith.addi %add3A_1177, %select_n3A_1154 : i32
      %mul3A_1179 = arith.constant 8 : i32
      %mul3A_1180 = arith.muli %add3A_1178, %mul3A_1179 : i32
      %dma_start3A_1181 = arith.constant 2 : i32
      %dma_start3A_1182 = arith.constant 8 : i32
      %dma_start3A_1183 = arith.constant 0 : i32
      %dma_start3A_1184 = tpu.memref_slice %arg7[%dma_start3A_1181, %dma_start3A_1182, %dma_start3A_1183] : memref<4x32x128xf32, #tpu.memory_space<vmem>> -> memref<1x8x128xf32, #tpu.memory_space<vmem>>
      %dma_start3A_1185 = tpu.memref_squeeze %dma_start3A_1184 : memref<1x8x128xf32, #tpu.memory_space<vmem>> -> memref<8x128xf32, #tpu.memory_space<vmem>>
      %dma_start3A_1186 = arith.constant 0 : i32
      %dma_start3A_1187 = tpu.memref_slice %arg4[%mul3A_1180, %dma_start3A_1186] : memref<106496x128xf32, #tpu.memory_space<hbm>> -> memref<8x128xf32, #tpu.memory_space<hbm>>
      %dma_start3A_1188 = arith.constant 0 : i32
      %dma_start3A_1189 = tpu.memref_slice %arg4[%mul3A_1180, %dma_start3A_1188] : memref<106496x128xf32, #tpu.memory_space<hbm>> -> memref<8x128xf32, #tpu.memory_space<hbm>>
      %dma_start3A_1190 = arith.constant 8 : i32
      %dma_start3A_1191 = arith.constant 0 : i32
      %dma_start3A_1192 = tpu.memref_slice %arg7[%dma_start3A_1181, %dma_start3A_1190, %dma_start3A_1191] : memref<4x32x128xf32, #tpu.memory_space<vmem>> -> memref<1x8x128xf32, #tpu.memory_space<vmem>>
      %dma_start3A_1193 = tpu.memref_squeeze %dma_start3A_1192 : memref<1x8x128xf32, #tpu.memory_space<vmem>> -> memref<8x128xf32, #tpu.memory_space<vmem>>
      tpu.enqueue_dma source(%dma_start3A_1193 : memref<8x128xf32, #tpu.memory_space<vmem>>) target(%dma_start3A_1189 : memref<8x128xf32, #tpu.memory_space<hbm>>) target_semaphore(%arg14 : memref<!tpu.dma_semaphore, #tpu.memory_space<semaphore_mem>>)
      %jit3A_1194 = arith.constant 26 : i32
      %div3A_1195 = arith.divsi %add3A_1005, %jit3A_1194 : i32
      %sign3A_1196 = arith.constant 0 : i32
      %sign3A_1197 = arith.cmpi sgt, %add3A_1005, %sign3A_1196 : i32
      %sign3A_1198 = arith.extui %sign3A_1197 : i1 to i32
      %sign3A_1199 = arith.constant 0 : i32
      %sign3A_1200 = arith.cmpi slt, %add3A_1005, %sign3A_1199 : i32
      %sign3A_1201 = arith.extui %sign3A_1200 : i1 to i32
      %sign3A_1202 = arith.subi %sign3A_1198, %sign3A_1201 : i32
      %sign3A_1203 = arith.constant 0 : i32
      %sign3A_1204 = arith.cmpi sgt, %jit3A_1194, %sign3A_1203 : i32
      %sign3A_1205 = arith.extui %sign3A_1204 : i1 to i32
      %sign3A_1206 = arith.constant 0 : i32
      %sign3A_1207 = arith.cmpi slt, %jit3A_1194, %sign3A_1206 : i32
      %sign3A_1208 = arith.extui %sign3A_1207 : i1 to i32
      %sign3A_1209 = arith.subi %sign3A_1205, %sign3A_1208 : i32
      %ne3A_1210 = arith.cmpi ne, %sign3A_1202, %sign3A_1209 : i32
      %rem3A_1211 = arith.remsi %add3A_1005, %jit3A_1194 : i32
      %ne3A_1212 = arith.constant 0 : i32
      %ne3A_1213 = arith.cmpi ne, %rem3A_1211, %ne3A_1212 : i32
      %and3A_1214 = arith.andi %ne3A_1210, %ne3A_1213 : i1
      %sub3A_1215 = arith.constant 1 : i32
      %sub3A_1216 = arith.subi %div3A_1195, %sub3A_1215 : i32
      %select_n3A_1217 = arith.select %and3A_1214, %sub3A_1216, %div3A_1195 : i32
      %jit3A_1218 = arith.constant 26 : i32
      %eq3A_1219 = arith.constant 0 : i32
      %eq3A_1220 = arith.cmpi eq, %jit3A_1218, %eq3A_1219 : i32
      %jit3A_1221 = arith.constant 1 : i32
      %select_n3A_1222 = arith.select %eq3A_1220, %jit3A_1221, %jit3A_1218 : i32
      %rem3A_1223 = arith.remsi %add3A_1005, %select_n3A_1222 : i32
      %ne3A_1224 = arith.constant 0 : i32
      %ne3A_1225 = arith.cmpi ne, %rem3A_1223, %ne3A_1224 : i32
      %lt3A_1226 = arith.constant 0 : i32
      %lt3A_1227 = arith.cmpi slt, %rem3A_1223, %lt3A_1226 : i32
      %lt3A_1228 = arith.constant 0 : i32
      %lt3A_1229 = arith.cmpi slt, %select_n3A_1222, %lt3A_1228 : i32
      %ne3A_1230 = arith.xori %lt3A_1227, %lt3A_1229 : i1
      %and3A_1231 = arith.andi %ne3A_1230, %ne3A_1225 : i1
      %add3A_1232 = arith.addi %rem3A_1223, %select_n3A_1222 : i32
      %select_n3A_1233 = arith.select %and3A_1231, %add3A_1232, %rem3A_1223 : i32
      %mul3A_1234 = arith.constant 4 : i32
      %mul3A_1235 = arith.muli %select_n3A_1233, %mul3A_1234 : i32
      %add3A_1236 = arith.constant 2 : i32
      %add3A_1237 = arith.addi %mul3A_1235, %add3A_1236 : i32
      %mul3A_1238 = arith.constant 128 : i32
      %mul3A_1239 = arith.muli %add3A_1237, %mul3A_1238 : i32
      %add3A_1240 = arith.addi %mul3A_1239, %mul3A_2 : i32
      %add3A_1241 = arith.addi %add3A_1240, %select_n3A_1217 : i32
      %mul3A_1242 = arith.constant 8 : i32
      %mul3A_1243 = arith.muli %add3A_1241, %mul3A_1242 : i32
      %dma_start3A_1244 = arith.constant 2 : i32
      %dma_start3A_1245 = arith.constant 16 : i32
      %dma_start3A_1246 = arith.constant 0 : i32
      %dma_start3A_1247 = tpu.memref_slice %arg7[%dma_start3A_1244, %dma_start3A_1245, %dma_start3A_1246] : memref<4x32x128xf32, #tpu.memory_space<vmem>> -> memref<1x8x128xf32, #tpu.memory_space<vmem>>
      %dma_start3A_1248 = tpu.memref_squeeze %dma_start3A_1247 : memref<1x8x128xf32, #tpu.memory_space<vmem>> -> memref<8x128xf32, #tpu.memory_space<vmem>>
      %dma_start3A_1249 = arith.constant 0 : i32
      %dma_start3A_1250 = tpu.memref_slice %arg4[%mul3A_1243, %dma_start3A_1249] : memref<106496x128xf32, #tpu.memory_space<hbm>> -> memref<8x128xf32, #tpu.memory_space<hbm>>
      %dma_start3A_1251 = arith.constant 0 : i32
      %dma_start3A_1252 = tpu.memref_slice %arg4[%mul3A_1243, %dma_start3A_1251] : memref<106496x128xf32, #tpu.memory_space<hbm>> -> memref<8x128xf32, #tpu.memory_space<hbm>>
      %dma_start3A_1253 = arith.constant 16 : i32
      %dma_start3A_1254 = arith.constant 0 : i32
      %dma_start3A_1255 = tpu.memref_slice %arg7[%dma_start3A_1244, %dma_start3A_1253, %dma_start3A_1254] : memref<4x32x128xf32, #tpu.memory_space<vmem>> -> memref<1x8x128xf32, #tpu.memory_space<vmem>>
      %dma_start3A_1256 = tpu.memref_squeeze %dma_start3A_1255 : memref<1x8x128xf32, #tpu.memory_space<vmem>> -> memref<8x128xf32, #tpu.memory_space<vmem>>
      tpu.enqueue_dma source(%dma_start3A_1256 : memref<8x128xf32, #tpu.memory_space<vmem>>) target(%dma_start3A_1252 : memref<8x128xf32, #tpu.memory_space<hbm>>) target_semaphore(%arg14 : memref<!tpu.dma_semaphore, #tpu.memory_space<semaphore_mem>>)
      %jit3A_1257 = arith.constant 26 : i32
      %div3A_1258 = arith.divsi %add3A_1005, %jit3A_1257 : i32
      %sign3A_1259 = arith.constant 0 : i32
      %sign3A_1260 = arith.cmpi sgt, %add3A_1005, %sign3A_1259 : i32
      %sign3A_1261 = arith.extui %sign3A_1260 : i1 to i32
      %sign3A_1262 = arith.constant 0 : i32
      %sign3A_1263 = arith.cmpi slt, %add3A_1005, %sign3A_1262 : i32
      %sign3A_1264 = arith.extui %sign3A_1263 : i1 to i32
      %sign3A_1265 = arith.subi %sign3A_1261, %sign3A_1264 : i32
      %sign3A_1266 = arith.constant 0 : i32
      %sign3A_1267 = arith.cmpi sgt, %jit3A_1257, %sign3A_1266 : i32
      %sign3A_1268 = arith.extui %sign3A_1267 : i1 to i32
      %sign3A_1269 = arith.constant 0 : i32
      %sign3A_1270 = arith.cmpi slt, %jit3A_1257, %sign3A_1269 : i32
      %sign3A_1271 = arith.extui %sign3A_1270 : i1 to i32
      %sign3A_1272 = arith.subi %sign3A_1268, %sign3A_1271 : i32
      %ne3A_1273 = arith.cmpi ne, %sign3A_1265, %sign3A_1272 : i32
      %rem3A_1274 = arith.remsi %add3A_1005, %jit3A_1257 : i32
      %ne3A_1275 = arith.constant 0 : i32
      %ne3A_1276 = arith.cmpi ne, %rem3A_1274, %ne3A_1275 : i32
      %and3A_1277 = arith.andi %ne3A_1273, %ne3A_1276 : i1
      %sub3A_1278 = arith.constant 1 : i32
      %sub3A_1279 = arith.subi %div3A_1258, %sub3A_1278 : i32
      %select_n3A_1280 = arith.select %and3A_1277, %sub3A_1279, %div3A_1258 : i32
      %jit3A_1281 = arith.constant 26 : i32
      %eq3A_1282 = arith.constant 0 : i32
      %eq3A_1283 = arith.cmpi eq, %jit3A_1281, %eq3A_1282 : i32
      %jit3A_1284 = arith.constant 1 : i32
      %select_n3A_1285 = arith.select %eq3A_1283, %jit3A_1284, %jit3A_1281 : i32
      %rem3A_1286 = arith.remsi %add3A_1005, %select_n3A_1285 : i32
      %ne3A_1287 = arith.constant 0 : i32
      %ne3A_1288 = arith.cmpi ne, %rem3A_1286, %ne3A_1287 : i32
      %lt3A_1289 = arith.constant 0 : i32
      %lt3A_1290 = arith.cmpi slt, %rem3A_1286, %lt3A_1289 : i32
      %lt3A_1291 = arith.constant 0 : i32
      %lt3A_1292 = arith.cmpi slt, %select_n3A_1285, %lt3A_1291 : i32
      %ne3A_1293 = arith.xori %lt3A_1290, %lt3A_1292 : i1
      %and3A_1294 = arith.andi %ne3A_1293, %ne3A_1288 : i1
      %add3A_1295 = arith.addi %rem3A_1286, %select_n3A_1285 : i32
      %select_n3A_1296 = arith.select %and3A_1294, %add3A_1295, %rem3A_1286 : i32
      %mul3A_1297 = arith.constant 4 : i32
      %mul3A_1298 = arith.muli %select_n3A_1296, %mul3A_1297 : i32
      %add3A_1299 = arith.constant 3 : i32
      %add3A_1300 = arith.addi %mul3A_1298, %add3A_1299 : i32
      %mul3A_1301 = arith.constant 128 : i32
      %mul3A_1302 = arith.muli %add3A_1300, %mul3A_1301 : i32
      %add3A_1303 = arith.addi %mul3A_1302, %mul3A_2 : i32
      %add3A_1304 = arith.addi %add3A_1303, %select_n3A_1280 : i32
      %mul3A_1305 = arith.constant 8 : i32
      %mul3A_1306 = arith.muli %add3A_1304, %mul3A_1305 : i32
      %dma_start3A_1307 = arith.constant 2 : i32
      %dma_start3A_1308 = arith.constant 24 : i32
      %dma_start3A_1309 = arith.constant 0 : i32
      %dma_start3A_1310 = tpu.memref_slice %arg7[%dma_start3A_1307, %dma_start3A_1308, %dma_start3A_1309] : memref<4x32x128xf32, #tpu.memory_space<vmem>> -> memref<1x8x128xf32, #tpu.memory_space<vmem>>
      %dma_start3A_1311 = tpu.memref_squeeze %dma_start3A_1310 : memref<1x8x128xf32, #tpu.memory_space<vmem>> -> memref<8x128xf32, #tpu.memory_space<vmem>>
      %dma_start3A_1312 = arith.constant 0 : i32
      %dma_start3A_1313 = tpu.memref_slice %arg4[%mul3A_1306, %dma_start3A_1312] : memref<106496x128xf32, #tpu.memory_space<hbm>> -> memref<8x128xf32, #tpu.memory_space<hbm>>
      %dma_start3A_1314 = arith.constant 0 : i32
      %dma_start3A_1315 = tpu.memref_slice %arg4[%mul3A_1306, %dma_start3A_1314] : memref<106496x128xf32, #tpu.memory_space<hbm>> -> memref<8x128xf32, #tpu.memory_space<hbm>>
      %dma_start3A_1316 = arith.constant 24 : i32
      %dma_start3A_1317 = arith.constant 0 : i32
      %dma_start3A_1318 = tpu.memref_slice %arg7[%dma_start3A_1307, %dma_start3A_1316, %dma_start3A_1317] : memref<4x32x128xf32, #tpu.memory_space<vmem>> -> memref<1x8x128xf32, #tpu.memory_space<vmem>>
      %dma_start3A_1319 = tpu.memref_squeeze %dma_start3A_1318 : memref<1x8x128xf32, #tpu.memory_space<vmem>> -> memref<8x128xf32, #tpu.memory_space<vmem>>
      tpu.enqueue_dma source(%dma_start3A_1319 : memref<8x128xf32, #tpu.memory_space<vmem>>) target(%dma_start3A_1315 : memref<8x128xf32, #tpu.memory_space<hbm>>) target_semaphore(%arg14 : memref<!tpu.dma_semaphore, #tpu.memory_space<semaphore_mem>>)
      %add3A_1320 = arith.constant 4 : i32
      %add3A_1321 = arith.addi %add3A_1005, %add3A_1320 : i32
      %lt3A_1322 = arith.constant 104 : i32
      %lt3A_1323 = arith.cmpi slt, %add3A_1321, %lt3A_1322 : i32
      %convert_element_type3A_1324 = arith.extui %lt3A_1323 : i1 to i32
      %cond3A_1325 = arith.constant 0 : i32
      %cond3A_1326 = arith.cmpi ne, %convert_element_type3A_1324, %cond3A_1325 : i32
      scf.if %cond3A_1326 {
        %add3A_1650 = arith.constant 4 : i32
        %add3A_1651 = arith.addi %add3A_1005, %add3A_1650 : i32
        %jit3A_1652 = arith.constant 26 : i32
        %div3A_1653 = arith.divsi %add3A_1651, %jit3A_1652 : i32
        %sign3A_1654 = arith.constant 0 : i32
        %sign3A_1655 = arith.cmpi sgt, %add3A_1651, %sign3A_1654 : i32
        %sign3A_1656 = arith.extui %sign3A_1655 : i1 to i32
        %sign3A_1657 = arith.constant 0 : i32
        %sign3A_1658 = arith.cmpi slt, %add3A_1651, %sign3A_1657 : i32
        %sign3A_1659 = arith.extui %sign3A_1658 : i1 to i32
        %sign3A_1660 = arith.subi %sign3A_1656, %sign3A_1659 : i32
        %sign3A_1661 = arith.constant 0 : i32
        %sign3A_1662 = arith.cmpi sgt, %jit3A_1652, %sign3A_1661 : i32
        %sign3A_1663 = arith.extui %sign3A_1662 : i1 to i32
        %sign3A_1664 = arith.constant 0 : i32
        %sign3A_1665 = arith.cmpi slt, %jit3A_1652, %sign3A_1664 : i32
        %sign3A_1666 = arith.extui %sign3A_1665 : i1 to i32
        %sign3A_1667 = arith.subi %sign3A_1663, %sign3A_1666 : i32
        %ne3A_1668 = arith.cmpi ne, %sign3A_1660, %sign3A_1667 : i32
        %rem3A_1669 = arith.remsi %add3A_1651, %jit3A_1652 : i32
        %ne3A_1670 = arith.constant 0 : i32
        %ne3A_1671 = arith.cmpi ne, %rem3A_1669, %ne3A_1670 : i32
        %and3A_1672 = arith.andi %ne3A_1668, %ne3A_1671 : i1
        %sub3A_1673 = arith.constant 1 : i32
        %sub3A_1674 = arith.subi %div3A_1653, %sub3A_1673 : i32
        %select_n3A_1675 = arith.select %and3A_1672, %sub3A_1674, %div3A_1653 : i32
        %jit3A_1676 = arith.constant 26 : i32
        %eq3A_1677 = arith.constant 0 : i32
        %eq3A_1678 = arith.cmpi eq, %jit3A_1676, %eq3A_1677 : i32
        %jit3A_1679 = arith.constant 1 : i32
        %select_n3A_1680 = arith.select %eq3A_1678, %jit3A_1679, %jit3A_1676 : i32
        %rem3A_1681 = arith.remsi %add3A_1651, %select_n3A_1680 : i32
        %ne3A_1682 = arith.constant 0 : i32
        %ne3A_1683 = arith.cmpi ne, %rem3A_1681, %ne3A_1682 : i32
        %lt3A_1684 = arith.constant 0 : i32
        %lt3A_1685 = arith.cmpi slt, %rem3A_1681, %lt3A_1684 : i32
        %lt3A_1686 = arith.constant 0 : i32
        %lt3A_1687 = arith.cmpi slt, %select_n3A_1680, %lt3A_1686 : i32
        %ne3A_1688 = arith.xori %lt3A_1685, %lt3A_1687 : i1
        %and3A_1689 = arith.andi %ne3A_1688, %ne3A_1683 : i1
        %add3A_1690 = arith.addi %rem3A_1681, %select_n3A_1680 : i32
        %select_n3A_1691 = arith.select %and3A_1689, %add3A_1690, %rem3A_1681 : i32
        %dma_start3A_1692 = arith.constant 2 : i32
        %dma_start3A_1693 = arith.constant 0 : i32
        %dma_start3A_1694 = arith.constant 0 : i32
        %dma_start3A_1695 = tpu.memref_slice %arg6[%dma_start3A_1692, %dma_start3A_1693, %dma_start3A_1694] : memref<4x128x32xf32, #tpu.memory_space<vmem>> -> memref<1x128x32xf32, #tpu.memory_space<vmem>>
        %dma_start3A_1696 = tpu.memref_squeeze %dma_start3A_1695 : memref<1x128x32xf32, #tpu.memory_space<vmem>> -> memref<128x32xf32, #tpu.memory_space<vmem>>
        %dma_start3A_1697 = arith.constant 0 : i32
        %dma_start3A_1698 = tpu.memref_slice %arg5[%select_n3A_1691, %select_n3A_1675, %dma_start3A_1697] : memref<26x4x128xi32, #tpu.memory_space<vmem>> -> memref<1x1x128xi32, #tpu.memory_space<vmem>>
        %dma_start3A_1699 = tpu.memref_squeeze %dma_start3A_1698 : memref<1x1x128xi32, #tpu.memory_space<vmem>> -> memref<128xi32, #tpu.memory_space<vmem>>
        %dma_start3A_1700 = arith.constant 0 : i32
        %dma_start3A_1701 = arith.constant 0 : i32
        %dma_start3A_1702 = tpu.memref_slice %arg3[%dma_start3A_1700, %dma_start3A_1701] : memref<1015808x32xf32, #tpu.memory_space<hbm>> -> memref<1015808x32xf32, #tpu.memory_space<hbm>>
        tpu.enqueue_indirect_dma source(%dma_start3A_1702 : memref<1015808x32xf32, #tpu.memory_space<hbm>>) target(%dma_start3A_1696 : memref<128x32xf32, #tpu.memory_space<vmem>>) offsets(%dma_start3A_1699 : memref<128xi32, #tpu.memory_space<vmem>>) semaphore(%arg10 : memref<!tpu.dma_semaphore, #tpu.memory_space<semaphore_mem>>)
      } else {
      }
      %add3A_1327 = arith.constant 3 : i32
      %add3A_1328 = arith.addi %mul3A_370, %add3A_1327 : i32
      %jit3A_1329 = arith.constant 26 : i32
      %div3A_1330 = arith.divsi %add3A_1328, %jit3A_1329 : i32
      %sign3A_1331 = arith.constant 0 : i32
      %sign3A_1332 = arith.cmpi sgt, %add3A_1328, %sign3A_1331 : i32
      %sign3A_1333 = arith.extui %sign3A_1332 : i1 to i32
      %sign3A_1334 = arith.constant 0 : i32
      %sign3A_1335 = arith.cmpi slt, %add3A_1328, %sign3A_1334 : i32
      %sign3A_1336 = arith.extui %sign3A_1335 : i1 to i32
      %sign3A_1337 = arith.subi %sign3A_1333, %sign3A_1336 : i32
      %sign3A_1338 = arith.constant 0 : i32
      %sign3A_1339 = arith.cmpi sgt, %jit3A_1329, %sign3A_1338 : i32
      %sign3A_1340 = arith.extui %sign3A_1339 : i1 to i32
      %sign3A_1341 = arith.constant 0 : i32
      %sign3A_1342 = arith.cmpi slt, %jit3A_1329, %sign3A_1341 : i32
      %sign3A_1343 = arith.extui %sign3A_1342 : i1 to i32
      %sign3A_1344 = arith.subi %sign3A_1340, %sign3A_1343 : i32
      %ne3A_1345 = arith.cmpi ne, %sign3A_1337, %sign3A_1344 : i32
      %rem3A_1346 = arith.remsi %add3A_1328, %jit3A_1329 : i32
      %ne3A_1347 = arith.constant 0 : i32
      %ne3A_1348 = arith.cmpi ne, %rem3A_1346, %ne3A_1347 : i32
      %and3A_1349 = arith.andi %ne3A_1345, %ne3A_1348 : i1
      %sub3A_1350 = arith.constant 1 : i32
      %sub3A_1351 = arith.subi %div3A_1330, %sub3A_1350 : i32
      %select_n3A_1352 = arith.select %and3A_1349, %sub3A_1351, %div3A_1330 : i32
      %jit3A_1353 = arith.constant 26 : i32
      %eq3A_1354 = arith.constant 0 : i32
      %eq3A_1355 = arith.cmpi eq, %jit3A_1353, %eq3A_1354 : i32
      %jit3A_1356 = arith.constant 1 : i32
      %select_n3A_1357 = arith.select %eq3A_1355, %jit3A_1356, %jit3A_1353 : i32
      %rem3A_1358 = arith.remsi %add3A_1328, %select_n3A_1357 : i32
      %ne3A_1359 = arith.constant 0 : i32
      %ne3A_1360 = arith.cmpi ne, %rem3A_1358, %ne3A_1359 : i32
      %lt3A_1361 = arith.constant 0 : i32
      %lt3A_1362 = arith.cmpi slt, %rem3A_1358, %lt3A_1361 : i32
      %lt3A_1363 = arith.constant 0 : i32
      %lt3A_1364 = arith.cmpi slt, %select_n3A_1357, %lt3A_1363 : i32
      %ne3A_1365 = arith.xori %lt3A_1362, %lt3A_1364 : i1
      %and3A_1366 = arith.andi %ne3A_1365, %ne3A_1360 : i1
      %add3A_1367 = arith.addi %rem3A_1358, %select_n3A_1357 : i32
      %select_n3A_1368 = arith.select %and3A_1366, %add3A_1367, %rem3A_1358 : i32
      %dma_wait3A_1369 = arith.constant 3 : i32
      %dma_wait3A_1370 = arith.constant 0 : i32
      %dma_wait3A_1371 = arith.constant 0 : i32
      %dma_wait3A_1372 = tpu.memref_slice %arg6[%dma_wait3A_1369, %dma_wait3A_1370, %dma_wait3A_1371] : memref<4x128x32xf32, #tpu.memory_space<vmem>> -> memref<1x128x32xf32, #tpu.memory_space<vmem>>
      %dma_wait3A_1373 = tpu.memref_squeeze %dma_wait3A_1372 : memref<1x128x32xf32, #tpu.memory_space<vmem>> -> memref<128x32xf32, #tpu.memory_space<vmem>>
      %dma_wait3A_1374 = arith.constant 0 : i32
      %dma_wait3A_1375 = tpu.memref_slice %arg5[%select_n3A_1368, %select_n3A_1352, %dma_wait3A_1374] : memref<26x4x128xi32, #tpu.memory_space<vmem>> -> memref<1x1x128xi32, #tpu.memory_space<vmem>>
      %dma_wait3A_1376 = tpu.memref_squeeze %dma_wait3A_1375 : memref<1x1x128xi32, #tpu.memory_space<vmem>> -> memref<128xi32, #tpu.memory_space<vmem>>
      %dma_wait3A_1377 = arith.constant 0 : i32
      %dma_wait3A_1378 = arith.constant 0 : i32
      %dma_wait3A_1379 = tpu.memref_slice %arg3[%dma_wait3A_1377, %dma_wait3A_1378] : memref<1015808x32xf32, #tpu.memory_space<hbm>> -> memref<1015808x32xf32, #tpu.memory_space<hbm>>
      tpu.wait_indirect_dma semaphore(%arg11 : memref<!tpu.dma_semaphore, #tpu.memory_space<semaphore_mem>>) src(%dma_wait3A_1379 : memref<1015808x32xf32, #tpu.memory_space<hbm>>) dst(%dma_wait3A_1373 : memref<128x32xf32, #tpu.memory_space<vmem>>)
      %ge3A_1380 = arith.constant 4 : i32
      %ge3A_1381 = arith.cmpi sge, %add3A_1328, %ge3A_1380 : i32
      %convert_element_type3A_1382 = arith.extui %ge3A_1381 : i1 to i32
      %cond3A_1383 = arith.constant 0 : i32
      %cond3A_1384 = arith.cmpi ne, %convert_element_type3A_1382, %cond3A_1383 : i32
      scf.if %cond3A_1384 {
        %sub3A_1650 = arith.constant 4 : i32
        %sub3A_1651 = arith.subi %add3A_1328, %sub3A_1650 : i32
        %jit3A_1652 = arith.constant 26 : i32
        %div3A_1653 = arith.divsi %sub3A_1651, %jit3A_1652 : i32
        %sign3A_1654 = arith.constant 0 : i32
        %sign3A_1655 = arith.cmpi sgt, %sub3A_1651, %sign3A_1654 : i32
        %sign3A_1656 = arith.extui %sign3A_1655 : i1 to i32
        %sign3A_1657 = arith.constant 0 : i32
        %sign3A_1658 = arith.cmpi slt, %sub3A_1651, %sign3A_1657 : i32
        %sign3A_1659 = arith.extui %sign3A_1658 : i1 to i32
        %sign3A_1660 = arith.subi %sign3A_1656, %sign3A_1659 : i32
        %sign3A_1661 = arith.constant 0 : i32
        %sign3A_1662 = arith.cmpi sgt, %jit3A_1652, %sign3A_1661 : i32
        %sign3A_1663 = arith.extui %sign3A_1662 : i1 to i32
        %sign3A_1664 = arith.constant 0 : i32
        %sign3A_1665 = arith.cmpi slt, %jit3A_1652, %sign3A_1664 : i32
        %sign3A_1666 = arith.extui %sign3A_1665 : i1 to i32
        %sign3A_1667 = arith.subi %sign3A_1663, %sign3A_1666 : i32
        %ne3A_1668 = arith.cmpi ne, %sign3A_1660, %sign3A_1667 : i32
        %rem3A_1669 = arith.remsi %sub3A_1651, %jit3A_1652 : i32
        %ne3A_1670 = arith.constant 0 : i32
        %ne3A_1671 = arith.cmpi ne, %rem3A_1669, %ne3A_1670 : i32
        %and3A_1672 = arith.andi %ne3A_1668, %ne3A_1671 : i1
        %sub3A_1673 = arith.constant 1 : i32
        %sub3A_1674 = arith.subi %div3A_1653, %sub3A_1673 : i32
        %select_n3A_1675 = arith.select %and3A_1672, %sub3A_1674, %div3A_1653 : i32
        %jit3A_1676 = arith.constant 26 : i32
        %eq3A_1677 = arith.constant 0 : i32
        %eq3A_1678 = arith.cmpi eq, %jit3A_1676, %eq3A_1677 : i32
        %jit3A_1679 = arith.constant 1 : i32
        %select_n3A_1680 = arith.select %eq3A_1678, %jit3A_1679, %jit3A_1676 : i32
        %rem3A_1681 = arith.remsi %sub3A_1651, %select_n3A_1680 : i32
        %ne3A_1682 = arith.constant 0 : i32
        %ne3A_1683 = arith.cmpi ne, %rem3A_1681, %ne3A_1682 : i32
        %lt3A_1684 = arith.constant 0 : i32
        %lt3A_1685 = arith.cmpi slt, %rem3A_1681, %lt3A_1684 : i32
        %lt3A_1686 = arith.constant 0 : i32
        %lt3A_1687 = arith.cmpi slt, %select_n3A_1680, %lt3A_1686 : i32
        %ne3A_1688 = arith.xori %lt3A_1685, %lt3A_1687 : i1
        %and3A_1689 = arith.andi %ne3A_1688, %ne3A_1683 : i1
        %add3A_1690 = arith.addi %rem3A_1681, %select_n3A_1680 : i32
        %select_n3A_1691 = arith.select %and3A_1689, %add3A_1690, %rem3A_1681 : i32
        %mul3A_1692 = arith.constant 4 : i32
        %mul3A_1693 = arith.muli %select_n3A_1691, %mul3A_1692 : i32
        %add3A_1694 = arith.constant 0 : i32
        %add3A_1695 = arith.addi %mul3A_1693, %add3A_1694 : i32
        %mul3A_1696 = arith.constant 128 : i32
        %mul3A_1697 = arith.muli %add3A_1695, %mul3A_1696 : i32
        %add3A_1698 = arith.addi %mul3A_1697, %mul3A_2 : i32
        %add3A_1699 = arith.addi %add3A_1698, %select_n3A_1675 : i32
        %mul3A_1700 = arith.constant 8 : i32
        %mul3A_1701 = arith.muli %add3A_1699, %mul3A_1700 : i32
        %dma_wait3A_1702 = arith.constant 3 : i32
        %dma_wait3A_1703 = arith.constant 0 : i32
        %dma_wait3A_1704 = arith.constant 0 : i32
        %dma_wait3A_1705 = tpu.memref_slice %arg7[%dma_wait3A_1702, %dma_wait3A_1703, %dma_wait3A_1704] : memref<4x32x128xf32, #tpu.memory_space<vmem>> -> memref<1x8x128xf32, #tpu.memory_space<vmem>>
        %dma_wait3A_1706 = tpu.memref_squeeze %dma_wait3A_1705 : memref<1x8x128xf32, #tpu.memory_space<vmem>> -> memref<8x128xf32, #tpu.memory_space<vmem>>
        %dma_wait3A_1707 = arith.constant 0 : i32
        %dma_wait3A_1708 = tpu.memref_slice %arg4[%mul3A_1701, %dma_wait3A_1707] : memref<106496x128xf32, #tpu.memory_space<hbm>> -> memref<8x128xf32, #tpu.memory_space<hbm>>
        %dma_wait3A_1709 = arith.constant 0 : i32
        %dma_wait3A_1710 = tpu.memref_slice %arg4[%mul3A_1701, %dma_wait3A_1709] : memref<106496x128xf32, #tpu.memory_space<hbm>> -> memref<8x128xf32, #tpu.memory_space<hbm>>
        %dma_wait3A_1711 = arith.constant 0 : i32
        %dma_wait3A_1712 = arith.constant 0 : i32
        %dma_wait3A_1713 = tpu.memref_slice %arg7[%dma_wait3A_1702, %dma_wait3A_1711, %dma_wait3A_1712] : memref<4x32x128xf32, #tpu.memory_space<vmem>> -> memref<1x8x128xf32, #tpu.memory_space<vmem>>
        %dma_wait3A_1714 = tpu.memref_squeeze %dma_wait3A_1713 : memref<1x8x128xf32, #tpu.memory_space<vmem>> -> memref<8x128xf32, #tpu.memory_space<vmem>>
        tpu.wait_dma2 semaphore(%arg15 : memref<!tpu.dma_semaphore, #tpu.memory_space<semaphore_mem>>) src(%dma_wait3A_1714 : memref<8x128xf32, #tpu.memory_space<vmem>>) dst(%dma_wait3A_1710 : memref<8x128xf32, #tpu.memory_space<hbm>>)
        %jit3A_1715 = arith.constant 26 : i32
        %div3A_1716 = arith.divsi %sub3A_1651, %jit3A_1715 : i32
        %sign3A_1717 = arith.constant 0 : i32
        %sign3A_1718 = arith.cmpi sgt, %sub3A_1651, %sign3A_1717 : i32
        %sign3A_1719 = arith.extui %sign3A_1718 : i1 to i32
        %sign3A_1720 = arith.constant 0 : i32
        %sign3A_1721 = arith.cmpi slt, %sub3A_1651, %sign3A_1720 : i32
        %sign3A_1722 = arith.extui %sign3A_1721 : i1 to i32
        %sign3A_1723 = arith.subi %sign3A_1719, %sign3A_1722 : i32
        %sign3A_1724 = arith.constant 0 : i32
        %sign3A_1725 = arith.cmpi sgt, %jit3A_1715, %sign3A_1724 : i32
        %sign3A_1726 = arith.extui %sign3A_1725 : i1 to i32
        %sign3A_1727 = arith.constant 0 : i32
        %sign3A_1728 = arith.cmpi slt, %jit3A_1715, %sign3A_1727 : i32
        %sign3A_1729 = arith.extui %sign3A_1728 : i1 to i32
        %sign3A_1730 = arith.subi %sign3A_1726, %sign3A_1729 : i32
        %ne3A_1731 = arith.cmpi ne, %sign3A_1723, %sign3A_1730 : i32
        %rem3A_1732 = arith.remsi %sub3A_1651, %jit3A_1715 : i32
        %ne3A_1733 = arith.constant 0 : i32
        %ne3A_1734 = arith.cmpi ne, %rem3A_1732, %ne3A_1733 : i32
        %and3A_1735 = arith.andi %ne3A_1731, %ne3A_1734 : i1
        %sub3A_1736 = arith.constant 1 : i32
        %sub3A_1737 = arith.subi %div3A_1716, %sub3A_1736 : i32
        %select_n3A_1738 = arith.select %and3A_1735, %sub3A_1737, %div3A_1716 : i32
        %jit3A_1739 = arith.constant 26 : i32
        %eq3A_1740 = arith.constant 0 : i32
        %eq3A_1741 = arith.cmpi eq, %jit3A_1739, %eq3A_1740 : i32
        %jit3A_1742 = arith.constant 1 : i32
        %select_n3A_1743 = arith.select %eq3A_1741, %jit3A_1742, %jit3A_1739 : i32
        %rem3A_1744 = arith.remsi %sub3A_1651, %select_n3A_1743 : i32
        %ne3A_1745 = arith.constant 0 : i32
        %ne3A_1746 = arith.cmpi ne, %rem3A_1744, %ne3A_1745 : i32
        %lt3A_1747 = arith.constant 0 : i32
        %lt3A_1748 = arith.cmpi slt, %rem3A_1744, %lt3A_1747 : i32
        %lt3A_1749 = arith.constant 0 : i32
        %lt3A_1750 = arith.cmpi slt, %select_n3A_1743, %lt3A_1749 : i32
        %ne3A_1751 = arith.xori %lt3A_1748, %lt3A_1750 : i1
        %and3A_1752 = arith.andi %ne3A_1751, %ne3A_1746 : i1
        %add3A_1753 = arith.addi %rem3A_1744, %select_n3A_1743 : i32
        %select_n3A_1754 = arith.select %and3A_1752, %add3A_1753, %rem3A_1744 : i32
        %mul3A_1755 = arith.constant 4 : i32
        %mul3A_1756 = arith.muli %select_n3A_1754, %mul3A_1755 : i32
        %add3A_1757 = arith.constant 1 : i32
        %add3A_1758 = arith.addi %mul3A_1756, %add3A_1757 : i32
        %mul3A_1759 = arith.constant 128 : i32
        %mul3A_1760 = arith.muli %add3A_1758, %mul3A_1759 : i32
        %add3A_1761 = arith.addi %mul3A_1760, %mul3A_2 : i32
        %add3A_1762 = arith.addi %add3A_1761, %select_n3A_1738 : i32
        %mul3A_1763 = arith.constant 8 : i32
        %mul3A_1764 = arith.muli %add3A_1762, %mul3A_1763 : i32
        %dma_wait3A_1765 = arith.constant 3 : i32
        %dma_wait3A_1766 = arith.constant 8 : i32
        %dma_wait3A_1767 = arith.constant 0 : i32
        %dma_wait3A_1768 = tpu.memref_slice %arg7[%dma_wait3A_1765, %dma_wait3A_1766, %dma_wait3A_1767] : memref<4x32x128xf32, #tpu.memory_space<vmem>> -> memref<1x8x128xf32, #tpu.memory_space<vmem>>
        %dma_wait3A_1769 = tpu.memref_squeeze %dma_wait3A_1768 : memref<1x8x128xf32, #tpu.memory_space<vmem>> -> memref<8x128xf32, #tpu.memory_space<vmem>>
        %dma_wait3A_1770 = arith.constant 0 : i32
        %dma_wait3A_1771 = tpu.memref_slice %arg4[%mul3A_1764, %dma_wait3A_1770] : memref<106496x128xf32, #tpu.memory_space<hbm>> -> memref<8x128xf32, #tpu.memory_space<hbm>>
        %dma_wait3A_1772 = arith.constant 0 : i32
        %dma_wait3A_1773 = tpu.memref_slice %arg4[%mul3A_1764, %dma_wait3A_1772] : memref<106496x128xf32, #tpu.memory_space<hbm>> -> memref<8x128xf32, #tpu.memory_space<hbm>>
        %dma_wait3A_1774 = arith.constant 8 : i32
        %dma_wait3A_1775 = arith.constant 0 : i32
        %dma_wait3A_1776 = tpu.memref_slice %arg7[%dma_wait3A_1765, %dma_wait3A_1774, %dma_wait3A_1775] : memref<4x32x128xf32, #tpu.memory_space<vmem>> -> memref<1x8x128xf32, #tpu.memory_space<vmem>>
        %dma_wait3A_1777 = tpu.memref_squeeze %dma_wait3A_1776 : memref<1x8x128xf32, #tpu.memory_space<vmem>> -> memref<8x128xf32, #tpu.memory_space<vmem>>
        tpu.wait_dma2 semaphore(%arg15 : memref<!tpu.dma_semaphore, #tpu.memory_space<semaphore_mem>>) src(%dma_wait3A_1777 : memref<8x128xf32, #tpu.memory_space<vmem>>) dst(%dma_wait3A_1773 : memref<8x128xf32, #tpu.memory_space<hbm>>)
        %jit3A_1778 = arith.constant 26 : i32
        %div3A_1779 = arith.divsi %sub3A_1651, %jit3A_1778 : i32
        %sign3A_1780 = arith.constant 0 : i32
        %sign3A_1781 = arith.cmpi sgt, %sub3A_1651, %sign3A_1780 : i32
        %sign3A_1782 = arith.extui %sign3A_1781 : i1 to i32
        %sign3A_1783 = arith.constant 0 : i32
        %sign3A_1784 = arith.cmpi slt, %sub3A_1651, %sign3A_1783 : i32
        %sign3A_1785 = arith.extui %sign3A_1784 : i1 to i32
        %sign3A_1786 = arith.subi %sign3A_1782, %sign3A_1785 : i32
        %sign3A_1787 = arith.constant 0 : i32
        %sign3A_1788 = arith.cmpi sgt, %jit3A_1778, %sign3A_1787 : i32
        %sign3A_1789 = arith.extui %sign3A_1788 : i1 to i32
        %sign3A_1790 = arith.constant 0 : i32
        %sign3A_1791 = arith.cmpi slt, %jit3A_1778, %sign3A_1790 : i32
        %sign3A_1792 = arith.extui %sign3A_1791 : i1 to i32
        %sign3A_1793 = arith.subi %sign3A_1789, %sign3A_1792 : i32
        %ne3A_1794 = arith.cmpi ne, %sign3A_1786, %sign3A_1793 : i32
        %rem3A_1795 = arith.remsi %sub3A_1651, %jit3A_1778 : i32
        %ne3A_1796 = arith.constant 0 : i32
        %ne3A_1797 = arith.cmpi ne, %rem3A_1795, %ne3A_1796 : i32
        %and3A_1798 = arith.andi %ne3A_1794, %ne3A_1797 : i1
        %sub3A_1799 = arith.constant 1 : i32
        %sub3A_1800 = arith.subi %div3A_1779, %sub3A_1799 : i32
        %select_n3A_1801 = arith.select %and3A_1798, %sub3A_1800, %div3A_1779 : i32
        %jit3A_1802 = arith.constant 26 : i32
        %eq3A_1803 = arith.constant 0 : i32
        %eq3A_1804 = arith.cmpi eq, %jit3A_1802, %eq3A_1803 : i32
        %jit3A_1805 = arith.constant 1 : i32
        %select_n3A_1806 = arith.select %eq3A_1804, %jit3A_1805, %jit3A_1802 : i32
        %rem3A_1807 = arith.remsi %sub3A_1651, %select_n3A_1806 : i32
        %ne3A_1808 = arith.constant 0 : i32
        %ne3A_1809 = arith.cmpi ne, %rem3A_1807, %ne3A_1808 : i32
        %lt3A_1810 = arith.constant 0 : i32
        %lt3A_1811 = arith.cmpi slt, %rem3A_1807, %lt3A_1810 : i32
        %lt3A_1812 = arith.constant 0 : i32
        %lt3A_1813 = arith.cmpi slt, %select_n3A_1806, %lt3A_1812 : i32
        %ne3A_1814 = arith.xori %lt3A_1811, %lt3A_1813 : i1
        %and3A_1815 = arith.andi %ne3A_1814, %ne3A_1809 : i1
        %add3A_1816 = arith.addi %rem3A_1807, %select_n3A_1806 : i32
        %select_n3A_1817 = arith.select %and3A_1815, %add3A_1816, %rem3A_1807 : i32
        %mul3A_1818 = arith.constant 4 : i32
        %mul3A_1819 = arith.muli %select_n3A_1817, %mul3A_1818 : i32
        %add3A_1820 = arith.constant 2 : i32
        %add3A_1821 = arith.addi %mul3A_1819, %add3A_1820 : i32
        %mul3A_1822 = arith.constant 128 : i32
        %mul3A_1823 = arith.muli %add3A_1821, %mul3A_1822 : i32
        %add3A_1824 = arith.addi %mul3A_1823, %mul3A_2 : i32
        %add3A_1825 = arith.addi %add3A_1824, %select_n3A_1801 : i32
        %mul3A_1826 = arith.constant 8 : i32
        %mul3A_1827 = arith.muli %add3A_1825, %mul3A_1826 : i32
        %dma_wait3A_1828 = arith.constant 3 : i32
        %dma_wait3A_1829 = arith.constant 16 : i32
        %dma_wait3A_1830 = arith.constant 0 : i32
        %dma_wait3A_1831 = tpu.memref_slice %arg7[%dma_wait3A_1828, %dma_wait3A_1829, %dma_wait3A_1830] : memref<4x32x128xf32, #tpu.memory_space<vmem>> -> memref<1x8x128xf32, #tpu.memory_space<vmem>>
        %dma_wait3A_1832 = tpu.memref_squeeze %dma_wait3A_1831 : memref<1x8x128xf32, #tpu.memory_space<vmem>> -> memref<8x128xf32, #tpu.memory_space<vmem>>
        %dma_wait3A_1833 = arith.constant 0 : i32
        %dma_wait3A_1834 = tpu.memref_slice %arg4[%mul3A_1827, %dma_wait3A_1833] : memref<106496x128xf32, #tpu.memory_space<hbm>> -> memref<8x128xf32, #tpu.memory_space<hbm>>
        %dma_wait3A_1835 = arith.constant 0 : i32
        %dma_wait3A_1836 = tpu.memref_slice %arg4[%mul3A_1827, %dma_wait3A_1835] : memref<106496x128xf32, #tpu.memory_space<hbm>> -> memref<8x128xf32, #tpu.memory_space<hbm>>
        %dma_wait3A_1837 = arith.constant 16 : i32
        %dma_wait3A_1838 = arith.constant 0 : i32
        %dma_wait3A_1839 = tpu.memref_slice %arg7[%dma_wait3A_1828, %dma_wait3A_1837, %dma_wait3A_1838] : memref<4x32x128xf32, #tpu.memory_space<vmem>> -> memref<1x8x128xf32, #tpu.memory_space<vmem>>
        %dma_wait3A_1840 = tpu.memref_squeeze %dma_wait3A_1839 : memref<1x8x128xf32, #tpu.memory_space<vmem>> -> memref<8x128xf32, #tpu.memory_space<vmem>>
        tpu.wait_dma2 semaphore(%arg15 : memref<!tpu.dma_semaphore, #tpu.memory_space<semaphore_mem>>) src(%dma_wait3A_1840 : memref<8x128xf32, #tpu.memory_space<vmem>>) dst(%dma_wait3A_1836 : memref<8x128xf32, #tpu.memory_space<hbm>>)
        %jit3A_1841 = arith.constant 26 : i32
        %div3A_1842 = arith.divsi %sub3A_1651, %jit3A_1841 : i32
        %sign3A_1843 = arith.constant 0 : i32
        %sign3A_1844 = arith.cmpi sgt, %sub3A_1651, %sign3A_1843 : i32
        %sign3A_1845 = arith.extui %sign3A_1844 : i1 to i32
        %sign3A_1846 = arith.constant 0 : i32
        %sign3A_1847 = arith.cmpi slt, %sub3A_1651, %sign3A_1846 : i32
        %sign3A_1848 = arith.extui %sign3A_1847 : i1 to i32
        %sign3A_1849 = arith.subi %sign3A_1845, %sign3A_1848 : i32
        %sign3A_1850 = arith.constant 0 : i32
        %sign3A_1851 = arith.cmpi sgt, %jit3A_1841, %sign3A_1850 : i32
        %sign3A_1852 = arith.extui %sign3A_1851 : i1 to i32
        %sign3A_1853 = arith.constant 0 : i32
        %sign3A_1854 = arith.cmpi slt, %jit3A_1841, %sign3A_1853 : i32
        %sign3A_1855 = arith.extui %sign3A_1854 : i1 to i32
        %sign3A_1856 = arith.subi %sign3A_1852, %sign3A_1855 : i32
        %ne3A_1857 = arith.cmpi ne, %sign3A_1849, %sign3A_1856 : i32
        %rem3A_1858 = arith.remsi %sub3A_1651, %jit3A_1841 : i32
        %ne3A_1859 = arith.constant 0 : i32
        %ne3A_1860 = arith.cmpi ne, %rem3A_1858, %ne3A_1859 : i32
        %and3A_1861 = arith.andi %ne3A_1857, %ne3A_1860 : i1
        %sub3A_1862 = arith.constant 1 : i32
        %sub3A_1863 = arith.subi %div3A_1842, %sub3A_1862 : i32
        %select_n3A_1864 = arith.select %and3A_1861, %sub3A_1863, %div3A_1842 : i32
        %jit3A_1865 = arith.constant 26 : i32
        %eq3A_1866 = arith.constant 0 : i32
        %eq3A_1867 = arith.cmpi eq, %jit3A_1865, %eq3A_1866 : i32
        %jit3A_1868 = arith.constant 1 : i32
        %select_n3A_1869 = arith.select %eq3A_1867, %jit3A_1868, %jit3A_1865 : i32
        %rem3A_1870 = arith.remsi %sub3A_1651, %select_n3A_1869 : i32
        %ne3A_1871 = arith.constant 0 : i32
        %ne3A_1872 = arith.cmpi ne, %rem3A_1870, %ne3A_1871 : i32
        %lt3A_1873 = arith.constant 0 : i32
        %lt3A_1874 = arith.cmpi slt, %rem3A_1870, %lt3A_1873 : i32
        %lt3A_1875 = arith.constant 0 : i32
        %lt3A_1876 = arith.cmpi slt, %select_n3A_1869, %lt3A_1875 : i32
        %ne3A_1877 = arith.xori %lt3A_1874, %lt3A_1876 : i1
        %and3A_1878 = arith.andi %ne3A_1877, %ne3A_1872 : i1
        %add3A_1879 = arith.addi %rem3A_1870, %select_n3A_1869 : i32
        %select_n3A_1880 = arith.select %and3A_1878, %add3A_1879, %rem3A_1870 : i32
        %mul3A_1881 = arith.constant 4 : i32
        %mul3A_1882 = arith.muli %select_n3A_1880, %mul3A_1881 : i32
        %add3A_1883 = arith.constant 3 : i32
        %add3A_1884 = arith.addi %mul3A_1882, %add3A_1883 : i32
        %mul3A_1885 = arith.constant 128 : i32
        %mul3A_1886 = arith.muli %add3A_1884, %mul3A_1885 : i32
        %add3A_1887 = arith.addi %mul3A_1886, %mul3A_2 : i32
        %add3A_1888 = arith.addi %add3A_1887, %select_n3A_1864 : i32
        %mul3A_1889 = arith.constant 8 : i32
        %mul3A_1890 = arith.muli %add3A_1888, %mul3A_1889 : i32
        %dma_wait3A_1891 = arith.constant 3 : i32
        %dma_wait3A_1892 = arith.constant 24 : i32
        %dma_wait3A_1893 = arith.constant 0 : i32
        %dma_wait3A_1894 = tpu.memref_slice %arg7[%dma_wait3A_1891, %dma_wait3A_1892, %dma_wait3A_1893] : memref<4x32x128xf32, #tpu.memory_space<vmem>> -> memref<1x8x128xf32, #tpu.memory_space<vmem>>
        %dma_wait3A_1895 = tpu.memref_squeeze %dma_wait3A_1894 : memref<1x8x128xf32, #tpu.memory_space<vmem>> -> memref<8x128xf32, #tpu.memory_space<vmem>>
        %dma_wait3A_1896 = arith.constant 0 : i32
        %dma_wait3A_1897 = tpu.memref_slice %arg4[%mul3A_1890, %dma_wait3A_1896] : memref<106496x128xf32, #tpu.memory_space<hbm>> -> memref<8x128xf32, #tpu.memory_space<hbm>>
        %dma_wait3A_1898 = arith.constant 0 : i32
        %dma_wait3A_1899 = tpu.memref_slice %arg4[%mul3A_1890, %dma_wait3A_1898] : memref<106496x128xf32, #tpu.memory_space<hbm>> -> memref<8x128xf32, #tpu.memory_space<hbm>>
        %dma_wait3A_1900 = arith.constant 24 : i32
        %dma_wait3A_1901 = arith.constant 0 : i32
        %dma_wait3A_1902 = tpu.memref_slice %arg7[%dma_wait3A_1891, %dma_wait3A_1900, %dma_wait3A_1901] : memref<4x32x128xf32, #tpu.memory_space<vmem>> -> memref<1x8x128xf32, #tpu.memory_space<vmem>>
        %dma_wait3A_1903 = tpu.memref_squeeze %dma_wait3A_1902 : memref<1x8x128xf32, #tpu.memory_space<vmem>> -> memref<8x128xf32, #tpu.memory_space<vmem>>
        tpu.wait_dma2 semaphore(%arg15 : memref<!tpu.dma_semaphore, #tpu.memory_space<semaphore_mem>>) src(%dma_wait3A_1903 : memref<8x128xf32, #tpu.memory_space<vmem>>) dst(%dma_wait3A_1899 : memref<8x128xf32, #tpu.memory_space<hbm>>)
      } else {
      }
      %scan3A_1385 = arith.constant 0 : i32
      %scan3A_1386 = arith.constant 0 : i32
      %scan3A_1387 = arith.constant 16 : i32
      %scan3A_1388 = arith.addi %scan3A_1386, %scan3A_1387 : i32
      %scan3A_1389 = arith.constant 1 : i32
      scf.for %scan3A_1650 = %scan3A_1386 to %scan3A_1388 step %scan3A_1389  : i32 {
        %add3A_1651 = vector.broadcast %scan3A_1650 : i32 to vector<16xi32>
        %add3A_1652 = arith.addi %iota3A, %add3A_1651 : vector<16xi32>
        %and3A_1653 = arith.constant 15 : i32
        %and3A_1654 = vector.broadcast %and3A_1653 : i32 to vector<16xi32>
        %and3A_1655 = arith.andi %add3A_1652, %and3A_1654 : vector<16xi32>
        %add3A_1656 = arith.constant 0 : i32
        %add3A_1657 = vector.broadcast %add3A_1656 : i32 to vector<16xi32>
        %add3A_1658 = arith.addi %and3A_1655, %add3A_1657 : vector<16xi32>
        %add3A_1659 = arith.constant 0 : i32
        %add3A_1660 = vector.broadcast %add3A_1659 : i32 to vector<16xi32>
        %add3A_1661 = arith.addi %add3A_1660, %iota3A : vector<16xi32>
        %gather3A = arith.constant 3 : i32
        %gather3A_1662 = arith.constant 0 : i32
        %gather3A_1663 = arith.constant 0 : i32
        %gather3A_1664 = tpu.memref_slice %arg6[%gather3A, %gather3A_1662, %gather3A_1663] : memref<4x128x32xf32, #tpu.memory_space<vmem>> -> memref<1x128x32xf32, #tpu.memory_space<vmem>>
        %gather3A_1665 = tpu.memref_squeeze %gather3A_1664 : memref<1x128x32xf32, #tpu.memory_space<vmem>> -> memref<128x32xf32, #tpu.memory_space<vmem>>
        %gather3A_1666 = tpu.vector_load_idx %gather3A_1665[%add3A_1661, %add3A_1658] : memref<128x32xf32, #tpu.memory_space<vmem>>[vector<16xi32>, vector<16xi32>], vector<16xf32>,
        %scatter3A = arith.constant 3 : i32
        %scatter3A_1667 = arith.constant 0 : i32
        %scatter3A_1668 = arith.constant 0 : i32
        %scatter3A_1669 = tpu.memref_slice %arg7[%scatter3A, %scatter3A_1667, %scatter3A_1668] : memref<4x32x128xf32, #tpu.memory_space<vmem>> -> memref<1x32x128xf32, #tpu.memory_space<vmem>>
        %scatter3A_1670 = tpu.memref_squeeze %scatter3A_1669 : memref<1x32x128xf32, #tpu.memory_space<vmem>> -> memref<32x128xf32, #tpu.memory_space<vmem>>
        tpu.vector_store_idx %scatter3A_1670[%add3A_1658, %add3A_1661], %gather3A_1666 : memref<32x128xf32, #tpu.memory_space<vmem>>[vector<16xi32>, vector<16xi32>], vector<16xf32>,
        %add3A_1671 = arith.constant 16 : i32
        %add3A_1672 = vector.broadcast %add3A_1671 : i32 to vector<16xi32>
        %add3A_1673 = arith.addi %add3A_1672, %iota3A : vector<16xi32>
        %gather3A_1674 = arith.constant 3 : i32
        %gather3A_1675 = arith.constant 0 : i32
        %gather3A_1676 = arith.constant 0 : i32
        %gather3A_1677 = tpu.memref_slice %arg6[%gather3A_1674, %gather3A_1675, %gather3A_1676] : memref<4x128x32xf32, #tpu.memory_space<vmem>> -> memref<1x128x32xf32, #tpu.memory_space<vmem>>
        %gather3A_1678 = tpu.memref_squeeze %gather3A_1677 : memref<1x128x32xf32, #tpu.memory_space<vmem>> -> memref<128x32xf32, #tpu.memory_space<vmem>>
        %gather3A_1679 = tpu.vector_load_idx %gather3A_1678[%add3A_1673, %add3A_1658] : memref<128x32xf32, #tpu.memory_space<vmem>>[vector<16xi32>, vector<16xi32>], vector<16xf32>,
        %scatter3A_1680 = arith.constant 3 : i32
        %scatter3A_1681 = arith.constant 0 : i32
        %scatter3A_1682 = arith.constant 0 : i32
        %scatter3A_1683 = tpu.memref_slice %arg7[%scatter3A_1680, %scatter3A_1681, %scatter3A_1682] : memref<4x32x128xf32, #tpu.memory_space<vmem>> -> memref<1x32x128xf32, #tpu.memory_space<vmem>>
        %scatter3A_1684 = tpu.memref_squeeze %scatter3A_1683 : memref<1x32x128xf32, #tpu.memory_space<vmem>> -> memref<32x128xf32, #tpu.memory_space<vmem>>
        tpu.vector_store_idx %scatter3A_1684[%add3A_1658, %add3A_1673], %gather3A_1679 : memref<32x128xf32, #tpu.memory_space<vmem>>[vector<16xi32>, vector<16xi32>], vector<16xf32>,
        %add3A_1685 = arith.constant 32 : i32
        %add3A_1686 = vector.broadcast %add3A_1685 : i32 to vector<16xi32>
        %add3A_1687 = arith.addi %add3A_1686, %iota3A : vector<16xi32>
        %gather3A_1688 = arith.constant 3 : i32
        %gather3A_1689 = arith.constant 0 : i32
        %gather3A_1690 = arith.constant 0 : i32
        %gather3A_1691 = tpu.memref_slice %arg6[%gather3A_1688, %gather3A_1689, %gather3A_1690] : memref<4x128x32xf32, #tpu.memory_space<vmem>> -> memref<1x128x32xf32, #tpu.memory_space<vmem>>
        %gather3A_1692 = tpu.memref_squeeze %gather3A_1691 : memref<1x128x32xf32, #tpu.memory_space<vmem>> -> memref<128x32xf32, #tpu.memory_space<vmem>>
        %gather3A_1693 = tpu.vector_load_idx %gather3A_1692[%add3A_1687, %add3A_1658] : memref<128x32xf32, #tpu.memory_space<vmem>>[vector<16xi32>, vector<16xi32>], vector<16xf32>,
        %scatter3A_1694 = arith.constant 3 : i32
        %scatter3A_1695 = arith.constant 0 : i32
        %scatter3A_1696 = arith.constant 0 : i32
        %scatter3A_1697 = tpu.memref_slice %arg7[%scatter3A_1694, %scatter3A_1695, %scatter3A_1696] : memref<4x32x128xf32, #tpu.memory_space<vmem>> -> memref<1x32x128xf32, #tpu.memory_space<vmem>>
        %scatter3A_1698 = tpu.memref_squeeze %scatter3A_1697 : memref<1x32x128xf32, #tpu.memory_space<vmem>> -> memref<32x128xf32, #tpu.memory_space<vmem>>
        tpu.vector_store_idx %scatter3A_1698[%add3A_1658, %add3A_1687], %gather3A_1693 : memref<32x128xf32, #tpu.memory_space<vmem>>[vector<16xi32>, vector<16xi32>], vector<16xf32>,
        %add3A_1699 = arith.constant 48 : i32
        %add3A_1700 = vector.broadcast %add3A_1699 : i32 to vector<16xi32>
        %add3A_1701 = arith.addi %add3A_1700, %iota3A : vector<16xi32>
        %gather3A_1702 = arith.constant 3 : i32
        %gather3A_1703 = arith.constant 0 : i32
        %gather3A_1704 = arith.constant 0 : i32
        %gather3A_1705 = tpu.memref_slice %arg6[%gather3A_1702, %gather3A_1703, %gather3A_1704] : memref<4x128x32xf32, #tpu.memory_space<vmem>> -> memref<1x128x32xf32, #tpu.memory_space<vmem>>
        %gather3A_1706 = tpu.memref_squeeze %gather3A_1705 : memref<1x128x32xf32, #tpu.memory_space<vmem>> -> memref<128x32xf32, #tpu.memory_space<vmem>>
        %gather3A_1707 = tpu.vector_load_idx %gather3A_1706[%add3A_1701, %add3A_1658] : memref<128x32xf32, #tpu.memory_space<vmem>>[vector<16xi32>, vector<16xi32>], vector<16xf32>,
        %scatter3A_1708 = arith.constant 3 : i32
        %scatter3A_1709 = arith.constant 0 : i32
        %scatter3A_1710 = arith.constant 0 : i32
        %scatter3A_1711 = tpu.memref_slice %arg7[%scatter3A_1708, %scatter3A_1709, %scatter3A_1710] : memref<4x32x128xf32, #tpu.memory_space<vmem>> -> memref<1x32x128xf32, #tpu.memory_space<vmem>>
        %scatter3A_1712 = tpu.memref_squeeze %scatter3A_1711 : memref<1x32x128xf32, #tpu.memory_space<vmem>> -> memref<32x128xf32, #tpu.memory_space<vmem>>
        tpu.vector_store_idx %scatter3A_1712[%add3A_1658, %add3A_1701], %gather3A_1707 : memref<32x128xf32, #tpu.memory_space<vmem>>[vector<16xi32>, vector<16xi32>], vector<16xf32>,
        %add3A_1713 = arith.constant 64 : i32
        %add3A_1714 = vector.broadcast %add3A_1713 : i32 to vector<16xi32>
        %add3A_1715 = arith.addi %add3A_1714, %iota3A : vector<16xi32>
        %gather3A_1716 = arith.constant 3 : i32
        %gather3A_1717 = arith.constant 0 : i32
        %gather3A_1718 = arith.constant 0 : i32
        %gather3A_1719 = tpu.memref_slice %arg6[%gather3A_1716, %gather3A_1717, %gather3A_1718] : memref<4x128x32xf32, #tpu.memory_space<vmem>> -> memref<1x128x32xf32, #tpu.memory_space<vmem>>
        %gather3A_1720 = tpu.memref_squeeze %gather3A_1719 : memref<1x128x32xf32, #tpu.memory_space<vmem>> -> memref<128x32xf32, #tpu.memory_space<vmem>>
        %gather3A_1721 = tpu.vector_load_idx %gather3A_1720[%add3A_1715, %add3A_1658] : memref<128x32xf32, #tpu.memory_space<vmem>>[vector<16xi32>, vector<16xi32>], vector<16xf32>,
        %scatter3A_1722 = arith.constant 3 : i32
        %scatter3A_1723 = arith.constant 0 : i32
        %scatter3A_1724 = arith.constant 0 : i32
        %scatter3A_1725 = tpu.memref_slice %arg7[%scatter3A_1722, %scatter3A_1723, %scatter3A_1724] : memref<4x32x128xf32, #tpu.memory_space<vmem>> -> memref<1x32x128xf32, #tpu.memory_space<vmem>>
        %scatter3A_1726 = tpu.memref_squeeze %scatter3A_1725 : memref<1x32x128xf32, #tpu.memory_space<vmem>> -> memref<32x128xf32, #tpu.memory_space<vmem>>
        tpu.vector_store_idx %scatter3A_1726[%add3A_1658, %add3A_1715], %gather3A_1721 : memref<32x128xf32, #tpu.memory_space<vmem>>[vector<16xi32>, vector<16xi32>], vector<16xf32>,
        %add3A_1727 = arith.constant 80 : i32
        %add3A_1728 = vector.broadcast %add3A_1727 : i32 to vector<16xi32>
        %add3A_1729 = arith.addi %add3A_1728, %iota3A : vector<16xi32>
        %gather3A_1730 = arith.constant 3 : i32
        %gather3A_1731 = arith.constant 0 : i32
        %gather3A_1732 = arith.constant 0 : i32
        %gather3A_1733 = tpu.memref_slice %arg6[%gather3A_1730, %gather3A_1731, %gather3A_1732] : memref<4x128x32xf32, #tpu.memory_space<vmem>> -> memref<1x128x32xf32, #tpu.memory_space<vmem>>
        %gather3A_1734 = tpu.memref_squeeze %gather3A_1733 : memref<1x128x32xf32, #tpu.memory_space<vmem>> -> memref<128x32xf32, #tpu.memory_space<vmem>>
        %gather3A_1735 = tpu.vector_load_idx %gather3A_1734[%add3A_1729, %add3A_1658] : memref<128x32xf32, #tpu.memory_space<vmem>>[vector<16xi32>, vector<16xi32>], vector<16xf32>,
        %scatter3A_1736 = arith.constant 3 : i32
        %scatter3A_1737 = arith.constant 0 : i32
        %scatter3A_1738 = arith.constant 0 : i32
        %scatter3A_1739 = tpu.memref_slice %arg7[%scatter3A_1736, %scatter3A_1737, %scatter3A_1738] : memref<4x32x128xf32, #tpu.memory_space<vmem>> -> memref<1x32x128xf32, #tpu.memory_space<vmem>>
        %scatter3A_1740 = tpu.memref_squeeze %scatter3A_1739 : memref<1x32x128xf32, #tpu.memory_space<vmem>> -> memref<32x128xf32, #tpu.memory_space<vmem>>
        tpu.vector_store_idx %scatter3A_1740[%add3A_1658, %add3A_1729], %gather3A_1735 : memref<32x128xf32, #tpu.memory_space<vmem>>[vector<16xi32>, vector<16xi32>], vector<16xf32>,
        %add3A_1741 = arith.constant 96 : i32
        %add3A_1742 = vector.broadcast %add3A_1741 : i32 to vector<16xi32>
        %add3A_1743 = arith.addi %add3A_1742, %iota3A : vector<16xi32>
        %gather3A_1744 = arith.constant 3 : i32
        %gather3A_1745 = arith.constant 0 : i32
        %gather3A_1746 = arith.constant 0 : i32
        %gather3A_1747 = tpu.memref_slice %arg6[%gather3A_1744, %gather3A_1745, %gather3A_1746] : memref<4x128x32xf32, #tpu.memory_space<vmem>> -> memref<1x128x32xf32, #tpu.memory_space<vmem>>
        %gather3A_1748 = tpu.memref_squeeze %gather3A_1747 : memref<1x128x32xf32, #tpu.memory_space<vmem>> -> memref<128x32xf32, #tpu.memory_space<vmem>>
        %gather3A_1749 = tpu.vector_load_idx %gather3A_1748[%add3A_1743, %add3A_1658] : memref<128x32xf32, #tpu.memory_space<vmem>>[vector<16xi32>, vector<16xi32>], vector<16xf32>,
        %scatter3A_1750 = arith.constant 3 : i32
        %scatter3A_1751 = arith.constant 0 : i32
        %scatter3A_1752 = arith.constant 0 : i32
        %scatter3A_1753 = tpu.memref_slice %arg7[%scatter3A_1750, %scatter3A_1751, %scatter3A_1752] : memref<4x32x128xf32, #tpu.memory_space<vmem>> -> memref<1x32x128xf32, #tpu.memory_space<vmem>>
        %scatter3A_1754 = tpu.memref_squeeze %scatter3A_1753 : memref<1x32x128xf32, #tpu.memory_space<vmem>> -> memref<32x128xf32, #tpu.memory_space<vmem>>
        tpu.vector_store_idx %scatter3A_1754[%add3A_1658, %add3A_1743], %gather3A_1749 : memref<32x128xf32, #tpu.memory_space<vmem>>[vector<16xi32>, vector<16xi32>], vector<16xf32>,
        %add3A_1755 = arith.constant 112 : i32
        %add3A_1756 = vector.broadcast %add3A_1755 : i32 to vector<16xi32>
        %add3A_1757 = arith.addi %add3A_1756, %iota3A : vector<16xi32>
        %gather3A_1758 = arith.constant 3 : i32
        %gather3A_1759 = arith.constant 0 : i32
        %gather3A_1760 = arith.constant 0 : i32
        %gather3A_1761 = tpu.memref_slice %arg6[%gather3A_1758, %gather3A_1759, %gather3A_1760] : memref<4x128x32xf32, #tpu.memory_space<vmem>> -> memref<1x128x32xf32, #tpu.memory_space<vmem>>
        %gather3A_1762 = tpu.memref_squeeze %gather3A_1761 : memref<1x128x32xf32, #tpu.memory_space<vmem>> -> memref<128x32xf32, #tpu.memory_space<vmem>>
        %gather3A_1763 = tpu.vector_load_idx %gather3A_1762[%add3A_1757, %add3A_1658] : memref<128x32xf32, #tpu.memory_space<vmem>>[vector<16xi32>, vector<16xi32>], vector<16xf32>,
        %scatter3A_1764 = arith.constant 3 : i32
        %scatter3A_1765 = arith.constant 0 : i32
        %scatter3A_1766 = arith.constant 0 : i32
        %scatter3A_1767 = tpu.memref_slice %arg7[%scatter3A_1764, %scatter3A_1765, %scatter3A_1766] : memref<4x32x128xf32, #tpu.memory_space<vmem>> -> memref<1x32x128xf32, #tpu.memory_space<vmem>>
        %scatter3A_1768 = tpu.memref_squeeze %scatter3A_1767 : memref<1x32x128xf32, #tpu.memory_space<vmem>> -> memref<32x128xf32, #tpu.memory_space<vmem>>
        tpu.vector_store_idx %scatter3A_1768[%add3A_1658, %add3A_1757], %gather3A_1763 : memref<32x128xf32, #tpu.memory_space<vmem>>[vector<16xi32>, vector<16xi32>], vector<16xf32>,
        %add3A_1769 = arith.constant 16 : i32
        %add3A_1770 = vector.broadcast %add3A_1769 : i32 to vector<16xi32>
        %add3A_1771 = arith.addi %and3A_1655, %add3A_1770 : vector<16xi32>
        %add3A_1772 = arith.constant 0 : i32
        %add3A_1773 = vector.broadcast %add3A_1772 : i32 to vector<16xi32>
        %add3A_1774 = arith.addi %add3A_1773, %iota3A : vector<16xi32>
        %gather3A_1775 = arith.constant 3 : i32
        %gather3A_1776 = arith.constant 0 : i32
        %gather3A_1777 = arith.constant 0 : i32
        %gather3A_1778 = tpu.memref_slice %arg6[%gather3A_1775, %gather3A_1776, %gather3A_1777] : memref<4x128x32xf32, #tpu.memory_space<vmem>> -> memref<1x128x32xf32, #tpu.memory_space<vmem>>
        %gather3A_1779 = tpu.memref_squeeze %gather3A_1778 : memref<1x128x32xf32, #tpu.memory_space<vmem>> -> memref<128x32xf32, #tpu.memory_space<vmem>>
        %gather3A_1780 = tpu.vector_load_idx %gather3A_1779[%add3A_1774, %add3A_1771] : memref<128x32xf32, #tpu.memory_space<vmem>>[vector<16xi32>, vector<16xi32>], vector<16xf32>,
        %scatter3A_1781 = arith.constant 3 : i32
        %scatter3A_1782 = arith.constant 0 : i32
        %scatter3A_1783 = arith.constant 0 : i32
        %scatter3A_1784 = tpu.memref_slice %arg7[%scatter3A_1781, %scatter3A_1782, %scatter3A_1783] : memref<4x32x128xf32, #tpu.memory_space<vmem>> -> memref<1x32x128xf32, #tpu.memory_space<vmem>>
        %scatter3A_1785 = tpu.memref_squeeze %scatter3A_1784 : memref<1x32x128xf32, #tpu.memory_space<vmem>> -> memref<32x128xf32, #tpu.memory_space<vmem>>
        tpu.vector_store_idx %scatter3A_1785[%add3A_1771, %add3A_1774], %gather3A_1780 : memref<32x128xf32, #tpu.memory_space<vmem>>[vector<16xi32>, vector<16xi32>], vector<16xf32>,
        %add3A_1786 = arith.constant 16 : i32
        %add3A_1787 = vector.broadcast %add3A_1786 : i32 to vector<16xi32>
        %add3A_1788 = arith.addi %add3A_1787, %iota3A : vector<16xi32>
        %gather3A_1789 = arith.constant 3 : i32
        %gather3A_1790 = arith.constant 0 : i32
        %gather3A_1791 = arith.constant 0 : i32
        %gather3A_1792 = tpu.memref_slice %arg6[%gather3A_1789, %gather3A_1790, %gather3A_1791] : memref<4x128x32xf32, #tpu.memory_space<vmem>> -> memref<1x128x32xf32, #tpu.memory_space<vmem>>
        %gather3A_1793 = tpu.memref_squeeze %gather3A_1792 : memref<1x128x32xf32, #tpu.memory_space<vmem>> -> memref<128x32xf32, #tpu.memory_space<vmem>>
        %gather3A_1794 = tpu.vector_load_idx %gather3A_1793[%add3A_1788, %add3A_1771] : memref<128x32xf32, #tpu.memory_space<vmem>>[vector<16xi32>, vector<16xi32>], vector<16xf32>,
        %scatter3A_1795 = arith.constant 3 : i32
        %scatter3A_1796 = arith.constant 0 : i32
        %scatter3A_1797 = arith.constant 0 : i32
        %scatter3A_1798 = tpu.memref_slice %arg7[%scatter3A_1795, %scatter3A_1796, %scatter3A_1797] : memref<4x32x128xf32, #tpu.memory_space<vmem>> -> memref<1x32x128xf32, #tpu.memory_space<vmem>>
        %scatter3A_1799 = tpu.memref_squeeze %scatter3A_1798 : memref<1x32x128xf32, #tpu.memory_space<vmem>> -> memref<32x128xf32, #tpu.memory_space<vmem>>
        tpu.vector_store_idx %scatter3A_1799[%add3A_1771, %add3A_1788], %gather3A_1794 : memref<32x128xf32, #tpu.memory_space<vmem>>[vector<16xi32>, vector<16xi32>], vector<16xf32>,
        %add3A_1800 = arith.constant 32 : i32
        %add3A_1801 = vector.broadcast %add3A_1800 : i32 to vector<16xi32>
        %add3A_1802 = arith.addi %add3A_1801, %iota3A : vector<16xi32>
        %gather3A_1803 = arith.constant 3 : i32
        %gather3A_1804 = arith.constant 0 : i32
        %gather3A_1805 = arith.constant 0 : i32
        %gather3A_1806 = tpu.memref_slice %arg6[%gather3A_1803, %gather3A_1804, %gather3A_1805] : memref<4x128x32xf32, #tpu.memory_space<vmem>> -> memref<1x128x32xf32, #tpu.memory_space<vmem>>
        %gather3A_1807 = tpu.memref_squeeze %gather3A_1806 : memref<1x128x32xf32, #tpu.memory_space<vmem>> -> memref<128x32xf32, #tpu.memory_space<vmem>>
        %gather3A_1808 = tpu.vector_load_idx %gather3A_1807[%add3A_1802, %add3A_1771] : memref<128x32xf32, #tpu.memory_space<vmem>>[vector<16xi32>, vector<16xi32>], vector<16xf32>,
        %scatter3A_1809 = arith.constant 3 : i32
        %scatter3A_1810 = arith.constant 0 : i32
        %scatter3A_1811 = arith.constant 0 : i32
        %scatter3A_1812 = tpu.memref_slice %arg7[%scatter3A_1809, %scatter3A_1810, %scatter3A_1811] : memref<4x32x128xf32, #tpu.memory_space<vmem>> -> memref<1x32x128xf32, #tpu.memory_space<vmem>>
        %scatter3A_1813 = tpu.memref_squeeze %scatter3A_1812 : memref<1x32x128xf32, #tpu.memory_space<vmem>> -> memref<32x128xf32, #tpu.memory_space<vmem>>
        tpu.vector_store_idx %scatter3A_1813[%add3A_1771, %add3A_1802], %gather3A_1808 : memref<32x128xf32, #tpu.memory_space<vmem>>[vector<16xi32>, vector<16xi32>], vector<16xf32>,
        %add3A_1814 = arith.constant 48 : i32
        %add3A_1815 = vector.broadcast %add3A_1814 : i32 to vector<16xi32>
        %add3A_1816 = arith.addi %add3A_1815, %iota3A : vector<16xi32>
        %gather3A_1817 = arith.constant 3 : i32
        %gather3A_1818 = arith.constant 0 : i32
        %gather3A_1819 = arith.constant 0 : i32
        %gather3A_1820 = tpu.memref_slice %arg6[%gather3A_1817, %gather3A_1818, %gather3A_1819] : memref<4x128x32xf32, #tpu.memory_space<vmem>> -> memref<1x128x32xf32, #tpu.memory_space<vmem>>
        %gather3A_1821 = tpu.memref_squeeze %gather3A_1820 : memref<1x128x32xf32, #tpu.memory_space<vmem>> -> memref<128x32xf32, #tpu.memory_space<vmem>>
        %gather3A_1822 = tpu.vector_load_idx %gather3A_1821[%add3A_1816, %add3A_1771] : memref<128x32xf32, #tpu.memory_space<vmem>>[vector<16xi32>, vector<16xi32>], vector<16xf32>,
        %scatter3A_1823 = arith.constant 3 : i32
        %scatter3A_1824 = arith.constant 0 : i32
        %scatter3A_1825 = arith.constant 0 : i32
        %scatter3A_1826 = tpu.memref_slice %arg7[%scatter3A_1823, %scatter3A_1824, %scatter3A_1825] : memref<4x32x128xf32, #tpu.memory_space<vmem>> -> memref<1x32x128xf32, #tpu.memory_space<vmem>>
        %scatter3A_1827 = tpu.memref_squeeze %scatter3A_1826 : memref<1x32x128xf32, #tpu.memory_space<vmem>> -> memref<32x128xf32, #tpu.memory_space<vmem>>
        tpu.vector_store_idx %scatter3A_1827[%add3A_1771, %add3A_1816], %gather3A_1822 : memref<32x128xf32, #tpu.memory_space<vmem>>[vector<16xi32>, vector<16xi32>], vector<16xf32>,
        %add3A_1828 = arith.constant 64 : i32
        %add3A_1829 = vector.broadcast %add3A_1828 : i32 to vector<16xi32>
        %add3A_1830 = arith.addi %add3A_1829, %iota3A : vector<16xi32>
        %gather3A_1831 = arith.constant 3 : i32
        %gather3A_1832 = arith.constant 0 : i32
        %gather3A_1833 = arith.constant 0 : i32
        %gather3A_1834 = tpu.memref_slice %arg6[%gather3A_1831, %gather3A_1832, %gather3A_1833] : memref<4x128x32xf32, #tpu.memory_space<vmem>> -> memref<1x128x32xf32, #tpu.memory_space<vmem>>
        %gather3A_1835 = tpu.memref_squeeze %gather3A_1834 : memref<1x128x32xf32, #tpu.memory_space<vmem>> -> memref<128x32xf32, #tpu.memory_space<vmem>>
        %gather3A_1836 = tpu.vector_load_idx %gather3A_1835[%add3A_1830, %add3A_1771] : memref<128x32xf32, #tpu.memory_space<vmem>>[vector<16xi32>, vector<16xi32>], vector<16xf32>,
        %scatter3A_1837 = arith.constant 3 : i32
        %scatter3A_1838 = arith.constant 0 : i32
        %scatter3A_1839 = arith.constant 0 : i32
        %scatter3A_1840 = tpu.memref_slice %arg7[%scatter3A_1837, %scatter3A_1838, %scatter3A_1839] : memref<4x32x128xf32, #tpu.memory_space<vmem>> -> memref<1x32x128xf32, #tpu.memory_space<vmem>>
        %scatter3A_1841 = tpu.memref_squeeze %scatter3A_1840 : memref<1x32x128xf32, #tpu.memory_space<vmem>> -> memref<32x128xf32, #tpu.memory_space<vmem>>
        tpu.vector_store_idx %scatter3A_1841[%add3A_1771, %add3A_1830], %gather3A_1836 : memref<32x128xf32, #tpu.memory_space<vmem>>[vector<16xi32>, vector<16xi32>], vector<16xf32>,
        %add3A_1842 = arith.constant 80 : i32
        %add3A_1843 = vector.broadcast %add3A_1842 : i32 to vector<16xi32>
        %add3A_1844 = arith.addi %add3A_1843, %iota3A : vector<16xi32>
        %gather3A_1845 = arith.constant 3 : i32
        %gather3A_1846 = arith.constant 0 : i32
        %gather3A_1847 = arith.constant 0 : i32
        %gather3A_1848 = tpu.memref_slice %arg6[%gather3A_1845, %gather3A_1846, %gather3A_1847] : memref<4x128x32xf32, #tpu.memory_space<vmem>> -> memref<1x128x32xf32, #tpu.memory_space<vmem>>
        %gather3A_1849 = tpu.memref_squeeze %gather3A_1848 : memref<1x128x32xf32, #tpu.memory_space<vmem>> -> memref<128x32xf32, #tpu.memory_space<vmem>>
        %gather3A_1850 = tpu.vector_load_idx %gather3A_1849[%add3A_1844, %add3A_1771] : memref<128x32xf32, #tpu.memory_space<vmem>>[vector<16xi32>, vector<16xi32>], vector<16xf32>,
        %scatter3A_1851 = arith.constant 3 : i32
        %scatter3A_1852 = arith.constant 0 : i32
        %scatter3A_1853 = arith.constant 0 : i32
        %scatter3A_1854 = tpu.memref_slice %arg7[%scatter3A_1851, %scatter3A_1852, %scatter3A_1853] : memref<4x32x128xf32, #tpu.memory_space<vmem>> -> memref<1x32x128xf32, #tpu.memory_space<vmem>>
        %scatter3A_1855 = tpu.memref_squeeze %scatter3A_1854 : memref<1x32x128xf32, #tpu.memory_space<vmem>> -> memref<32x128xf32, #tpu.memory_space<vmem>>
        tpu.vector_store_idx %scatter3A_1855[%add3A_1771, %add3A_1844], %gather3A_1850 : memref<32x128xf32, #tpu.memory_space<vmem>>[vector<16xi32>, vector<16xi32>], vector<16xf32>,
        %add3A_1856 = arith.constant 96 : i32
        %add3A_1857 = vector.broadcast %add3A_1856 : i32 to vector<16xi32>
        %add3A_1858 = arith.addi %add3A_1857, %iota3A : vector<16xi32>
        %gather3A_1859 = arith.constant 3 : i32
        %gather3A_1860 = arith.constant 0 : i32
        %gather3A_1861 = arith.constant 0 : i32
        %gather3A_1862 = tpu.memref_slice %arg6[%gather3A_1859, %gather3A_1860, %gather3A_1861] : memref<4x128x32xf32, #tpu.memory_space<vmem>> -> memref<1x128x32xf32, #tpu.memory_space<vmem>>
        %gather3A_1863 = tpu.memref_squeeze %gather3A_1862 : memref<1x128x32xf32, #tpu.memory_space<vmem>> -> memref<128x32xf32, #tpu.memory_space<vmem>>
        %gather3A_1864 = tpu.vector_load_idx %gather3A_1863[%add3A_1858, %add3A_1771] : memref<128x32xf32, #tpu.memory_space<vmem>>[vector<16xi32>, vector<16xi32>], vector<16xf32>,
        %scatter3A_1865 = arith.constant 3 : i32
        %scatter3A_1866 = arith.constant 0 : i32
        %scatter3A_1867 = arith.constant 0 : i32
        %scatter3A_1868 = tpu.memref_slice %arg7[%scatter3A_1865, %scatter3A_1866, %scatter3A_1867] : memref<4x32x128xf32, #tpu.memory_space<vmem>> -> memref<1x32x128xf32, #tpu.memory_space<vmem>>
        %scatter3A_1869 = tpu.memref_squeeze %scatter3A_1868 : memref<1x32x128xf32, #tpu.memory_space<vmem>> -> memref<32x128xf32, #tpu.memory_space<vmem>>
        tpu.vector_store_idx %scatter3A_1869[%add3A_1771, %add3A_1858], %gather3A_1864 : memref<32x128xf32, #tpu.memory_space<vmem>>[vector<16xi32>, vector<16xi32>], vector<16xf32>,
        %add3A_1870 = arith.constant 112 : i32
        %add3A_1871 = vector.broadcast %add3A_1870 : i32 to vector<16xi32>
        %add3A_1872 = arith.addi %add3A_1871, %iota3A : vector<16xi32>
        %gather3A_1873 = arith.constant 3 : i32
        %gather3A_1874 = arith.constant 0 : i32
        %gather3A_1875 = arith.constant 0 : i32
        %gather3A_1876 = tpu.memref_slice %arg6[%gather3A_1873, %gather3A_1874, %gather3A_1875] : memref<4x128x32xf32, #tpu.memory_space<vmem>> -> memref<1x128x32xf32, #tpu.memory_space<vmem>>
        %gather3A_1877 = tpu.memref_squeeze %gather3A_1876 : memref<1x128x32xf32, #tpu.memory_space<vmem>> -> memref<128x32xf32, #tpu.memory_space<vmem>>
        %gather3A_1878 = tpu.vector_load_idx %gather3A_1877[%add3A_1872, %add3A_1771] : memref<128x32xf32, #tpu.memory_space<vmem>>[vector<16xi32>, vector<16xi32>], vector<16xf32>,
        %scatter3A_1879 = arith.constant 3 : i32
        %scatter3A_1880 = arith.constant 0 : i32
        %scatter3A_1881 = arith.constant 0 : i32
        %scatter3A_1882 = tpu.memref_slice %arg7[%scatter3A_1879, %scatter3A_1880, %scatter3A_1881] : memref<4x32x128xf32, #tpu.memory_space<vmem>> -> memref<1x32x128xf32, #tpu.memory_space<vmem>>
        %scatter3A_1883 = tpu.memref_squeeze %scatter3A_1882 : memref<1x32x128xf32, #tpu.memory_space<vmem>> -> memref<32x128xf32, #tpu.memory_space<vmem>>
        tpu.vector_store_idx %scatter3A_1883[%add3A_1771, %add3A_1872], %gather3A_1878 : memref<32x128xf32, #tpu.memory_space<vmem>>[vector<16xi32>, vector<16xi32>], vector<16xf32>,
      }
      %scan3A_1390 = arith.constant 16 : i32
      %jit3A_1391 = arith.constant 26 : i32
      %div3A_1392 = arith.divsi %add3A_1328, %jit3A_1391 : i32
      %sign3A_1393 = arith.constant 0 : i32
      %sign3A_1394 = arith.cmpi sgt, %add3A_1328, %sign3A_1393 : i32
      %sign3A_1395 = arith.extui %sign3A_1394 : i1 to i32
      %sign3A_1396 = arith.constant 0 : i32
      %sign3A_1397 = arith.cmpi slt, %add3A_1328, %sign3A_1396 : i32
      %sign3A_1398 = arith.extui %sign3A_1397 : i1 to i32
      %sign3A_1399 = arith.subi %sign3A_1395, %sign3A_1398 : i32
      %sign3A_1400 = arith.constant 0 : i32
      %sign3A_1401 = arith.cmpi sgt, %jit3A_1391, %sign3A_1400 : i32
      %sign3A_1402 = arith.extui %sign3A_1401 : i1 to i32
      %sign3A_1403 = arith.constant 0 : i32
      %sign3A_1404 = arith.cmpi slt, %jit3A_1391, %sign3A_1403 : i32
      %sign3A_1405 = arith.extui %sign3A_1404 : i1 to i32
      %sign3A_1406 = arith.subi %sign3A_1402, %sign3A_1405 : i32
      %ne3A_1407 = arith.cmpi ne, %sign3A_1399, %sign3A_1406 : i32
      %rem3A_1408 = arith.remsi %add3A_1328, %jit3A_1391 : i32
      %ne3A_1409 = arith.constant 0 : i32
      %ne3A_1410 = arith.cmpi ne, %rem3A_1408, %ne3A_1409 : i32
      %and3A_1411 = arith.andi %ne3A_1407, %ne3A_1410 : i1
      %sub3A_1412 = arith.constant 1 : i32
      %sub3A_1413 = arith.subi %div3A_1392, %sub3A_1412 : i32
      %select_n3A_1414 = arith.select %and3A_1411, %sub3A_1413, %div3A_1392 : i32
      %jit3A_1415 = arith.constant 26 : i32
      %eq3A_1416 = arith.constant 0 : i32
      %eq3A_1417 = arith.cmpi eq, %jit3A_1415, %eq3A_1416 : i32
      %jit3A_1418 = arith.constant 1 : i32
      %select_n3A_1419 = arith.select %eq3A_1417, %jit3A_1418, %jit3A_1415 : i32
      %rem3A_1420 = arith.remsi %add3A_1328, %select_n3A_1419 : i32
      %ne3A_1421 = arith.constant 0 : i32
      %ne3A_1422 = arith.cmpi ne, %rem3A_1420, %ne3A_1421 : i32
      %lt3A_1423 = arith.constant 0 : i32
      %lt3A_1424 = arith.cmpi slt, %rem3A_1420, %lt3A_1423 : i32
      %lt3A_1425 = arith.constant 0 : i32
      %lt3A_1426 = arith.cmpi slt, %select_n3A_1419, %lt3A_1425 : i32
      %ne3A_1427 = arith.xori %lt3A_1424, %lt3A_1426 : i1
      %and3A_1428 = arith.andi %ne3A_1427, %ne3A_1422 : i1
      %add3A_1429 = arith.addi %rem3A_1420, %select_n3A_1419 : i32
      %select_n3A_1430 = arith.select %and3A_1428, %add3A_1429, %rem3A_1420 : i32
      %mul3A_1431 = arith.constant 4 : i32
      %mul3A_1432 = arith.muli %select_n3A_1430, %mul3A_1431 : i32
      %add3A_1433 = arith.constant 0 : i32
      %add3A_1434 = arith.addi %mul3A_1432, %add3A_1433 : i32
      %mul3A_1435 = arith.constant 128 : i32
      %mul3A_1436 = arith.muli %add3A_1434, %mul3A_1435 : i32
      %add3A_1437 = arith.addi %mul3A_1436, %mul3A_2 : i32
      %add3A_1438 = arith.addi %add3A_1437, %select_n3A_1414 : i32
      %mul3A_1439 = arith.constant 8 : i32
      %mul3A_1440 = arith.muli %add3A_1438, %mul3A_1439 : i32
      %dma_start3A_1441 = arith.constant 3 : i32
      %dma_start3A_1442 = arith.constant 0 : i32
      %dma_start3A_1443 = arith.constant 0 : i32
      %dma_start3A_1444 = tpu.memref_slice %arg7[%dma_start3A_1441, %dma_start3A_1442, %dma_start3A_1443] : memref<4x32x128xf32, #tpu.memory_space<vmem>> -> memref<1x8x128xf32, #tpu.memory_space<vmem>>
      %dma_start3A_1445 = tpu.memref_squeeze %dma_start3A_1444 : memref<1x8x128xf32, #tpu.memory_space<vmem>> -> memref<8x128xf32, #tpu.memory_space<vmem>>
      %dma_start3A_1446 = arith.constant 0 : i32
      %dma_start3A_1447 = tpu.memref_slice %arg4[%mul3A_1440, %dma_start3A_1446] : memref<106496x128xf32, #tpu.memory_space<hbm>> -> memref<8x128xf32, #tpu.memory_space<hbm>>
      %dma_start3A_1448 = arith.constant 0 : i32
      %dma_start3A_1449 = tpu.memref_slice %arg4[%mul3A_1440, %dma_start3A_1448] : memref<106496x128xf32, #tpu.memory_space<hbm>> -> memref<8x128xf32, #tpu.memory_space<hbm>>
      %dma_start3A_1450 = arith.constant 0 : i32
      %dma_start3A_1451 = arith.constant 0 : i32
      %dma_start3A_1452 = tpu.memref_slice %arg7[%dma_start3A_1441, %dma_start3A_1450, %dma_start3A_1451] : memref<4x32x128xf32, #tpu.memory_space<vmem>> -> memref<1x8x128xf32, #tpu.memory_space<vmem>>
      %dma_start3A_1453 = tpu.memref_squeeze %dma_start3A_1452 : memref<1x8x128xf32, #tpu.memory_space<vmem>> -> memref<8x128xf32, #tpu.memory_space<vmem>>
      tpu.enqueue_dma source(%dma_start3A_1453 : memref<8x128xf32, #tpu.memory_space<vmem>>) target(%dma_start3A_1449 : memref<8x128xf32, #tpu.memory_space<hbm>>) target_semaphore(%arg15 : memref<!tpu.dma_semaphore, #tpu.memory_space<semaphore_mem>>)
      %jit3A_1454 = arith.constant 26 : i32
      %div3A_1455 = arith.divsi %add3A_1328, %jit3A_1454 : i32
      %sign3A_1456 = arith.constant 0 : i32
      %sign3A_1457 = arith.cmpi sgt, %add3A_1328, %sign3A_1456 : i32
      %sign3A_1458 = arith.extui %sign3A_1457 : i1 to i32
      %sign3A_1459 = arith.constant 0 : i32
      %sign3A_1460 = arith.cmpi slt, %add3A_1328, %sign3A_1459 : i32
      %sign3A_1461 = arith.extui %sign3A_1460 : i1 to i32
      %sign3A_1462 = arith.subi %sign3A_1458, %sign3A_1461 : i32
      %sign3A_1463 = arith.constant 0 : i32
      %sign3A_1464 = arith.cmpi sgt, %jit3A_1454, %sign3A_1463 : i32
      %sign3A_1465 = arith.extui %sign3A_1464 : i1 to i32
      %sign3A_1466 = arith.constant 0 : i32
      %sign3A_1467 = arith.cmpi slt, %jit3A_1454, %sign3A_1466 : i32
      %sign3A_1468 = arith.extui %sign3A_1467 : i1 to i32
      %sign3A_1469 = arith.subi %sign3A_1465, %sign3A_1468 : i32
      %ne3A_1470 = arith.cmpi ne, %sign3A_1462, %sign3A_1469 : i32
      %rem3A_1471 = arith.remsi %add3A_1328, %jit3A_1454 : i32
      %ne3A_1472 = arith.constant 0 : i32
      %ne3A_1473 = arith.cmpi ne, %rem3A_1471, %ne3A_1472 : i32
      %and3A_1474 = arith.andi %ne3A_1470, %ne3A_1473 : i1
      %sub3A_1475 = arith.constant 1 : i32
      %sub3A_1476 = arith.subi %div3A_1455, %sub3A_1475 : i32
      %select_n3A_1477 = arith.select %and3A_1474, %sub3A_1476, %div3A_1455 : i32
      %jit3A_1478 = arith.constant 26 : i32
      %eq3A_1479 = arith.constant 0 : i32
      %eq3A_1480 = arith.cmpi eq, %jit3A_1478, %eq3A_1479 : i32
      %jit3A_1481 = arith.constant 1 : i32
      %select_n3A_1482 = arith.select %eq3A_1480, %jit3A_1481, %jit3A_1478 : i32
      %rem3A_1483 = arith.remsi %add3A_1328, %select_n3A_1482 : i32
      %ne3A_1484 = arith.constant 0 : i32
      %ne3A_1485 = arith.cmpi ne, %rem3A_1483, %ne3A_1484 : i32
      %lt3A_1486 = arith.constant 0 : i32
      %lt3A_1487 = arith.cmpi slt, %rem3A_1483, %lt3A_1486 : i32
      %lt3A_1488 = arith.constant 0 : i32
      %lt3A_1489 = arith.cmpi slt, %select_n3A_1482, %lt3A_1488 : i32
      %ne3A_1490 = arith.xori %lt3A_1487, %lt3A_1489 : i1
      %and3A_1491 = arith.andi %ne3A_1490, %ne3A_1485 : i1
      %add3A_1492 = arith.addi %rem3A_1483, %select_n3A_1482 : i32
      %select_n3A_1493 = arith.select %and3A_1491, %add3A_1492, %rem3A_1483 : i32
      %mul3A_1494 = arith.constant 4 : i32
      %mul3A_1495 = arith.muli %select_n3A_1493, %mul3A_1494 : i32
      %add3A_1496 = arith.constant 1 : i32
      %add3A_1497 = arith.addi %mul3A_1495, %add3A_1496 : i32
      %mul3A_1498 = arith.constant 128 : i32
      %mul3A_1499 = arith.muli %add3A_1497, %mul3A_1498 : i32
      %add3A_1500 = arith.addi %mul3A_1499, %mul3A_2 : i32
      %add3A_1501 = arith.addi %add3A_1500, %select_n3A_1477 : i32
      %mul3A_1502 = arith.constant 8 : i32
      %mul3A_1503 = arith.muli %add3A_1501, %mul3A_1502 : i32
      %dma_start3A_1504 = arith.constant 3 : i32
      %dma_start3A_1505 = arith.constant 8 : i32
      %dma_start3A_1506 = arith.constant 0 : i32
      %dma_start3A_1507 = tpu.memref_slice %arg7[%dma_start3A_1504, %dma_start3A_1505, %dma_start3A_1506] : memref<4x32x128xf32, #tpu.memory_space<vmem>> -> memref<1x8x128xf32, #tpu.memory_space<vmem>>
      %dma_start3A_1508 = tpu.memref_squeeze %dma_start3A_1507 : memref<1x8x128xf32, #tpu.memory_space<vmem>> -> memref<8x128xf32, #tpu.memory_space<vmem>>
      %dma_start3A_1509 = arith.constant 0 : i32
      %dma_start3A_1510 = tpu.memref_slice %arg4[%mul3A_1503, %dma_start3A_1509] : memref<106496x128xf32, #tpu.memory_space<hbm>> -> memref<8x128xf32, #tpu.memory_space<hbm>>
      %dma_start3A_1511 = arith.constant 0 : i32
      %dma_start3A_1512 = tpu.memref_slice %arg4[%mul3A_1503, %dma_start3A_1511] : memref<106496x128xf32, #tpu.memory_space<hbm>> -> memref<8x128xf32, #tpu.memory_space<hbm>>
      %dma_start3A_1513 = arith.constant 8 : i32
      %dma_start3A_1514 = arith.constant 0 : i32
      %dma_start3A_1515 = tpu.memref_slice %arg7[%dma_start3A_1504, %dma_start3A_1513, %dma_start3A_1514] : memref<4x32x128xf32, #tpu.memory_space<vmem>> -> memref<1x8x128xf32, #tpu.memory_space<vmem>>
      %dma_start3A_1516 = tpu.memref_squeeze %dma_start3A_1515 : memref<1x8x128xf32, #tpu.memory_space<vmem>> -> memref<8x128xf32, #tpu.memory_space<vmem>>
      tpu.enqueue_dma source(%dma_start3A_1516 : memref<8x128xf32, #tpu.memory_space<vmem>>) target(%dma_start3A_1512 : memref<8x128xf32, #tpu.memory_space<hbm>>) target_semaphore(%arg15 : memref<!tpu.dma_semaphore, #tpu.memory_space<semaphore_mem>>)
      %jit3A_1517 = arith.constant 26 : i32
      %div3A_1518 = arith.divsi %add3A_1328, %jit3A_1517 : i32
      %sign3A_1519 = arith.constant 0 : i32
      %sign3A_1520 = arith.cmpi sgt, %add3A_1328, %sign3A_1519 : i32
      %sign3A_1521 = arith.extui %sign3A_1520 : i1 to i32
      %sign3A_1522 = arith.constant 0 : i32
      %sign3A_1523 = arith.cmpi slt, %add3A_1328, %sign3A_1522 : i32
      %sign3A_1524 = arith.extui %sign3A_1523 : i1 to i32
      %sign3A_1525 = arith.subi %sign3A_1521, %sign3A_1524 : i32
      %sign3A_1526 = arith.constant 0 : i32
      %sign3A_1527 = arith.cmpi sgt, %jit3A_1517, %sign3A_1526 : i32
      %sign3A_1528 = arith.extui %sign3A_1527 : i1 to i32
      %sign3A_1529 = arith.constant 0 : i32
      %sign3A_1530 = arith.cmpi slt, %jit3A_1517, %sign3A_1529 : i32
      %sign3A_1531 = arith.extui %sign3A_1530 : i1 to i32
      %sign3A_1532 = arith.subi %sign3A_1528, %sign3A_1531 : i32
      %ne3A_1533 = arith.cmpi ne, %sign3A_1525, %sign3A_1532 : i32
      %rem3A_1534 = arith.remsi %add3A_1328, %jit3A_1517 : i32
      %ne3A_1535 = arith.constant 0 : i32
      %ne3A_1536 = arith.cmpi ne, %rem3A_1534, %ne3A_1535 : i32
      %and3A_1537 = arith.andi %ne3A_1533, %ne3A_1536 : i1
      %sub3A_1538 = arith.constant 1 : i32
      %sub3A_1539 = arith.subi %div3A_1518, %sub3A_1538 : i32
      %select_n3A_1540 = arith.select %and3A_1537, %sub3A_1539, %div3A_1518 : i32
      %jit3A_1541 = arith.constant 26 : i32
      %eq3A_1542 = arith.constant 0 : i32
      %eq3A_1543 = arith.cmpi eq, %jit3A_1541, %eq3A_1542 : i32
      %jit3A_1544 = arith.constant 1 : i32
      %select_n3A_1545 = arith.select %eq3A_1543, %jit3A_1544, %jit3A_1541 : i32
      %rem3A_1546 = arith.remsi %add3A_1328, %select_n3A_1545 : i32
      %ne3A_1547 = arith.constant 0 : i32
      %ne3A_1548 = arith.cmpi ne, %rem3A_1546, %ne3A_1547 : i32
      %lt3A_1549 = arith.constant 0 : i32
      %lt3A_1550 = arith.cmpi slt, %rem3A_1546, %lt3A_1549 : i32
      %lt3A_1551 = arith.constant 0 : i32
      %lt3A_1552 = arith.cmpi slt, %select_n3A_1545, %lt3A_1551 : i32
      %ne3A_1553 = arith.xori %lt3A_1550, %lt3A_1552 : i1
      %and3A_1554 = arith.andi %ne3A_1553, %ne3A_1548 : i1
      %add3A_1555 = arith.addi %rem3A_1546, %select_n3A_1545 : i32
      %select_n3A_1556 = arith.select %and3A_1554, %add3A_1555, %rem3A_1546 : i32
      %mul3A_1557 = arith.constant 4 : i32
      %mul3A_1558 = arith.muli %select_n3A_1556, %mul3A_1557 : i32
      %add3A_1559 = arith.constant 2 : i32
      %add3A_1560 = arith.addi %mul3A_1558, %add3A_1559 : i32
      %mul3A_1561 = arith.constant 128 : i32
      %mul3A_1562 = arith.muli %add3A_1560, %mul3A_1561 : i32
      %add3A_1563 = arith.addi %mul3A_1562, %mul3A_2 : i32
      %add3A_1564 = arith.addi %add3A_1563, %select_n3A_1540 : i32
      %mul3A_1565 = arith.constant 8 : i32
      %mul3A_1566 = arith.muli %add3A_1564, %mul3A_1565 : i32
      %dma_start3A_1567 = arith.constant 3 : i32
      %dma_start3A_1568 = arith.constant 16 : i32
      %dma_start3A_1569 = arith.constant 0 : i32
      %dma_start3A_1570 = tpu.memref_slice %arg7[%dma_start3A_1567, %dma_start3A_1568, %dma_start3A_1569] : memref<4x32x128xf32, #tpu.memory_space<vmem>> -> memref<1x8x128xf32, #tpu.memory_space<vmem>>
      %dma_start3A_1571 = tpu.memref_squeeze %dma_start3A_1570 : memref<1x8x128xf32, #tpu.memory_space<vmem>> -> memref<8x128xf32, #tpu.memory_space<vmem>>
      %dma_start3A_1572 = arith.constant 0 : i32
      %dma_start3A_1573 = tpu.memref_slice %arg4[%mul3A_1566, %dma_start3A_1572] : memref<106496x128xf32, #tpu.memory_space<hbm>> -> memref<8x128xf32, #tpu.memory_space<hbm>>
      %dma_start3A_1574 = arith.constant 0 : i32
      %dma_start3A_1575 = tpu.memref_slice %arg4[%mul3A_1566, %dma_start3A_1574] : memref<106496x128xf32, #tpu.memory_space<hbm>> -> memref<8x128xf32, #tpu.memory_space<hbm>>
      %dma_start3A_1576 = arith.constant 16 : i32
      %dma_start3A_1577 = arith.constant 0 : i32
      %dma_start3A_1578 = tpu.memref_slice %arg7[%dma_start3A_1567, %dma_start3A_1576, %dma_start3A_1577] : memref<4x32x128xf32, #tpu.memory_space<vmem>> -> memref<1x8x128xf32, #tpu.memory_space<vmem>>
      %dma_start3A_1579 = tpu.memref_squeeze %dma_start3A_1578 : memref<1x8x128xf32, #tpu.memory_space<vmem>> -> memref<8x128xf32, #tpu.memory_space<vmem>>
      tpu.enqueue_dma source(%dma_start3A_1579 : memref<8x128xf32, #tpu.memory_space<vmem>>) target(%dma_start3A_1575 : memref<8x128xf32, #tpu.memory_space<hbm>>) target_semaphore(%arg15 : memref<!tpu.dma_semaphore, #tpu.memory_space<semaphore_mem>>)
      %jit3A_1580 = arith.constant 26 : i32
      %div3A_1581 = arith.divsi %add3A_1328, %jit3A_1580 : i32
      %sign3A_1582 = arith.constant 0 : i32
      %sign3A_1583 = arith.cmpi sgt, %add3A_1328, %sign3A_1582 : i32
      %sign3A_1584 = arith.extui %sign3A_1583 : i1 to i32
      %sign3A_1585 = arith.constant 0 : i32
      %sign3A_1586 = arith.cmpi slt, %add3A_1328, %sign3A_1585 : i32
      %sign3A_1587 = arith.extui %sign3A_1586 : i1 to i32
      %sign3A_1588 = arith.subi %sign3A_1584, %sign3A_1587 : i32
      %sign3A_1589 = arith.constant 0 : i32
      %sign3A_1590 = arith.cmpi sgt, %jit3A_1580, %sign3A_1589 : i32
      %sign3A_1591 = arith.extui %sign3A_1590 : i1 to i32
      %sign3A_1592 = arith.constant 0 : i32
      %sign3A_1593 = arith.cmpi slt, %jit3A_1580, %sign3A_1592 : i32
      %sign3A_1594 = arith.extui %sign3A_1593 : i1 to i32
      %sign3A_1595 = arith.subi %sign3A_1591, %sign3A_1594 : i32
      %ne3A_1596 = arith.cmpi ne, %sign3A_1588, %sign3A_1595 : i32
      %rem3A_1597 = arith.remsi %add3A_1328, %jit3A_1580 : i32
      %ne3A_1598 = arith.constant 0 : i32
      %ne3A_1599 = arith.cmpi ne, %rem3A_1597, %ne3A_1598 : i32
      %and3A_1600 = arith.andi %ne3A_1596, %ne3A_1599 : i1
      %sub3A_1601 = arith.constant 1 : i32
      %sub3A_1602 = arith.subi %div3A_1581, %sub3A_1601 : i32
      %select_n3A_1603 = arith.select %and3A_1600, %sub3A_1602, %div3A_1581 : i32
      %jit3A_1604 = arith.constant 26 : i32
      %eq3A_1605 = arith.constant 0 : i32
      %eq3A_1606 = arith.cmpi eq, %jit3A_1604, %eq3A_1605 : i32
      %jit3A_1607 = arith.constant 1 : i32
      %select_n3A_1608 = arith.select %eq3A_1606, %jit3A_1607, %jit3A_1604 : i32
      %rem3A_1609 = arith.remsi %add3A_1328, %select_n3A_1608 : i32
      %ne3A_1610 = arith.constant 0 : i32
      %ne3A_1611 = arith.cmpi ne, %rem3A_1609, %ne3A_1610 : i32
      %lt3A_1612 = arith.constant 0 : i32
      %lt3A_1613 = arith.cmpi slt, %rem3A_1609, %lt3A_1612 : i32
      %lt3A_1614 = arith.constant 0 : i32
      %lt3A_1615 = arith.cmpi slt, %select_n3A_1608, %lt3A_1614 : i32
      %ne3A_1616 = arith.xori %lt3A_1613, %lt3A_1615 : i1
      %and3A_1617 = arith.andi %ne3A_1616, %ne3A_1611 : i1
      %add3A_1618 = arith.addi %rem3A_1609, %select_n3A_1608 : i32
      %select_n3A_1619 = arith.select %and3A_1617, %add3A_1618, %rem3A_1609 : i32
      %mul3A_1620 = arith.constant 4 : i32
      %mul3A_1621 = arith.muli %select_n3A_1619, %mul3A_1620 : i32
      %add3A_1622 = arith.constant 3 : i32
      %add3A_1623 = arith.addi %mul3A_1621, %add3A_1622 : i32
      %mul3A_1624 = arith.constant 128 : i32
      %mul3A_1625 = arith.muli %add3A_1623, %mul3A_1624 : i32
      %add3A_1626 = arith.addi %mul3A_1625, %mul3A_2 : i32
      %add3A_1627 = arith.addi %add3A_1626, %select_n3A_1603 : i32
      %mul3A_1628 = arith.constant 8 : i32
      %mul3A_1629 = arith.muli %add3A_1627, %mul3A_1628 : i32
      %dma_start3A_1630 = arith.constant 3 : i32
      %dma_start3A_1631 = arith.constant 24 : i32
      %dma_start3A_1632 = arith.constant 0 : i32
      %dma_start3A_1633 = tpu.memref_slice %arg7[%dma_start3A_1630, %dma_start3A_1631, %dma_start3A_1632] : memref<4x32x128xf32, #tpu.memory_space<vmem>> -> memref<1x8x128xf32, #tpu.memory_space<vmem>>
      %dma_start3A_1634 = tpu.memref_squeeze %dma_start3A_1633 : memref<1x8x128xf32, #tpu.memory_space<vmem>> -> memref<8x128xf32, #tpu.memory_space<vmem>>
      %dma_start3A_1635 = arith.constant 0 : i32
      %dma_start3A_1636 = tpu.memref_slice %arg4[%mul3A_1629, %dma_start3A_1635] : memref<106496x128xf32, #tpu.memory_space<hbm>> -> memref<8x128xf32, #tpu.memory_space<hbm>>
      %dma_start3A_1637 = arith.constant 0 : i32
      %dma_start3A_1638 = tpu.memref_slice %arg4[%mul3A_1629, %dma_start3A_1637] : memref<106496x128xf32, #tpu.memory_space<hbm>> -> memref<8x128xf32, #tpu.memory_space<hbm>>
      %dma_start3A_1639 = arith.constant 24 : i32
      %dma_start3A_1640 = arith.constant 0 : i32
      %dma_start3A_1641 = tpu.memref_slice %arg7[%dma_start3A_1630, %dma_start3A_1639, %dma_start3A_1640] : memref<4x32x128xf32, #tpu.memory_space<vmem>> -> memref<1x8x128xf32, #tpu.memory_space<vmem>>
      %dma_start3A_1642 = tpu.memref_squeeze %dma_start3A_1641 : memref<1x8x128xf32, #tpu.memory_space<vmem>> -> memref<8x128xf32, #tpu.memory_space<vmem>>
      tpu.enqueue_dma source(%dma_start3A_1642 : memref<8x128xf32, #tpu.memory_space<vmem>>) target(%dma_start3A_1638 : memref<8x128xf32, #tpu.memory_space<hbm>>) target_semaphore(%arg15 : memref<!tpu.dma_semaphore, #tpu.memory_space<semaphore_mem>>)
      %add3A_1643 = arith.constant 4 : i32
      %add3A_1644 = arith.addi %add3A_1328, %add3A_1643 : i32
      %lt3A_1645 = arith.constant 104 : i32
      %lt3A_1646 = arith.cmpi slt, %add3A_1644, %lt3A_1645 : i32
      %convert_element_type3A_1647 = arith.extui %lt3A_1646 : i1 to i32
      %cond3A_1648 = arith.constant 0 : i32
      %cond3A_1649 = arith.cmpi ne, %convert_element_type3A_1647, %cond3A_1648 : i32
      scf.if %cond3A_1649 {
        %add3A_1650 = arith.constant 4 : i32
        %add3A_1651 = arith.addi %add3A_1328, %add3A_1650 : i32
        %jit3A_1652 = arith.constant 26 : i32
        %div3A_1653 = arith.divsi %add3A_1651, %jit3A_1652 : i32
        %sign3A_1654 = arith.constant 0 : i32
        %sign3A_1655 = arith.cmpi sgt, %add3A_1651, %sign3A_1654 : i32
        %sign3A_1656 = arith.extui %sign3A_1655 : i1 to i32
        %sign3A_1657 = arith.constant 0 : i32
        %sign3A_1658 = arith.cmpi slt, %add3A_1651, %sign3A_1657 : i32
        %sign3A_1659 = arith.extui %sign3A_1658 : i1 to i32
        %sign3A_1660 = arith.subi %sign3A_1656, %sign3A_1659 : i32
        %sign3A_1661 = arith.constant 0 : i32
        %sign3A_1662 = arith.cmpi sgt, %jit3A_1652, %sign3A_1661 : i32
        %sign3A_1663 = arith.extui %sign3A_1662 : i1 to i32
        %sign3A_1664 = arith.constant 0 : i32
        %sign3A_1665 = arith.cmpi slt, %jit3A_1652, %sign3A_1664 : i32
        %sign3A_1666 = arith.extui %sign3A_1665 : i1 to i32
        %sign3A_1667 = arith.subi %sign3A_1663, %sign3A_1666 : i32
        %ne3A_1668 = arith.cmpi ne, %sign3A_1660, %sign3A_1667 : i32
        %rem3A_1669 = arith.remsi %add3A_1651, %jit3A_1652 : i32
        %ne3A_1670 = arith.constant 0 : i32
        %ne3A_1671 = arith.cmpi ne, %rem3A_1669, %ne3A_1670 : i32
        %and3A_1672 = arith.andi %ne3A_1668, %ne3A_1671 : i1
        %sub3A_1673 = arith.constant 1 : i32
        %sub3A_1674 = arith.subi %div3A_1653, %sub3A_1673 : i32
        %select_n3A_1675 = arith.select %and3A_1672, %sub3A_1674, %div3A_1653 : i32
        %jit3A_1676 = arith.constant 26 : i32
        %eq3A_1677 = arith.constant 0 : i32
        %eq3A_1678 = arith.cmpi eq, %jit3A_1676, %eq3A_1677 : i32
        %jit3A_1679 = arith.constant 1 : i32
        %select_n3A_1680 = arith.select %eq3A_1678, %jit3A_1679, %jit3A_1676 : i32
        %rem3A_1681 = arith.remsi %add3A_1651, %select_n3A_1680 : i32
        %ne3A_1682 = arith.constant 0 : i32
        %ne3A_1683 = arith.cmpi ne, %rem3A_1681, %ne3A_1682 : i32
        %lt3A_1684 = arith.constant 0 : i32
        %lt3A_1685 = arith.cmpi slt, %rem3A_1681, %lt3A_1684 : i32
        %lt3A_1686 = arith.constant 0 : i32
        %lt3A_1687 = arith.cmpi slt, %select_n3A_1680, %lt3A_1686 : i32
        %ne3A_1688 = arith.xori %lt3A_1685, %lt3A_1687 : i1
        %and3A_1689 = arith.andi %ne3A_1688, %ne3A_1683 : i1
        %add3A_1690 = arith.addi %rem3A_1681, %select_n3A_1680 : i32
        %select_n3A_1691 = arith.select %and3A_1689, %add3A_1690, %rem3A_1681 : i32
        %dma_start3A_1692 = arith.constant 3 : i32
        %dma_start3A_1693 = arith.constant 0 : i32
        %dma_start3A_1694 = arith.constant 0 : i32
        %dma_start3A_1695 = tpu.memref_slice %arg6[%dma_start3A_1692, %dma_start3A_1693, %dma_start3A_1694] : memref<4x128x32xf32, #tpu.memory_space<vmem>> -> memref<1x128x32xf32, #tpu.memory_space<vmem>>
        %dma_start3A_1696 = tpu.memref_squeeze %dma_start3A_1695 : memref<1x128x32xf32, #tpu.memory_space<vmem>> -> memref<128x32xf32, #tpu.memory_space<vmem>>
        %dma_start3A_1697 = arith.constant 0 : i32
        %dma_start3A_1698 = tpu.memref_slice %arg5[%select_n3A_1691, %select_n3A_1675, %dma_start3A_1697] : memref<26x4x128xi32, #tpu.memory_space<vmem>> -> memref<1x1x128xi32, #tpu.memory_space<vmem>>
        %dma_start3A_1699 = tpu.memref_squeeze %dma_start3A_1698 : memref<1x1x128xi32, #tpu.memory_space<vmem>> -> memref<128xi32, #tpu.memory_space<vmem>>
        %dma_start3A_1700 = arith.constant 0 : i32
        %dma_start3A_1701 = arith.constant 0 : i32
        %dma_start3A_1702 = tpu.memref_slice %arg3[%dma_start3A_1700, %dma_start3A_1701] : memref<1015808x32xf32, #tpu.memory_space<hbm>> -> memref<1015808x32xf32, #tpu.memory_space<hbm>>
        tpu.enqueue_indirect_dma source(%dma_start3A_1702 : memref<1015808x32xf32, #tpu.memory_space<hbm>>) target(%dma_start3A_1696 : memref<128x32xf32, #tpu.memory_space<vmem>>) offsets(%dma_start3A_1699 : memref<128xi32, #tpu.memory_space<vmem>>) semaphore(%arg11 : memref<!tpu.dma_semaphore, #tpu.memory_space<semaphore_mem>>)
      } else {
      }
    }
    %scan3A_64 = arith.constant 26 : i32
    %add3A_65 = arith.constant 11264 : i32
    %add3A_66 = arith.addi %add3A_65, %mul3A_2 : i32
    %add3A_67 = arith.constant 3 : i32
    %add3A_68 = arith.addi %add3A_66, %add3A_67 : i32
    %mul3A_69 = arith.constant 8 : i32
    %mul3A_70 = arith.muli %add3A_68, %mul3A_69 : i32
    %dma_wait3A = arith.constant 0 : i32
    %dma_wait3A_71 = arith.constant 0 : i32
    %dma_wait3A_72 = arith.constant 0 : i32
    %dma_wait3A_73 = tpu.memref_slice %arg7[%dma_wait3A, %dma_wait3A_71, %dma_wait3A_72] : memref<4x32x128xf32, #tpu.memory_space<vmem>> -> memref<1x8x128xf32, #tpu.memory_space<vmem>>
    %dma_wait3A_74 = tpu.memref_squeeze %dma_wait3A_73 : memref<1x8x128xf32, #tpu.memory_space<vmem>> -> memref<8x128xf32, #tpu.memory_space<vmem>>
    %dma_wait3A_75 = arith.constant 0 : i32
    %dma_wait3A_76 = tpu.memref_slice %arg4[%mul3A_70, %dma_wait3A_75] : memref<106496x128xf32, #tpu.memory_space<hbm>> -> memref<8x128xf32, #tpu.memory_space<hbm>>
    %dma_wait3A_77 = arith.constant 0 : i32
    %dma_wait3A_78 = tpu.memref_slice %arg4[%mul3A_70, %dma_wait3A_77] : memref<106496x128xf32, #tpu.memory_space<hbm>> -> memref<8x128xf32, #tpu.memory_space<hbm>>
    %dma_wait3A_79 = arith.constant 0 : i32
    %dma_wait3A_80 = arith.constant 0 : i32
    %dma_wait3A_81 = tpu.memref_slice %arg7[%dma_wait3A, %dma_wait3A_79, %dma_wait3A_80] : memref<4x32x128xf32, #tpu.memory_space<vmem>> -> memref<1x8x128xf32, #tpu.memory_space<vmem>>
    %dma_wait3A_82 = tpu.memref_squeeze %dma_wait3A_81 : memref<1x8x128xf32, #tpu.memory_space<vmem>> -> memref<8x128xf32, #tpu.memory_space<vmem>>
    tpu.wait_dma2 semaphore(%arg12 : memref<!tpu.dma_semaphore, #tpu.memory_space<semaphore_mem>>) src(%dma_wait3A_82 : memref<8x128xf32, #tpu.memory_space<vmem>>) dst(%dma_wait3A_78 : memref<8x128xf32, #tpu.memory_space<hbm>>)
    %add3A_83 = arith.constant 11392 : i32
    %add3A_84 = arith.addi %add3A_83, %mul3A_2 : i32
    %add3A_85 = arith.constant 3 : i32
    %add3A_86 = arith.addi %add3A_84, %add3A_85 : i32
    %mul3A_87 = arith.constant 8 : i32
    %mul3A_88 = arith.muli %add3A_86, %mul3A_87 : i32
    %dma_wait3A_89 = arith.constant 0 : i32
    %dma_wait3A_90 = arith.constant 8 : i32
    %dma_wait3A_91 = arith.constant 0 : i32
    %dma_wait3A_92 = tpu.memref_slice %arg7[%dma_wait3A_89, %dma_wait3A_90, %dma_wait3A_91] : memref<4x32x128xf32, #tpu.memory_space<vmem>> -> memref<1x8x128xf32, #tpu.memory_space<vmem>>
    %dma_wait3A_93 = tpu.memref_squeeze %dma_wait3A_92 : memref<1x8x128xf32, #tpu.memory_space<vmem>> -> memref<8x128xf32, #tpu.memory_space<vmem>>
    %dma_wait3A_94 = arith.constant 0 : i32
    %dma_wait3A_95 = tpu.memref_slice %arg4[%mul3A_88, %dma_wait3A_94] : memref<106496x128xf32, #tpu.memory_space<hbm>> -> memref<8x128xf32, #tpu.memory_space<hbm>>
    %dma_wait3A_96 = arith.constant 0 : i32
    %dma_wait3A_97 = tpu.memref_slice %arg4[%mul3A_88, %dma_wait3A_96] : memref<106496x128xf32, #tpu.memory_space<hbm>> -> memref<8x128xf32, #tpu.memory_space<hbm>>
    %dma_wait3A_98 = arith.constant 8 : i32
    %dma_wait3A_99 = arith.constant 0 : i32
    %dma_wait3A_100 = tpu.memref_slice %arg7[%dma_wait3A_89, %dma_wait3A_98, %dma_wait3A_99] : memref<4x32x128xf32, #tpu.memory_space<vmem>> -> memref<1x8x128xf32, #tpu.memory_space<vmem>>
    %dma_wait3A_101 = tpu.memref_squeeze %dma_wait3A_100 : memref<1x8x128xf32, #tpu.memory_space<vmem>> -> memref<8x128xf32, #tpu.memory_space<vmem>>
    tpu.wait_dma2 semaphore(%arg12 : memref<!tpu.dma_semaphore, #tpu.memory_space<semaphore_mem>>) src(%dma_wait3A_101 : memref<8x128xf32, #tpu.memory_space<vmem>>) dst(%dma_wait3A_97 : memref<8x128xf32, #tpu.memory_space<hbm>>)
    %add3A_102 = arith.constant 11520 : i32
    %add3A_103 = arith.addi %add3A_102, %mul3A_2 : i32
    %add3A_104 = arith.constant 3 : i32
    %add3A_105 = arith.addi %add3A_103, %add3A_104 : i32
    %mul3A_106 = arith.constant 8 : i32
    %mul3A_107 = arith.muli %add3A_105, %mul3A_106 : i32
    %dma_wait3A_108 = arith.constant 0 : i32
    %dma_wait3A_109 = arith.constant 16 : i32
    %dma_wait3A_110 = arith.constant 0 : i32
    %dma_wait3A_111 = tpu.memref_slice %arg7[%dma_wait3A_108, %dma_wait3A_109, %dma_wait3A_110] : memref<4x32x128xf32, #tpu.memory_space<vmem>> -> memref<1x8x128xf32, #tpu.memory_space<vmem>>
    %dma_wait3A_112 = tpu.memref_squeeze %dma_wait3A_111 : memref<1x8x128xf32, #tpu.memory_space<vmem>> -> memref<8x128xf32, #tpu.memory_space<vmem>>
    %dma_wait3A_113 = arith.constant 0 : i32
    %dma_wait3A_114 = tpu.memref_slice %arg4[%mul3A_107, %dma_wait3A_113] : memref<106496x128xf32, #tpu.memory_space<hbm>> -> memref<8x128xf32, #tpu.memory_space<hbm>>
    %dma_wait3A_115 = arith.constant 0 : i32
    %dma_wait3A_116 = tpu.memref_slice %arg4[%mul3A_107, %dma_wait3A_115] : memref<106496x128xf32, #tpu.memory_space<hbm>> -> memref<8x128xf32, #tpu.memory_space<hbm>>
    %dma_wait3A_117 = arith.constant 16 : i32
    %dma_wait3A_118 = arith.constant 0 : i32
    %dma_wait3A_119 = tpu.memref_slice %arg7[%dma_wait3A_108, %dma_wait3A_117, %dma_wait3A_118] : memref<4x32x128xf32, #tpu.memory_space<vmem>> -> memref<1x8x128xf32, #tpu.memory_space<vmem>>
    %dma_wait3A_120 = tpu.memref_squeeze %dma_wait3A_119 : memref<1x8x128xf32, #tpu.memory_space<vmem>> -> memref<8x128xf32, #tpu.memory_space<vmem>>
    tpu.wait_dma2 semaphore(%arg12 : memref<!tpu.dma_semaphore, #tpu.memory_space<semaphore_mem>>) src(%dma_wait3A_120 : memref<8x128xf32, #tpu.memory_space<vmem>>) dst(%dma_wait3A_116 : memref<8x128xf32, #tpu.memory_space<hbm>>)
    %add3A_121 = arith.constant 11648 : i32
    %add3A_122 = arith.addi %add3A_121, %mul3A_2 : i32
    %add3A_123 = arith.constant 3 : i32
    %add3A_124 = arith.addi %add3A_122, %add3A_123 : i32
    %mul3A_125 = arith.constant 8 : i32
    %mul3A_126 = arith.muli %add3A_124, %mul3A_125 : i32
    %dma_wait3A_127 = arith.constant 0 : i32
    %dma_wait3A_128 = arith.constant 24 : i32
    %dma_wait3A_129 = arith.constant 0 : i32
    %dma_wait3A_130 = tpu.memref_slice %arg7[%dma_wait3A_127, %dma_wait3A_128, %dma_wait3A_129] : memref<4x32x128xf32, #tpu.memory_space<vmem>> -> memref<1x8x128xf32, #tpu.memory_space<vmem>>
    %dma_wait3A_131 = tpu.memref_squeeze %dma_wait3A_130 : memref<1x8x128xf32, #tpu.memory_space<vmem>> -> memref<8x128xf32, #tpu.memory_space<vmem>>
    %dma_wait3A_132 = arith.constant 0 : i32
    %dma_wait3A_133 = tpu.memref_slice %arg4[%mul3A_126, %dma_wait3A_132] : memref<106496x128xf32, #tpu.memory_space<hbm>> -> memref<8x128xf32, #tpu.memory_space<hbm>>
    %dma_wait3A_134 = arith.constant 0 : i32
    %dma_wait3A_135 = tpu.memref_slice %arg4[%mul3A_126, %dma_wait3A_134] : memref<106496x128xf32, #tpu.memory_space<hbm>> -> memref<8x128xf32, #tpu.memory_space<hbm>>
    %dma_wait3A_136 = arith.constant 24 : i32
    %dma_wait3A_137 = arith.constant 0 : i32
    %dma_wait3A_138 = tpu.memref_slice %arg7[%dma_wait3A_127, %dma_wait3A_136, %dma_wait3A_137] : memref<4x32x128xf32, #tpu.memory_space<vmem>> -> memref<1x8x128xf32, #tpu.memory_space<vmem>>
    %dma_wait3A_139 = tpu.memref_squeeze %dma_wait3A_138 : memref<1x8x128xf32, #tpu.memory_space<vmem>> -> memref<8x128xf32, #tpu.memory_space<vmem>>
    tpu.wait_dma2 semaphore(%arg12 : memref<!tpu.dma_semaphore, #tpu.memory_space<semaphore_mem>>) src(%dma_wait3A_139 : memref<8x128xf32, #tpu.memory_space<vmem>>) dst(%dma_wait3A_135 : memref<8x128xf32, #tpu.memory_space<hbm>>)
    %add3A_140 = arith.constant 11776 : i32
    %add3A_141 = arith.addi %add3A_140, %mul3A_2 : i32
    %add3A_142 = arith.constant 3 : i32
    %add3A_143 = arith.addi %add3A_141, %add3A_142 : i32
    %mul3A_144 = arith.constant 8 : i32
    %mul3A_145 = arith.muli %add3A_143, %mul3A_144 : i32
    %dma_wait3A_146 = arith.constant 1 : i32
    %dma_wait3A_147 = arith.constant 0 : i32
    %dma_wait3A_148 = arith.constant 0 : i32
    %dma_wait3A_149 = tpu.memref_slice %arg7[%dma_wait3A_146, %dma_wait3A_147, %dma_wait3A_148] : memref<4x32x128xf32, #tpu.memory_space<vmem>> -> memref<1x8x128xf32, #tpu.memory_space<vmem>>
    %dma_wait3A_150 = tpu.memref_squeeze %dma_wait3A_149 : memref<1x8x128xf32, #tpu.memory_space<vmem>> -> memref<8x128xf32, #tpu.memory_space<vmem>>
    %dma_wait3A_151 = arith.constant 0 : i32
    %dma_wait3A_152 = tpu.memref_slice %arg4[%mul3A_145, %dma_wait3A_151] : memref<106496x128xf32, #tpu.memory_space<hbm>> -> memref<8x128xf32, #tpu.memory_space<hbm>>
    %dma_wait3A_153 = arith.constant 0 : i32
    %dma_wait3A_154 = tpu.memref_slice %arg4[%mul3A_145, %dma_wait3A_153] : memref<106496x128xf32, #tpu.memory_space<hbm>> -> memref<8x128xf32, #tpu.memory_space<hbm>>
    %dma_wait3A_155 = arith.constant 0 : i32
    %dma_wait3A_156 = arith.constant 0 : i32
    %dma_wait3A_157 = tpu.memref_slice %arg7[%dma_wait3A_146, %dma_wait3A_155, %dma_wait3A_156] : memref<4x32x128xf32, #tpu.memory_space<vmem>> -> memref<1x8x128xf32, #tpu.memory_space<vmem>>
    %dma_wait3A_158 = tpu.memref_squeeze %dma_wait3A_157 : memref<1x8x128xf32, #tpu.memory_space<vmem>> -> memref<8x128xf32, #tpu.memory_space<vmem>>
    tpu.wait_dma2 semaphore(%arg13 : memref<!tpu.dma_semaphore, #tpu.memory_space<semaphore_mem>>) src(%dma_wait3A_158 : memref<8x128xf32, #tpu.memory_space<vmem>>) dst(%dma_wait3A_154 : memref<8x128xf32, #tpu.memory_space<hbm>>)
    %add3A_159 = arith.constant 11904 : i32
    %add3A_160 = arith.addi %add3A_159, %mul3A_2 : i32
    %add3A_161 = arith.constant 3 : i32
    %add3A_162 = arith.addi %add3A_160, %add3A_161 : i32
    %mul3A_163 = arith.constant 8 : i32
    %mul3A_164 = arith.muli %add3A_162, %mul3A_163 : i32
    %dma_wait3A_165 = arith.constant 1 : i32
    %dma_wait3A_166 = arith.constant 8 : i32
    %dma_wait3A_167 = arith.constant 0 : i32
    %dma_wait3A_168 = tpu.memref_slice %arg7[%dma_wait3A_165, %dma_wait3A_166, %dma_wait3A_167] : memref<4x32x128xf32, #tpu.memory_space<vmem>> -> memref<1x8x128xf32, #tpu.memory_space<vmem>>
    %dma_wait3A_169 = tpu.memref_squeeze %dma_wait3A_168 : memref<1x8x128xf32, #tpu.memory_space<vmem>> -> memref<8x128xf32, #tpu.memory_space<vmem>>
    %dma_wait3A_170 = arith.constant 0 : i32
    %dma_wait3A_171 = tpu.memref_slice %arg4[%mul3A_164, %dma_wait3A_170] : memref<106496x128xf32, #tpu.memory_space<hbm>> -> memref<8x128xf32, #tpu.memory_space<hbm>>
    %dma_wait3A_172 = arith.constant 0 : i32
    %dma_wait3A_173 = tpu.memref_slice %arg4[%mul3A_164, %dma_wait3A_172] : memref<106496x128xf32, #tpu.memory_space<hbm>> -> memref<8x128xf32, #tpu.memory_space<hbm>>
    %dma_wait3A_174 = arith.constant 8 : i32
    %dma_wait3A_175 = arith.constant 0 : i32
    %dma_wait3A_176 = tpu.memref_slice %arg7[%dma_wait3A_165, %dma_wait3A_174, %dma_wait3A_175] : memref<4x32x128xf32, #tpu.memory_space<vmem>> -> memref<1x8x128xf32, #tpu.memory_space<vmem>>
    %dma_wait3A_177 = tpu.memref_squeeze %dma_wait3A_176 : memref<1x8x128xf32, #tpu.memory_space<vmem>> -> memref<8x128xf32, #tpu.memory_space<vmem>>
    tpu.wait_dma2 semaphore(%arg13 : memref<!tpu.dma_semaphore, #tpu.memory_space<semaphore_mem>>) src(%dma_wait3A_177 : memref<8x128xf32, #tpu.memory_space<vmem>>) dst(%dma_wait3A_173 : memref<8x128xf32, #tpu.memory_space<hbm>>)
    %add3A_178 = arith.constant 12032 : i32
    %add3A_179 = arith.addi %add3A_178, %mul3A_2 : i32
    %add3A_180 = arith.constant 3 : i32
    %add3A_181 = arith.addi %add3A_179, %add3A_180 : i32
    %mul3A_182 = arith.constant 8 : i32
    %mul3A_183 = arith.muli %add3A_181, %mul3A_182 : i32
    %dma_wait3A_184 = arith.constant 1 : i32
    %dma_wait3A_185 = arith.constant 16 : i32
    %dma_wait3A_186 = arith.constant 0 : i32
    %dma_wait3A_187 = tpu.memref_slice %arg7[%dma_wait3A_184, %dma_wait3A_185, %dma_wait3A_186] : memref<4x32x128xf32, #tpu.memory_space<vmem>> -> memref<1x8x128xf32, #tpu.memory_space<vmem>>
    %dma_wait3A_188 = tpu.memref_squeeze %dma_wait3A_187 : memref<1x8x128xf32, #tpu.memory_space<vmem>> -> memref<8x128xf32, #tpu.memory_space<vmem>>
    %dma_wait3A_189 = arith.constant 0 : i32
    %dma_wait3A_190 = tpu.memref_slice %arg4[%mul3A_183, %dma_wait3A_189] : memref<106496x128xf32, #tpu.memory_space<hbm>> -> memref<8x128xf32, #tpu.memory_space<hbm>>
    %dma_wait3A_191 = arith.constant 0 : i32
    %dma_wait3A_192 = tpu.memref_slice %arg4[%mul3A_183, %dma_wait3A_191] : memref<106496x128xf32, #tpu.memory_space<hbm>> -> memref<8x128xf32, #tpu.memory_space<hbm>>
    %dma_wait3A_193 = arith.constant 16 : i32
    %dma_wait3A_194 = arith.constant 0 : i32
    %dma_wait3A_195 = tpu.memref_slice %arg7[%dma_wait3A_184, %dma_wait3A_193, %dma_wait3A_194] : memref<4x32x128xf32, #tpu.memory_space<vmem>> -> memref<1x8x128xf32, #tpu.memory_space<vmem>>
    %dma_wait3A_196 = tpu.memref_squeeze %dma_wait3A_195 : memref<1x8x128xf32, #tpu.memory_space<vmem>> -> memref<8x128xf32, #tpu.memory_space<vmem>>
    tpu.wait_dma2 semaphore(%arg13 : memref<!tpu.dma_semaphore, #tpu.memory_space<semaphore_mem>>) src(%dma_wait3A_196 : memref<8x128xf32, #tpu.memory_space<vmem>>) dst(%dma_wait3A_192 : memref<8x128xf32, #tpu.memory_space<hbm>>)
    %add3A_197 = arith.constant 12160 : i32
    %add3A_198 = arith.addi %add3A_197, %mul3A_2 : i32
    %add3A_199 = arith.constant 3 : i32
    %add3A_200 = arith.addi %add3A_198, %add3A_199 : i32
    %mul3A_201 = arith.constant 8 : i32
    %mul3A_202 = arith.muli %add3A_200, %mul3A_201 : i32
    %dma_wait3A_203 = arith.constant 1 : i32
    %dma_wait3A_204 = arith.constant 24 : i32
    %dma_wait3A_205 = arith.constant 0 : i32
    %dma_wait3A_206 = tpu.memref_slice %arg7[%dma_wait3A_203, %dma_wait3A_204, %dma_wait3A_205] : memref<4x32x128xf32, #tpu.memory_space<vmem>> -> memref<1x8x128xf32, #tpu.memory_space<vmem>>
    %dma_wait3A_207 = tpu.memref_squeeze %dma_wait3A_206 : memref<1x8x128xf32, #tpu.memory_space<vmem>> -> memref<8x128xf32, #tpu.memory_space<vmem>>
    %dma_wait3A_208 = arith.constant 0 : i32
    %dma_wait3A_209 = tpu.memref_slice %arg4[%mul3A_202, %dma_wait3A_208] : memref<106496x128xf32, #tpu.memory_space<hbm>> -> memref<8x128xf32, #tpu.memory_space<hbm>>
    %dma_wait3A_210 = arith.constant 0 : i32
    %dma_wait3A_211 = tpu.memref_slice %arg4[%mul3A_202, %dma_wait3A_210] : memref<106496x128xf32, #tpu.memory_space<hbm>> -> memref<8x128xf32, #tpu.memory_space<hbm>>
    %dma_wait3A_212 = arith.constant 24 : i32
    %dma_wait3A_213 = arith.constant 0 : i32
    %dma_wait3A_214 = tpu.memref_slice %arg7[%dma_wait3A_203, %dma_wait3A_212, %dma_wait3A_213] : memref<4x32x128xf32, #tpu.memory_space<vmem>> -> memref<1x8x128xf32, #tpu.memory_space<vmem>>
    %dma_wait3A_215 = tpu.memref_squeeze %dma_wait3A_214 : memref<1x8x128xf32, #tpu.memory_space<vmem>> -> memref<8x128xf32, #tpu.memory_space<vmem>>
    tpu.wait_dma2 semaphore(%arg13 : memref<!tpu.dma_semaphore, #tpu.memory_space<semaphore_mem>>) src(%dma_wait3A_215 : memref<8x128xf32, #tpu.memory_space<vmem>>) dst(%dma_wait3A_211 : memref<8x128xf32, #tpu.memory_space<hbm>>)
    %add3A_216 = arith.constant 12288 : i32
    %add3A_217 = arith.addi %add3A_216, %mul3A_2 : i32
    %add3A_218 = arith.constant 3 : i32
    %add3A_219 = arith.addi %add3A_217, %add3A_218 : i32
    %mul3A_220 = arith.constant 8 : i32
    %mul3A_221 = arith.muli %add3A_219, %mul3A_220 : i32
    %dma_wait3A_222 = arith.constant 2 : i32
    %dma_wait3A_223 = arith.constant 0 : i32
    %dma_wait3A_224 = arith.constant 0 : i32
    %dma_wait3A_225 = tpu.memref_slice %arg7[%dma_wait3A_222, %dma_wait3A_223, %dma_wait3A_224] : memref<4x32x128xf32, #tpu.memory_space<vmem>> -> memref<1x8x128xf32, #tpu.memory_space<vmem>>
    %dma_wait3A_226 = tpu.memref_squeeze %dma_wait3A_225 : memref<1x8x128xf32, #tpu.memory_space<vmem>> -> memref<8x128xf32, #tpu.memory_space<vmem>>
    %dma_wait3A_227 = arith.constant 0 : i32
    %dma_wait3A_228 = tpu.memref_slice %arg4[%mul3A_221, %dma_wait3A_227] : memref<106496x128xf32, #tpu.memory_space<hbm>> -> memref<8x128xf32, #tpu.memory_space<hbm>>
    %dma_wait3A_229 = arith.constant 0 : i32
    %dma_wait3A_230 = tpu.memref_slice %arg4[%mul3A_221, %dma_wait3A_229] : memref<106496x128xf32, #tpu.memory_space<hbm>> -> memref<8x128xf32, #tpu.memory_space<hbm>>
    %dma_wait3A_231 = arith.constant 0 : i32
    %dma_wait3A_232 = arith.constant 0 : i32
    %dma_wait3A_233 = tpu.memref_slice %arg7[%dma_wait3A_222, %dma_wait3A_231, %dma_wait3A_232] : memref<4x32x128xf32, #tpu.memory_space<vmem>> -> memref<1x8x128xf32, #tpu.memory_space<vmem>>
    %dma_wait3A_234 = tpu.memref_squeeze %dma_wait3A_233 : memref<1x8x128xf32, #tpu.memory_space<vmem>> -> memref<8x128xf32, #tpu.memory_space<vmem>>
    tpu.wait_dma2 semaphore(%arg14 : memref<!tpu.dma_semaphore, #tpu.memory_space<semaphore_mem>>) src(%dma_wait3A_234 : memref<8x128xf32, #tpu.memory_space<vmem>>) dst(%dma_wait3A_230 : memref<8x128xf32, #tpu.memory_space<hbm>>)
    %add3A_235 = arith.constant 12416 : i32
    %add3A_236 = arith.addi %add3A_235, %mul3A_2 : i32
    %add3A_237 = arith.constant 3 : i32
    %add3A_238 = arith.addi %add3A_236, %add3A_237 : i32
    %mul3A_239 = arith.constant 8 : i32
    %mul3A_240 = arith.muli %add3A_238, %mul3A_239 : i32
    %dma_wait3A_241 = arith.constant 2 : i32
    %dma_wait3A_242 = arith.constant 8 : i32
    %dma_wait3A_243 = arith.constant 0 : i32
    %dma_wait3A_244 = tpu.memref_slice %arg7[%dma_wait3A_241, %dma_wait3A_242, %dma_wait3A_243] : memref<4x32x128xf32, #tpu.memory_space<vmem>> -> memref<1x8x128xf32, #tpu.memory_space<vmem>>
    %dma_wait3A_245 = tpu.memref_squeeze %dma_wait3A_244 : memref<1x8x128xf32, #tpu.memory_space<vmem>> -> memref<8x128xf32, #tpu.memory_space<vmem>>
    %dma_wait3A_246 = arith.constant 0 : i32
    %dma_wait3A_247 = tpu.memref_slice %arg4[%mul3A_240, %dma_wait3A_246] : memref<106496x128xf32, #tpu.memory_space<hbm>> -> memref<8x128xf32, #tpu.memory_space<hbm>>
    %dma_wait3A_248 = arith.constant 0 : i32
    %dma_wait3A_249 = tpu.memref_slice %arg4[%mul3A_240, %dma_wait3A_248] : memref<106496x128xf32, #tpu.memory_space<hbm>> -> memref<8x128xf32, #tpu.memory_space<hbm>>
    %dma_wait3A_250 = arith.constant 8 : i32
    %dma_wait3A_251 = arith.constant 0 : i32
    %dma_wait3A_252 = tpu.memref_slice %arg7[%dma_wait3A_241, %dma_wait3A_250, %dma_wait3A_251] : memref<4x32x128xf32, #tpu.memory_space<vmem>> -> memref<1x8x128xf32, #tpu.memory_space<vmem>>
    %dma_wait3A_253 = tpu.memref_squeeze %dma_wait3A_252 : memref<1x8x128xf32, #tpu.memory_space<vmem>> -> memref<8x128xf32, #tpu.memory_space<vmem>>
    tpu.wait_dma2 semaphore(%arg14 : memref<!tpu.dma_semaphore, #tpu.memory_space<semaphore_mem>>) src(%dma_wait3A_253 : memref<8x128xf32, #tpu.memory_space<vmem>>) dst(%dma_wait3A_249 : memref<8x128xf32, #tpu.memory_space<hbm>>)
    %add3A_254 = arith.constant 12544 : i32
    %add3A_255 = arith.addi %add3A_254, %mul3A_2 : i32
    %add3A_256 = arith.constant 3 : i32
    %add3A_257 = arith.addi %add3A_255, %add3A_256 : i32
    %mul3A_258 = arith.constant 8 : i32
    %mul3A_259 = arith.muli %add3A_257, %mul3A_258 : i32
    %dma_wait3A_260 = arith.constant 2 : i32
    %dma_wait3A_261 = arith.constant 16 : i32
    %dma_wait3A_262 = arith.constant 0 : i32
    %dma_wait3A_263 = tpu.memref_slice %arg7[%dma_wait3A_260, %dma_wait3A_261, %dma_wait3A_262] : memref<4x32x128xf32, #tpu.memory_space<vmem>> -> memref<1x8x128xf32, #tpu.memory_space<vmem>>
    %dma_wait3A_264 = tpu.memref_squeeze %dma_wait3A_263 : memref<1x8x128xf32, #tpu.memory_space<vmem>> -> memref<8x128xf32, #tpu.memory_space<vmem>>
    %dma_wait3A_265 = arith.constant 0 : i32
    %dma_wait3A_266 = tpu.memref_slice %arg4[%mul3A_259, %dma_wait3A_265] : memref<106496x128xf32, #tpu.memory_space<hbm>> -> memref<8x128xf32, #tpu.memory_space<hbm>>
    %dma_wait3A_267 = arith.constant 0 : i32
    %dma_wait3A_268 = tpu.memref_slice %arg4[%mul3A_259, %dma_wait3A_267] : memref<106496x128xf32, #tpu.memory_space<hbm>> -> memref<8x128xf32, #tpu.memory_space<hbm>>
    %dma_wait3A_269 = arith.constant 16 : i32
    %dma_wait3A_270 = arith.constant 0 : i32
    %dma_wait3A_271 = tpu.memref_slice %arg7[%dma_wait3A_260, %dma_wait3A_269, %dma_wait3A_270] : memref<4x32x128xf32, #tpu.memory_space<vmem>> -> memref<1x8x128xf32, #tpu.memory_space<vmem>>
    %dma_wait3A_272 = tpu.memref_squeeze %dma_wait3A_271 : memref<1x8x128xf32, #tpu.memory_space<vmem>> -> memref<8x128xf32, #tpu.memory_space<vmem>>
    tpu.wait_dma2 semaphore(%arg14 : memref<!tpu.dma_semaphore, #tpu.memory_space<semaphore_mem>>) src(%dma_wait3A_272 : memref<8x128xf32, #tpu.memory_space<vmem>>) dst(%dma_wait3A_268 : memref<8x128xf32, #tpu.memory_space<hbm>>)
    %add3A_273 = arith.constant 12672 : i32
    %add3A_274 = arith.addi %add3A_273, %mul3A_2 : i32
    %add3A_275 = arith.constant 3 : i32
    %add3A_276 = arith.addi %add3A_274, %add3A_275 : i32
    %mul3A_277 = arith.constant 8 : i32
    %mul3A_278 = arith.muli %add3A_276, %mul3A_277 : i32
    %dma_wait3A_279 = arith.constant 2 : i32
    %dma_wait3A_280 = arith.constant 24 : i32
    %dma_wait3A_281 = arith.constant 0 : i32
    %dma_wait3A_282 = tpu.memref_slice %arg7[%dma_wait3A_279, %dma_wait3A_280, %dma_wait3A_281] : memref<4x32x128xf32, #tpu.memory_space<vmem>> -> memref<1x8x128xf32, #tpu.memory_space<vmem>>
    %dma_wait3A_283 = tpu.memref_squeeze %dma_wait3A_282 : memref<1x8x128xf32, #tpu.memory_space<vmem>> -> memref<8x128xf32, #tpu.memory_space<vmem>>
    %dma_wait3A_284 = arith.constant 0 : i32
    %dma_wait3A_285 = tpu.memref_slice %arg4[%mul3A_278, %dma_wait3A_284] : memref<106496x128xf32, #tpu.memory_space<hbm>> -> memref<8x128xf32, #tpu.memory_space<hbm>>
    %dma_wait3A_286 = arith.constant 0 : i32
    %dma_wait3A_287 = tpu.memref_slice %arg4[%mul3A_278, %dma_wait3A_286] : memref<106496x128xf32, #tpu.memory_space<hbm>> -> memref<8x128xf32, #tpu.memory_space<hbm>>
    %dma_wait3A_288 = arith.constant 24 : i32
    %dma_wait3A_289 = arith.constant 0 : i32
    %dma_wait3A_290 = tpu.memref_slice %arg7[%dma_wait3A_279, %dma_wait3A_288, %dma_wait3A_289] : memref<4x32x128xf32, #tpu.memory_space<vmem>> -> memref<1x8x128xf32, #tpu.memory_space<vmem>>
    %dma_wait3A_291 = tpu.memref_squeeze %dma_wait3A_290 : memref<1x8x128xf32, #tpu.memory_space<vmem>> -> memref<8x128xf32, #tpu.memory_space<vmem>>
    tpu.wait_dma2 semaphore(%arg14 : memref<!tpu.dma_semaphore, #tpu.memory_space<semaphore_mem>>) src(%dma_wait3A_291 : memref<8x128xf32, #tpu.memory_space<vmem>>) dst(%dma_wait3A_287 : memref<8x128xf32, #tpu.memory_space<hbm>>)
    %add3A_292 = arith.constant 12800 : i32
    %add3A_293 = arith.addi %add3A_292, %mul3A_2 : i32
    %add3A_294 = arith.constant 3 : i32
    %add3A_295 = arith.addi %add3A_293, %add3A_294 : i32
    %mul3A_296 = arith.constant 8 : i32
    %mul3A_297 = arith.muli %add3A_295, %mul3A_296 : i32
    %dma_wait3A_298 = arith.constant 3 : i32
    %dma_wait3A_299 = arith.constant 0 : i32
    %dma_wait3A_300 = arith.constant 0 : i32
    %dma_wait3A_301 = tpu.memref_slice %arg7[%dma_wait3A_298, %dma_wait3A_299, %dma_wait3A_300] : memref<4x32x128xf32, #tpu.memory_space<vmem>> -> memref<1x8x128xf32, #tpu.memory_space<vmem>>
    %dma_wait3A_302 = tpu.memref_squeeze %dma_wait3A_301 : memref<1x8x128xf32, #tpu.memory_space<vmem>> -> memref<8x128xf32, #tpu.memory_space<vmem>>
    %dma_wait3A_303 = arith.constant 0 : i32
    %dma_wait3A_304 = tpu.memref_slice %arg4[%mul3A_297, %dma_wait3A_303] : memref<106496x128xf32, #tpu.memory_space<hbm>> -> memref<8x128xf32, #tpu.memory_space<hbm>>
    %dma_wait3A_305 = arith.constant 0 : i32
    %dma_wait3A_306 = tpu.memref_slice %arg4[%mul3A_297, %dma_wait3A_305] : memref<106496x128xf32, #tpu.memory_space<hbm>> -> memref<8x128xf32, #tpu.memory_space<hbm>>
    %dma_wait3A_307 = arith.constant 0 : i32
    %dma_wait3A_308 = arith.constant 0 : i32
    %dma_wait3A_309 = tpu.memref_slice %arg7[%dma_wait3A_298, %dma_wait3A_307, %dma_wait3A_308] : memref<4x32x128xf32, #tpu.memory_space<vmem>> -> memref<1x8x128xf32, #tpu.memory_space<vmem>>
    %dma_wait3A_310 = tpu.memref_squeeze %dma_wait3A_309 : memref<1x8x128xf32, #tpu.memory_space<vmem>> -> memref<8x128xf32, #tpu.memory_space<vmem>>
    tpu.wait_dma2 semaphore(%arg15 : memref<!tpu.dma_semaphore, #tpu.memory_space<semaphore_mem>>) src(%dma_wait3A_310 : memref<8x128xf32, #tpu.memory_space<vmem>>) dst(%dma_wait3A_306 : memref<8x128xf32, #tpu.memory_space<hbm>>)
    %add3A_311 = arith.constant 12928 : i32
    %add3A_312 = arith.addi %add3A_311, %mul3A_2 : i32
    %add3A_313 = arith.constant 3 : i32
    %add3A_314 = arith.addi %add3A_312, %add3A_313 : i32
    %mul3A_315 = arith.constant 8 : i32
    %mul3A_316 = arith.muli %add3A_314, %mul3A_315 : i32
    %dma_wait3A_317 = arith.constant 3 : i32
    %dma_wait3A_318 = arith.constant 8 : i32
    %dma_wait3A_319 = arith.constant 0 : i32
    %dma_wait3A_320 = tpu.memref_slice %arg7[%dma_wait3A_317, %dma_wait3A_318, %dma_wait3A_319] : memref<4x32x128xf32, #tpu.memory_space<vmem>> -> memref<1x8x128xf32, #tpu.memory_space<vmem>>
    %dma_wait3A_321 = tpu.memref_squeeze %dma_wait3A_320 : memref<1x8x128xf32, #tpu.memory_space<vmem>> -> memref<8x128xf32, #tpu.memory_space<vmem>>
    %dma_wait3A_322 = arith.constant 0 : i32
    %dma_wait3A_323 = tpu.memref_slice %arg4[%mul3A_316, %dma_wait3A_322] : memref<106496x128xf32, #tpu.memory_space<hbm>> -> memref<8x128xf32, #tpu.memory_space<hbm>>
    %dma_wait3A_324 = arith.constant 0 : i32
    %dma_wait3A_325 = tpu.memref_slice %arg4[%mul3A_316, %dma_wait3A_324] : memref<106496x128xf32, #tpu.memory_space<hbm>> -> memref<8x128xf32, #tpu.memory_space<hbm>>
    %dma_wait3A_326 = arith.constant 8 : i32
    %dma_wait3A_327 = arith.constant 0 : i32
    %dma_wait3A_328 = tpu.memref_slice %arg7[%dma_wait3A_317, %dma_wait3A_326, %dma_wait3A_327] : memref<4x32x128xf32, #tpu.memory_space<vmem>> -> memref<1x8x128xf32, #tpu.memory_space<vmem>>
    %dma_wait3A_329 = tpu.memref_squeeze %dma_wait3A_328 : memref<1x8x128xf32, #tpu.memory_space<vmem>> -> memref<8x128xf32, #tpu.memory_space<vmem>>
    tpu.wait_dma2 semaphore(%arg15 : memref<!tpu.dma_semaphore, #tpu.memory_space<semaphore_mem>>) src(%dma_wait3A_329 : memref<8x128xf32, #tpu.memory_space<vmem>>) dst(%dma_wait3A_325 : memref<8x128xf32, #tpu.memory_space<hbm>>)
    %add3A_330 = arith.constant 13056 : i32
    %add3A_331 = arith.addi %add3A_330, %mul3A_2 : i32
    %add3A_332 = arith.constant 3 : i32
    %add3A_333 = arith.addi %add3A_331, %add3A_332 : i32
    %mul3A_334 = arith.constant 8 : i32
    %mul3A_335 = arith.muli %add3A_333, %mul3A_334 : i32
    %dma_wait3A_336 = arith.constant 3 : i32
    %dma_wait3A_337 = arith.constant 16 : i32
    %dma_wait3A_338 = arith.constant 0 : i32
    %dma_wait3A_339 = tpu.memref_slice %arg7[%dma_wait3A_336, %dma_wait3A_337, %dma_wait3A_338] : memref<4x32x128xf32, #tpu.memory_space<vmem>> -> memref<1x8x128xf32, #tpu.memory_space<vmem>>
    %dma_wait3A_340 = tpu.memref_squeeze %dma_wait3A_339 : memref<1x8x128xf32, #tpu.memory_space<vmem>> -> memref<8x128xf32, #tpu.memory_space<vmem>>
    %dma_wait3A_341 = arith.constant 0 : i32
    %dma_wait3A_342 = tpu.memref_slice %arg4[%mul3A_335, %dma_wait3A_341] : memref<106496x128xf32, #tpu.memory_space<hbm>> -> memref<8x128xf32, #tpu.memory_space<hbm>>
    %dma_wait3A_343 = arith.constant 0 : i32
    %dma_wait3A_344 = tpu.memref_slice %arg4[%mul3A_335, %dma_wait3A_343] : memref<106496x128xf32, #tpu.memory_space<hbm>> -> memref<8x128xf32, #tpu.memory_space<hbm>>
    %dma_wait3A_345 = arith.constant 16 : i32
    %dma_wait3A_346 = arith.constant 0 : i32
    %dma_wait3A_347 = tpu.memref_slice %arg7[%dma_wait3A_336, %dma_wait3A_345, %dma_wait3A_346] : memref<4x32x128xf32, #tpu.memory_space<vmem>> -> memref<1x8x128xf32, #tpu.memory_space<vmem>>
    %dma_wait3A_348 = tpu.memref_squeeze %dma_wait3A_347 : memref<1x8x128xf32, #tpu.memory_space<vmem>> -> memref<8x128xf32, #tpu.memory_space<vmem>>
    tpu.wait_dma2 semaphore(%arg15 : memref<!tpu.dma_semaphore, #tpu.memory_space<semaphore_mem>>) src(%dma_wait3A_348 : memref<8x128xf32, #tpu.memory_space<vmem>>) dst(%dma_wait3A_344 : memref<8x128xf32, #tpu.memory_space<hbm>>)
    %add3A_349 = arith.constant 13184 : i32
    %add3A_350 = arith.addi %add3A_349, %mul3A_2 : i32
    %add3A_351 = arith.constant 3 : i32
    %add3A_352 = arith.addi %add3A_350, %add3A_351 : i32
    %mul3A_353 = arith.constant 8 : i32
    %mul3A_354 = arith.muli %add3A_352, %mul3A_353 : i32
    %dma_wait3A_355 = arith.constant 3 : i32
    %dma_wait3A_356 = arith.constant 24 : i32
    %dma_wait3A_357 = arith.constant 0 : i32
    %dma_wait3A_358 = tpu.memref_slice %arg7[%dma_wait3A_355, %dma_wait3A_356, %dma_wait3A_357] : memref<4x32x128xf32, #tpu.memory_space<vmem>> -> memref<1x8x128xf32, #tpu.memory_space<vmem>>
    %dma_wait3A_359 = tpu.memref_squeeze %dma_wait3A_358 : memref<1x8x128xf32, #tpu.memory_space<vmem>> -> memref<8x128xf32, #tpu.memory_space<vmem>>
    %dma_wait3A_360 = arith.constant 0 : i32
    %dma_wait3A_361 = tpu.memref_slice %arg4[%mul3A_354, %dma_wait3A_360] : memref<106496x128xf32, #tpu.memory_space<hbm>> -> memref<8x128xf32, #tpu.memory_space<hbm>>
    %dma_wait3A_362 = arith.constant 0 : i32
    %dma_wait3A_363 = tpu.memref_slice %arg4[%mul3A_354, %dma_wait3A_362] : memref<106496x128xf32, #tpu.memory_space<hbm>> -> memref<8x128xf32, #tpu.memory_space<hbm>>
    %dma_wait3A_364 = arith.constant 24 : i32
    %dma_wait3A_365 = arith.constant 0 : i32
    %dma_wait3A_366 = tpu.memref_slice %arg7[%dma_wait3A_355, %dma_wait3A_364, %dma_wait3A_365] : memref<4x32x128xf32, #tpu.memory_space<vmem>> -> memref<1x8x128xf32, #tpu.memory_space<vmem>>
    %dma_wait3A_367 = tpu.memref_squeeze %dma_wait3A_366 : memref<1x8x128xf32, #tpu.memory_space<vmem>> -> memref<8x128xf32, #tpu.memory_space<vmem>>
    tpu.wait_dma2 semaphore(%arg15 : memref<!tpu.dma_semaphore, #tpu.memory_space<semaphore_mem>>) src(%dma_wait3A_367 : memref<8x128xf32, #tpu.memory_space<vmem>>) dst(%dma_wait3A_363 : memref<8x128xf32, #tpu.memory_space<hbm>>)
    return
  }
}

module attributes {stable_mosaic.version = 14 : i64} {
  func.func @_detile_body(%arg0: i32, %arg1: memref<32x16384xf32, #tpu.memory_space<vmem>>, %arg2: memref<4096x128xf32, #tpu.memory_space<vmem>>) attributes {dimension_semantics = [#tpu.dimension_semantics<arbitrary>], iteration_bounds = array<i64: 62>, scalar_prefetch = 0 : i64, scratch_operands = 0 : i64, tpu.core_type = #tpu.core_type<tc>, window_params = [{transform_indices = @transform_0, window_bounds = array<i64: 32, 16384>}, {transform_indices = @transform_1, window_bounds = array<i64: 4096, 128>}]} {
    %get3A = arith.constant 0 : index
    %get3A_0 = arith.constant 0 : index
    %get3A_1 = vector.load %arg1[%get3A, %get3A_0] : memref<32x16384xf32, #tpu.memory_space<vmem>>, vector<32x4096xf32>
    %transpose3A = tpu.transpose %get3A_1, [1, 0] : vector<32x4096xf32> -> vector<4096x32xf32>
    %swap3A = arith.constant 0 : index
    %swap3A_2 = arith.constant 0 : index
    %swap3A_3 = vector.load %arg2[%swap3A, %swap3A_2] : memref<4096x128xf32, #tpu.memory_space<vmem>>, vector<4096x32xf32>
    tpu.vector_store %arg2[%swap3A, %swap3A_2], %transpose3A {strides = array<i32>} : memref<4096x128xf32, #tpu.memory_space<vmem>>, vector<4096x32xf32>,
    %get3A_4 = arith.constant 0 : index
    %get3A_5 = arith.constant 4096 : index
    %get3A_6 = vector.load %arg1[%get3A_4, %get3A_5] : memref<32x16384xf32, #tpu.memory_space<vmem>>, vector<32x4096xf32>
    %transpose3A_7 = tpu.transpose %get3A_6, [1, 0] : vector<32x4096xf32> -> vector<4096x32xf32>
    %swap3A_8 = arith.constant 0 : index
    %swap3A_9 = arith.constant 32 : index
    %swap3A_10 = vector.load %arg2[%swap3A_8, %swap3A_9] : memref<4096x128xf32, #tpu.memory_space<vmem>>, vector<4096x32xf32>
    tpu.vector_store %arg2[%swap3A_8, %swap3A_9], %transpose3A_7 {strides = array<i32>} : memref<4096x128xf32, #tpu.memory_space<vmem>>, vector<4096x32xf32>,
    %get3A_11 = arith.constant 0 : index
    %get3A_12 = arith.constant 8192 : index
    %get3A_13 = vector.load %arg1[%get3A_11, %get3A_12] : memref<32x16384xf32, #tpu.memory_space<vmem>>, vector<32x4096xf32>
    %transpose3A_14 = tpu.transpose %get3A_13, [1, 0] : vector<32x4096xf32> -> vector<4096x32xf32>
    %swap3A_15 = arith.constant 0 : index
    %swap3A_16 = arith.constant 64 : index
    %swap3A_17 = vector.load %arg2[%swap3A_15, %swap3A_16] : memref<4096x128xf32, #tpu.memory_space<vmem>>, vector<4096x32xf32>
    tpu.vector_store %arg2[%swap3A_15, %swap3A_16], %transpose3A_14 {strides = array<i32>} : memref<4096x128xf32, #tpu.memory_space<vmem>>, vector<4096x32xf32>,
    %get3A_18 = arith.constant 0 : index
    %get3A_19 = arith.constant 12288 : index
    %get3A_20 = vector.load %arg1[%get3A_18, %get3A_19] : memref<32x16384xf32, #tpu.memory_space<vmem>>, vector<32x4096xf32>
    %transpose3A_21 = tpu.transpose %get3A_20, [1, 0] : vector<32x4096xf32> -> vector<4096x32xf32>
    %swap3A_22 = arith.constant 0 : index
    %swap3A_23 = arith.constant 96 : index
    %swap3A_24 = vector.load %arg2[%swap3A_22, %swap3A_23] : memref<4096x128xf32, #tpu.memory_space<vmem>>, vector<4096x32xf32>
    tpu.vector_store %arg2[%swap3A_22, %swap3A_23], %transpose3A_21 {strides = array<i32>} : memref<4096x128xf32, #tpu.memory_space<vmem>>, vector<4096x32xf32>,
    return
  }
  func.func @transform_0(%arg0: i32) -> (i32, i32) {
    %c0_i32 = arith.constant 0 : i32
    %c0_i32_0 = arith.constant 0 : i32
    return %c0_i32, %arg0 : i32, i32
  }
  func.func @transform_1(%arg0: i32) -> (i32, i32) {
    %c0_i32 = arith.constant 0 : i32
    %c0_i32_0 = arith.constant 0 : i32
    return %arg0, %c0_i32 : i32, i32
  }
}

</mosaic_0001>

<sc_bundles>
// kernel: kernel.4.cloned.1.call-start
scs
__scs_entry_jumppad:
0x0: {  	(pc) =	sbr.rel $0x88, $3  }
0x1: {  	(tag) =	ssettag $0x0;
	lr =	simm.s32 $0x1  }
0x2: {  	[smem:$0x3F9F] =	sst lr;
	_ =	strace $0xD0000000  }
0x3: {  	_ = 	snop  }
0x4: {  	_ = 	snop  }
0x5: {  	_ = 	snop  }
0x6: {  	_ = 	snop  }
0x7: {  	_ = 	snop  }
__scs_overlays_trampoline_lowered:
0x8: {  	[smem:$0x3FAE] =	sst s0  }
0x9: {  	[smem:$0x3FAF] =	sst s1  }
0xa: {  	[smem:$0x3FB0] =	sst s2  }
0xb: {  	[smem:$0x3FB1] =	sst s3  }
0xc: {  	[smem:$0x3FB2] =	sst s4  }
0xd: {  	[smem:$0x3FB3] =	sst s5  }
0xe: {  	[smem:$0x3FB4] =	sst s6  }
0xf: {  	[smem:$0x3FB5] =	sst s7  }
0x10: {  	[smem:$0x3FB6] =	sst s8  }
0x11: {  	[smem:$0x3FB7] =	sst s9;
	s0 =	simm.s32 @!p0 $0x0  }
0x12: {  	s1 =	sld [smem:$0x3F9D];
	s0 =	simm.s32 @p0 $0x1  }
0x13: {  	[smem:$0x3FB8] =	sst s0;
	s0 =	simm.s32 @!p1 $0x0  }
0x14: {  	s2 =	sld [smem:$0x3F9C];
	s0 =	simm.s32 @p1 $0x1  }
0x15: {  	[smem:$0x3FB9] =	sst s0;
	s0 =	simm.s32 @!p2 $0x0  }
0x16: {  	s3 =	sld [smem:$0x3FDB];
	s0 =	simm.s32 @p2 $0x1  }
0x17: {  	s4 =	simm.s32 $0x1BF5;
	[smem:$0x3FBB] =	sst s0  }
0x18: {  	s0 =	sld [smem:$0x3F9E];
	_ =	swait.ge [sflag:s4], $0x0  }
0x19: {  	s7 =	sld [smem:$0x3F9F]  }
0x1a: {  	s8 =	sadd.s32 $0xFFFFE003, lr  }
0x1b: {  	s9 =	sadd.s32 $0xFFFFFEF7, lr;
	s5 =	simm.s32 $0xFFFFFFFF;
	p2 =	slt.u32 s8, $0xFFFFF086  }
0x1c: {  	p1 =	slt.u32 s9, $0xF7A;
	s5 =	simm.s32 @!p2 $0x0  }
0x1d: {  	s5 =	simm.s32 @p1 $0x1;
	p0 =	seq.s32 s7, s2  }
0x1e: {  	s7 =	smul.u32 @!p0 $0xF7A, s2;
	p2 =	seq.s32 @!p0 s5, $0x0  }
0x1f: {  	s9 =	smul.u32 $0xF7A, s1;
	s8 =	simm.s32 @!p0 $0x1BF5;
	p2 =	por !p2, p0  }
0x20: {  	[sflag:s8] =	ssyncset.s32 @!p0 $0xFFFFF086;
	s6 =	sadd.s32 @!p0 s3, s7;
	s7 =	simm.s32 @!p0 $0x108  }
0x21: {  	s3 =	sadd.s32 s3, s9;
	s6 =	sadd.s32 @!p0 $0x88, s6;
	s7 =	simm.s32 @p2 $0x1082  }
0x22: {  	[simem:s7], [sflag:s8] =	dma.local @!p0 [hbm:s6], $0xF7A  }
0x23: {  	s9 =	sor.u32 $0xD0000000, s2;
	s6 =	simm.s32 $0x108;
	_ =	swait.ge @!p0 [sflag:s8], $0x0  }
0x24: {  	s3 =	sadd.s32 $0x88, s3;
	s6 =	simm.s32 @!p1 $0x1082;
	[sflag:s4] =	ssyncset.s32 $0xFFFFF086  }
0x25: {  	[simem:s6], [sflag:s4] =	dma.local [hbm:s3], $0xF7A  }
0x26: {  	[smem:$0x3F9F] =	sst s1;
	(tag) =	ssettag s2;
	_ =	strace s9  }
0x27: {  	s1 =	sld [smem:$0x3FAF]  }
0x28: {  	s2 =	sld [smem:$0x3FB0]  }
0x29: {  	s4 =	sld [smem:$0x3FB2]  }
0x2a: {  	p0 =	seq.s32 s5, $0x0;
	s5 =	sld [smem:$0x3FB3]  }
0x2b: {  	s6 =	sld [smem:$0x3FB4]  }
0x2c: {  	s7 =	sld [smem:$0x3FB5]  }
0x2d: {  	s3 =	simm.s32 $0x108;
	s8 =	sld [smem:$0x3FB6]  }
0x2e: {  	s3 =	simm.s32 @!p0 $0x1082;
	s9 =	sld [smem:$0x3FB7]  }
0x2f: {  	lr =	sadd.s32 s0, s3;
	s0 =	sld [smem:$0x3FAE]  }
0x30: {  	s3 =	sld [smem:$0x3FB1]  }
0x31: {  	[smem:$0x3FBA] =	sst s10  }
0x32: {  	s10 =	sld [smem:$0x3FB8];
	_ =	sdelay $0x3  }
0x33: {  	p0 =	seq.s32 s10, $0x1;
	s10 =	sld [smem:$0x3FBA];
	_ =	sdelay $0x3  }
0x34: {  	[smem:$0x3FBA] =	sst s10  }
0x35: {  	s10 =	sld [smem:$0x3FB9];
	_ =	sdelay $0x3  }
0x36: {  	p1 =	seq.s32 s10, $0x1;
	s10 =	sld [smem:$0x3FBA];
	_ =	sdelay $0x3  }
0x37: {  	[smem:$0x3FBA] =	sst s10  }
0x38: {  	s10 =	sld [smem:$0x3FBB]  }
0x39: {  	_ = 	snop;
	(pc) =	sbr.ind lr, $3  }
0x3a: {  	_ = 	snop  }
0x3b: {  	_ = 	snop  }
0x3c: {  	p2 =	seq.s32 s10, $0x1;
	s10 =	sld [smem:$0x3FBA]  }
0x3d: {  	_ =	shalt  }
0x3e: {  	_ =	shalt  }
0x3f: {  	_ =	shalt  }
0x40: {  	_ =	shalt  }
0x41: {  	_ =	shalt  }
0x42: {  	_ =	shalt  }
0x43: {  	_ =	shalt  }
0x44: {  	_ =	shalt  }
0x45: {  	_ =	shalt  }
0x46: {  	_ =	shalt  }
0x47: {  	_ =	shalt  }
0x48: {  	_ =	shalt  }
0x49: {  	_ =	shalt  }
0x4a: {  	_ =	shalt  }
0x4b: {  	_ =	shalt  }
0x4c: {  	_ =	shalt  }
0x4d: {  	_ =	shalt  }
0x4e: {  	_ =	shalt  }
0x4f: {  	_ =	shalt  }
0x50: {  	_ =	shalt  }
0x51: {  	_ =	shalt  }
0x52: {  	_ =	shalt  }
0x53: {  	_ =	shalt  }
0x54: {  	_ =	shalt  }
0x55: {  	_ =	shalt  }
0x56: {  	_ =	shalt  }
0x57: {  	_ =	shalt  }
0x58: {  	_ =	shalt  }
0x59: {  	_ =	shalt  }
0x5a: {  	_ =	shalt  }
0x5b: {  	_ =	shalt  }
0x5c: {  	_ =	shalt  }
0x5d: {  	_ =	shalt  }
0x5e: {  	_ =	shalt  }
0x5f: {  	_ =	shalt  }
0x60: {  	_ =	shalt  }
0x61: {  	_ =	shalt  }
0x62: {  	_ =	shalt  }
0x63: {  	_ =	shalt  }
0x64: {  	_ =	shalt  }
0x65: {  	_ =	shalt  }
0x66: {  	_ =	shalt  }
0x67: {  	_ =	shalt  }
0x68: {  	_ =	shalt  }
0x69: {  	_ =	shalt  }
0x6a: {  	_ =	shalt  }
0x6b: {  	_ =	shalt  }
0x6c: {  	_ =	shalt  }
0x6d: {  	_ =	shalt  }
0x6e: {  	_ =	shalt  }
0x6f: {  	_ =	shalt  }
0x70: {  	_ =	shalt  }
0x71: {  	_ =	shalt  }
0x72: {  	_ =	shalt  }
0x73: {  	_ =	shalt  }
0x74: {  	_ =	shalt  }
0x75: {  	_ =	shalt  }
0x76: {  	_ =	shalt  }
0x77: {  	_ =	shalt  }
0x78: {  	_ =	shalt  }
0x79: {  	_ =	shalt  }
0x7a: {  	_ =	shalt  }
0x7b: {  	_ =	shalt  }
0x7c: {  	_ =	shalt  }
0x7d: {  	_ =	shalt  }
0x7e: {  	_ =	shalt  }
0x7f: {  	_ =	shalt  }
0x80: {  	_ =	shalt  }
0x81: {  	_ =	shalt  }
0x82: {  	_ =	shalt  }
0x83: {  	_ =	shalt  }
0x84: {  	_ =	shalt  }
0x85: {  	_ =	shalt  }
0x86: {  	_ =	shalt  }
0x87: {  	_ =	shalt  }
.Lfunc_end0:
.L_simem_size_0:
called_computation_lowered:
.L_overlay_start_0:
0x88: {  	s2 =	sld [smem:$0x3FD9]  }
0x89: {  	s3 =	sld [smem:$0x3FFE];
	_ =	sdelay $0x1  }
0x8a: {  	s1 =	srdreg.scid  }
0x8b: {  	s0 =	sand.u32 $0x1, s1  }
0x8c: {  	s17 =	sshll.u32 s0, $0xA;
	s2 =	sadd.s32 s3, s2  }
0x8d: {  	s2 =	sadd.s32 s2, s17  }
0x8e: {  	[smem:$0x3FC6] =	sst s2  }
0x8f: {  	_ = 	snop  }
0x90: {  	s2 =	sld [smem:$0x3FD0];
	(tm) =	ssettm $0x1  }
0x91: {  	s18 =	sld [smem:$0x3FFB];
	_ =	sdelay $0x3  }
0x92: {  	_ =	strace s18  }
0x93: {  	s3 =	sld [smem:$0x3FFC];
	_ =	sdelay $0x3  }
0x94: {  	_ =	strace s3  }
0x95: {  	s3 =	sld [smem:$0x3FFD];
	_ =	sdelay $0x3  }
0x96: {  	_ =	strace s3  }
0x97: {  	_ =	strace $0x8FFFFFFF  }
0x98: {  	s19 =	sld [smem:$0x3FDB];
	_ =	sdelay $0x1  }
0x99: {  	s4 =	simm.s32 $_scs_section_size  }
0x9a: {  	s5 =	simm.s32 $_size__tile_overlayer_lowered;
	s6 =	simm.s32 $_tile_overlayer_lowered  }
0x9b: {  	s22 =	simm.s32 $0x1BFF;
	s21 =	sshll.u32 s6, $0x1;
	s3 =	sadd.s32 s4, s19  }
0x9c: {  	s7 =	simm.s32 $0x0;
	s20 =	sshll.u32 s5, $0x1;
	s5 =	sadd.s32 s21, s3  }
0x9d: {  	[timem:s7], [sflag:s22] =	dma.local [hbm:s5], s20  }
0x9e: {  	_ =	swait.ge [sflag:s22], s20  }
0x9f: {  	s4 =	ssub.s32 $0x0, s20;
	[sflag:s22] =	ssyncset.done $0x0  }
0xa0: {  	[sflag:s22] =	ssyncadd.s32 s4;
	_ =	sdelay $0x1  }
0xa1: {  	s23 =	simm.s32 $0x1B8B  }
0xa2: {  	_ =	swait.ge [sflag:s23], $0x1  }
0xa3: {  	[sflag:s23] =	ssyncset.done $0x0  }
0xa4: {  	s25 =	simm.s32 $0x1B8E;
	s24 =	sld [smem:$0x3FFE];
	[sflag:s23] =	ssyncadd.s32 $0xFFFFFFFF  }
0xa5: {  	s26 =	simm.s32 $execute0_lowered;
	[smem:$0x3FD2] =	sst s25  }
0xa6: {  	s5 =	sshll.u32 s26, $0x1;
	_ =	strace $0x80000046;
	[dreg:$0x1] =	wrdreg $0xFFFFFFFF  }
0xa7: {  	s28 =	simm.s32 $_size_execute0_lowered;
	s3 =	sadd.s32 s3, s5;
	[dreg:$0x0] =	wrdreg $0x0  }
0xa8: {  	s5 =	sshll.u32 s28, $0x1;
	[dreg:$0x2] =	wrdreg s3  }
0xa9: {  	[dreg:$0x3] =	wrdreg s5  }
0xaa: {  	[dreg:$0x4] =	wrdreg $0xC0  }
0xab: {  	_ =	task [dreg:s7], $0x5FFFF  }
0xac: {  	[dreg:$0x1] =	wrdreg $0xFFFFFFFF  }
0xad: {  	[dreg:$0x0] =	wrdreg $0x60  }
0xae: {  	[dreg:$0x2] =	wrdreg s24  }
0xaf: {  	[dreg:$0x3] =	wrdreg s2  }
0xb0: {  	[dreg:$0x4] =	wrdreg $0x9  }
0xb1: {  	_ =	task.clear_ibuf [dreg:s7], $0x5FFFF;
	_ =	strace $0x90000046  }
0xb2: {  	s29 =	simm.s32 $0x9;
	_ =	strace $0x80000048  }
0xb3: {  	_ =	swait.ge [sflag:s29], $0x1  }
0xb4: {  	[sflag:s29] =	ssyncadd.s32 $0xFFFFFFFF  }
0xb5: {  	_ =	strace $0x90000048  }
0xb6: {  	_ =	sfence  }
0xb7: {  	s30 =	sld [smem:$0x0];
	_ =	sdelay $0x2  }
0xb8: {  	s31 =	sshll.u32 s1, $0xD;
	s1 =	sshrl.u32 s1, $0x2  }
0xb9: {  	s3 =	sand.u32 $0x4000, s31;
	s1 =	sadd.s32 s1, s30  }
0xba: {  	s0 =	sor.u32 s3, s0;
	s1 =	sshll.u32 s1, $0x11  }
0xbb: {  	s0 =	sor.u32 s1, s0  }
0xbc: {  	s0 =	sadd.s32 $0x8F2B, s0  }
0xbd: {  	[sflag:s0] =	ssyncadd.remote.s32 $0x1  }
0xbe: {  	_ =	sfence.sel $0xFFFF  }
0xbf: {  	[dreg:$0x0] =	wrdreg $0xFFFFFFFF;
	(pc) =	sbr.abs _section_cstart, $3  }
0xc0: {  	[dreg:$0x1] =	wrdreg $0xFFFFFFFF  }
0xc1: {  	_ =	task.clear_ibuf [dreg:s7], $0x2FFFF;
	_ =	strace $0x9FFFFFFF  }
0xc2: {  	(tm) =	ssettm $0x7FFFFFFF  }
0xc3: {  	_ =	shalt  }
tec
execute0_lowered:
.L_overlay_start_1:
0x0: {  	(tag) =	ssettag $0x1  }
0x1: {  	s0 =	srdreg.scid  }
0x2: {  	s1 =	rddreg [dreg:$0x0];
	s3 =	stileid.u32  }
0x3: {  	s2 =	rddreg [dreg:$0x1];
	s11 =	simm.s32 $0x80;
	s12 =	simm.s32 $0x3400  }
0x4: {  	s13 =	simm.s32 $0x4400;
	s15 =	simm.s32 $0x5400;
	s17 =	simm.s32 $0x6400  }
0x5: {  	s18 =	simm.s32 $0x1;
	s19 =	simm.s32 $0x7400;
	s23 =	simm.s32 $0x2  }
0x6: {  	s24 =	simm.s32 $0x8400;
	s29 =	simm.s32 $0x3;
	s30 =	simm.s32 $0x9400  }
0x7: {  	s9 =	simm.s32 $0x4;
	s14 =	simm.s32 $0xA400;
	s8 =	simm.s32 $0xAC00  }
0x8: {  	s0 =	sand.u32 $0x1, s0;
	s4 =	sshll.u32 s3, $0x3;
	s3 =	simm.s32 $0x0  }
0x9: {  	v0 =	vlaneseq.u32;
	s5 =	sshll.u32 s0, $0x2;
	[smem:$0x7FF] =	sst s3;
	s0 =	ssub.s32 $0x2, s0  }
.Ltmp0:
0xa: {  	v1 =	vmul.u32 $0x20, v0;
	v3 =	vor.u32 $0x10, v0;
	v5 =	vor.u32 $0x20, v0;
	s4 =	sor.u32 s5, s4;
	s7 =	sshrl.u32 s0, $0x1;
	(pc) =	sbr.rel .LBB2_1-.Ltmp0, $4  }
0xb: {  	v7 =	vor.u32 $0x30, v0;
	v9 =	vor.u32 $0x40, v0;
	v11 =	vor.u32 $0x50, v0;
	_ =	strace $0x80000047;
	s5 =	sshll.u32 s4, $0x4;
	s0 =	ssub.s32 s0, s7  }
0xc: {  	v13 =	vor.u32 $0x60, v0;
	v15 =	vor.u32 $0x70, v0;
	v2 =	vor.u32 $0x200, v1;
	s7 =	simm.s32 $0x0;
	s6 =	sadd.s32 s5, s1;
	s0 =	smax.u32 s0, $0x1  }
0xd: {  	v4 =	vor.u32 $0x400, v1;
	v6 =	vor.u32 $0x600, v1;
	v8 =	vor.u32 $0x800, v1;
	s5 =	sadd.s32 $0xD400, s1;
	s31 =	sadd.s32 $0x400, s6;
	[dreg:$0x4] =	wrdreg s0  }
0xe: {  	v10 =	vor.u32 $0xA00, v1;
	v12 =	vor.u32 $0xC00, v1;
	v14 =	vor.u32 $0xE00, v1;
	s1 =	simm.s32 $0x200;
	s6 =	simm.s32 $0xB000;
	[dreg:$0x3] =	wrdreg s31  }
.LBB2_14:
0xf: {  	s0 =	simm.s32 $0x5  }
0x10: {  	_ =	swait.ge [sflag:s0], $0x400  }
0x11: {  	[sflag:s0] =	ssyncset.done $0x0  }
0x12: {  	[sflag:s0] =	ssyncadd.s32 $0xFFFFFC00  }
0x13: {  	_ =	swait.ge [sflag:s0], $0x400  }
0x14: {  	[sflag:s0] =	ssyncset.done $0x0  }
0x15: {  	[sflag:s0] =	ssyncadd.s32 $0xFFFFFC00  }
0x16: {  	_ =	swait.ge [sflag:s0], $0x400  }
0x17: {  	[sflag:s0] =	ssyncset.done $0x0  }
0x18: {  	[sflag:s0] =	ssyncadd.s32 $0xFFFFFC00  }
0x19: {  	_ =	swait.ge [sflag:s0], $0x400  }
0x1a: {  	[sflag:s0] =	ssyncset.done $0x0  }
0x1b: {  	s26 =	simm.s32 $0x6;
	[sflag:s0] =	ssyncadd.s32 $0xFFFFFC00  }
0x1c: {  	_ =	swait.ge [sflag:s26], $0x400  }
0x1d: {  	[sflag:s26] =	ssyncset.done $0x0  }
0x1e: {  	[sflag:s26] =	ssyncadd.s32 $0xFFFFFC00  }
0x1f: {  	_ =	swait.ge [sflag:s26], $0x400  }
0x20: {  	[sflag:s26] =	ssyncset.done $0x0  }
0x21: {  	[sflag:s26] =	ssyncadd.s32 $0xFFFFFC00  }
0x22: {  	_ =	swait.ge [sflag:s26], $0x400  }
0x23: {  	[sflag:s26] =	ssyncset.done $0x0  }
0x24: {  	[sflag:s26] =	ssyncadd.s32 $0xFFFFFC00  }
0x25: {  	_ =	swait.ge [sflag:s26], $0x400  }
0x26: {  	[sflag:s26] =	ssyncset.done $0x0  }
0x27: {  	s28 =	simm.s32 $0x7;
	[sflag:s26] =	ssyncadd.s32 $0xFFFFFC00  }
0x28: {  	_ =	swait.ge [sflag:s28], $0x400  }
0x29: {  	[sflag:s28] =	ssyncset.done $0x0  }
0x2a: {  	[sflag:s28] =	ssyncadd.s32 $0xFFFFFC00  }
0x2b: {  	_ =	swait.ge [sflag:s28], $0x400  }
0x2c: {  	[sflag:s28] =	ssyncset.done $0x0  }
0x2d: {  	[sflag:s28] =	ssyncadd.s32 $0xFFFFFC00  }
0x2e: {  	_ =	swait.ge [sflag:s28], $0x400  }
0x2f: {  	[sflag:s28] =	ssyncset.done $0x0  }
0x30: {  	[sflag:s28] =	ssyncadd.s32 $0xFFFFFC00  }
0x31: {  	_ =	swait.ge [sflag:s28], $0x400  }
0x32: {  	[sflag:s28] =	ssyncset.done $0x0  }
0x33: {  	s1 =	simm.s32 $0x8;
	[sflag:s28] =	ssyncadd.s32 $0xFFFFFC00  }
0x34: {  	_ =	swait.ge [sflag:s1], $0x400  }
0x35: {  	[sflag:s1] =	ssyncset.done $0x0  }
0x36: {  	[sflag:s1] =	ssyncadd.s32 $0xFFFFFC00  }
0x37: {  	_ =	swait.ge [sflag:s1], $0x400  }
0x38: {  	[sflag:s1] =	ssyncset.done $0x0  }
0x39: {  	[sflag:s1] =	ssyncadd.s32 $0xFFFFFC00  }
0x3a: {  	_ =	swait.ge [sflag:s1], $0x400  }
0x3b: {  	[sflag:s1] =	ssyncset.done $0x0  }
0x3c: {  	[sflag:s1] =	ssyncadd.s32 $0xFFFFFC00  }
0x3d: {  	_ =	swait.ge [sflag:s1], $0x400  }
0x3e: {  	s7 =	rddreg [dreg:$0x5]  }
0x3f: {  	s31 =	rddreg [dreg:$0x4];
	s7 =	sadd.s32 $0x1, s7  }
0x40: {  	p0 =	sne.s32 s7, s31  }
.Ltmp1:
0x41: {  	_ = 	snop;
	(pc) =	sbr.rel @!p0 .LBB2_15-.Ltmp1, $3  }
0x42: {  	_ =	sdelay $0x1  }
0x43: {  	[sflag:s1] =	ssyncset.done $0x0  }
0x44: {  	[sflag:s1] =	ssyncadd.s32 $0xFFFFFC00;
	s1 =	simm.s32 $0x200  }
.LBB2_1:
0x45: {  	[dreg:$0x5] =	wrdreg s7  }
0x46: {  	s0 =	rddreg [dreg:$0x3];
	s28 =	simm.s32 $0x4000;
	s31 =	simm.s32 $0x9  }
0x47: {  	[tilespmem:s3], [sflag:$0x9] =	stream.strided.gather [hbm4b:s0+s1], $0x3400, s28, s1, $0x38;
	[tilespmem:$0xB400] =	vst v63  }
0x48: {  	_ =	swait.ge [sflag:s31], $0x3400  }
0x49: {  	[sflag:s31] =	ssyncset.done $0x0  }
0x4a: {  	s7 =	simm.s32 $0x0;
	[sflag:s31] =	ssyncadd.s32 $0xFFFFCC00  }
0x4b: {  	v16 =	vld [tilespmem:s7+$0x0]  }
0x4c: {  	v17 =	vld [tilespmem:s7+$0x10]  }
0x4d: {  	v21 =	vld [tilespmem:s7+$0x30];
	_ =	sdelay $0x2  }
0x4e: {  	v18 =	vshll.u32 v16, $0x2  }
0x4f: {  	v19 =	vld [tilespmem:s7+$0x20];
	v20 =	vand.u32 $0xFFFFC000, v16;
	v16 =	vshrl.u32 v16, $0xC;
	v22 =	vand.u32 $0xFFFFC000, v17  }
0x50: {  	v23 =	vshll.u32 v21, $0x2;
	v25 =	vand.u32 $0xFFFFC000, v21;
	v21 =	vshrl.u32 v21, $0xC  }
0x51: {  	v18 =	vand.u32 $0x3FFC, v18;
	v16 =	vand.u32 $0x3, v16;
	v23 =	vand.u32 $0x3FFC, v23  }
0x52: {  	v24 =	vld [tilespmem:s7+$0x40];
	v18 =	vor.u32 v20, v18;
	v20 =	vshll.u32 v17, $0x2;
	v17 =	vshrl.u32 v17, $0xC  }
0x53: {  	v23 =	vor.u32 v25, v23;
	v25 =	vand.u32 $0x3, v21;
	v20 =	vand.u32 $0x3FFC, v20  }
0x54: {  	v21 =	vld [tilespmem:s7+$0x50];
	v16 =	vor.u32 v16, v18;
	v18 =	vor.u32 v22, v20;
	v22 =	vshll.u32 v19, $0x2  }
0x55: {  	v20 =	vand.u32 $0xFFFFC000, v19;
	v19 =	vshrl.u32 v19, $0xC;
	v22 =	vand.u32 $0x3FFC, v22  }
0x56: {  	v17 =	vand.u32 $0x3, v17;
	v19 =	vand.u32 $0x3, v19;
	v22 =	vor.u32 v20, v22  }
0x57: {  	v20 =	vor.u32 v17, v18;
	v17 =	vor.u32 v25, v23;
	v18 =	vld [tilespmem:s7+$0x60];
	v23 =	vshll.u32 v24, $0x2  }
0x58: {  	s10 =	simm.s32 $0x200;
	v19 =	vor.u32 v19, v22;
	v22 =	vand.u32 $0xFFFFC000, v24;
	v24 =	vshrl.u32 v24, $0xC  }
.LBB2_2:
0x59: {  	p0 =	sne.s32 s10, $0xCE00;
	v23 =	vand.u32 $0x3FFC, v23;
	v24 =	vand.u32 $0x3, v24;
	v25 =	vshll.u32 v21, $0x2;
	v26 =	vld [tilespmem:s7+$0x70]  }
0x5a: {  	v27 =	vand.u32 $0xFFFFC000, v21;
	v21 =	vshrl.u32 v21, $0xC;
	v25 =	vand.u32 $0x3FFC, v25  }
0x5b: {  	s20 =	sshra.s32 s10, $0x2;
	v21 =	vand.u32 $0x3, v21;
	[tilespmem:s7+$0x0] =	vst v16;
	v16 =	vor.u32 v22, v23;
	v22 =	vor.u32 v27, v25  }
0x5c: {  	v23 =	vld [tilespmem:s20+$0x0];
	[tilespmem:s7+$0x10] =	vst v20;
	v16 =	vor.u32 v24, v16;
	v20 =	vor.u32 v21, v22;
	v21 =	vshll.u32 v18, $0x2  }
0x5d: {  	[tilespmem:s7+$0x20] =	vst v19;
	v19 =	vand.u32 $0xFFFFC000, v18;
	v21 =	vand.u32 $0x3FFC, v21;
	v18 =	vshrl.u32 v18, $0xC  }
0x5e: {  	v22 =	vld [tilespmem:s20+$0x10];
	[tilespmem:s7+$0x30] =	vst v17;
	v17 =	vor.u32 v19, v21;
	v18 =	vand.u32 $0x3, v18;
	v19 =	vshll.u32 v26, $0x2  }
0x5f: {  	v21 =	vshrl.u32 v26, $0xC;
	[tilespmem:s7+$0x40] =	vst v16;
	v16 =	vand.u32 $0xFFFFC000, v26;
	v19 =	vand.u32 $0x3FFC, v19  }
0x60: {  	v17 =	vor.u32 v18, v17;
	v18 =	vand.u32 $0x3, v21;
	[tilespmem:s7+$0x50] =	vst v20;
	v16 =	vor.u32 v16, v19  }
0x61: {  	v19 =	vshll.u32 v23, $0x2;
	v20 =	vld [tilespmem:s20+$0x20];
	[tilespmem:s7+$0x60] =	vst v17;
	v16 =	vor.u32 v18, v16  }
0x62: {  	v17 =	vand.u32 $0xFFFFC000, v23;
	v18 =	vand.u32 $0x3FFC, v19;
	v19 =	vshrl.u32 v23, $0xC;
	v23 =	vld [tilespmem:s20+$0x30];
	[tilespmem:s7+$0x70] =	vst v16;
	s7 =	smov.u32 s20  }
0x63: {  	v16 =	vor.u32 v17, v18;
	v17 =	vand.u32 $0x3, v19;
	v18 =	vshll.u32 v22, $0x2  }
0x64: {  	v19 =	vand.u32 $0xFFFFC000, v22;
	v21 =	vshrl.u32 v22, $0xC;
	v18 =	vand.u32 $0x3FFC, v18  }
0x65: {  	v16 =	vor.u32 v17, v16;
	v17 =	vor.u32 v19, v18;
	v18 =	vand.u32 $0x3, v21  }
0x66: {  	v19 =	vand.u32 $0xFFFFC000, v20;
	v21 =	vshll.u32 v20, $0x2;
	v20 =	vshrl.u32 v20, $0xC;
	v24 =	vld [tilespmem:s7+$0x40]  }
.Ltmp2:
0x67: {  	v22 =	vand.u32 $0x3FFC, v21;
	v25 =	vand.u32 $0x3, v20;
	v20 =	vshll.u32 v23, $0x2;
	v21 =	vld [tilespmem:s7+$0x50];
	(pc) =	sbr.rel @p0 .LBB2_2-.Ltmp2, $4  }
0x68: {  	v26 =	vand.u32 $0xFFFFC000, v23;
	v23 =	vshrl.u32 v23, $0xC;
	v20 =	vand.u32 $0x3FFC, v20  }
0x69: {  	v19 =	vor.u32 v19, v22;
	v23 =	vand.u32 $0x3, v23;
	v22 =	vor.u32 v26, v20  }
0x6a: {  	v20 =	vor.u32 v18, v17;
	v19 =	vor.u32 v25, v19;
	v17 =	vor.u32 v23, v22;
	v18 =	vld [tilespmem:s7+$0x60]  }
0x6b: {  	s10 =	sadd.s32 $0x200, s10;
	v22 =	vand.u32 $0xFFFFC000, v24;
	v23 =	vshll.u32 v24, $0x2;
	v24 =	vshrl.u32 v24, $0xC  }
0x6c: {  	v23 =	vand.u32 $0x3FFC, v23;
	v24 =	vand.u32 $0x3, v24;
	v25 =	vshll.u32 v21, $0x2;
	v26 =	vld [tilespmem:s7+$0x70]  }
0x6d: {  	v27 =	vand.u32 $0xFFFFC000, v21;
	v55 =	vshrl.u32 v21, $0xC;
	v25 =	vand.u32 $0x3FFC, v25  }
0x6e: {  	[tilespmem:s7+$0x0] =	vst v16;
	v16 =	vor.u32 v22, v23;
	v21 =	vand.u32 $0x3, v55;
	v56 =	vor.u32 v27, v25  }
0x6f: {  	[tilespmem:s7+$0x10] =	vst v20;
	v16 =	vor.u32 v24, v16;
	v57 =	vor.u32 v21, v56;
	v58 =	vshll.u32 v18, $0x2  }
0x70: {  	[tilespmem:s7+$0x20] =	vst v19;
	v59 =	vand.u32 $0xFFFFC000, v18;
	v60 =	vshrl.u32 v18, $0xC;
	v21 =	vand.u32 $0x3FFC, v58  }
0x71: {  	[tilespmem:s7+$0x30] =	vst v17;
	v18 =	vand.u32 $0x3, v60;
	v17 =	vor.u32 v59, v21;
	v61 =	vshll.u32 v26, $0x2  }
0x72: {  	[tilespmem:s7+$0x40] =	vst v16;
	v16 =	vand.u32 $0xFFFFC000, v26;
	v62 =	vshrl.u32 v26, $0xC;
	v19 =	vand.u32 $0x3FFC, v61  }
0x73: {  	[tilespmem:s7+$0x50] =	vst v57;
	v17 =	vor.u32 v18, v17;
	v63 =	vand.u32 $0x3, v62;
	v16 =	vor.u32 v16, v19  }
0x74: {  	[tilespmem:s7+$0x60] =	vst v17;
	v16 =	vor.u32 v63, v16  }
0x75: {  	s10 =	simm.s32 $0x0;
	[tilespmem:s7+$0x70] =	vst v16  }
0x76: {  	[tilespmem:s12], [sflag:$0x1] =	stream.indirect.gather [hbm4b:s5+s11], $0x20, s10, s11, $0xb8;
	[tilespmem:$0xB400] =	vst v63  }
0x77: {  	_ = 	snop  }
0x78: {  	[tilespmem:s13], [sflag:$0x2] =	stream.indirect.gather [hbm4b:s5+s11], $0x20, s1, s11, $0xb8;
	[tilespmem:$0xB400] =	vst v63  }
0x79: {  	s0 =	simm.s32 $0x400  }
0x7a: {  	[tilespmem:s15], [sflag:$0x3] =	stream.indirect.gather [hbm4b:s5+s11], $0x20, s0, s11, $0xb8;
	[tilespmem:$0xB400] =	vst v63  }
0x7b: {  	s31 =	simm.s32 $0x600;
	s7 =	simm.s32 $0x0  }
0x7c: {  	[tilespmem:s17], [sflag:$0x4] =	stream.indirect.gather [hbm4b:s5+s11], $0x20, s31, s11, $0xb8;
	[tilespmem:$0xB400] =	vst v63  }
.LBB2_4:
0x7d: {  	_ =	swait.ge [sflag:s18], $0x1000  }
0x7e: {  	p0 =	seq.s32 s7, $0x0;
	[sflag:s18] =	ssyncset.done $0x0  }
0x7f: {  	s20 =	simm.s32 @!p0 $0x5;
	[sflag:s18] =	ssyncadd.s32 $0xFFFFF000  }
0x80: {  	_ =	swait.ge @!p0 [sflag:s20], $0x400  }
0x81: {  	[sflag:s20] =	ssyncset.done @!p0 $0x0  }
0x82: {  	[sflag:s20] =	ssyncadd.s32 @!p0 $0xFFFFFC00  }
0x83: {  	_ =	swait.ge @!p0 [sflag:s20], $0x400  }
0x84: {  	[sflag:s20] =	ssyncset.done @!p0 $0x0  }
0x85: {  	v16 =	vadd.s32 s10, v0;
	[sflag:s20] =	ssyncadd.s32 @!p0 $0xFFFFFC00  }
0x86: {  	v17 =	vand.u32 $0xF, v16;
	_ =	swait.ge @!p0 [sflag:s20], $0x400  }
0x87: {  	v18 =	vor.u32 v1, v17;
	[sflag:s20] =	ssyncset.done @!p0 $0x0  }
0x88: {  	[sflag:s20] =	ssyncadd.s32 @!p0 $0xFFFFFC00  }
0x89: {  	_ =	swait.ge @!p0 [sflag:s20], $0x400  }
0x8a: {  	v19 =	vshll.u32 v16, $0x7;
	[sflag:s20] =	ssyncset.done @!p0 $0x0  }
0x8b: {  	v19 =	vand.u32 $0x780, v19;
	[sflag:s20] =	ssyncadd.s32 @!p0 $0xFFFFFC00  }
0x8c: {  	v20 =	vor.u32 v0, v19;
	v18 =	vld.idx.msk [tilespmem:v18+s12+$0x0], $0xffff  }
0x8d: {  	v21 =	vor.u32 v2, v17;
	_ =	sdelay $0x3  }
0x8e: {  	[tilespmem:v20+s19+$0x0] =	vst.idx.msk $0xffff, v18  }
0x8f: {  	v20 =	vor.u32 v3, v19;
	v18 =	vld.idx.msk [tilespmem:v21+s12+$0x0], $0xffff  }
0x90: {  	v59 =	vor.u32 v4, v17;
	_ =	sdelay $0x3  }
0x91: {  	[tilespmem:v20+s19+$0x0] =	vst.idx.msk $0xffff, v18  }
0x92: {  	v20 =	vor.u32 v5, v19;
	v18 =	vld.idx.msk [tilespmem:v59+s12+$0x0], $0xffff  }
0x93: {  	v60 =	vor.u32 v6, v17;
	_ =	sdelay $0x3  }
0x94: {  	[tilespmem:v20+s19+$0x0] =	vst.idx.msk $0xffff, v18  }
0x95: {  	v20 =	vor.u32 v7, v19;
	v18 =	vld.idx.msk [tilespmem:v60+s12+$0x0], $0xffff  }
0x96: {  	v61 =	vor.u32 v8, v17;
	_ =	sdelay $0x3  }
0x97: {  	[tilespmem:v20+s19+$0x0] =	vst.idx.msk $0xffff, v18  }
0x98: {  	v20 =	vor.u32 v9, v19;
	v18 =	vld.idx.msk [tilespmem:v61+s12+$0x0], $0xffff  }
0x99: {  	v62 =	vor.u32 v10, v17;
	_ =	sdelay $0x3  }
0x9a: {  	[tilespmem:v20+s19+$0x0] =	vst.idx.msk $0xffff, v18  }
0x9b: {  	v20 =	vor.u32 v11, v19;
	v18 =	vld.idx.msk [tilespmem:v62+s12+$0x0], $0xffff  }
0x9c: {  	v63 =	vor.u32 v12, v17;
	_ =	sdelay $0x3  }
0x9d: {  	[tilespmem:v20+s19+$0x0] =	vst.idx.msk $0xffff, v18  }
0x9e: {  	v20 =	vor.u32 v13, v19;
	v18 =	vld.idx.msk [tilespmem:v63+s12+$0x0], $0xffff  }
0x9f: {  	v17 =	vor.u32 v14, v17;
	_ =	sdelay $0x3  }
0xa0: {  	v16 =	vor.u32 $0x10, v16;
	[tilespmem:v20+s19+$0x0] =	vst.idx.msk $0xffff, v18  }
0xa1: {  	v18 =	vor.u32 v15, v19;
	v19 =	vand.u32 $0x1F, v16;
	v17 =	vld.idx.msk [tilespmem:v17+s12+$0x0], $0xffff  }
0xa2: {  	v20 =	vor.u32 v1, v19;
	_ =	sdelay $0x3  }
0xa3: {  	[tilespmem:v18+s19+$0x0] =	vst.idx.msk $0xffff, v17;
	v17 =	vshll.u32 v16, $0x7  }
0xa4: {  	v16 =	vld.idx.msk [tilespmem:v20+s12+$0x0], $0xffff;
	v18 =	vor.u32 v0, v17  }
0xa5: {  	v20 =	vor.u32 v2, v19;
	_ =	sdelay $0x3  }
0xa6: {  	[tilespmem:v18+s19+$0x0] =	vst.idx.msk $0xffff, v16  }
0xa7: {  	v18 =	vor.u32 v3, v17;
	v16 =	vld.idx.msk [tilespmem:v20+s12+$0x0], $0xffff  }
0xa8: {  	v20 =	vor.u32 v4, v19;
	_ =	sdelay $0x3  }
0xa9: {  	[tilespmem:v18+s19+$0x0] =	vst.idx.msk $0xffff, v16  }
0xaa: {  	v18 =	vor.u32 v5, v17;
	v16 =	vld.idx.msk [tilespmem:v20+s12+$0x0], $0xffff  }
0xab: {  	v20 =	vor.u32 v6, v19;
	_ =	sdelay $0x3  }
0xac: {  	[tilespmem:v18+s19+$0x0] =	vst.idx.msk $0xffff, v16  }
0xad: {  	v18 =	vor.u32 v7, v17;
	v16 =	vld.idx.msk [tilespmem:v20+s12+$0x0], $0xffff  }
0xae: {  	v20 =	vor.u32 v8, v19;
	_ =	sdelay $0x3  }
0xaf: {  	[tilespmem:v18+s19+$0x0] =	vst.idx.msk $0xffff, v16  }
0xb0: {  	v18 =	vor.u32 v9, v17;
	v16 =	vld.idx.msk [tilespmem:v20+s12+$0x0], $0xffff  }
0xb1: {  	v20 =	vor.u32 v10, v19;
	_ =	sdelay $0x3  }
0xb2: {  	[tilespmem:v18+s19+$0x0] =	vst.idx.msk $0xffff, v16  }
0xb3: {  	v18 =	vor.u32 v11, v17;
	v16 =	vld.idx.msk [tilespmem:v20+s12+$0x0], $0xffff  }
0xb4: {  	v20 =	vor.u32 v12, v19;
	_ =	sdelay $0x3  }
0xb5: {  	[tilespmem:v18+s19+$0x0] =	vst.idx.msk $0xffff, v16  }
0xb6: {  	v18 =	vor.u32 v13, v17;
	v16 =	vld.idx.msk [tilespmem:v20+s12+$0x0], $0xffff  }
0xb7: {  	v19 =	vor.u32 v14, v19;
	_ =	sdelay $0x3  }
0xb8: {  	s21 =	simm.s32 $0x1;
	[tilespmem:v18+s19+$0x0] =	vst.idx.msk $0xffff, v16  }
0xb9: {  	s20 =	sshll.u32 s7, $0x2;
	v16 =	vadd.s32 s21, v0;
	s21 =	simm.s32 $0x2;
	v18 =	vld.idx.msk [tilespmem:v19+s12+$0x0], $0xffff  }
.LBB2_5:
0xba: {  	p1 =	sne.s32 s21, $0xF;
	v19 =	vand.u32 $0xF, v16;
	v17 =	vor.u32 v15, v17  }
0xbb: {  	v20 =	vor.u32 v1, v19;
	_ =	sdelay $0x3  }
0xbc: {  	v21 =	vshll.u32 v16, $0x7;
	[tilespmem:v17+s19+$0x0] =	vst.idx.msk $0xffff, v18  }
0xbd: {  	v18 =	vand.u32 $0x780, v21;
	v17 =	vld.idx.msk [tilespmem:v20+s12+$0x0], $0xffff  }
0xbe: {  	v20 =	vor.u32 v0, v18  }
0xbf: {  	v21 =	vor.u32 v2, v19;
	_ =	sdelay $0x3  }
0xc0: {  	[tilespmem:v20+s19+$0x0] =	vst.idx.msk $0xffff, v17  }
0xc1: {  	v17 =	vld.idx.msk [tilespmem:v21+s12+$0x0], $0xffff  }
0xc2: {  	v20 =	vor.u32 v3, v18  }
0xc3: {  	v21 =	vor.u32 v4, v19;
	_ =	sdelay $0x3  }
0xc4: {  	[tilespmem:v20+s19+$0x0] =	vst.idx.msk $0xffff, v17  }
0xc5: {  	v17 =	vld.idx.msk [tilespmem:v21+s12+$0x0], $0xffff  }
0xc6: {  	v20 =	vor.u32 v5, v18  }
0xc7: {  	v21 =	vor.u32 v6, v19;
	_ =	sdelay $0x3  }
0xc8: {  	[tilespmem:v20+s19+$0x0] =	vst.idx.msk $0xffff, v17  }
0xc9: {  	v17 =	vld.idx.msk [tilespmem:v21+s12+$0x0], $0xffff  }
0xca: {  	v20 =	vor.u32 v7, v18  }
0xcb: {  	v21 =	vor.u32 v8, v19;
	_ =	sdelay $0x3  }
0xcc: {  	[tilespmem:v20+s19+$0x0] =	vst.idx.msk $0xffff, v17  }
0xcd: {  	v17 =	vld.idx.msk [tilespmem:v21+s12+$0x0], $0xffff  }
0xce: {  	v20 =	vor.u32 v9, v18  }
0xcf: {  	v21 =	vor.u32 v10, v19;
	_ =	sdelay $0x3  }
0xd0: {  	[tilespmem:v20+s19+$0x0] =	vst.idx.msk $0xffff, v17  }
0xd1: {  	v17 =	vld.idx.msk [tilespmem:v21+s12+$0x0], $0xffff  }
0xd2: {  	v20 =	vor.u32 v11, v18  }
0xd3: {  	v21 =	vor.u32 v12, v19;
	_ =	sdelay $0x3  }
0xd4: {  	[tilespmem:v20+s19+$0x0] =	vst.idx.msk $0xffff, v17  }
0xd5: {  	v17 =	vld.idx.msk [tilespmem:v21+s12+$0x0], $0xffff  }
0xd6: {  	v20 =	vor.u32 v13, v18  }
0xd7: {  	v19 =	vor.u32 v14, v19;
	_ =	sdelay $0x3  }
0xd8: {  	[tilespmem:v20+s19+$0x0] =	vst.idx.msk $0xffff, v17  }
0xd9: {  	v16 =	vor.u32 $0x10, v16;
	v17 =	vld.idx.msk [tilespmem:v19+s12+$0x0], $0xffff  }
0xda: {  	v18 =	vor.u32 v15, v18;
	v19 =	vand.u32 $0x1F, v16  }
0xdb: {  	v20 =	vor.u32 v1, v19;
	_ =	sdelay $0x3  }
0xdc: {  	[tilespmem:v18+s19+$0x0] =	vst.idx.msk $0xffff, v17  }
0xdd: {  	v17 =	vshll.u32 v16, $0x7;
	v18 =	vld.idx.msk [tilespmem:v20+s12+$0x0], $0xffff  }
0xde: {  	v16 =	vor.u32 v0, v17  }
0xdf: {  	v20 =	vor.u32 v2, v19;
	_ =	sdelay $0x3  }
0xe0: {  	[tilespmem:v16+s19+$0x0] =	vst.idx.msk $0xffff, v18  }
0xe1: {  	v16 =	vld.idx.msk [tilespmem:v20+s12+$0x0], $0xffff  }
0xe2: {  	v18 =	vor.u32 v3, v17  }
0xe3: {  	v20 =	vor.u32 v4, v19;
	_ =	sdelay $0x3  }
0xe4: {  	[tilespmem:v18+s19+$0x0] =	vst.idx.msk $0xffff, v16  }
0xe5: {  	v16 =	vld.idx.msk [tilespmem:v20+s12+$0x0], $0xffff  }
0xe6: {  	v18 =	vor.u32 v5, v17  }
0xe7: {  	v20 =	vor.u32 v6, v19;
	_ =	sdelay $0x3  }
0xe8: {  	[tilespmem:v18+s19+$0x0] =	vst.idx.msk $0xffff, v16  }
0xe9: {  	v16 =	vld.idx.msk [tilespmem:v20+s12+$0x0], $0xffff  }
0xea: {  	v18 =	vor.u32 v7, v17  }
0xeb: {  	v20 =	vor.u32 v8, v19;
	_ =	sdelay $0x3  }
0xec: {  	[tilespmem:v18+s19+$0x0] =	vst.idx.msk $0xffff, v16  }
0xed: {  	v16 =	vld.idx.msk [tilespmem:v20+s12+$0x0], $0xffff  }
0xee: {  	v18 =	vor.u32 v9, v17  }
0xef: {  	v20 =	vor.u32 v10, v19;
	_ =	sdelay $0x3  }
0xf0: {  	[tilespmem:v18+s19+$0x0] =	vst.idx.msk $0xffff, v16  }
0xf1: {  	v16 =	vld.idx.msk [tilespmem:v20+s12+$0x0], $0xffff  }
0xf2: {  	v18 =	vor.u32 v11, v17  }
0xf3: {  	v20 =	vor.u32 v12, v19;
	_ =	sdelay $0x3  }
0xf4: {  	[tilespmem:v18+s19+$0x0] =	vst.idx.msk $0xffff, v16  }
0xf5: {  	v16 =	vld.idx.msk [tilespmem:v20+s12+$0x0], $0xffff  }
0xf6: {  	v18 =	vor.u32 v13, v17  }
0xf7: {  	v19 =	vor.u32 v14, v19  }
.Ltmp3:
0xf8: {  	(pc) =	sbr.rel @p1 .LBB2_5-.Ltmp3, $3  }
0xf9: {  	_ =	sdelay $0x1  }
0xfa: {  	[tilespmem:v18+s19+$0x0] =	vst.idx.msk $0xffff, v16  }
0xfb: {  	v16 =	vadd.s32 s21, v0;
	s21 =	sadd.s32 $0x1, s21;
	v18 =	vld.idx.msk [tilespmem:v19+s12+$0x0], $0xffff  }
0xfc: {  	v19 =	vand.u32 $0xF, v16;
	v17 =	vor.u32 v15, v17  }
0xfd: {  	v20 =	vor.u32 v1, v19;
	_ =	sdelay $0x2  }
0xfe: {  	v21 =	vshll.u32 v16, $0x7  }
0xff: {  	[tilespmem:v17+s19+$0x0] =	vst.idx.msk $0xffff, v18;
	v17 =	vand.u32 $0x780, v21  }
0x100: {  	v18 =	vld.idx.msk [tilespmem:v20+s12+$0x0], $0xffff;
	v20 =	vor.u32 v0, v17  }
0x101: {  	v52 =	vor.u32 v2, v19;
	_ =	sdelay $0x3  }
0x102: {  	[tilespmem:v20+s19+$0x0] =	vst.idx.msk $0xffff, v18  }
0x103: {  	v20 =	vor.u32 v3, v17;
	v18 =	vld.idx.msk [tilespmem:v52+s12+$0x0], $0xffff  }
0x104: {  	v53 =	vor.u32 v4, v19;
	_ =	sdelay $0x3  }
0x105: {  	[tilespmem:v20+s19+$0x0] =	vst.idx.msk $0xffff, v18  }
0x106: {  	v20 =	vor.u32 v5, v17;
	v18 =	vld.idx.msk [tilespmem:v53+s12+$0x0], $0xffff  }
0x107: {  	v54 =	vor.u32 v6, v19;
	_ =	sdelay $0x3  }
0x108: {  	[tilespmem:v20+s19+$0x0] =	vst.idx.msk $0xffff, v18  }
0x109: {  	v20 =	vor.u32 v7, v17;
	v18 =	vld.idx.msk [tilespmem:v54+s12+$0x0], $0xffff  }
0x10a: {  	v55 =	vor.u32 v8, v19;
	_ =	sdelay $0x3  }
0x10b: {  	[tilespmem:v20+s19+$0x0] =	vst.idx.msk $0xffff, v18  }
0x10c: {  	v20 =	vor.u32 v9, v17;
	v18 =	vld.idx.msk [tilespmem:v55+s12+$0x0], $0xffff  }
0x10d: {  	v56 =	vor.u32 v10, v19;
	_ =	sdelay $0x3  }
0x10e: {  	[tilespmem:v20+s19+$0x0] =	vst.idx.msk $0xffff, v18  }
0x10f: {  	v20 =	vor.u32 v11, v17;
	v18 =	vld.idx.msk [tilespmem:v56+s12+$0x0], $0xffff  }
0x110: {  	v57 =	vor.u32 v12, v19;
	_ =	sdelay $0x3  }
0x111: {  	[tilespmem:v20+s19+$0x0] =	vst.idx.msk $0xffff, v18  }
0x112: {  	v20 =	vor.u32 v13, v17;
	v18 =	vld.idx.msk [tilespmem:v57+s12+$0x0], $0xffff  }
0x113: {  	v19 =	vor.u32 v14, v19;
	_ =	sdelay $0x3  }
0x114: {  	v16 =	vor.u32 $0x10, v16;
	[tilespmem:v20+s19+$0x0] =	vst.idx.msk $0xffff, v18  }
0x115: {  	v17 =	vor.u32 v15, v17;
	v18 =	vld.idx.msk [tilespmem:v19+s12+$0x0], $0xffff;
	v19 =	vand.u32 $0x1F, v16  }
0x116: {  	v20 =	vor.u32 v1, v19;
	_ =	sdelay $0x3  }
0x117: {  	v16 =	vshll.u32 v16, $0x7;
	[tilespmem:v17+s19+$0x0] =	vst.idx.msk $0xffff, v18  }
0x118: {  	v18 =	vor.u32 v0, v16;
	v17 =	vld.idx.msk [tilespmem:v20+s12+$0x0], $0xffff  }
0x119: {  	v20 =	vor.u32 v2, v19;
	_ =	sdelay $0x3  }
0x11a: {  	[tilespmem:v18+s19+$0x0] =	vst.idx.msk $0xffff, v17  }
0x11b: {  	v18 =	vor.u32 v3, v16;
	v17 =	vld.idx.msk [tilespmem:v20+s12+$0x0], $0xffff  }
0x11c: {  	v20 =	vor.u32 v4, v19;
	_ =	sdelay $0x3  }
0x11d: {  	[tilespmem:v18+s19+$0x0] =	vst.idx.msk $0xffff, v17  }
0x11e: {  	v18 =	vor.u32 v5, v16;
	v17 =	vld.idx.msk [tilespmem:v20+s12+$0x0], $0xffff  }
0x11f: {  	v20 =	vor.u32 v6, v19;
	_ =	sdelay $0x3  }
0x120: {  	[tilespmem:v18+s19+$0x0] =	vst.idx.msk $0xffff, v17  }
0x121: {  	v18 =	vor.u32 v7, v16;
	v17 =	vld.idx.msk [tilespmem:v20+s12+$0x0], $0xffff  }
0x122: {  	v20 =	vor.u32 v8, v19;
	_ =	sdelay $0x3  }
0x123: {  	[tilespmem:v18+s19+$0x0] =	vst.idx.msk $0xffff, v17  }
0x124: {  	v18 =	vor.u32 v9, v16;
	v17 =	vld.idx.msk [tilespmem:v20+s12+$0x0], $0xffff  }
0x125: {  	v20 =	vor.u32 v10, v19;
	_ =	sdelay $0x3  }
0x126: {  	[tilespmem:v18+s19+$0x0] =	vst.idx.msk $0xffff, v17  }
0x127: {  	v18 =	vor.u32 v11, v16;
	v17 =	vld.idx.msk [tilespmem:v20+s12+$0x0], $0xffff  }
0x128: {  	v20 =	vor.u32 v12, v19;
	_ =	sdelay $0x3  }
0x129: {  	[tilespmem:v18+s19+$0x0] =	vst.idx.msk $0xffff, v17  }
0x12a: {  	s21 =	smulhi.u32 $0x4EC4EC4F, s20;
	v18 =	vor.u32 v13, v16;
	v17 =	vld.idx.msk [tilespmem:v20+s12+$0x0], $0xffff  }
0x12b: {  	v19 =	vor.u32 v14, v19  }
0x12c: {  	s21 =	sshrl.u32 s21, $0x3  }
0x12d: {  	s22 =	smul.u32 $0x1A, s21;
	_ =	sdelay $0x1  }
0x12e: {  	s22 =	ssub.s32 s20, s22;
	[tilespmem:v18+s19+$0x0] =	vst.idx.msk $0xffff, v17  }
0x12f: {  	s22 =	sshll.u32 s22, $0x9;
	v16 =	vor.u32 v15, v16;
	v17 =	vld.idx.msk [tilespmem:v19+s12+$0x0], $0xffff  }
0x130: {  	s28 =	sor.u32 s4, s22  }
0x131: {  	s22 =	sadd.s32 s21, s28  }
0x132: {  	s22 =	sshll.u32 s22, $0x7  }
0x133: {  	s22 =	sand.u32 $0x1FFFFF80, s22  }
0x134: {  	s22 =	sadd.s32 s2, s22;
	[tilespmem:v16+s19+$0x0] =	vst.idx.msk $0xffff, v17  }
0x135: {  	[hbm4b:s22+s3] =	stream.linear.scatter [tilespmem:s19], [sflag:$0x5], $0x400, $0x38;
	[tilespmem:$0xB400] =	vst v63  }
0x136: {  	s22 =	sadd.s32 $0x80, s21  }
0x137: {  	s25 =	sadd.s32 s28, s22  }
0x138: {  	s25 =	sshll.u32 s25, $0x7  }
0x139: {  	s25 =	sand.u32 $0x1FFFFF80, s25  }
0x13a: {  	s0 =	simm.s32 $0x7800;
	s25 =	sadd.s32 s2, s25  }
0x13b: {  	[hbm4b:s25+s3] =	stream.linear.scatter [tilespmem:s0], [sflag:$0x5], $0x400, $0x38;
	[tilespmem:$0xB400] =	vst v63  }
0x13c: {  	s25 =	sadd.s32 $0x100, s21  }
0x13d: {  	s26 =	sadd.s32 s28, s25  }
0x13e: {  	s26 =	sshll.u32 s26, $0x7  }
0x13f: {  	s26 =	sand.u32 $0x1FFFFF80, s26  }
0x140: {  	s1 =	simm.s32 $0x7C00;
	p1 =	seq.s32 s7, $0x19;
	s26 =	sadd.s32 s2, s26  }
0x141: {  	[hbm4b:s26+s3] =	stream.linear.scatter [tilespmem:s1], [sflag:$0x5], $0x400, $0x38;
	[tilespmem:$0xB400] =	vst v63  }
0x142: {  	s31 =	sadd.s32 @!p1 $0x4, s20;
	s26 =	sadd.s32 $0x180, s21  }
0x143: {  	s1 =	smulhi.u32 @!p1 $0x4EC4EC4F, s31;
	s28 =	sadd.s32 s28, s26  }
0x144: {  	s28 =	sshll.u32 s28, $0x7  }
0x145: {  	s0 =	sshrl.u32 @!p1 s1, $0x3;
	s28 =	sand.u32 $0x1FFFFF80, s28  }
0x146: {  	s16 =	simm.s32 $0x8000;
	s0 =	smul.u32 @!p1 $0x1A, s0;
	s28 =	sadd.s32 s2, s28  }
0x147: {  	[hbm4b:s28+s3] =	stream.linear.scatter [tilespmem:s16], [sflag:$0x5], $0x400, $0x38;
	[tilespmem:$0xB400] =	vst v63  }
0x148: {  	s1 =	sshll.u32 @!p1 s1, $0x4;
	s0 =	ssub.s32 @!p1 s31, s0  }
0x149: {  	s1 =	sand.u32 @!p1 $0x3FFFFF80, s1;
	s0 =	sshll.u32 @!p1 s0, $0x9  }
0x14a: {  	s28 =	simm.s32 @!p1 $0x3400;
	s0 =	sadd.s32 @!p1 s1, s0;
	s1 =	simm.s32 @!p1 $0x80  }
0x14b: {  	[tilespmem:s28], [sflag:$0x1] =	stream.indirect.gather @!p1 [hbm4b:s5+s1], $0x20, s0, s1, $0xb8;
	[tilespmem:$0xB400] =	vst v63  }
0x14c: {  	_ =	swait.ge [sflag:s23], $0x1000  }
0x14d: {  	[sflag:s23] =	ssyncset.done $0x0  }
0x14e: {  	s0 =	simm.s32 @!p0 $0x6;
	[sflag:s23] =	ssyncadd.s32 $0xFFFFF000  }
0x14f: {  	_ =	swait.ge @!p0 [sflag:s0], $0x400  }
0x150: {  	[sflag:s0] =	ssyncset.done @!p0 $0x0  }
0x151: {  	[sflag:s0] =	ssyncadd.s32 @!p0 $0xFFFFFC00  }
0x152: {  	_ =	swait.ge @!p0 [sflag:s0], $0x400  }
0x153: {  	s16 =	simm.s32 $0x0;
	[sflag:s0] =	ssyncset.done @!p0 $0x0  }
0x154: {  	v16 =	vadd.s32 s16, v0;
	[sflag:s0] =	ssyncadd.s32 @!p0 $0xFFFFFC00  }
0x155: {  	v17 =	vand.u32 $0xF, v16;
	_ =	swait.ge @!p0 [sflag:s0], $0x400  }
0x156: {  	v18 =	vor.u32 v1, v17;
	[sflag:s0] =	ssyncset.done @!p0 $0x0  }
0x157: {  	[sflag:s0] =	ssyncadd.s32 @!p0 $0xFFFFFC00  }
0x158: {  	_ =	swait.ge @!p0 [sflag:s0], $0x400  }
0x159: {  	v19 =	vshll.u32 v16, $0x7;
	[sflag:s0] =	ssyncset.done @!p0 $0x0  }
0x15a: {  	v19 =	vand.u32 $0x780, v19;
	[sflag:s0] =	ssyncadd.s32 @!p0 $0xFFFFFC00  }
0x15b: {  	v20 =	vor.u32 v0, v19;
	v18 =	vld.idx.msk [tilespmem:v18+s13+$0x0], $0xffff  }
0x15c: {  	v58 =	vor.u32 v2, v17;
	_ =	sdelay $0x3  }
0x15d: {  	[tilespmem:v20+s24+$0x0] =	vst.idx.msk $0xffff, v18  }
0x15e: {  	v20 =	vor.u32 v3, v19;
	v18 =	vld.idx.msk [tilespmem:v58+s13+$0x0], $0xffff  }
0x15f: {  	v59 =	vor.u32 v4, v17;
	_ =	sdelay $0x3  }
0x160: {  	[tilespmem:v20+s24+$0x0] =	vst.idx.msk $0xffff, v18  }
0x161: {  	v20 =	vor.u32 v5, v19;
	v18 =	vld.idx.msk [tilespmem:v59+s13+$0x0], $0xffff  }
0x162: {  	v60 =	vor.u32 v6, v17;
	_ =	sdelay $0x3  }
0x163: {  	[tilespmem:v20+s24+$0x0] =	vst.idx.msk $0xffff, v18  }
0x164: {  	v20 =	vor.u32 v7, v19;
	v18 =	vld.idx.msk [tilespmem:v60+s13+$0x0], $0xffff  }
0x165: {  	v61 =	vor.u32 v8, v17;
	_ =	sdelay $0x3  }
0x166: {  	[tilespmem:v20+s24+$0x0] =	vst.idx.msk $0xffff, v18  }
0x167: {  	v20 =	vor.u32 v9, v19;
	v18 =	vld.idx.msk [tilespmem:v61+s13+$0x0], $0xffff  }
0x168: {  	v62 =	vor.u32 v10, v17;
	_ =	sdelay $0x3  }
0x169: {  	[tilespmem:v20+s24+$0x0] =	vst.idx.msk $0xffff, v18  }
0x16a: {  	v20 =	vor.u32 v11, v19;
	v18 =	vld.idx.msk [tilespmem:v62+s13+$0x0], $0xffff  }
0x16b: {  	v63 =	vor.u32 v12, v17;
	_ =	sdelay $0x3  }
0x16c: {  	[tilespmem:v20+s24+$0x0] =	vst.idx.msk $0xffff, v18  }
0x16d: {  	v20 =	vor.u32 v13, v19;
	v18 =	vld.idx.msk [tilespmem:v63+s13+$0x0], $0xffff  }
0x16e: {  	v17 =	vor.u32 v14, v17;
	_ =	sdelay $0x3  }
0x16f: {  	v16 =	vor.u32 $0x10, v16;
	[tilespmem:v20+s24+$0x0] =	vst.idx.msk $0xffff, v18  }
0x170: {  	v18 =	vor.u32 v15, v19;
	v19 =	vand.u32 $0x1F, v16;
	v17 =	vld.idx.msk [tilespmem:v17+s13+$0x0], $0xffff  }
0x171: {  	v20 =	vor.u32 v1, v19;
	_ =	sdelay $0x3  }
0x172: {  	[tilespmem:v18+s24+$0x0] =	vst.idx.msk $0xffff, v17;
	v17 =	vshll.u32 v16, $0x7  }
0x173: {  	v16 =	vld.idx.msk [tilespmem:v20+s13+$0x0], $0xffff;
	v18 =	vor.u32 v0, v17  }
0x174: {  	v20 =	vor.u32 v2, v19;
	_ =	sdelay $0x3  }
0x175: {  	[tilespmem:v18+s24+$0x0] =	vst.idx.msk $0xffff, v16  }
0x176: {  	v18 =	vor.u32 v3, v17;
	v16 =	vld.idx.msk [tilespmem:v20+s13+$0x0], $0xffff  }
0x177: {  	v20 =	vor.u32 v4, v19;
	_ =	sdelay $0x3  }
0x178: {  	[tilespmem:v18+s24+$0x0] =	vst.idx.msk $0xffff, v16  }
0x179: {  	v18 =	vor.u32 v5, v17;
	v16 =	vld.idx.msk [tilespmem:v20+s13+$0x0], $0xffff  }
0x17a: {  	v20 =	vor.u32 v6, v19;
	_ =	sdelay $0x3  }
0x17b: {  	[tilespmem:v18+s24+$0x0] =	vst.idx.msk $0xffff, v16  }
0x17c: {  	v18 =	vor.u32 v7, v17;
	v16 =	vld.idx.msk [tilespmem:v20+s13+$0x0], $0xffff  }
0x17d: {  	v20 =	vor.u32 v8, v19;
	_ =	sdelay $0x3  }
0x17e: {  	[tilespmem:v18+s24+$0x0] =	vst.idx.msk $0xffff, v16  }
0x17f: {  	v18 =	vor.u32 v9, v17;
	v16 =	vld.idx.msk [tilespmem:v20+s13+$0x0], $0xffff  }
0x180: {  	v20 =	vor.u32 v10, v19;
	_ =	sdelay $0x3  }
0x181: {  	[tilespmem:v18+s24+$0x0] =	vst.idx.msk $0xffff, v16  }
0x182: {  	v18 =	vor.u32 v11, v17;
	v16 =	vld.idx.msk [tilespmem:v20+s13+$0x0], $0xffff  }
0x183: {  	v20 =	vor.u32 v12, v19;
	_ =	sdelay $0x3  }
0x184: {  	[tilespmem:v18+s24+$0x0] =	vst.idx.msk $0xffff, v16  }
0x185: {  	v18 =	vor.u32 v13, v17;
	v16 =	vld.idx.msk [tilespmem:v20+s13+$0x0], $0xffff  }
0x186: {  	v19 =	vor.u32 v14, v19;
	_ =	sdelay $0x3  }
0x187: {  	s16 =	simm.s32 $0x1;
	[tilespmem:v18+s24+$0x0] =	vst.idx.msk $0xffff, v16  }
0x188: {  	s31 =	simm.s32 $0x2;
	s28 =	sor.u32 $0x1, s20;
	v16 =	vadd.s32 s16, v0;
	v18 =	vld.idx.msk [tilespmem:v19+s13+$0x0], $0xffff  }
.LBB2_7:
0x189: {  	p2 =	sne.s32 s31, $0xF;
	v19 =	vand.u32 $0xF, v16;
	v17 =	vor.u32 v15, v17  }
0x18a: {  	v20 =	vor.u32 v1, v19;
	_ =	sdelay $0x3  }
0x18b: {  	v21 =	vshll.u32 v16, $0x7;
	[tilespmem:v17+s24+$0x0] =	vst.idx.msk $0xffff, v18  }
0x18c: {  	v18 =	vand.u32 $0x780, v21;
	v17 =	vld.idx.msk [tilespmem:v20+s13+$0x0], $0xffff  }
0x18d: {  	v20 =	vor.u32 v0, v18  }
0x18e: {  	v21 =	vor.u32 v2, v19;
	_ =	sdelay $0x3  }
0x18f: {  	[tilespmem:v20+s24+$0x0] =	vst.idx.msk $0xffff, v17  }
0x190: {  	v17 =	vld.idx.msk [tilespmem:v21+s13+$0x0], $0xffff  }
0x191: {  	v20 =	vor.u32 v3, v18  }
0x192: {  	v21 =	vor.u32 v4, v19;
	_ =	sdelay $0x3  }
0x193: {  	[tilespmem:v20+s24+$0x0] =	vst.idx.msk $0xffff, v17  }
0x194: {  	v17 =	vld.idx.msk [tilespmem:v21+s13+$0x0], $0xffff  }
0x195: {  	v20 =	vor.u32 v5, v18  }
0x196: {  	v21 =	vor.u32 v6, v19;
	_ =	sdelay $0x3  }
0x197: {  	[tilespmem:v20+s24+$0x0] =	vst.idx.msk $0xffff, v17  }
0x198: {  	v17 =	vld.idx.msk [tilespmem:v21+s13+$0x0], $0xffff  }
0x199: {  	v20 =	vor.u32 v7, v18  }
0x19a: {  	v21 =	vor.u32 v8, v19;
	_ =	sdelay $0x3  }
0x19b: {  	[tilespmem:v20+s24+$0x0] =	vst.idx.msk $0xffff, v17  }
0x19c: {  	v17 =	vld.idx.msk [tilespmem:v21+s13+$0x0], $0xffff  }
0x19d: {  	v20 =	vor.u32 v9, v18  }
0x19e: {  	v21 =	vor.u32 v10, v19;
	_ =	sdelay $0x3  }
0x19f: {  	[tilespmem:v20+s24+$0x0] =	vst.idx.msk $0xffff, v17  }
0x1a0: {  	v17 =	vld.idx.msk [tilespmem:v21+s13+$0x0], $0xffff  }
0x1a1: {  	v20 =	vor.u32 v11, v18  }
0x1a2: {  	v21 =	vor.u32 v12, v19;
	_ =	sdelay $0x3  }
0x1a3: {  	[tilespmem:v20+s24+$0x0] =	vst.idx.msk $0xffff, v17  }
0x1a4: {  	v17 =	vld.idx.msk [tilespmem:v21+s13+$0x0], $0xffff  }
0x1a5: {  	v20 =	vor.u32 v13, v18  }
0x1a6: {  	v19 =	vor.u32 v14, v19;
	_ =	sdelay $0x3  }
0x1a7: {  	[tilespmem:v20+s24+$0x0] =	vst.idx.msk $0xffff, v17  }
0x1a8: {  	v16 =	vor.u32 $0x10, v16;
	v17 =	vld.idx.msk [tilespmem:v19+s13+$0x0], $0xffff  }
0x1a9: {  	v18 =	vor.u32 v15, v18;
	v19 =	vand.u32 $0x1F, v16  }
0x1aa: {  	v20 =	vor.u32 v1, v19;
	_ =	sdelay $0x3  }
0x1ab: {  	[tilespmem:v18+s24+$0x0] =	vst.idx.msk $0xffff, v17  }
0x1ac: {  	v17 =	vshll.u32 v16, $0x7;
	v18 =	vld.idx.msk [tilespmem:v20+s13+$0x0], $0xffff  }
0x1ad: {  	v16 =	vor.u32 v0, v17  }
0x1ae: {  	v20 =	vor.u32 v2, v19;
	_ =	sdelay $0x3  }
0x1af: {  	[tilespmem:v16+s24+$0x0] =	vst.idx.msk $0xffff, v18  }
0x1b0: {  	v16 =	vld.idx.msk [tilespmem:v20+s13+$0x0], $0xffff  }
0x1b1: {  	v18 =	vor.u32 v3, v17  }
0x1b2: {  	v20 =	vor.u32 v4, v19;
	_ =	sdelay $0x3  }
0x1b3: {  	[tilespmem:v18+s24+$0x0] =	vst.idx.msk $0xffff, v16  }
0x1b4: {  	v16 =	vld.idx.msk [tilespmem:v20+s13+$0x0], $0xffff  }
0x1b5: {  	v18 =	vor.u32 v5, v17  }
0x1b6: {  	v20 =	vor.u32 v6, v19;
	_ =	sdelay $0x3  }
0x1b7: {  	[tilespmem:v18+s24+$0x0] =	vst.idx.msk $0xffff, v16  }
0x1b8: {  	v16 =	vld.idx.msk [tilespmem:v20+s13+$0x0], $0xffff  }
0x1b9: {  	v18 =	vor.u32 v7, v17  }
0x1ba: {  	v20 =	vor.u32 v8, v19;
	_ =	sdelay $0x3  }
0x1bb: {  	[tilespmem:v18+s24+$0x0] =	vst.idx.msk $0xffff, v16  }
0x1bc: {  	v16 =	vld.idx.msk [tilespmem:v20+s13+$0x0], $0xffff  }
0x1bd: {  	v18 =	vor.u32 v9, v17  }
0x1be: {  	v20 =	vor.u32 v10, v19;
	_ =	sdelay $0x3  }
0x1bf: {  	[tilespmem:v18+s24+$0x0] =	vst.idx.msk $0xffff, v16  }
0x1c0: {  	v16 =	vld.idx.msk [tilespmem:v20+s13+$0x0], $0xffff  }
0x1c1: {  	v18 =	vor.u32 v11, v17  }
0x1c2: {  	v20 =	vor.u32 v12, v19;
	_ =	sdelay $0x3  }
0x1c3: {  	[tilespmem:v18+s24+$0x0] =	vst.idx.msk $0xffff, v16  }
0x1c4: {  	v16 =	vld.idx.msk [tilespmem:v20+s13+$0x0], $0xffff  }
0x1c5: {  	v18 =	vor.u32 v13, v17  }
0x1c6: {  	v19 =	vor.u32 v14, v19  }
.Ltmp4:
0x1c7: {  	(pc) =	sbr.rel @p2 .LBB2_7-.Ltmp4, $3  }
0x1c8: {  	_ =	sdelay $0x1  }
0x1c9: {  	[tilespmem:v18+s24+$0x0] =	vst.idx.msk $0xffff, v16  }
0x1ca: {  	v16 =	vadd.s32 s31, v0;
	s31 =	sadd.s32 $0x1, s31;
	v18 =	vld.idx.msk [tilespmem:v19+s13+$0x0], $0xffff  }
0x1cb: {  	v19 =	vand.u32 $0xF, v16;
	v17 =	vor.u32 v15, v17  }
0x1cc: {  	v20 =	vor.u32 v1, v19;
	_ =	sdelay $0x2  }
0x1cd: {  	v21 =	vshll.u32 v16, $0x7  }
0x1ce: {  	[tilespmem:v17+s24+$0x0] =	vst.idx.msk $0xffff, v18;
	v17 =	vand.u32 $0x780, v21  }
0x1cf: {  	v18 =	vld.idx.msk [tilespmem:v20+s13+$0x0], $0xffff;
	v20 =	vor.u32 v0, v17  }
0x1d0: {  	v52 =	vor.u32 v2, v19;
	_ =	sdelay $0x3  }
0x1d1: {  	[tilespmem:v20+s24+$0x0] =	vst.idx.msk $0xffff, v18  }
0x1d2: {  	v20 =	vor.u32 v3, v17;
	v18 =	vld.idx.msk [tilespmem:v52+s13+$0x0], $0xffff  }
0x1d3: {  	v53 =	vor.u32 v4, v19;
	_ =	sdelay $0x3  }
0x1d4: {  	[tilespmem:v20+s24+$0x0] =	vst.idx.msk $0xffff, v18  }
0x1d5: {  	v20 =	vor.u32 v5, v17;
	v18 =	vld.idx.msk [tilespmem:v53+s13+$0x0], $0xffff  }
0x1d6: {  	v54 =	vor.u32 v6, v19;
	_ =	sdelay $0x3  }
0x1d7: {  	[tilespmem:v20+s24+$0x0] =	vst.idx.msk $0xffff, v18  }
0x1d8: {  	v20 =	vor.u32 v7, v17;
	v18 =	vld.idx.msk [tilespmem:v54+s13+$0x0], $0xffff  }
0x1d9: {  	v55 =	vor.u32 v8, v19;
	_ =	sdelay $0x3  }
0x1da: {  	[tilespmem:v20+s24+$0x0] =	vst.idx.msk $0xffff, v18  }
0x1db: {  	v20 =	vor.u32 v9, v17;
	v18 =	vld.idx.msk [tilespmem:v55+s13+$0x0], $0xffff  }
0x1dc: {  	v56 =	vor.u32 v10, v19;
	_ =	sdelay $0x3  }
0x1dd: {  	[tilespmem:v20+s24+$0x0] =	vst.idx.msk $0xffff, v18  }
0x1de: {  	v20 =	vor.u32 v11, v17;
	v18 =	vld.idx.msk [tilespmem:v56+s13+$0x0], $0xffff  }
0x1df: {  	v57 =	vor.u32 v12, v19;
	_ =	sdelay $0x3  }
0x1e0: {  	[tilespmem:v20+s24+$0x0] =	vst.idx.msk $0xffff, v18  }
0x1e1: {  	v20 =	vor.u32 v13, v17;
	v18 =	vld.idx.msk [tilespmem:v57+s13+$0x0], $0xffff  }
0x1e2: {  	v19 =	vor.u32 v14, v19;
	_ =	sdelay $0x3  }
0x1e3: {  	v16 =	vor.u32 $0x10, v16;
	[tilespmem:v20+s24+$0x0] =	vst.idx.msk $0xffff, v18  }
0x1e4: {  	v17 =	vor.u32 v15, v17;
	v18 =	vld.idx.msk [tilespmem:v19+s13+$0x0], $0xffff;
	v19 =	vand.u32 $0x1F, v16  }
0x1e5: {  	v20 =	vor.u32 v1, v19;
	_ =	sdelay $0x3  }
0x1e6: {  	v16 =	vshll.u32 v16, $0x7;
	[tilespmem:v17+s24+$0x0] =	vst.idx.msk $0xffff, v18  }
0x1e7: {  	v18 =	vor.u32 v0, v16;
	v17 =	vld.idx.msk [tilespmem:v20+s13+$0x0], $0xffff  }
0x1e8: {  	v20 =	vor.u32 v2, v19;
	_ =	sdelay $0x3  }
0x1e9: {  	[tilespmem:v18+s24+$0x0] =	vst.idx.msk $0xffff, v17  }
0x1ea: {  	v18 =	vor.u32 v3, v16;
	v17 =	vld.idx.msk [tilespmem:v20+s13+$0x0], $0xffff  }
0x1eb: {  	v20 =	vor.u32 v4, v19;
	_ =	sdelay $0x3  }
0x1ec: {  	[tilespmem:v18+s24+$0x0] =	vst.idx.msk $0xffff, v17  }
0x1ed: {  	v18 =	vor.u32 v5, v16;
	v17 =	vld.idx.msk [tilespmem:v20+s13+$0x0], $0xffff  }
0x1ee: {  	v20 =	vor.u32 v6, v19;
	_ =	sdelay $0x3  }
0x1ef: {  	[tilespmem:v18+s24+$0x0] =	vst.idx.msk $0xffff, v17  }
0x1f0: {  	v18 =	vor.u32 v7, v16;
	v17 =	vld.idx.msk [tilespmem:v20+s13+$0x0], $0xffff  }
0x1f1: {  	v20 =	vor.u32 v8, v19;
	_ =	sdelay $0x3  }
0x1f2: {  	[tilespmem:v18+s24+$0x0] =	vst.idx.msk $0xffff, v17  }
0x1f3: {  	v18 =	vor.u32 v9, v16;
	v17 =	vld.idx.msk [tilespmem:v20+s13+$0x0], $0xffff  }
0x1f4: {  	v20 =	vor.u32 v10, v19;
	_ =	sdelay $0x3  }
0x1f5: {  	[tilespmem:v18+s24+$0x0] =	vst.idx.msk $0xffff, v17  }
0x1f6: {  	v18 =	vor.u32 v11, v16;
	v17 =	vld.idx.msk [tilespmem:v20+s13+$0x0], $0xffff  }
0x1f7: {  	v20 =	vor.u32 v12, v19;
	_ =	sdelay $0x3  }
0x1f8: {  	[tilespmem:v18+s24+$0x0] =	vst.idx.msk $0xffff, v17  }
0x1f9: {  	s0 =	smulhi.u32 $0x4EC4EC4F, s28;
	v18 =	vor.u32 v13, v16;
	v17 =	vld.idx.msk [tilespmem:v20+s13+$0x0], $0xffff  }
0x1fa: {  	v19 =	vor.u32 v14, v19  }
0x1fb: {  	s0 =	sshrl.u32 s0, $0x3  }
0x1fc: {  	s0 =	smul.u32 $0x1A, s0;
	_ =	sdelay $0x1  }
0x1fd: {  	s0 =	ssub.s32 s28, s0;
	[tilespmem:v18+s24+$0x0] =	vst.idx.msk $0xffff, v17  }
0x1fe: {  	s0 =	sshll.u32 s0, $0x9;
	v16 =	vor.u32 v15, v16;
	v17 =	vld.idx.msk [tilespmem:v19+s13+$0x0], $0xffff  }
0x1ff: {  	s0 =	sor.u32 s4, s0  }
0x200: {  	s1 =	sadd.s32 s21, s0  }
0x201: {  	s1 =	sshll.u32 s1, $0x7  }
0x202: {  	s1 =	sand.u32 $0x1FFFFF80, s1  }
0x203: {  	s21 =	sadd.s32 s0, s22;
	s1 =	sadd.s32 s2, s1;
	[tilespmem:v16+s24+$0x0] =	vst.idx.msk $0xffff, v17  }
0x204: {  	[hbm4b:s1+s3] =	stream.linear.scatter [tilespmem:s24], [sflag:$0x6], $0x400, $0x38;
	[tilespmem:$0xB400] =	vst v63  }
0x205: {  	s1 =	sshll.u32 s21, $0x7  }
0x206: {  	s1 =	sand.u32 $0x1FFFFF80, s1  }
0x207: {  	s16 =	simm.s32 $0x8800;
	s22 =	sadd.s32 s0, s25;
	s1 =	sadd.s32 s2, s1  }
0x208: {  	[hbm4b:s1+s3] =	stream.linear.scatter [tilespmem:s16], [sflag:$0x6], $0x400, $0x38;
	[tilespmem:$0xB400] =	vst v63  }
0x209: {  	s1 =	sshll.u32 s22, $0x7  }
0x20a: {  	s1 =	sand.u32 $0x1FFFFF80, s1  }
0x20b: {  	s25 =	simm.s32 $0x8C00;
	s1 =	sadd.s32 s2, s1  }
0x20c: {  	[hbm4b:s1+s3] =	stream.linear.scatter [tilespmem:s25], [sflag:$0x6], $0x400, $0x38;
	[tilespmem:$0xB400] =	vst v63  }
0x20d: {  	s1 =	sadd.s32 @!p1 $0x5, s20  }
0x20e: {  	s0 =	sadd.s32 s0, s26;
	s21 =	smulhi.u32 @!p1 $0x4EC4EC4F, s1  }
0x20f: {  	s0 =	sshll.u32 s0, $0x7  }
0x210: {  	s0 =	sand.u32 $0x1FFFFF80, s0;
	s22 =	sshrl.u32 @!p1 s21, $0x3  }
0x211: {  	s26 =	simm.s32 $0x9000;
	s0 =	sadd.s32 s2, s0;
	s22 =	smul.u32 @!p1 $0x1A, s22  }
0x212: {  	[hbm4b:s0+s3] =	stream.linear.scatter [tilespmem:s26], [sflag:$0x6], $0x400, $0x38;
	[tilespmem:$0xB400] =	vst v63  }
0x213: {  	s0 =	ssub.s32 @!p1 s1, s22;
	s1 =	sshll.u32 @!p1 s21, $0x4  }
0x214: {  	s0 =	sshll.u32 @!p1 s0, $0x9;
	s1 =	sand.u32 @!p1 $0x3FFFFF80, s1  }
0x215: {  	s21 =	simm.s32 @!p1 $0x4400;
	s0 =	sadd.s32 @!p1 s1, s0;
	s1 =	simm.s32 @!p1 $0x80  }
0x216: {  	[tilespmem:s21], [sflag:$0x2] =	stream.indirect.gather @!p1 [hbm4b:s5+s1], $0x20, s0, s1, $0xb8;
	[tilespmem:$0xB400] =	vst v63  }
0x217: {  	_ =	swait.ge [sflag:s29], $0x1000  }
0x218: {  	[sflag:s29] =	ssyncset.done $0x0  }
0x219: {  	s0 =	simm.s32 @!p0 $0x7;
	[sflag:s29] =	ssyncadd.s32 $0xFFFFF000  }
0x21a: {  	_ =	swait.ge @!p0 [sflag:s0], $0x400  }
0x21b: {  	[sflag:s0] =	ssyncset.done @!p0 $0x0  }
0x21c: {  	[sflag:s0] =	ssyncadd.s32 @!p0 $0xFFFFFC00  }
0x21d: {  	_ =	swait.ge @!p0 [sflag:s0], $0x400  }
0x21e: {  	s28 =	simm.s32 $0x0;
	[sflag:s0] =	ssyncset.done @!p0 $0x0  }
0x21f: {  	v16 =	vadd.s32 s28, v0;
	[sflag:s0] =	ssyncadd.s32 @!p0 $0xFFFFFC00  }
0x220: {  	v17 =	vand.u32 $0xF, v16;
	_ =	swait.ge @!p0 [sflag:s0], $0x400  }
0x221: {  	v18 =	vor.u32 v1, v17;
	[sflag:s0] =	ssyncset.done @!p0 $0x0  }
0x222: {  	[sflag:s0] =	ssyncadd.s32 @!p0 $0xFFFFFC00  }
0x223: {  	_ =	swait.ge @!p0 [sflag:s0], $0x400  }
0x224: {  	v19 =	vshll.u32 v16, $0x7;
	[sflag:s0] =	ssyncset.done @!p0 $0x0  }
0x225: {  	v19 =	vand.u32 $0x780, v19;
	[sflag:s0] =	ssyncadd.s32 @!p0 $0xFFFFFC00  }
0x226: {  	v20 =	vor.u32 v0, v19;
	v18 =	vld.idx.msk [tilespmem:v18+s15+$0x0], $0xffff  }
0x227: {  	v58 =	vor.u32 v2, v17;
	_ =	sdelay $0x3  }
0x228: {  	[tilespmem:v20+s30+$0x0] =	vst.idx.msk $0xffff, v18  }
0x229: {  	v20 =	vor.u32 v3, v19;
	v18 =	vld.idx.msk [tilespmem:v58+s15+$0x0], $0xffff  }
0x22a: {  	v59 =	vor.u32 v4, v17;
	_ =	sdelay $0x3  }
0x22b: {  	[tilespmem:v20+s30+$0x0] =	vst.idx.msk $0xffff, v18  }
0x22c: {  	v20 =	vor.u32 v5, v19;
	v18 =	vld.idx.msk [tilespmem:v59+s15+$0x0], $0xffff  }
0x22d: {  	v60 =	vor.u32 v6, v17;
	_ =	sdelay $0x3  }
0x22e: {  	[tilespmem:v20+s30+$0x0] =	vst.idx.msk $0xffff, v18  }
0x22f: {  	v20 =	vor.u32 v7, v19;
	v18 =	vld.idx.msk [tilespmem:v60+s15+$0x0], $0xffff  }
0x230: {  	v61 =	vor.u32 v8, v17;
	_ =	sdelay $0x3  }
0x231: {  	[tilespmem:v20+s30+$0x0] =	vst.idx.msk $0xffff, v18  }
0x232: {  	v20 =	vor.u32 v9, v19;
	v18 =	vld.idx.msk [tilespmem:v61+s15+$0x0], $0xffff  }
0x233: {  	v62 =	vor.u32 v10, v17;
	_ =	sdelay $0x3  }
0x234: {  	[tilespmem:v20+s30+$0x0] =	vst.idx.msk $0xffff, v18  }
0x235: {  	v20 =	vor.u32 v11, v19;
	v18 =	vld.idx.msk [tilespmem:v62+s15+$0x0], $0xffff  }
0x236: {  	v63 =	vor.u32 v12, v17;
	_ =	sdelay $0x3  }
0x237: {  	[tilespmem:v20+s30+$0x0] =	vst.idx.msk $0xffff, v18  }
0x238: {  	v20 =	vor.u32 v13, v19;
	v18 =	vld.idx.msk [tilespmem:v63+s15+$0x0], $0xffff  }
0x239: {  	v17 =	vor.u32 v14, v17;
	_ =	sdelay $0x3  }
0x23a: {  	v16 =	vor.u32 $0x10, v16;
	[tilespmem:v20+s30+$0x0] =	vst.idx.msk $0xffff, v18  }
0x23b: {  	v18 =	vor.u32 v15, v19;
	v19 =	vand.u32 $0x1F, v16;
	v17 =	vld.idx.msk [tilespmem:v17+s15+$0x0], $0xffff  }
0x23c: {  	v20 =	vor.u32 v1, v19;
	_ =	sdelay $0x3  }
0x23d: {  	[tilespmem:v18+s30+$0x0] =	vst.idx.msk $0xffff, v17;
	v17 =	vshll.u32 v16, $0x7  }
0x23e: {  	v16 =	vld.idx.msk [tilespmem:v20+s15+$0x0], $0xffff;
	v18 =	vor.u32 v0, v17  }
0x23f: {  	v20 =	vor.u32 v2, v19;
	_ =	sdelay $0x3  }
0x240: {  	[tilespmem:v18+s30+$0x0] =	vst.idx.msk $0xffff, v16  }
0x241: {  	v18 =	vor.u32 v3, v17;
	v16 =	vld.idx.msk [tilespmem:v20+s15+$0x0], $0xffff  }
0x242: {  	v20 =	vor.u32 v4, v19;
	_ =	sdelay $0x3  }
0x243: {  	[tilespmem:v18+s30+$0x0] =	vst.idx.msk $0xffff, v16  }
0x244: {  	v18 =	vor.u32 v5, v17;
	v16 =	vld.idx.msk [tilespmem:v20+s15+$0x0], $0xffff  }
0x245: {  	v20 =	vor.u32 v6, v19;
	_ =	sdelay $0x3  }
0x246: {  	[tilespmem:v18+s30+$0x0] =	vst.idx.msk $0xffff, v16  }
0x247: {  	v18 =	vor.u32 v7, v17;
	v16 =	vld.idx.msk [tilespmem:v20+s15+$0x0], $0xffff  }
0x248: {  	v20 =	vor.u32 v8, v19;
	_ =	sdelay $0x3  }
0x249: {  	[tilespmem:v18+s30+$0x0] =	vst.idx.msk $0xffff, v16  }
0x24a: {  	v18 =	vor.u32 v9, v17;
	v16 =	vld.idx.msk [tilespmem:v20+s15+$0x0], $0xffff  }
0x24b: {  	v20 =	vor.u32 v10, v19;
	_ =	sdelay $0x3  }
0x24c: {  	[tilespmem:v18+s30+$0x0] =	vst.idx.msk $0xffff, v16  }
0x24d: {  	v18 =	vor.u32 v11, v17;
	v16 =	vld.idx.msk [tilespmem:v20+s15+$0x0], $0xffff  }
0x24e: {  	v20 =	vor.u32 v12, v19;
	_ =	sdelay $0x3  }
0x24f: {  	[tilespmem:v18+s30+$0x0] =	vst.idx.msk $0xffff, v16  }
0x250: {  	v18 =	vor.u32 v13, v17;
	v16 =	vld.idx.msk [tilespmem:v20+s15+$0x0], $0xffff  }
0x251: {  	v19 =	vor.u32 v14, v19;
	_ =	sdelay $0x3  }
0x252: {  	s31 =	simm.s32 $0x1;
	[tilespmem:v18+s30+$0x0] =	vst.idx.msk $0xffff, v16  }
0x253: {  	s22 =	simm.s32 $0x2;
	s21 =	sor.u32 $0x2, s20;
	v16 =	vadd.s32 s31, v0;
	v18 =	vld.idx.msk [tilespmem:v19+s15+$0x0], $0xffff  }
.LBB2_9:
0x254: {  	p2 =	sne.s32 s22, $0xF;
	v19 =	vand.u32 $0xF, v16;
	v17 =	vor.u32 v15, v17  }
0x255: {  	v20 =	vor.u32 v1, v19;
	_ =	sdelay $0x3  }
0x256: {  	v21 =	vshll.u32 v16, $0x7;
	[tilespmem:v17+s30+$0x0] =	vst.idx.msk $0xffff, v18  }
0x257: {  	v18 =	vand.u32 $0x780, v21;
	v17 =	vld.idx.msk [tilespmem:v20+s15+$0x0], $0xffff  }
0x258: {  	v20 =	vor.u32 v0, v18  }
0x259: {  	v21 =	vor.u32 v2, v19;
	_ =	sdelay $0x3  }
0x25a: {  	[tilespmem:v20+s30+$0x0] =	vst.idx.msk $0xffff, v17  }
0x25b: {  	v17 =	vld.idx.msk [tilespmem:v21+s15+$0x0], $0xffff  }
0x25c: {  	v20 =	vor.u32 v3, v18  }
0x25d: {  	v21 =	vor.u32 v4, v19;
	_ =	sdelay $0x3  }
0x25e: {  	[tilespmem:v20+s30+$0x0] =	vst.idx.msk $0xffff, v17  }
0x25f: {  	v17 =	vld.idx.msk [tilespmem:v21+s15+$0x0], $0xffff  }
0x260: {  	v20 =	vor.u32 v5, v18  }
0x261: {  	v21 =	vor.u32 v6, v19;
	_ =	sdelay $0x3  }
0x262: {  	[tilespmem:v20+s30+$0x0] =	vst.idx.msk $0xffff, v17  }
0x263: {  	v17 =	vld.idx.msk [tilespmem:v21+s15+$0x0], $0xffff  }
0x264: {  	v20 =	vor.u32 v7, v18  }
0x265: {  	v21 =	vor.u32 v8, v19;
	_ =	sdelay $0x3  }
0x266: {  	[tilespmem:v20+s30+$0x0] =	vst.idx.msk $0xffff, v17  }
0x267: {  	v17 =	vld.idx.msk [tilespmem:v21+s15+$0x0], $0xffff  }
0x268: {  	v20 =	vor.u32 v9, v18  }
0x269: {  	v21 =	vor.u32 v10, v19;
	_ =	sdelay $0x3  }
0x26a: {  	[tilespmem:v20+s30+$0x0] =	vst.idx.msk $0xffff, v17  }
0x26b: {  	v17 =	vld.idx.msk [tilespmem:v21+s15+$0x0], $0xffff  }
0x26c: {  	v20 =	vor.u32 v11, v18  }
0x26d: {  	v21 =	vor.u32 v12, v19;
	_ =	sdelay $0x3  }
0x26e: {  	[tilespmem:v20+s30+$0x0] =	vst.idx.msk $0xffff, v17  }
0x26f: {  	v17 =	vld.idx.msk [tilespmem:v21+s15+$0x0], $0xffff  }
0x270: {  	v20 =	vor.u32 v13, v18  }
0x271: {  	v19 =	vor.u32 v14, v19;
	_ =	sdelay $0x3  }
0x272: {  	[tilespmem:v20+s30+$0x0] =	vst.idx.msk $0xffff, v17  }
0x273: {  	v16 =	vor.u32 $0x10, v16;
	v17 =	vld.idx.msk [tilespmem:v19+s15+$0x0], $0xffff  }
0x274: {  	v18 =	vor.u32 v15, v18;
	v19 =	vand.u32 $0x1F, v16  }
0x275: {  	v20 =	vor.u32 v1, v19;
	_ =	sdelay $0x3  }
0x276: {  	[tilespmem:v18+s30+$0x0] =	vst.idx.msk $0xffff, v17  }
0x277: {  	v17 =	vshll.u32 v16, $0x7;
	v18 =	vld.idx.msk [tilespmem:v20+s15+$0x0], $0xffff  }
0x278: {  	v16 =	vor.u32 v0, v17  }
0x279: {  	v20 =	vor.u32 v2, v19;
	_ =	sdelay $0x3  }
0x27a: {  	[tilespmem:v16+s30+$0x0] =	vst.idx.msk $0xffff, v18  }
0x27b: {  	v16 =	vld.idx.msk [tilespmem:v20+s15+$0x0], $0xffff  }
0x27c: {  	v18 =	vor.u32 v3, v17  }
0x27d: {  	v20 =	vor.u32 v4, v19;
	_ =	sdelay $0x3  }
0x27e: {  	[tilespmem:v18+s30+$0x0] =	vst.idx.msk $0xffff, v16  }
0x27f: {  	v16 =	vld.idx.msk [tilespmem:v20+s15+$0x0], $0xffff  }
0x280: {  	v18 =	vor.u32 v5, v17  }
0x281: {  	v20 =	vor.u32 v6, v19;
	_ =	sdelay $0x3  }
0x282: {  	[tilespmem:v18+s30+$0x0] =	vst.idx.msk $0xffff, v16  }
0x283: {  	v16 =	vld.idx.msk [tilespmem:v20+s15+$0x0], $0xffff  }
0x284: {  	v18 =	vor.u32 v7, v17  }
0x285: {  	v20 =	vor.u32 v8, v19;
	_ =	sdelay $0x3  }
0x286: {  	[tilespmem:v18+s30+$0x0] =	vst.idx.msk $0xffff, v16  }
0x287: {  	v16 =	vld.idx.msk [tilespmem:v20+s15+$0x0], $0xffff  }
0x288: {  	v18 =	vor.u32 v9, v17  }
0x289: {  	v20 =	vor.u32 v10, v19;
	_ =	sdelay $0x3  }
0x28a: {  	[tilespmem:v18+s30+$0x0] =	vst.idx.msk $0xffff, v16  }
0x28b: {  	v16 =	vld.idx.msk [tilespmem:v20+s15+$0x0], $0xffff  }
0x28c: {  	v18 =	vor.u32 v11, v17  }
0x28d: {  	v20 =	vor.u32 v12, v19;
	_ =	sdelay $0x3  }
0x28e: {  	[tilespmem:v18+s30+$0x0] =	vst.idx.msk $0xffff, v16  }
0x28f: {  	v16 =	vld.idx.msk [tilespmem:v20+s15+$0x0], $0xffff  }
0x290: {  	v18 =	vor.u32 v13, v17  }
0x291: {  	v19 =	vor.u32 v14, v19  }
.Ltmp5:
0x292: {  	(pc) =	sbr.rel @p2 .LBB2_9-.Ltmp5, $3  }
0x293: {  	_ =	sdelay $0x1  }
0x294: {  	[tilespmem:v18+s30+$0x0] =	vst.idx.msk $0xffff, v16  }
0x295: {  	v16 =	vadd.s32 s22, v0;
	s22 =	sadd.s32 $0x1, s22;
	v18 =	vld.idx.msk [tilespmem:v19+s15+$0x0], $0xffff  }
0x296: {  	v19 =	vand.u32 $0xF, v16;
	v17 =	vor.u32 v15, v17  }
0x297: {  	v20 =	vor.u32 v1, v19;
	_ =	sdelay $0x2  }
0x298: {  	v21 =	vshll.u32 v16, $0x7  }
0x299: {  	[tilespmem:v17+s30+$0x0] =	vst.idx.msk $0xffff, v18;
	v17 =	vand.u32 $0x780, v21  }
0x29a: {  	v18 =	vld.idx.msk [tilespmem:v20+s15+$0x0], $0xffff;
	v20 =	vor.u32 v0, v17  }
0x29b: {  	v52 =	vor.u32 v2, v19;
	_ =	sdelay $0x3  }
0x29c: {  	[tilespmem:v20+s30+$0x0] =	vst.idx.msk $0xffff, v18  }
0x29d: {  	v20 =	vor.u32 v3, v17;
	v18 =	vld.idx.msk [tilespmem:v52+s15+$0x0], $0xffff  }
0x29e: {  	v53 =	vor.u32 v4, v19;
	_ =	sdelay $0x3  }
0x29f: {  	[tilespmem:v20+s30+$0x0] =	vst.idx.msk $0xffff, v18  }
0x2a0: {  	v20 =	vor.u32 v5, v17;
	v18 =	vld.idx.msk [tilespmem:v53+s15+$0x0], $0xffff  }
0x2a1: {  	v54 =	vor.u32 v6, v19;
	_ =	sdelay $0x3  }
0x2a2: {  	[tilespmem:v20+s30+$0x0] =	vst.idx.msk $0xffff, v18  }
0x2a3: {  	v20 =	vor.u32 v7, v17;
	v18 =	vld.idx.msk [tilespmem:v54+s15+$0x0], $0xffff  }
0x2a4: {  	v55 =	vor.u32 v8, v19;
	_ =	sdelay $0x3  }
0x2a5: {  	[tilespmem:v20+s30+$0x0] =	vst.idx.msk $0xffff, v18  }
0x2a6: {  	v20 =	vor.u32 v9, v17;
	v18 =	vld.idx.msk [tilespmem:v55+s15+$0x0], $0xffff  }
0x2a7: {  	v56 =	vor.u32 v10, v19;
	_ =	sdelay $0x3  }
0x2a8: {  	[tilespmem:v20+s30+$0x0] =	vst.idx.msk $0xffff, v18  }
0x2a9: {  	v20 =	vor.u32 v11, v17;
	v18 =	vld.idx.msk [tilespmem:v56+s15+$0x0], $0xffff  }
0x2aa: {  	v57 =	vor.u32 v12, v19;
	_ =	sdelay $0x3  }
0x2ab: {  	[tilespmem:v20+s30+$0x0] =	vst.idx.msk $0xffff, v18  }
0x2ac: {  	v20 =	vor.u32 v13, v17;
	v18 =	vld.idx.msk [tilespmem:v57+s15+$0x0], $0xffff  }
0x2ad: {  	v19 =	vor.u32 v14, v19;
	_ =	sdelay $0x3  }
0x2ae: {  	v16 =	vor.u32 $0x10, v16;
	[tilespmem:v20+s30+$0x0] =	vst.idx.msk $0xffff, v18  }
0x2af: {  	v17 =	vor.u32 v15, v17;
	v18 =	vld.idx.msk [tilespmem:v19+s15+$0x0], $0xffff;
	v19 =	vand.u32 $0x1F, v16  }
0x2b0: {  	v20 =	vor.u32 v1, v19;
	_ =	sdelay $0x3  }
0x2b1: {  	v16 =	vshll.u32 v16, $0x7;
	[tilespmem:v17+s30+$0x0] =	vst.idx.msk $0xffff, v18  }
0x2b2: {  	v18 =	vor.u32 v0, v16;
	v17 =	vld.idx.msk [tilespmem:v20+s15+$0x0], $0xffff  }
0x2b3: {  	v20 =	vor.u32 v2, v19;
	_ =	sdelay $0x3  }
0x2b4: {  	[tilespmem:v18+s30+$0x0] =	vst.idx.msk $0xffff, v17  }
0x2b5: {  	v18 =	vor.u32 v3, v16;
	v17 =	vld.idx.msk [tilespmem:v20+s15+$0x0], $0xffff  }
0x2b6: {  	v20 =	vor.u32 v4, v19;
	_ =	sdelay $0x3  }
0x2b7: {  	[tilespmem:v18+s30+$0x0] =	vst.idx.msk $0xffff, v17  }
0x2b8: {  	v18 =	vor.u32 v5, v16;
	v17 =	vld.idx.msk [tilespmem:v20+s15+$0x0], $0xffff  }
0x2b9: {  	v20 =	vor.u32 v6, v19;
	_ =	sdelay $0x3  }
0x2ba: {  	[tilespmem:v18+s30+$0x0] =	vst.idx.msk $0xffff, v17  }
0x2bb: {  	v18 =	vor.u32 v7, v16;
	v17 =	vld.idx.msk [tilespmem:v20+s15+$0x0], $0xffff  }
0x2bc: {  	v20 =	vor.u32 v8, v19;
	_ =	sdelay $0x3  }
0x2bd: {  	[tilespmem:v18+s30+$0x0] =	vst.idx.msk $0xffff, v17  }
0x2be: {  	v18 =	vor.u32 v9, v16;
	v17 =	vld.idx.msk [tilespmem:v20+s15+$0x0], $0xffff  }
0x2bf: {  	v20 =	vor.u32 v10, v19;
	_ =	sdelay $0x3  }
0x2c0: {  	[tilespmem:v18+s30+$0x0] =	vst.idx.msk $0xffff, v17  }
0x2c1: {  	v18 =	vor.u32 v11, v16;
	v17 =	vld.idx.msk [tilespmem:v20+s15+$0x0], $0xffff  }
0x2c2: {  	v20 =	vor.u32 v12, v19;
	_ =	sdelay $0x3  }
0x2c3: {  	[tilespmem:v18+s30+$0x0] =	vst.idx.msk $0xffff, v17  }
0x2c4: {  	s0 =	smulhi.u32 $0x4EC4EC4F, s21;
	v18 =	vor.u32 v13, v16;
	v17 =	vld.idx.msk [tilespmem:v20+s15+$0x0], $0xffff  }
0x2c5: {  	v19 =	vor.u32 v14, v19  }
0x2c6: {  	s0 =	sshrl.u32 s0, $0x3  }
0x2c7: {  	s1 =	smul.u32 $0x1A, s0;
	_ =	sdelay $0x1  }
0x2c8: {  	s1 =	ssub.s32 s21, s1;
	[tilespmem:v18+s30+$0x0] =	vst.idx.msk $0xffff, v17  }
0x2c9: {  	s1 =	sshll.u32 s1, $0x9;
	v16 =	vor.u32 v15, v16;
	v17 =	vld.idx.msk [tilespmem:v19+s15+$0x0], $0xffff  }
0x2ca: {  	s1 =	sor.u32 s4, s1  }
0x2cb: {  	s0 =	sadd.s32 s0, s1  }
0x2cc: {  	s0 =	sshll.u32 s0, $0x7  }
0x2cd: {  	s16 =	sand.u32 $0x1FFFFF80, s0  }
0x2ce: {  	s21 =	sadd.s32 $0x4000, s0;
	s1 =	sadd.s32 s2, s16;
	[tilespmem:v16+s30+$0x0] =	vst.idx.msk $0xffff, v17  }
0x2cf: {  	[hbm4b:s1+s3] =	stream.linear.scatter [tilespmem:s30], [sflag:$0x7], $0x400, $0x38;
	[tilespmem:$0xB400] =	vst v63  }
0x2d0: {  	s1 =	sand.u32 $0x1FFFFF80, s21  }
0x2d1: {  	s22 =	sadd.s32 $0x8000, s0;
	s16 =	simm.s32 $0x9800;
	s1 =	sadd.s32 s2, s1  }
0x2d2: {  	[hbm4b:s1+s3] =	stream.linear.scatter [tilespmem:s16], [sflag:$0x7], $0x400, $0x38;
	[tilespmem:$0xB400] =	vst v63  }
0x2d3: {  	s1 =	sand.u32 $0x1FFFFF80, s22  }
0x2d4: {  	s25 =	simm.s32 $0x9C00;
	s1 =	sadd.s32 s2, s1  }
0x2d5: {  	[hbm4b:s1+s3] =	stream.linear.scatter [tilespmem:s25], [sflag:$0x7], $0x400, $0x38;
	[tilespmem:$0xB400] =	vst v63  }
0x2d6: {  	s1 =	sadd.s32 @!p1 $0x6, s20  }
0x2d7: {  	s21 =	smulhi.u32 @!p1 $0x4EC4EC4F, s1  }
0x2d8: {  	s0 =	sadd.s32 $0xC000, s0  }
0x2d9: {  	s0 =	sand.u32 $0x1FFFFF80, s0;
	s22 =	sshrl.u32 @!p1 s21, $0x3  }
0x2da: {  	s26 =	simm.s32 $0xA000;
	s0 =	sadd.s32 s2, s0;
	s22 =	smul.u32 @!p1 $0x1A, s22  }
0x2db: {  	[hbm4b:s0+s3] =	stream.linear.scatter [tilespmem:s26], [sflag:$0x7], $0x400, $0x38;
	[tilespmem:$0xB400] =	vst v63  }
0x2dc: {  	s0 =	ssub.s32 @!p1 s1, s22;
	s1 =	sshll.u32 @!p1 s21, $0x4  }
0x2dd: {  	s0 =	sshll.u32 @!p1 s0, $0x9;
	s1 =	sand.u32 @!p1 $0x3FFFFF80, s1  }
0x2de: {  	s21 =	simm.s32 @!p1 $0x5400;
	s0 =	sadd.s32 @!p1 s1, s0;
	s1 =	simm.s32 @!p1 $0x80  }
0x2df: {  	[tilespmem:s21], [sflag:$0x3] =	stream.indirect.gather @!p1 [hbm4b:s5+s1], $0x20, s0, s1, $0xb8;
	[tilespmem:$0xB400] =	vst v63  }
0x2e0: {  	_ =	swait.ge [sflag:s9], $0x1000  }
0x2e1: {  	[sflag:s9] =	ssyncset.done $0x0  }
0x2e2: {  	s0 =	simm.s32 @!p0 $0x8;
	[sflag:s9] =	ssyncadd.s32 $0xFFFFF000  }
0x2e3: {  	_ =	swait.ge @!p0 [sflag:s0], $0x400  }
0x2e4: {  	[sflag:s0] =	ssyncset.done @!p0 $0x0  }
0x2e5: {  	[sflag:s0] =	ssyncadd.s32 @!p0 $0xFFFFFC00  }
0x2e6: {  	_ =	swait.ge @!p0 [sflag:s0], $0x400  }
0x2e7: {  	s28 =	simm.s32 $0x0;
	[sflag:s0] =	ssyncset.done @!p0 $0x0  }
0x2e8: {  	v16 =	vadd.s32 s28, v0;
	[sflag:s0] =	ssyncadd.s32 @!p0 $0xFFFFFC00  }
0x2e9: {  	v17 =	vand.u32 $0xF, v16;
	_ =	swait.ge @!p0 [sflag:s0], $0x400  }
0x2ea: {  	v18 =	vor.u32 v1, v17;
	[sflag:s0] =	ssyncset.done @!p0 $0x0  }
0x2eb: {  	[sflag:s0] =	ssyncadd.s32 @!p0 $0xFFFFFC00  }
0x2ec: {  	_ =	swait.ge @!p0 [sflag:s0], $0x400  }
0x2ed: {  	v19 =	vshll.u32 v16, $0x7;
	[sflag:s0] =	ssyncset.done @!p0 $0x0  }
0x2ee: {  	v19 =	vand.u32 $0x780, v19;
	[sflag:s0] =	ssyncadd.s32 @!p0 $0xFFFFFC00  }
0x2ef: {  	v20 =	vor.u32 v0, v19;
	v18 =	vld.idx.msk [tilespmem:v18+s17+$0x0], $0xffff  }
0x2f0: {  	v58 =	vor.u32 v2, v17;
	_ =	sdelay $0x3  }
0x2f1: {  	[tilespmem:v20+s14+$0x0] =	vst.idx.msk $0xffff, v18  }
0x2f2: {  	v20 =	vor.u32 v3, v19;
	v18 =	vld.idx.msk [tilespmem:v58+s17+$0x0], $0xffff  }
0x2f3: {  	v59 =	vor.u32 v4, v17;
	_ =	sdelay $0x3  }
0x2f4: {  	[tilespmem:v20+s14+$0x0] =	vst.idx.msk $0xffff, v18  }
0x2f5: {  	v20 =	vor.u32 v5, v19;
	v18 =	vld.idx.msk [tilespmem:v59+s17+$0x0], $0xffff  }
0x2f6: {  	v60 =	vor.u32 v6, v17;
	_ =	sdelay $0x3  }
0x2f7: {  	[tilespmem:v20+s14+$0x0] =	vst.idx.msk $0xffff, v18  }
0x2f8: {  	v20 =	vor.u32 v7, v19;
	v18 =	vld.idx.msk [tilespmem:v60+s17+$0x0], $0xffff  }
0x2f9: {  	v61 =	vor.u32 v8, v17;
	_ =	sdelay $0x3  }
0x2fa: {  	[tilespmem:v20+s14+$0x0] =	vst.idx.msk $0xffff, v18  }
0x2fb: {  	v20 =	vor.u32 v9, v19;
	v18 =	vld.idx.msk [tilespmem:v61+s17+$0x0], $0xffff  }
0x2fc: {  	v62 =	vor.u32 v10, v17;
	_ =	sdelay $0x3  }
0x2fd: {  	[tilespmem:v20+s14+$0x0] =	vst.idx.msk $0xffff, v18  }
0x2fe: {  	v20 =	vor.u32 v11, v19;
	v18 =	vld.idx.msk [tilespmem:v62+s17+$0x0], $0xffff  }
0x2ff: {  	v63 =	vor.u32 v12, v17;
	_ =	sdelay $0x3  }
0x300: {  	[tilespmem:v20+s14+$0x0] =	vst.idx.msk $0xffff, v18  }
0x301: {  	v20 =	vor.u32 v13, v19;
	v18 =	vld.idx.msk [tilespmem:v63+s17+$0x0], $0xffff  }
0x302: {  	v17 =	vor.u32 v14, v17;
	_ =	sdelay $0x3  }
0x303: {  	v16 =	vor.u32 $0x10, v16;
	[tilespmem:v20+s14+$0x0] =	vst.idx.msk $0xffff, v18  }
0x304: {  	v18 =	vor.u32 v15, v19;
	v19 =	vand.u32 $0x1F, v16;
	v17 =	vld.idx.msk [tilespmem:v17+s17+$0x0], $0xffff  }
0x305: {  	v20 =	vor.u32 v1, v19;
	_ =	sdelay $0x3  }
0x306: {  	[tilespmem:v18+s14+$0x0] =	vst.idx.msk $0xffff, v17;
	v17 =	vshll.u32 v16, $0x7  }
0x307: {  	v16 =	vld.idx.msk [tilespmem:v20+s17+$0x0], $0xffff;
	v18 =	vor.u32 v0, v17  }
0x308: {  	v20 =	vor.u32 v2, v19;
	_ =	sdelay $0x3  }
0x309: {  	[tilespmem:v18+s14+$0x0] =	vst.idx.msk $0xffff, v16  }
0x30a: {  	v18 =	vor.u32 v3, v17;
	v16 =	vld.idx.msk [tilespmem:v20+s17+$0x0], $0xffff  }
0x30b: {  	v20 =	vor.u32 v4, v19;
	_ =	sdelay $0x3  }
0x30c: {  	[tilespmem:v18+s14+$0x0] =	vst.idx.msk $0xffff, v16  }
0x30d: {  	v18 =	vor.u32 v5, v17;
	v16 =	vld.idx.msk [tilespmem:v20+s17+$0x0], $0xffff  }
0x30e: {  	v20 =	vor.u32 v6, v19;
	_ =	sdelay $0x3  }
0x30f: {  	[tilespmem:v18+s14+$0x0] =	vst.idx.msk $0xffff, v16  }
0x310: {  	v18 =	vor.u32 v7, v17;
	v16 =	vld.idx.msk [tilespmem:v20+s17+$0x0], $0xffff  }
0x311: {  	v20 =	vor.u32 v8, v19;
	_ =	sdelay $0x3  }
0x312: {  	[tilespmem:v18+s14+$0x0] =	vst.idx.msk $0xffff, v16  }
0x313: {  	v18 =	vor.u32 v9, v17;
	v16 =	vld.idx.msk [tilespmem:v20+s17+$0x0], $0xffff  }
0x314: {  	v20 =	vor.u32 v10, v19;
	_ =	sdelay $0x3  }
0x315: {  	[tilespmem:v18+s14+$0x0] =	vst.idx.msk $0xffff, v16  }
0x316: {  	v18 =	vor.u32 v11, v17;
	v16 =	vld.idx.msk [tilespmem:v20+s17+$0x0], $0xffff  }
0x317: {  	v20 =	vor.u32 v12, v19;
	_ =	sdelay $0x3  }
0x318: {  	[tilespmem:v18+s14+$0x0] =	vst.idx.msk $0xffff, v16  }
0x319: {  	v18 =	vor.u32 v13, v17;
	v16 =	vld.idx.msk [tilespmem:v20+s17+$0x0], $0xffff  }
0x31a: {  	v19 =	vor.u32 v14, v19;
	_ =	sdelay $0x3  }
0x31b: {  	s31 =	simm.s32 $0x1;
	[tilespmem:v18+s14+$0x0] =	vst.idx.msk $0xffff, v16  }
0x31c: {  	s22 =	simm.s32 $0x2;
	s21 =	sor.u32 $0x3, s20;
	v16 =	vadd.s32 s31, v0;
	v18 =	vld.idx.msk [tilespmem:v19+s17+$0x0], $0xffff  }
.LBB2_11:
0x31d: {  	p0 =	sne.s32 s22, $0xF;
	v19 =	vand.u32 $0xF, v16;
	v17 =	vor.u32 v15, v17  }
0x31e: {  	v20 =	vor.u32 v1, v19;
	_ =	sdelay $0x3  }
0x31f: {  	v21 =	vshll.u32 v16, $0x7;
	[tilespmem:v17+s14+$0x0] =	vst.idx.msk $0xffff, v18  }
0x320: {  	v18 =	vand.u32 $0x780, v21;
	v17 =	vld.idx.msk [tilespmem:v20+s17+$0x0], $0xffff  }
0x321: {  	v20 =	vor.u32 v0, v18  }
0x322: {  	v21 =	vor.u32 v2, v19;
	_ =	sdelay $0x3  }
0x323: {  	[tilespmem:v20+s14+$0x0] =	vst.idx.msk $0xffff, v17  }
0x324: {  	v17 =	vld.idx.msk [tilespmem:v21+s17+$0x0], $0xffff  }
0x325: {  	v20 =	vor.u32 v3, v18  }
0x326: {  	v21 =	vor.u32 v4, v19;
	_ =	sdelay $0x3  }
0x327: {  	[tilespmem:v20+s14+$0x0] =	vst.idx.msk $0xffff, v17  }
0x328: {  	v17 =	vld.idx.msk [tilespmem:v21+s17+$0x0], $0xffff  }
0x329: {  	v20 =	vor.u32 v5, v18  }
0x32a: {  	v21 =	vor.u32 v6, v19;
	_ =	sdelay $0x3  }
0x32b: {  	[tilespmem:v20+s14+$0x0] =	vst.idx.msk $0xffff, v17  }
0x32c: {  	v17 =	vld.idx.msk [tilespmem:v21+s17+$0x0], $0xffff  }
0x32d: {  	v20 =	vor.u32 v7, v18  }
0x32e: {  	v21 =	vor.u32 v8, v19;
	_ =	sdelay $0x3  }
0x32f: {  	[tilespmem:v20+s14+$0x0] =	vst.idx.msk $0xffff, v17  }
0x330: {  	v17 =	vld.idx.msk [tilespmem:v21+s17+$0x0], $0xffff  }
0x331: {  	v20 =	vor.u32 v9, v18  }
0x332: {  	v21 =	vor.u32 v10, v19;
	_ =	sdelay $0x3  }
0x333: {  	[tilespmem:v20+s14+$0x0] =	vst.idx.msk $0xffff, v17  }
0x334: {  	v17 =	vld.idx.msk [tilespmem:v21+s17+$0x0], $0xffff  }
0x335: {  	v20 =	vor.u32 v11, v18  }
0x336: {  	v21 =	vor.u32 v12, v19;
	_ =	sdelay $0x3  }
0x337: {  	[tilespmem:v20+s14+$0x0] =	vst.idx.msk $0xffff, v17  }
0x338: {  	v17 =	vld.idx.msk [tilespmem:v21+s17+$0x0], $0xffff  }
0x339: {  	v20 =	vor.u32 v13, v18  }
0x33a: {  	v19 =	vor.u32 v14, v19;
	_ =	sdelay $0x3  }
0x33b: {  	[tilespmem:v20+s14+$0x0] =	vst.idx.msk $0xffff, v17  }
0x33c: {  	v16 =	vor.u32 $0x10, v16;
	v17 =	vld.idx.msk [tilespmem:v19+s17+$0x0], $0xffff  }
0x33d: {  	v18 =	vor.u32 v15, v18;
	v19 =	vand.u32 $0x1F, v16  }
0x33e: {  	v20 =	vor.u32 v1, v19;
	_ =	sdelay $0x3  }
0x33f: {  	[tilespmem:v18+s14+$0x0] =	vst.idx.msk $0xffff, v17  }
0x340: {  	v17 =	vshll.u32 v16, $0x7;
	v18 =	vld.idx.msk [tilespmem:v20+s17+$0x0], $0xffff  }
0x341: {  	v16 =	vor.u32 v0, v17  }
0x342: {  	v20 =	vor.u32 v2, v19;
	_ =	sdelay $0x3  }
0x343: {  	[tilespmem:v16+s14+$0x0] =	vst.idx.msk $0xffff, v18  }
0x344: {  	v16 =	vld.idx.msk [tilespmem:v20+s17+$0x0], $0xffff  }
0x345: {  	v18 =	vor.u32 v3, v17  }
0x346: {  	v20 =	vor.u32 v4, v19;
	_ =	sdelay $0x3  }
0x347: {  	[tilespmem:v18+s14+$0x0] =	vst.idx.msk $0xffff, v16  }
0x348: {  	v16 =	vld.idx.msk [tilespmem:v20+s17+$0x0], $0xffff  }
0x349: {  	v18 =	vor.u32 v5, v17  }
0x34a: {  	v20 =	vor.u32 v6, v19;
	_ =	sdelay $0x3  }
0x34b: {  	[tilespmem:v18+s14+$0x0] =	vst.idx.msk $0xffff, v16  }
0x34c: {  	v16 =	vld.idx.msk [tilespmem:v20+s17+$0x0], $0xffff  }
0x34d: {  	v18 =	vor.u32 v7, v17  }
0x34e: {  	v20 =	vor.u32 v8, v19;
	_ =	sdelay $0x3  }
0x34f: {  	[tilespmem:v18+s14+$0x0] =	vst.idx.msk $0xffff, v16  }
0x350: {  	v16 =	vld.idx.msk [tilespmem:v20+s17+$0x0], $0xffff  }
0x351: {  	v18 =	vor.u32 v9, v17  }
0x352: {  	v20 =	vor.u32 v10, v19;
	_ =	sdelay $0x3  }
0x353: {  	[tilespmem:v18+s14+$0x0] =	vst.idx.msk $0xffff, v16  }
0x354: {  	v16 =	vld.idx.msk [tilespmem:v20+s17+$0x0], $0xffff  }
0x355: {  	v18 =	vor.u32 v11, v17  }
0x356: {  	v20 =	vor.u32 v12, v19;
	_ =	sdelay $0x3  }
0x357: {  	[tilespmem:v18+s14+$0x0] =	vst.idx.msk $0xffff, v16  }
0x358: {  	v16 =	vld.idx.msk [tilespmem:v20+s17+$0x0], $0xffff  }
0x359: {  	v18 =	vor.u32 v13, v17  }
0x35a: {  	v19 =	vor.u32 v14, v19  }
.Ltmp6:
0x35b: {  	(pc) =	sbr.rel @p0 .LBB2_11-.Ltmp6, $3  }
0x35c: {  	_ =	sdelay $0x1  }
0x35d: {  	[tilespmem:v18+s14+$0x0] =	vst.idx.msk $0xffff, v16  }
0x35e: {  	v16 =	vadd.s32 s22, v0;
	s22 =	sadd.s32 $0x1, s22;
	v18 =	vld.idx.msk [tilespmem:v19+s17+$0x0], $0xffff  }
0x35f: {  	v19 =	vand.u32 $0xF, v16;
	v17 =	vor.u32 v15, v17  }
0x360: {  	v20 =	vor.u32 v1, v19;
	_ =	sdelay $0x2  }
0x361: {  	v21 =	vshll.u32 v16, $0x7  }
0x362: {  	[tilespmem:v17+s14+$0x0] =	vst.idx.msk $0xffff, v18;
	v17 =	vand.u32 $0x780, v21  }
0x363: {  	v18 =	vld.idx.msk [tilespmem:v20+s17+$0x0], $0xffff;
	v36 =	vor.u32 v0, v17  }
0x364: {  	v37 =	vor.u32 v2, v19;
	_ =	sdelay $0x3  }
0x365: {  	[tilespmem:v36+s14+$0x0] =	vst.idx.msk $0xffff, v18  }
0x366: {  	v38 =	vor.u32 v3, v17;
	v18 =	vld.idx.msk [tilespmem:v37+s17+$0x0], $0xffff  }
0x367: {  	v39 =	vor.u32 v4, v19;
	_ =	sdelay $0x3  }
0x368: {  	[tilespmem:v38+s14+$0x0] =	vst.idx.msk $0xffff, v18  }
0x369: {  	v40 =	vor.u32 v5, v17;
	v18 =	vld.idx.msk [tilespmem:v39+s17+$0x0], $0xffff  }
0x36a: {  	v41 =	vor.u32 v6, v19;
	_ =	sdelay $0x3  }
0x36b: {  	[tilespmem:v40+s14+$0x0] =	vst.idx.msk $0xffff, v18  }
0x36c: {  	v42 =	vor.u32 v7, v17;
	v18 =	vld.idx.msk [tilespmem:v41+s17+$0x0], $0xffff  }
0x36d: {  	v43 =	vor.u32 v8, v19;
	_ =	sdelay $0x3  }
0x36e: {  	[tilespmem:v42+s14+$0x0] =	vst.idx.msk $0xffff, v18  }
0x36f: {  	v44 =	vor.u32 v9, v17;
	v18 =	vld.idx.msk [tilespmem:v43+s17+$0x0], $0xffff  }
0x370: {  	v45 =	vor.u32 v10, v19;
	_ =	sdelay $0x3  }
0x371: {  	[tilespmem:v44+s14+$0x0] =	vst.idx.msk $0xffff, v18  }
0x372: {  	v46 =	vor.u32 v11, v17;
	v18 =	vld.idx.msk [tilespmem:v45+s17+$0x0], $0xffff  }
0x373: {  	v47 =	vor.u32 v12, v19;
	_ =	sdelay $0x3  }
0x374: {  	[tilespmem:v46+s14+$0x0] =	vst.idx.msk $0xffff, v18  }
0x375: {  	v48 =	vor.u32 v13, v17;
	v18 =	vld.idx.msk [tilespmem:v47+s17+$0x0], $0xffff  }
0x376: {  	v19 =	vor.u32 v14, v19;
	_ =	sdelay $0x3  }
0x377: {  	v16 =	vor.u32 $0x10, v16;
	[tilespmem:v48+s14+$0x0] =	vst.idx.msk $0xffff, v18  }
0x378: {  	v49 =	vand.u32 $0x1F, v16;
	v17 =	vor.u32 v15, v17;
	v18 =	vld.idx.msk [tilespmem:v19+s17+$0x0], $0xffff  }
0x379: {  	v50 =	vor.u32 v1, v49;
	_ =	sdelay $0x3  }
0x37a: {  	v16 =	vshll.u32 v16, $0x7;
	[tilespmem:v17+s14+$0x0] =	vst.idx.msk $0xffff, v18  }
0x37b: {  	v51 =	vor.u32 v0, v16;
	v17 =	vld.idx.msk [tilespmem:v50+s17+$0x0], $0xffff  }
0x37c: {  	v52 =	vor.u32 v2, v49;
	_ =	sdelay $0x3  }
0x37d: {  	[tilespmem:v51+s14+$0x0] =	vst.idx.msk $0xffff, v17  }
0x37e: {  	v53 =	vor.u32 v3, v16;
	v17 =	vld.idx.msk [tilespmem:v52+s17+$0x0], $0xffff  }
0x37f: {  	v54 =	vor.u32 v4, v49;
	_ =	sdelay $0x3  }
0x380: {  	[tilespmem:v53+s14+$0x0] =	vst.idx.msk $0xffff, v17  }
0x381: {  	v55 =	vor.u32 v5, v16;
	v17 =	vld.idx.msk [tilespmem:v54+s17+$0x0], $0xffff  }
0x382: {  	v56 =	vor.u32 v6, v49;
	_ =	sdelay $0x3  }
0x383: {  	[tilespmem:v55+s14+$0x0] =	vst.idx.msk $0xffff, v17  }
0x384: {  	v57 =	vor.u32 v7, v16;
	v17 =	vld.idx.msk [tilespmem:v56+s17+$0x0], $0xffff  }
0x385: {  	v58 =	vor.u32 v8, v49;
	_ =	sdelay $0x3  }
0x386: {  	[tilespmem:v57+s14+$0x0] =	vst.idx.msk $0xffff, v17  }
0x387: {  	v59 =	vor.u32 v9, v16;
	v17 =	vld.idx.msk [tilespmem:v58+s17+$0x0], $0xffff  }
0x388: {  	v60 =	vor.u32 v10, v49;
	_ =	sdelay $0x3  }
0x389: {  	[tilespmem:v59+s14+$0x0] =	vst.idx.msk $0xffff, v17  }
0x38a: {  	v61 =	vor.u32 v11, v16;
	v17 =	vld.idx.msk [tilespmem:v60+s17+$0x0], $0xffff  }
0x38b: {  	v62 =	vor.u32 v12, v49;
	_ =	sdelay $0x3  }
0x38c: {  	[tilespmem:v61+s14+$0x0] =	vst.idx.msk $0xffff, v17  }
0x38d: {  	s0 =	smulhi.u32 $0x4EC4EC4F, s21;
	v63 =	vor.u32 v13, v16;
	v17 =	vld.idx.msk [tilespmem:v62+s17+$0x0], $0xffff  }
0x38e: {  	v19 =	vor.u32 v14, v49  }
0x38f: {  	s0 =	sshrl.u32 s0, $0x3  }
0x390: {  	s1 =	smul.u32 $0x1A, s0;
	_ =	sdelay $0x1  }
0x391: {  	s1 =	ssub.s32 s21, s1;
	[tilespmem:v63+s14+$0x0] =	vst.idx.msk $0xffff, v17  }
0x392: {  	v16 =	vor.u32 v15, v16;
	s1 =	sshll.u32 s1, $0x9;
	v17 =	vld.idx.msk [tilespmem:v19+s17+$0x0], $0xffff  }
0x393: {  	s1 =	sor.u32 s4, s1  }
0x394: {  	s0 =	sadd.s32 s0, s1  }
0x395: {  	s0 =	sshll.u32 s0, $0x7  }
0x396: {  	s26 =	sand.u32 $0x1FFFFF80, s0  }
0x397: {  	s28 =	sadd.s32 $0x4000, s0;
	s1 =	sadd.s32 s2, s26;
	[tilespmem:v16+s14+$0x0] =	vst.idx.msk $0xffff, v17  }
0x398: {  	[hbm4b:s1+s3] =	stream.linear.scatter [tilespmem:s14], [sflag:$0x8], $0x400, $0x38;
	[tilespmem:$0xB400] =	vst v63  }
0x399: {  	s1 =	sand.u32 $0x1FFFFF80, s28  }
0x39a: {  	s16 =	simm.s32 $0xA800;
	s31 =	sadd.s32 $0x8000, s0;
	s1 =	sadd.s32 s2, s1  }
0x39b: {  	[hbm4b:s1+s3] =	stream.linear.scatter [tilespmem:s16], [sflag:$0x8], $0x400, $0x38;
	[tilespmem:$0xB400] =	vst v63  }
.Ltmp7:
0x39c: {  	s0 =	sadd.s32 $0xC000, s0;
	s1 =	sand.u32 $0x1FFFFF80, s31;
	(pc) =	sbr.rel @p1 .LBB2_14-.Ltmp7, $4  }
0x39d: {  	s0 =	sand.u32 $0x1FFFFF80, s0;
	s1 =	sadd.s32 s2, s1  }
0x39e: {  	[hbm4b:s1+s3] =	stream.linear.scatter [tilespmem:s8], [sflag:$0x8], $0x400, $0x38;
	[tilespmem:$0xB400] =	vst v63  }
0x39f: {  	s0 =	sadd.s32 s2, s0  }
0x3a0: {  	[hbm4b:s0+s3] =	stream.linear.scatter [tilespmem:s6], [sflag:$0x8], $0x400, $0x38;
	[tilespmem:$0xB400] =	vst v63  }
0x3a1: {  	s0 =	sadd.s32 $0x7, s20  }
0x3a2: {  	s1 =	smulhi.u32 $0x4EC4EC4F, s0;
	_ =	sdelay $0x1  }
0x3a3: {  	s31 =	sshrl.u32 s1, $0x3  }
0x3a4: {  	s20 =	smul.u32 $0x1A, s31  }
.Ltmp8:
0x3a5: {  	_ = 	snop;
	(pc) =	sbr.rel .LBB2_4-.Ltmp8, $4  }
0x3a6: {  	s1 =	sshll.u32 s1, $0x4;
	s0 =	ssub.s32 s0, s20  }
0x3a7: {  	s1 =	sand.u32 $0x3FFFFF80, s1;
	s0 =	sshll.u32 s0, $0x9  }
0x3a8: {  	s7 =	sadd.s32 $0x1, s7;
	s0 =	sadd.s32 s1, s0  }
0x3a9: {  	[tilespmem:s17], [sflag:$0x4] =	stream.indirect.gather [hbm4b:s5+s11], $0x20, s0, s11, $0xb8;
	[tilespmem:$0xB400] =	vst v63  }
.LBB2_15:
0x3aa: {  	_ =	sfence.sel $0x180000  }
0x3ab: {  	[bflag:$0x0] =	sbarrier.arrive $0xFFFF  }
0x3ac: {  	_ =	strace $0x90000047  }
0x3ad: {  	s0 =	stileid.u32;
	[bflag:$0x2] =	sbarrier.arrive $0xFFFF  }
0x3ae: {  	p0 =	sne.s32 s0, $0x0;
	s0 =	rddreg [dreg:$0x2]  }
0x3af: {  	s0 =	sadd.s32 @!p0 $0x100000, s0  }
0x3b0: {  	[sflag:s0] =	ssyncadd.tile.s32 @!p0 $0x1;
	_ =	shalt  }
.Lfunc_end2:
_tile_overlayer_lowered:
.L_overlay_start_2:
0x3b1: {  	(tag) =	ssettag $0x2  }
0x3b2: {  	s0 =	rddreg [dreg:$0x0];
	s2 =	stileid.u32  }
0x3b3: {  	s1 =	rddreg [dreg:$0x1];
	p0 =	sne.s32 s2, $0x0  }
0x3b4: {  	s3 =	rddreg [dreg:$0x2];
	[bflag:$0x3] =	sbarrier.arrive $0xFFFF;
	s2 =	simm.s32 @!p0 $0x1C09  }
0x3b5: {  	[timem:s3], [sflag:s2] =	dma.local @!p0 [hbm:s0], s1  }
0x3b6: {  	s0 =	simm.s32 @!p0 $0x9  }
0x3b7: {  	_ =	swait.ge @!p0 [sflag:s0], s1  }
0x3b8: {  	s1 =	ssub.s32 @!p0 $0x0, s1;
	[sflag:s0] =	ssyncset.done @!p0 $0x0  }
0x3b9: {  	[sflag:s0] =	ssyncadd.s32 @!p0 s1  }
0x3ba: {  	[bflag:$0x3] =	sbarrier.arrive $0xFFFF  }
0x3bb: {  	_ =	shalt  }

</sc_bundles>
